<compile_context>
chip_gen: v7x
topology: tpu7x:2x2x1
jax: 0.10.2.dev20260603
libtpu: 0.0.44.dev20260713+nightly
codegen_flags: <defaults>
</compile_context>

<pallas_src>
import functools

import jax
import jax.numpy as jnp
from jax import lax
from jax.experimental import pallas as pl
from jax.experimental.pallas import tpu as pltpu
from jax.experimental.pallas import tpu_sc as plsc

N = 10000
E = 320000
D = 128
NPAD = 10240
ETOT = E + N
NC = 2
NS = 16
NW = NC * NS
CH = 64
NCH = 162
NB = 4
NI = 8
EPW = NCH * CH
EPAD = NW * EPW
RPT = NPAD // NS
BR = 1024



def _tc_first_body(x_ref, w_ref, as_ref, ad_ref, h_ref, asc_ref, adc_ref):
    h = jnp.dot(x_ref[...], w_ref[...], preferred_element_type=jnp.float32)
    h_ref[...] = h
    asc_ref[...] = jnp.sum(h * as_ref[...], axis=1, keepdims=True)
    adc_ref[...] = jnp.sum(h * ad_ref[...], axis=1, keepdims=True)


def _tc_first(xp, W, a_s, a_d):
    grid = (NPAD // BR,)
    return pl.pallas_call(
        _tc_first_body,
        grid=grid,
        in_specs=[
            pl.BlockSpec((BR, D), lambda i: (i, 0)),
            pl.BlockSpec((D, D), lambda i: (0, 0)),
            pl.BlockSpec((1, D), lambda i: (0, 0)),
            pl.BlockSpec((1, D), lambda i: (0, 0)),
        ],
        out_specs=[
            pl.BlockSpec((BR, D), lambda i: (i, 0)),
            pl.BlockSpec((BR, 1), lambda i: (i, 0)),
            pl.BlockSpec((BR, 1), lambda i: (i, 0)),
        ],
        out_shape=[
            jax.ShapeDtypeStruct((NPAD, D), jnp.float32),
            jax.ShapeDtypeStruct((NPAD, 1), jnp.float32),
            jax.ShapeDtypeStruct((NPAD, 1), jnp.float32),
        ],
    )(xp, W, a_s, a_d)


def _tc_mid_body(acc_ref, d0_ref, d1_ref, b_ref, w_ref, as_ref, ad_ref,
                 h_ref, asc_ref, adc_ref):
    den = d0_ref[...] + d1_ref[...] + 1e-16
    xv = jnp.maximum((acc_ref[0] + acc_ref[1]) / den + b_ref[...], 0.0)
    h = jnp.dot(xv, w_ref[...], preferred_element_type=jnp.float32)
    h_ref[...] = h
    asc_ref[...] = jnp.sum(h * as_ref[...], axis=1, keepdims=True)
    adc_ref[...] = jnp.sum(h * ad_ref[...], axis=1, keepdims=True)


def _tc_mid(acc, den0, den1, b, W, a_s, a_d):
    grid = (NPAD // BR,)
    return pl.pallas_call(
        _tc_mid_body,
        grid=grid,
        in_specs=[
            pl.BlockSpec((NC, BR, D), lambda i: (0, i, 0)),
            pl.BlockSpec((BR, 1), lambda i: (i, 0)),
            pl.BlockSpec((BR, 1), lambda i: (i, 0)),
            pl.BlockSpec((1, D), lambda i: (0, 0)),
            pl.BlockSpec((D, D), lambda i: (0, 0)),
            pl.BlockSpec((1, D), lambda i: (0, 0)),
            pl.BlockSpec((1, D), lambda i: (0, 0)),
        ],
        out_specs=[
            pl.BlockSpec((BR, D), lambda i: (i, 0)),
            pl.BlockSpec((BR, 1), lambda i: (i, 0)),
            pl.BlockSpec((BR, 1), lambda i: (i, 0)),
        ],
        out_shape=[
            jax.ShapeDtypeStruct((NPAD, D), jnp.float32),
            jax.ShapeDtypeStruct((NPAD, 1), jnp.float32),
            jax.ShapeDtypeStruct((NPAD, 1), jnp.float32),
        ],
    )(acc, den0, den1, b, W, a_s, a_d)


def _tc_last_body(acc_ref, d0_ref, d1_ref, b_ref, wp_ref, bp_ref, out_ref):
    den = d0_ref[...] + d1_ref[...] + 1e-16
    xv = jnp.maximum((acc_ref[0] + acc_ref[1]) / den + b_ref[...], 0.0)
    out_ref[...] = (
        jnp.dot(xv, wp_ref[...], preferred_element_type=jnp.float32)
        + bp_ref[...]
    )


def _tc_last(acc, den0, den1, b, Wp, bp):
    grid = (NPAD // BR,)
    return pl.pallas_call(
        _tc_last_body,
        grid=grid,
        in_specs=[
            pl.BlockSpec((NC, BR, D), lambda i: (0, i, 0)),
            pl.BlockSpec((BR, 1), lambda i: (i, 0)),
            pl.BlockSpec((BR, 1), lambda i: (i, 0)),
            pl.BlockSpec((1, D), lambda i: (0, 0)),
            pl.BlockSpec((D, D), lambda i: (0, 0)),
            pl.BlockSpec((1, D), lambda i: (0, 0)),
        ],
        out_specs=pl.BlockSpec((BR, D), lambda i: (i, 0)),
        out_shape=jax.ShapeDtypeStruct((NPAD, D), jnp.float32),
    )(acc, den0, den1, b, Wp, bp)



def _sc_agg_body(h_hbm, as_hbm, ad_hbm, sd_hbm,
                 acc_out, den_out,
                 sdp, sidr, didr, sv, dv, wbuf, rows, dtmp,
                 acc_sh, den_sh, gsem, ssem, isem):
    c = lax.axis_index("c")
    s = lax.axis_index("s")
    w = c * NS + s
    i32 = jnp.int32


    z16 = jnp.zeros((16,), jnp.float32)

    def _zrow(i, carry):
        for q in range(D // 16):
            rows[0, i, pl.ds(q * 16, 16)] = z16
        return carry

    lax.fori_loop(0, CH, _zrow, 0)

    def _zd(i, carry):
        dtmp[pl.ds(i * 16, 16)] = z16
        return carry

    lax.fori_loop(0, RPT // 16, _zd, 0)

    for k in range(RPT // CH):
        pltpu.sync_copy(rows.at[0], acc_sh.at[pl.ds(s * RPT + k * CH, CH)])
    pltpu.sync_copy(dtmp, den_sh.at[pl.ds(s * RPT, RPT)])

    def _issue(islot, slot):
        for q in range(CH // 16):
            p = sdp[islot, pl.ds(q * 16, 16)]
            sidr[slot, pl.ds(q * 16, 16)] = p & 0xFFFF
            didr[slot, pl.ds(q * 16, 16)] = lax.shift_right_logical(p, 16)
        pltpu.async_copy(h_hbm.at[sidr.at[slot]], rows.at[slot], gsem)
        pltpu.async_copy(as_hbm.at[sidr.at[slot]], sv.at[slot], gsem)
        pltpu.async_copy(ad_hbm.at[didr.at[slot]], dv.at[slot], gsem)

    plsc.subcore_barrier()

    for t in range(NI):
        pltpu.async_copy(sd_hbm.at[w, t], sdp.at[t], isem)
    for t in (0, 1):
        pltpu.make_async_copy(sd_hbm.at[w, t], sdp.at[t], isem).wait()
        _issue(t, t)

    def _iter(jj, carry):
        slot = lax.rem(jj, NB)
        slot2 = lax.rem(jj + 2, NB)

        @pl.when(jj >= 2)
        def _drain():
            pltpu.make_async_copy(rows.at[slot2],
                                  acc_sh.at[didr.at[slot2]], ssem).wait()
            pltpu.make_async_copy(wbuf.at[pl.ds(0, CH)],
                                  den_sh.at[didr.at[slot2]], ssem).wait()

        @pl.when(jj + 2 < NCH)
        def _pref():
            pltpu.make_async_copy(sd_hbm.at[w, 0],
                                  sdp.at[lax.rem(jj + 2, NI)], isem).wait()
            _issue(lax.rem(jj + 2, NI), slot2)

        @pl.when(jj + NI < NCH)
        def _ipref():
            pltpu.async_copy(sd_hbm.at[w, jj + NI],
                             sdp.at[lax.rem(jj + NI, NI)], isem)

        pltpu.make_async_copy(h_hbm.at[sidr.at[slot]], rows.at[slot],
                              gsem).wait()
        pltpu.make_async_copy(as_hbm.at[sidr.at[slot]], sv.at[slot],
                              gsem).wait()
        pltpu.make_async_copy(ad_hbm.at[didr.at[slot]], dv.at[slot],
                              gsem).wait()

        for q in range(CH // 16):
            z = sv[slot, pl.ds(q * 16, 16)] + dv[slot, pl.ds(q * 16, 16)]
            z = jnp.maximum(z, 0.2 * z)
            wbuf[pl.ds(slot * CH + q * 16, 16)] = jnp.exp(z)

        def _scale(k, carry2):
            wk = plsc.load_gather(
                wbuf, [jnp.full((16,), 0, i32) + (slot * CH + k)])
            for i in range(D // 16):
                rows[slot, k, pl.ds(i * 16, 16)] = (
                    rows[slot, k, pl.ds(i * 16, 16)] * wk)
            return carry2

        lax.fori_loop(0, CH, _scale, 0)

        pltpu.async_copy(rows.at[slot], acc_sh.at[didr.at[slot]], ssem,
                         add=True)
        pltpu.async_copy(wbuf.at[pl.ds(slot * CH, CH)],
                         den_sh.at[didr.at[slot]], ssem, add=True)
        return carry

    lax.fori_loop(0, NCH, _iter, 0)

    for t in (NCH - 2, NCH - 1):
        slot = t % NB
        pltpu.make_async_copy(rows.at[slot],
                              acc_sh.at[didr.at[slot]], ssem).wait()
        pltpu.make_async_copy(wbuf.at[pl.ds(0, CH)],
                              den_sh.at[didr.at[slot]], ssem).wait()
    plsc.subcore_barrier()

    pltpu.sync_copy(acc_sh.at[pl.ds(s * RPT, RPT)],
                    acc_out.at[c, pl.ds(s * RPT, RPT)])
    pltpu.sync_copy(den_sh.at[pl.ds(s * RPT, RPT)],
                    den_out.at[c, pl.ds(s * RPT, RPT)])


@functools.partial(
    pl.kernel,
    out_type=(
        jax.ShapeDtypeStruct((NC, NPAD, D), jnp.float32),
        jax.ShapeDtypeStruct((NC, NPAD), jnp.float32),
    ),
    mesh=plsc.VectorSubcoreMesh(
        core_axis_name="c", subcore_axis_name="s",
        num_cores=NC, num_subcores=NS,
    ),
    compiler_params=pltpu.CompilerParams(needs_layout_passes=False),
    scratch_types=[
        pltpu.VMEM((NI, CH), jnp.int32),
        pltpu.VMEM((NB, CH), jnp.int32),
        pltpu.VMEM((NB, CH), jnp.int32),
        pltpu.VMEM((NB, CH), jnp.float32),
        pltpu.VMEM((NB, CH), jnp.float32),
        pltpu.VMEM((NB * CH,), jnp.float32),
        pltpu.VMEM((NB, CH, D), jnp.float32),
        pltpu.VMEM((RPT,), jnp.float32),
        pltpu.VMEM_SHARED((NPAD, D), jnp.float32),
        pltpu.VMEM_SHARED((NPAD,), jnp.float32),
        pltpu.SemaphoreType.DMA,
        pltpu.SemaphoreType.DMA,
        pltpu.SemaphoreType.DMA,
    ],
)
def _sc_agg(*refs):
    _sc_agg_body(*refs)



def kernel(x, edge_index, W1, a_s1, a_d1, b1, W2, a_s2, a_d2, b2, Wp, bp):
    f32 = jnp.float32
    i32 = jnp.int32
    xp = jnp.concatenate([x.astype(f32), jnp.zeros((NPAD - N, D), f32)], 0)
    loops = jnp.arange(N, dtype=i32)
    pad = jnp.full((EPAD - ETOT,), N, i32)
    srcf = jnp.concatenate([edge_index[0].astype(i32), loops, pad])
    dstf = jnp.concatenate([edge_index[1].astype(i32), loops, pad])
    sdg = (srcf | (dstf << 16)).reshape(NW, NCH, CH)

    h1, as1, ad1 = _tc_first(xp, W1, a_s1.reshape(1, D), a_d1.reshape(1, D))
    acc1, den1 = _sc_agg(h1, as1.reshape(NPAD), ad1.reshape(NPAD), sdg)
    h2, as2, ad2 = _tc_mid(acc1,
                           den1[0].reshape(NPAD, 1), den1[1].reshape(NPAD, 1),
                           b1.reshape(1, D), W2,
                           a_s2.reshape(1, D), a_d2.reshape(1, D))
    acc2, den2 = _sc_agg(h2, as2.reshape(NPAD), ad2.reshape(NPAD), sdg)
    out = _tc_last(acc2,
                   den2[0].reshape(NPAD, 1), den2[1].reshape(NPAD, 1),
                   b2.reshape(1, D), Wp, bp.reshape(1, D))
    return out[:N]

# --- scband reference (transcript-rebuilt; emitter-appended) ---
"""Pipeline reference for scband-gdcn-55748675502368 (READ-ONLY COPY).

The authoritative reference and input builder live on the scoring server;
editing this copy changes nothing except your own understanding.
"""

import jax
import jax.numpy as jnp
import numpy as np

N = 10000
E = 320000
D_IN = 128
D_H1 = 128
D_H2 = 128
D_EMB = 128


def setup_inputs(seed: int = 0) -> dict:
    key = jax.random.key(seed)
    ks = jax.random.split(key, 14)
    x = jax.random.normal(ks[0], (N, D_IN), dtype=jnp.float32)
    edge_index = jax.random.randint(ks[1], (2, E), 0, N, dtype=jnp.int32)

    def glorot(k, shape, fan_in):
        return jax.random.normal(k, shape, dtype=jnp.float32) * (1.0 / np.sqrt(fan_in))

    W1 = glorot(ks[2], (D_IN, D_H1), D_IN)
    a_s1 = glorot(ks[3], (D_H1,), D_H1)
    a_d1 = glorot(ks[4], (D_H1,), D_H1)
    b1 = jnp.zeros((D_H1,), dtype=jnp.float32)
    W2 = glorot(ks[5], (D_H1, D_H2), D_H1)
    a_s2 = glorot(ks[6], (D_H2,), D_H2)
    a_d2 = glorot(ks[7], (D_H2,), D_H2)
    b2 = jnp.zeros((D_H2,), dtype=jnp.float32)
    Wp = glorot(ks[8], (D_H2, D_EMB), D_H2)
    bp = jnp.zeros((D_EMB,), dtype=jnp.float32)
    return {
        'x': x, 'edge_index': edge_index,
        'W1': W1, 'a_s1': a_s1, 'a_d1': a_d1, 'b1': b1,
        'W2': W2, 'a_s2': a_s2, 'a_d2': a_d2, 'b2': b2,
        'Wp': Wp, 'bp': bp,
    }


def gat_conv(x, edge_index, W, a_src, a_dst, b):
    # PyG GATConv (heads=1, add_self_loops=True, negative_slope=0.2, bias=True)
    n = x.shape[0]
    loops = jnp.arange(n, dtype=edge_index.dtype)
    src = jnp.concatenate([edge_index[0], loops])
    dst = jnp.concatenate([edge_index[1], loops])
    h = x @ W  # [n, out]
    alpha_src = (h * a_src).sum(-1)  # [n]
    alpha_dst = (h * a_dst).sum(-1)  # [n]
    alpha = alpha_src[src] + alpha_dst[dst]  # [E+n]
    alpha = jax.nn.leaky_relu(alpha, negative_slope=0.2)
    # softmax over incoming edges of each dst node
    amax = jax.ops.segment_max(alpha, dst, num_segments=n)
    alpha = jnp.exp(alpha - amax[dst])
    denom = jax.ops.segment_sum(alpha, dst, num_segments=n)
    alpha = alpha / (denom[dst] + 1e-16)
    out = jax.ops.segment_sum(h[src] * alpha[:, None], dst, num_segments=n)
    return out + b


def reference(x, edge_index, W1, a_s1, a_d1, b1, W2, a_s2, a_d2, b2, Wp, bp):
    x1 = jax.nn.relu(gat_conv(x, edge_index, W1, a_s1, a_d1, b1))
    x2 = jax.nn.relu(gat_conv(x1, edge_index, W2, a_s2, a_d2, b2))
    return x2 @ Wp + bp

if __name__ == "__main__":
    import jax
    _d = setup_inputs()
    print(jax.jit(kernel)(*tuple(_d.values())))

</pallas_src>

<mosaic_0001>
#map = affine_map<(d0, d1) -> (0, 0)>
#map1 = affine_map<(d0, d1) -> (0)>
#map2 = affine_map<(d0, d1) -> (0, 0, 0)>
module attributes {stable_mosaic.version = 14 : i64} {
  func.func @_sc_agg(%arg0: i32, %arg1: i32, %arg2: memref<10240x128xf32, #tpu.memory_space<hbm>>, %arg3: memref<10240xf32, #tpu.memory_space<hbm>>, %arg4: memref<10240xf32, #tpu.memory_space<hbm>>, %arg5: memref<32x162x64xi32, #tpu.memory_space<hbm>>, %arg6: memref<2x10240x128xf32, #tpu.memory_space<hbm>>, %arg7: memref<2x10240xf32, #tpu.memory_space<hbm>>, %arg8: memref<8x64xi32, #tpu.memory_space<vmem>>, %arg9: memref<4x64xi32, #tpu.memory_space<vmem>>, %arg10: memref<4x64xi32, #tpu.memory_space<vmem>>, %arg11: memref<4x64xf32, #tpu.memory_space<vmem>>, %arg12: memref<4x64xf32, #tpu.memory_space<vmem>>, %arg13: memref<256xf32, #tpu.memory_space<vmem>>, %arg14: memref<4x64x128xf32, #tpu.memory_space<vmem>>, %arg15: memref<640xf32, #tpu.memory_space<vmem>>, %arg16: memref<10240x128xf32, #tpu.memory_space<vmem_shared>>, %arg17: memref<10240xf32, #tpu.memory_space<vmem_shared>>, %arg18: memref<!tpu.dma_semaphore, #tpu.memory_space<semaphore_mem>>, %arg19: memref<!tpu.dma_semaphore, #tpu.memory_space<semaphore_mem>>, %arg20: memref<!tpu.dma_semaphore, #tpu.memory_space<semaphore_mem>>) attributes {dimension_semantics = [#tpu.dimension_semantics<core_parallel>, #tpu.dimension_semantics<subcore_parallel>], iteration_bounds = array<i64: 2, 16>, scalar_prefetch = 0 : i64, scratch_operands = 13 : i64, tpu.core_type = #tpu.core_type<sc_vector_subcore>, window_params = [{transform_indices = #map}, {transform_indices = #map1}, {transform_indices = #map1}, {transform_indices = #map2}, {transform_indices = #map2}, {transform_indices = #map}]} {
    %mul3A = arith.constant 16 : i32
    %mul3A_0 = arith.muli %arg0, %mul3A : i32
    %add3A = arith.addi %mul3A_0, %arg1 : i32
    %broadcast_in_dim3A = arith.constant 0.000000e+00 : f32
    %broadcast_in_dim3A_1 = vector.broadcast %broadcast_in_dim3A : f32 to vector<16xf32>
    %scan3A = arith.constant 0 : i32
    %scan3A_2 = arith.constant 0 : i32
    %scan3A_3 = arith.constant 64 : i32
    %scan3A_4 = arith.addi %scan3A_2, %scan3A_3 : i32
    %scan3A_5 = arith.constant 1 : i32
    scf.for %scan3A_461 = %scan3A_2 to %scan3A_4 step %scan3A_5  : i32 {
      %swap3A_462 = arith.constant 0 : i32
      %swap3A_463 = arith.index_cast %swap3A_462 : i32 to index
      %swap3A_464 = arith.index_cast %scan3A_461 : i32 to index
      %swap3A_465 = arith.constant 0 : index
      %swap3A_466 = tpu.vector_load %arg14[%swap3A_463, %swap3A_464, %swap3A_465] {strides = array<i32>} : memref<4x64x128xf32, #tpu.memory_space<vmem>>, vector<16xf32>,
      tpu.vector_store %arg14[%swap3A_463, %swap3A_464, %swap3A_465], %broadcast_in_dim3A_1 {strides = array<i32>} : memref<4x64x128xf32, #tpu.memory_space<vmem>>, vector<16xf32>,
      %swap3A_467 = arith.constant 0 : i32
      %swap3A_468 = arith.index_cast %swap3A_467 : i32 to index
      %swap3A_469 = arith.index_cast %scan3A_461 : i32 to index
      %swap3A_470 = arith.constant 16 : index
      %swap3A_471 = tpu.vector_load %arg14[%swap3A_468, %swap3A_469, %swap3A_470] {strides = array<i32>} : memref<4x64x128xf32, #tpu.memory_space<vmem>>, vector<16xf32>,
      tpu.vector_store %arg14[%swap3A_468, %swap3A_469, %swap3A_470], %broadcast_in_dim3A_1 {strides = array<i32>} : memref<4x64x128xf32, #tpu.memory_space<vmem>>, vector<16xf32>,
      %swap3A_472 = arith.constant 0 : i32
      %swap3A_473 = arith.index_cast %swap3A_472 : i32 to index
      %swap3A_474 = arith.index_cast %scan3A_461 : i32 to index
      %swap3A_475 = arith.constant 32 : index
      %swap3A_476 = tpu.vector_load %arg14[%swap3A_473, %swap3A_474, %swap3A_475] {strides = array<i32>} : memref<4x64x128xf32, #tpu.memory_space<vmem>>, vector<16xf32>,
      tpu.vector_store %arg14[%swap3A_473, %swap3A_474, %swap3A_475], %broadcast_in_dim3A_1 {strides = array<i32>} : memref<4x64x128xf32, #tpu.memory_space<vmem>>, vector<16xf32>,
      %swap3A_477 = arith.constant 0 : i32
      %swap3A_478 = arith.index_cast %swap3A_477 : i32 to index
      %swap3A_479 = arith.index_cast %scan3A_461 : i32 to index
      %swap3A_480 = arith.constant 48 : index
      %swap3A_481 = tpu.vector_load %arg14[%swap3A_478, %swap3A_479, %swap3A_480] {strides = array<i32>} : memref<4x64x128xf32, #tpu.memory_space<vmem>>, vector<16xf32>,
      tpu.vector_store %arg14[%swap3A_478, %swap3A_479, %swap3A_480], %broadcast_in_dim3A_1 {strides = array<i32>} : memref<4x64x128xf32, #tpu.memory_space<vmem>>, vector<16xf32>,
      %swap3A_482 = arith.constant 0 : i32
      %swap3A_483 = arith.index_cast %swap3A_482 : i32 to index
      %swap3A_484 = arith.index_cast %scan3A_461 : i32 to index
      %swap3A_485 = arith.constant 64 : index
      %swap3A_486 = tpu.vector_load %arg14[%swap3A_483, %swap3A_484, %swap3A_485] {strides = array<i32>} : memref<4x64x128xf32, #tpu.memory_space<vmem>>, vector<16xf32>,
      tpu.vector_store %arg14[%swap3A_483, %swap3A_484, %swap3A_485], %broadcast_in_dim3A_1 {strides = array<i32>} : memref<4x64x128xf32, #tpu.memory_space<vmem>>, vector<16xf32>,
      %swap3A_487 = arith.constant 0 : i32
      %swap3A_488 = arith.index_cast %swap3A_487 : i32 to index
      %swap3A_489 = arith.index_cast %scan3A_461 : i32 to index
      %swap3A_490 = arith.constant 80 : index
      %swap3A_491 = tpu.vector_load %arg14[%swap3A_488, %swap3A_489, %swap3A_490] {strides = array<i32>} : memref<4x64x128xf32, #tpu.memory_space<vmem>>, vector<16xf32>,
      tpu.vector_store %arg14[%swap3A_488, %swap3A_489, %swap3A_490], %broadcast_in_dim3A_1 {strides = array<i32>} : memref<4x64x128xf32, #tpu.memory_space<vmem>>, vector<16xf32>,
      %swap3A_492 = arith.constant 0 : i32
      %swap3A_493 = arith.index_cast %swap3A_492 : i32 to index
      %swap3A_494 = arith.index_cast %scan3A_461 : i32 to index
      %swap3A_495 = arith.constant 96 : index
      %swap3A_496 = tpu.vector_load %arg14[%swap3A_493, %swap3A_494, %swap3A_495] {strides = array<i32>} : memref<4x64x128xf32, #tpu.memory_space<vmem>>, vector<16xf32>,
      tpu.vector_store %arg14[%swap3A_493, %swap3A_494, %swap3A_495], %broadcast_in_dim3A_1 {strides = array<i32>} : memref<4x64x128xf32, #tpu.memory_space<vmem>>, vector<16xf32>,
      %swap3A_497 = arith.constant 0 : i32
      %swap3A_498 = arith.index_cast %swap3A_497 : i32 to index
      %swap3A_499 = arith.index_cast %scan3A_461 : i32 to index
      %swap3A_500 = arith.constant 112 : index
      %swap3A_501 = tpu.vector_load %arg14[%swap3A_498, %swap3A_499, %swap3A_500] {strides = array<i32>} : memref<4x64x128xf32, #tpu.memory_space<vmem>>, vector<16xf32>,
      tpu.vector_store %arg14[%swap3A_498, %swap3A_499, %swap3A_500], %broadcast_in_dim3A_1 {strides = array<i32>} : memref<4x64x128xf32, #tpu.memory_space<vmem>>, vector<16xf32>,
    }
    %scan3A_6 = arith.constant 64 : i32
    %scan3A_7 = arith.constant 0 : i32
    %scan3A_8 = arith.constant 0 : i32
    %scan3A_9 = arith.constant 40 : i32
    %scan3A_10 = arith.addi %scan3A_8, %scan3A_9 : i32
    %scan3A_11 = arith.constant 1 : i32
    scf.for %scan3A_461 = %scan3A_8 to %scan3A_10 step %scan3A_11  : i32 {
      %mul3A_462 = arith.constant 16 : i32
      %mul3A_463 = arith.muli %scan3A_461, %mul3A_462 : i32
      %swap3A_464 = arith.index_cast %mul3A_463 : i32 to index
      %swap3A_465 = tpu.vector_load %arg15[%swap3A_464] {strides = array<i32>} : memref<640xf32, #tpu.memory_space<vmem>>, vector<16xf32>,
      tpu.vector_store %arg15[%swap3A_464], %broadcast_in_dim3A_1 {strides = array<i32>} : memref<640xf32, #tpu.memory_space<vmem>>, vector<16xf32>,
    }
    %scan3A_12 = arith.constant 40 : i32
    %mul3A_13 = arith.constant 640 : i32
    %mul3A_14 = arith.muli %arg1, %mul3A_13 : i32
    %add3A_15 = arith.constant 0 : i32
    %add3A_16 = arith.addi %mul3A_14, %add3A_15 : i32
    %run_scoped3A = arith.constant 0 : i32
    "tpu.region"() ({
      %run_scoped3A_461 = tpu.sem_alloc : memref<!tpu.dma_semaphore, #tpu.memory_space<semaphore_mem>>
      %dma_start3A_462 = arith.constant 0 : i32
      %dma_start3A_463 = arith.constant 0 : i32
      %dma_start3A_464 = tpu.memref_slice %arg14[%run_scoped3A, %dma_start3A_462, %dma_start3A_463] : memref<4x64x128xf32, #tpu.memory_space<vmem>> -> memref<1x64x128xf32, #tpu.memory_space<vmem>>
      %dma_start3A_465 = tpu.memref_squeeze %dma_start3A_464 : memref<1x64x128xf32, #tpu.memory_space<vmem>> -> memref<64x128xf32, #tpu.memory_space<vmem>>
      %dma_start3A_466 = arith.constant 0 : i32
      %dma_start3A_467 = tpu.memref_slice %arg16[%add3A_16, %dma_start3A_466] : memref<10240x128xf32, #tpu.memory_space<vmem_shared>> -> memref<64x128xf32, #tpu.memory_space<vmem_shared>>
      %dma_start3A_468 = arith.constant 0 : i32
      %dma_start3A_469 = tpu.memref_slice %arg16[%add3A_16, %dma_start3A_468] : memref<10240x128xf32, #tpu.memory_space<vmem_shared>> -> memref<64x128xf32, #tpu.memory_space<vmem_shared>>
      %dma_start3A_470 = arith.constant 0 : i32
      %dma_start3A_471 = arith.constant 0 : i32
      %dma_start3A_472 = tpu.memref_slice %arg14[%run_scoped3A, %dma_start3A_470, %dma_start3A_471] : memref<4x64x128xf32, #tpu.memory_space<vmem>> -> memref<1x64x128xf32, #tpu.memory_space<vmem>>
      %dma_start3A_473 = tpu.memref_squeeze %dma_start3A_472 : memref<1x64x128xf32, #tpu.memory_space<vmem>> -> memref<64x128xf32, #tpu.memory_space<vmem>>
      tpu.enqueue_dma source(%dma_start3A_473 : memref<64x128xf32, #tpu.memory_space<vmem>>) target(%dma_start3A_469 : memref<64x128xf32, #tpu.memory_space<vmem_shared>>) target_semaphore(%run_scoped3A_461 : memref<!tpu.dma_semaphore, #tpu.memory_space<semaphore_mem>>)
      %dma_wait3A_474 = arith.constant 0 : i32
      %dma_wait3A_475 = arith.constant 0 : i32
      %dma_wait3A_476 = tpu.memref_slice %arg14[%run_scoped3A, %dma_wait3A_474, %dma_wait3A_475] : memref<4x64x128xf32, #tpu.memory_space<vmem>> -> memref<1x64x128xf32, #tpu.memory_space<vmem>>
      %dma_wait3A_477 = tpu.memref_squeeze %dma_wait3A_476 : memref<1x64x128xf32, #tpu.memory_space<vmem>> -> memref<64x128xf32, #tpu.memory_space<vmem>>
      %dma_wait3A_478 = arith.constant 0 : i32
      %dma_wait3A_479 = tpu.memref_slice %arg16[%add3A_16, %dma_wait3A_478] : memref<10240x128xf32, #tpu.memory_space<vmem_shared>> -> memref<64x128xf32, #tpu.memory_space<vmem_shared>>
      %dma_wait3A_480 = arith.constant 0 : i32
      %dma_wait3A_481 = tpu.memref_slice %arg16[%add3A_16, %dma_wait3A_480] : memref<10240x128xf32, #tpu.memory_space<vmem_shared>> -> memref<64x128xf32, #tpu.memory_space<vmem_shared>>
      %dma_wait3A_482 = arith.constant 0 : i32
      %dma_wait3A_483 = arith.constant 0 : i32
      %dma_wait3A_484 = tpu.memref_slice %arg14[%run_scoped3A, %dma_wait3A_482, %dma_wait3A_483] : memref<4x64x128xf32, #tpu.memory_space<vmem>> -> memref<1x64x128xf32, #tpu.memory_space<vmem>>
      %dma_wait3A_485 = tpu.memref_squeeze %dma_wait3A_484 : memref<1x64x128xf32, #tpu.memory_space<vmem>> -> memref<64x128xf32, #tpu.memory_space<vmem>>
      tpu.wait_dma2 semaphore(%run_scoped3A_461 : memref<!tpu.dma_semaphore, #tpu.memory_space<semaphore_mem>>) src(%dma_wait3A_485 : memref<64x128xf32, #tpu.memory_space<vmem>>) dst(%dma_wait3A_481 : memref<64x128xf32, #tpu.memory_space<vmem_shared>>)
      tpu.yield
    }) : () -> ()
    %mul3A_17 = arith.constant 640 : i32
    %mul3A_18 = arith.muli %arg1, %mul3A_17 : i32
    %add3A_19 = arith.constant 64 : i32
    %add3A_20 = arith.addi %mul3A_18, %add3A_19 : i32
    %run_scoped3A_21 = arith.constant 0 : i32
    "tpu.region"() ({
      %run_scoped3A_461 = tpu.sem_alloc : memref<!tpu.dma_semaphore, #tpu.memory_space<semaphore_mem>>
      %dma_start3A_462 = arith.constant 0 : i32
      %dma_start3A_463 = arith.constant 0 : i32
      %dma_start3A_464 = tpu.memref_slice %arg14[%run_scoped3A_21, %dma_start3A_462, %dma_start3A_463] : memref<4x64x128xf32, #tpu.memory_space<vmem>> -> memref<1x64x128xf32, #tpu.memory_space<vmem>>
      %dma_start3A_465 = tpu.memref_squeeze %dma_start3A_464 : memref<1x64x128xf32, #tpu.memory_space<vmem>> -> memref<64x128xf32, #tpu.memory_space<vmem>>
      %dma_start3A_466 = arith.constant 0 : i32
      %dma_start3A_467 = tpu.memref_slice %arg16[%add3A_20, %dma_start3A_466] : memref<10240x128xf32, #tpu.memory_space<vmem_shared>> -> memref<64x128xf32, #tpu.memory_space<vmem_shared>>
      %dma_start3A_468 = arith.constant 0 : i32
      %dma_start3A_469 = tpu.memref_slice %arg16[%add3A_20, %dma_start3A_468] : memref<10240x128xf32, #tpu.memory_space<vmem_shared>> -> memref<64x128xf32, #tpu.memory_space<vmem_shared>>
      %dma_start3A_470 = arith.constant 0 : i32
      %dma_start3A_471 = arith.constant 0 : i32
      %dma_start3A_472 = tpu.memref_slice %arg14[%run_scoped3A_21, %dma_start3A_470, %dma_start3A_471] : memref<4x64x128xf32, #tpu.memory_space<vmem>> -> memref<1x64x128xf32, #tpu.memory_space<vmem>>
      %dma_start3A_473 = tpu.memref_squeeze %dma_start3A_472 : memref<1x64x128xf32, #tpu.memory_space<vmem>> -> memref<64x128xf32, #tpu.memory_space<vmem>>
      tpu.enqueue_dma source(%dma_start3A_473 : memref<64x128xf32, #tpu.memory_space<vmem>>) target(%dma_start3A_469 : memref<64x128xf32, #tpu.memory_space<vmem_shared>>) target_semaphore(%run_scoped3A_461 : memref<!tpu.dma_semaphore, #tpu.memory_space<semaphore_mem>>)
      %dma_wait3A_474 = arith.constant 0 : i32
      %dma_wait3A_475 = arith.constant 0 : i32
      %dma_wait3A_476 = tpu.memref_slice %arg14[%run_scoped3A_21, %dma_wait3A_474, %dma_wait3A_475] : memref<4x64x128xf32, #tpu.memory_space<vmem>> -> memref<1x64x128xf32, #tpu.memory_space<vmem>>
      %dma_wait3A_477 = tpu.memref_squeeze %dma_wait3A_476 : memref<1x64x128xf32, #tpu.memory_space<vmem>> -> memref<64x128xf32, #tpu.memory_space<vmem>>
      %dma_wait3A_478 = arith.constant 0 : i32
      %dma_wait3A_479 = tpu.memref_slice %arg16[%add3A_20, %dma_wait3A_478] : memref<10240x128xf32, #tpu.memory_space<vmem_shared>> -> memref<64x128xf32, #tpu.memory_space<vmem_shared>>
      %dma_wait3A_480 = arith.constant 0 : i32
      %dma_wait3A_481 = tpu.memref_slice %arg16[%add3A_20, %dma_wait3A_480] : memref<10240x128xf32, #tpu.memory_space<vmem_shared>> -> memref<64x128xf32, #tpu.memory_space<vmem_shared>>
      %dma_wait3A_482 = arith.constant 0 : i32
      %dma_wait3A_483 = arith.constant 0 : i32
      %dma_wait3A_484 = tpu.memref_slice %arg14[%run_scoped3A_21, %dma_wait3A_482, %dma_wait3A_483] : memref<4x64x128xf32, #tpu.memory_space<vmem>> -> memref<1x64x128xf32, #tpu.memory_space<vmem>>
      %dma_wait3A_485 = tpu.memref_squeeze %dma_wait3A_484 : memref<1x64x128xf32, #tpu.memory_space<vmem>> -> memref<64x128xf32, #tpu.memory_space<vmem>>
      tpu.wait_dma2 semaphore(%run_scoped3A_461 : memref<!tpu.dma_semaphore, #tpu.memory_space<semaphore_mem>>) src(%dma_wait3A_485 : memref<64x128xf32, #tpu.memory_space<vmem>>) dst(%dma_wait3A_481 : memref<64x128xf32, #tpu.memory_space<vmem_shared>>)
      tpu.yield
    }) : () -> ()
    %mul3A_22 = arith.constant 640 : i32
    %mul3A_23 = arith.muli %arg1, %mul3A_22 : i32
    %add3A_24 = arith.constant 128 : i32
    %add3A_25 = arith.addi %mul3A_23, %add3A_24 : i32
    %run_scoped3A_26 = arith.constant 0 : i32
    "tpu.region"() ({
      %run_scoped3A_461 = tpu.sem_alloc : memref<!tpu.dma_semaphore, #tpu.memory_space<semaphore_mem>>
      %dma_start3A_462 = arith.constant 0 : i32
      %dma_start3A_463 = arith.constant 0 : i32
      %dma_start3A_464 = tpu.memref_slice %arg14[%run_scoped3A_26, %dma_start3A_462, %dma_start3A_463] : memref<4x64x128xf32, #tpu.memory_space<vmem>> -> memref<1x64x128xf32, #tpu.memory_space<vmem>>
      %dma_start3A_465 = tpu.memref_squeeze %dma_start3A_464 : memref<1x64x128xf32, #tpu.memory_space<vmem>> -> memref<64x128xf32, #tpu.memory_space<vmem>>
      %dma_start3A_466 = arith.constant 0 : i32
      %dma_start3A_467 = tpu.memref_slice %arg16[%add3A_25, %dma_start3A_466] : memref<10240x128xf32, #tpu.memory_space<vmem_shared>> -> memref<64x128xf32, #tpu.memory_space<vmem_shared>>
      %dma_start3A_468 = arith.constant 0 : i32
      %dma_start3A_469 = tpu.memref_slice %arg16[%add3A_25, %dma_start3A_468] : memref<10240x128xf32, #tpu.memory_space<vmem_shared>> -> memref<64x128xf32, #tpu.memory_space<vmem_shared>>
      %dma_start3A_470 = arith.constant 0 : i32
      %dma_start3A_471 = arith.constant 0 : i32
      %dma_start3A_472 = tpu.memref_slice %arg14[%run_scoped3A_26, %dma_start3A_470, %dma_start3A_471] : memref<4x64x128xf32, #tpu.memory_space<vmem>> -> memref<1x64x128xf32, #tpu.memory_space<vmem>>
      %dma_start3A_473 = tpu.memref_squeeze %dma_start3A_472 : memref<1x64x128xf32, #tpu.memory_space<vmem>> -> memref<64x128xf32, #tpu.memory_space<vmem>>
      tpu.enqueue_dma source(%dma_start3A_473 : memref<64x128xf32, #tpu.memory_space<vmem>>) target(%dma_start3A_469 : memref<64x128xf32, #tpu.memory_space<vmem_shared>>) target_semaphore(%run_scoped3A_461 : memref<!tpu.dma_semaphore, #tpu.memory_space<semaphore_mem>>)
      %dma_wait3A_474 = arith.constant 0 : i32
      %dma_wait3A_475 = arith.constant 0 : i32
      %dma_wait3A_476 = tpu.memref_slice %arg14[%run_scoped3A_26, %dma_wait3A_474, %dma_wait3A_475] : memref<4x64x128xf32, #tpu.memory_space<vmem>> -> memref<1x64x128xf32, #tpu.memory_space<vmem>>
      %dma_wait3A_477 = tpu.memref_squeeze %dma_wait3A_476 : memref<1x64x128xf32, #tpu.memory_space<vmem>> -> memref<64x128xf32, #tpu.memory_space<vmem>>
      %dma_wait3A_478 = arith.constant 0 : i32
      %dma_wait3A_479 = tpu.memref_slice %arg16[%add3A_25, %dma_wait3A_478] : memref<10240x128xf32, #tpu.memory_space<vmem_shared>> -> memref<64x128xf32, #tpu.memory_space<vmem_shared>>
      %dma_wait3A_480 = arith.constant 0 : i32
      %dma_wait3A_481 = tpu.memref_slice %arg16[%add3A_25, %dma_wait3A_480] : memref<10240x128xf32, #tpu.memory_space<vmem_shared>> -> memref<64x128xf32, #tpu.memory_space<vmem_shared>>
      %dma_wait3A_482 = arith.constant 0 : i32
      %dma_wait3A_483 = arith.constant 0 : i32
      %dma_wait3A_484 = tpu.memref_slice %arg14[%run_scoped3A_26, %dma_wait3A_482, %dma_wait3A_483] : memref<4x64x128xf32, #tpu.memory_space<vmem>> -> memref<1x64x128xf32, #tpu.memory_space<vmem>>
      %dma_wait3A_485 = tpu.memref_squeeze %dma_wait3A_484 : memref<1x64x128xf32, #tpu.memory_space<vmem>> -> memref<64x128xf32, #tpu.memory_space<vmem>>
      tpu.wait_dma2 semaphore(%run_scoped3A_461 : memref<!tpu.dma_semaphore, #tpu.memory_space<semaphore_mem>>) src(%dma_wait3A_485 : memref<64x128xf32, #tpu.memory_space<vmem>>) dst(%dma_wait3A_481 : memref<64x128xf32, #tpu.memory_space<vmem_shared>>)
      tpu.yield
    }) : () -> ()
    %mul3A_27 = arith.constant 640 : i32
    %mul3A_28 = arith.muli %arg1, %mul3A_27 : i32
    %add3A_29 = arith.constant 192 : i32
    %add3A_30 = arith.addi %mul3A_28, %add3A_29 : i32
    %run_scoped3A_31 = arith.constant 0 : i32
    "tpu.region"() ({
      %run_scoped3A_461 = tpu.sem_alloc : memref<!tpu.dma_semaphore, #tpu.memory_space<semaphore_mem>>
      %dma_start3A_462 = arith.constant 0 : i32
      %dma_start3A_463 = arith.constant 0 : i32
      %dma_start3A_464 = tpu.memref_slice %arg14[%run_scoped3A_31, %dma_start3A_462, %dma_start3A_463] : memref<4x64x128xf32, #tpu.memory_space<vmem>> -> memref<1x64x128xf32, #tpu.memory_space<vmem>>
      %dma_start3A_465 = tpu.memref_squeeze %dma_start3A_464 : memref<1x64x128xf32, #tpu.memory_space<vmem>> -> memref<64x128xf32, #tpu.memory_space<vmem>>
      %dma_start3A_466 = arith.constant 0 : i32
      %dma_start3A_467 = tpu.memref_slice %arg16[%add3A_30, %dma_start3A_466] : memref<10240x128xf32, #tpu.memory_space<vmem_shared>> -> memref<64x128xf32, #tpu.memory_space<vmem_shared>>
      %dma_start3A_468 = arith.constant 0 : i32
      %dma_start3A_469 = tpu.memref_slice %arg16[%add3A_30, %dma_start3A_468] : memref<10240x128xf32, #tpu.memory_space<vmem_shared>> -> memref<64x128xf32, #tpu.memory_space<vmem_shared>>
      %dma_start3A_470 = arith.constant 0 : i32
      %dma_start3A_471 = arith.constant 0 : i32
      %dma_start3A_472 = tpu.memref_slice %arg14[%run_scoped3A_31, %dma_start3A_470, %dma_start3A_471] : memref<4x64x128xf32, #tpu.memory_space<vmem>> -> memref<1x64x128xf32, #tpu.memory_space<vmem>>
      %dma_start3A_473 = tpu.memref_squeeze %dma_start3A_472 : memref<1x64x128xf32, #tpu.memory_space<vmem>> -> memref<64x128xf32, #tpu.memory_space<vmem>>
      tpu.enqueue_dma source(%dma_start3A_473 : memref<64x128xf32, #tpu.memory_space<vmem>>) target(%dma_start3A_469 : memref<64x128xf32, #tpu.memory_space<vmem_shared>>) target_semaphore(%run_scoped3A_461 : memref<!tpu.dma_semaphore, #tpu.memory_space<semaphore_mem>>)
      %dma_wait3A_474 = arith.constant 0 : i32
      %dma_wait3A_475 = arith.constant 0 : i32
      %dma_wait3A_476 = tpu.memref_slice %arg14[%run_scoped3A_31, %dma_wait3A_474, %dma_wait3A_475] : memref<4x64x128xf32, #tpu.memory_space<vmem>> -> memref<1x64x128xf32, #tpu.memory_space<vmem>>
      %dma_wait3A_477 = tpu.memref_squeeze %dma_wait3A_476 : memref<1x64x128xf32, #tpu.memory_space<vmem>> -> memref<64x128xf32, #tpu.memory_space<vmem>>
      %dma_wait3A_478 = arith.constant 0 : i32
      %dma_wait3A_479 = tpu.memref_slice %arg16[%add3A_30, %dma_wait3A_478] : memref<10240x128xf32, #tpu.memory_space<vmem_shared>> -> memref<64x128xf32, #tpu.memory_space<vmem_shared>>
      %dma_wait3A_480 = arith.constant 0 : i32
      %dma_wait3A_481 = tpu.memref_slice %arg16[%add3A_30, %dma_wait3A_480] : memref<10240x128xf32, #tpu.memory_space<vmem_shared>> -> memref<64x128xf32, #tpu.memory_space<vmem_shared>>
      %dma_wait3A_482 = arith.constant 0 : i32
      %dma_wait3A_483 = arith.constant 0 : i32
      %dma_wait3A_484 = tpu.memref_slice %arg14[%run_scoped3A_31, %dma_wait3A_482, %dma_wait3A_483] : memref<4x64x128xf32, #tpu.memory_space<vmem>> -> memref<1x64x128xf32, #tpu.memory_space<vmem>>
      %dma_wait3A_485 = tpu.memref_squeeze %dma_wait3A_484 : memref<1x64x128xf32, #tpu.memory_space<vmem>> -> memref<64x128xf32, #tpu.memory_space<vmem>>
      tpu.wait_dma2 semaphore(%run_scoped3A_461 : memref<!tpu.dma_semaphore, #tpu.memory_space<semaphore_mem>>) src(%dma_wait3A_485 : memref<64x128xf32, #tpu.memory_space<vmem>>) dst(%dma_wait3A_481 : memref<64x128xf32, #tpu.memory_space<vmem_shared>>)
      tpu.yield
    }) : () -> ()
    %mul3A_32 = arith.constant 640 : i32
    %mul3A_33 = arith.muli %arg1, %mul3A_32 : i32
    %add3A_34 = arith.constant 256 : i32
    %add3A_35 = arith.addi %mul3A_33, %add3A_34 : i32
    %run_scoped3A_36 = arith.constant 0 : i32
    "tpu.region"() ({
      %run_scoped3A_461 = tpu.sem_alloc : memref<!tpu.dma_semaphore, #tpu.memory_space<semaphore_mem>>
      %dma_start3A_462 = arith.constant 0 : i32
      %dma_start3A_463 = arith.constant 0 : i32
      %dma_start3A_464 = tpu.memref_slice %arg14[%run_scoped3A_36, %dma_start3A_462, %dma_start3A_463] : memref<4x64x128xf32, #tpu.memory_space<vmem>> -> memref<1x64x128xf32, #tpu.memory_space<vmem>>
      %dma_start3A_465 = tpu.memref_squeeze %dma_start3A_464 : memref<1x64x128xf32, #tpu.memory_space<vmem>> -> memref<64x128xf32, #tpu.memory_space<vmem>>
      %dma_start3A_466 = arith.constant 0 : i32
      %dma_start3A_467 = tpu.memref_slice %arg16[%add3A_35, %dma_start3A_466] : memref<10240x128xf32, #tpu.memory_space<vmem_shared>> -> memref<64x128xf32, #tpu.memory_space<vmem_shared>>
      %dma_start3A_468 = arith.constant 0 : i32
      %dma_start3A_469 = tpu.memref_slice %arg16[%add3A_35, %dma_start3A_468] : memref<10240x128xf32, #tpu.memory_space<vmem_shared>> -> memref<64x128xf32, #tpu.memory_space<vmem_shared>>
      %dma_start3A_470 = arith.constant 0 : i32
      %dma_start3A_471 = arith.constant 0 : i32
      %dma_start3A_472 = tpu.memref_slice %arg14[%run_scoped3A_36, %dma_start3A_470, %dma_start3A_471] : memref<4x64x128xf32, #tpu.memory_space<vmem>> -> memref<1x64x128xf32, #tpu.memory_space<vmem>>
      %dma_start3A_473 = tpu.memref_squeeze %dma_start3A_472 : memref<1x64x128xf32, #tpu.memory_space<vmem>> -> memref<64x128xf32, #tpu.memory_space<vmem>>
      tpu.enqueue_dma source(%dma_start3A_473 : memref<64x128xf32, #tpu.memory_space<vmem>>) target(%dma_start3A_469 : memref<64x128xf32, #tpu.memory_space<vmem_shared>>) target_semaphore(%run_scoped3A_461 : memref<!tpu.dma_semaphore, #tpu.memory_space<semaphore_mem>>)
      %dma_wait3A_474 = arith.constant 0 : i32
      %dma_wait3A_475 = arith.constant 0 : i32
      %dma_wait3A_476 = tpu.memref_slice %arg14[%run_scoped3A_36, %dma_wait3A_474, %dma_wait3A_475] : memref<4x64x128xf32, #tpu.memory_space<vmem>> -> memref<1x64x128xf32, #tpu.memory_space<vmem>>
      %dma_wait3A_477 = tpu.memref_squeeze %dma_wait3A_476 : memref<1x64x128xf32, #tpu.memory_space<vmem>> -> memref<64x128xf32, #tpu.memory_space<vmem>>
      %dma_wait3A_478 = arith.constant 0 : i32
      %dma_wait3A_479 = tpu.memref_slice %arg16[%add3A_35, %dma_wait3A_478] : memref<10240x128xf32, #tpu.memory_space<vmem_shared>> -> memref<64x128xf32, #tpu.memory_space<vmem_shared>>
      %dma_wait3A_480 = arith.constant 0 : i32
      %dma_wait3A_481 = tpu.memref_slice %arg16[%add3A_35, %dma_wait3A_480] : memref<10240x128xf32, #tpu.memory_space<vmem_shared>> -> memref<64x128xf32, #tpu.memory_space<vmem_shared>>
      %dma_wait3A_482 = arith.constant 0 : i32
      %dma_wait3A_483 = arith.constant 0 : i32
      %dma_wait3A_484 = tpu.memref_slice %arg14[%run_scoped3A_36, %dma_wait3A_482, %dma_wait3A_483] : memref<4x64x128xf32, #tpu.memory_space<vmem>> -> memref<1x64x128xf32, #tpu.memory_space<vmem>>
      %dma_wait3A_485 = tpu.memref_squeeze %dma_wait3A_484 : memref<1x64x128xf32, #tpu.memory_space<vmem>> -> memref<64x128xf32, #tpu.memory_space<vmem>>
      tpu.wait_dma2 semaphore(%run_scoped3A_461 : memref<!tpu.dma_semaphore, #tpu.memory_space<semaphore_mem>>) src(%dma_wait3A_485 : memref<64x128xf32, #tpu.memory_space<vmem>>) dst(%dma_wait3A_481 : memref<64x128xf32, #tpu.memory_space<vmem_shared>>)
      tpu.yield
    }) : () -> ()
    %mul3A_37 = arith.constant 640 : i32
    %mul3A_38 = arith.muli %arg1, %mul3A_37 : i32
    %add3A_39 = arith.constant 320 : i32
    %add3A_40 = arith.addi %mul3A_38, %add3A_39 : i32
    %run_scoped3A_41 = arith.constant 0 : i32
    "tpu.region"() ({
      %run_scoped3A_461 = tpu.sem_alloc : memref<!tpu.dma_semaphore, #tpu.memory_space<semaphore_mem>>
      %dma_start3A_462 = arith.constant 0 : i32
      %dma_start3A_463 = arith.constant 0 : i32
      %dma_start3A_464 = tpu.memref_slice %arg14[%run_scoped3A_41, %dma_start3A_462, %dma_start3A_463] : memref<4x64x128xf32, #tpu.memory_space<vmem>> -> memref<1x64x128xf32, #tpu.memory_space<vmem>>
      %dma_start3A_465 = tpu.memref_squeeze %dma_start3A_464 : memref<1x64x128xf32, #tpu.memory_space<vmem>> -> memref<64x128xf32, #tpu.memory_space<vmem>>
      %dma_start3A_466 = arith.constant 0 : i32
      %dma_start3A_467 = tpu.memref_slice %arg16[%add3A_40, %dma_start3A_466] : memref<10240x128xf32, #tpu.memory_space<vmem_shared>> -> memref<64x128xf32, #tpu.memory_space<vmem_shared>>
      %dma_start3A_468 = arith.constant 0 : i32
      %dma_start3A_469 = tpu.memref_slice %arg16[%add3A_40, %dma_start3A_468] : memref<10240x128xf32, #tpu.memory_space<vmem_shared>> -> memref<64x128xf32, #tpu.memory_space<vmem_shared>>
      %dma_start3A_470 = arith.constant 0 : i32
      %dma_start3A_471 = arith.constant 0 : i32
      %dma_start3A_472 = tpu.memref_slice %arg14[%run_scoped3A_41, %dma_start3A_470, %dma_start3A_471] : memref<4x64x128xf32, #tpu.memory_space<vmem>> -> memref<1x64x128xf32, #tpu.memory_space<vmem>>
      %dma_start3A_473 = tpu.memref_squeeze %dma_start3A_472 : memref<1x64x128xf32, #tpu.memory_space<vmem>> -> memref<64x128xf32, #tpu.memory_space<vmem>>
      tpu.enqueue_dma source(%dma_start3A_473 : memref<64x128xf32, #tpu.memory_space<vmem>>) target(%dma_start3A_469 : memref<64x128xf32, #tpu.memory_space<vmem_shared>>) target_semaphore(%run_scoped3A_461 : memref<!tpu.dma_semaphore, #tpu.memory_space<semaphore_mem>>)
      %dma_wait3A_474 = arith.constant 0 : i32
      %dma_wait3A_475 = arith.constant 0 : i32
      %dma_wait3A_476 = tpu.memref_slice %arg14[%run_scoped3A_41, %dma_wait3A_474, %dma_wait3A_475] : memref<4x64x128xf32, #tpu.memory_space<vmem>> -> memref<1x64x128xf32, #tpu.memory_space<vmem>>
      %dma_wait3A_477 = tpu.memref_squeeze %dma_wait3A_476 : memref<1x64x128xf32, #tpu.memory_space<vmem>> -> memref<64x128xf32, #tpu.memory_space<vmem>>
      %dma_wait3A_478 = arith.constant 0 : i32
      %dma_wait3A_479 = tpu.memref_slice %arg16[%add3A_40, %dma_wait3A_478] : memref<10240x128xf32, #tpu.memory_space<vmem_shared>> -> memref<64x128xf32, #tpu.memory_space<vmem_shared>>
      %dma_wait3A_480 = arith.constant 0 : i32
      %dma_wait3A_481 = tpu.memref_slice %arg16[%add3A_40, %dma_wait3A_480] : memref<10240x128xf32, #tpu.memory_space<vmem_shared>> -> memref<64x128xf32, #tpu.memory_space<vmem_shared>>
      %dma_wait3A_482 = arith.constant 0 : i32
      %dma_wait3A_483 = arith.constant 0 : i32
      %dma_wait3A_484 = tpu.memref_slice %arg14[%run_scoped3A_41, %dma_wait3A_482, %dma_wait3A_483] : memref<4x64x128xf32, #tpu.memory_space<vmem>> -> memref<1x64x128xf32, #tpu.memory_space<vmem>>
      %dma_wait3A_485 = tpu.memref_squeeze %dma_wait3A_484 : memref<1x64x128xf32, #tpu.memory_space<vmem>> -> memref<64x128xf32, #tpu.memory_space<vmem>>
      tpu.wait_dma2 semaphore(%run_scoped3A_461 : memref<!tpu.dma_semaphore, #tpu.memory_space<semaphore_mem>>) src(%dma_wait3A_485 : memref<64x128xf32, #tpu.memory_space<vmem>>) dst(%dma_wait3A_481 : memref<64x128xf32, #tpu.memory_space<vmem_shared>>)
      tpu.yield
    }) : () -> ()
    %mul3A_42 = arith.constant 640 : i32
    %mul3A_43 = arith.muli %arg1, %mul3A_42 : i32
    %add3A_44 = arith.constant 384 : i32
    %add3A_45 = arith.addi %mul3A_43, %add3A_44 : i32
    %run_scoped3A_46 = arith.constant 0 : i32
    "tpu.region"() ({
      %run_scoped3A_461 = tpu.sem_alloc : memref<!tpu.dma_semaphore, #tpu.memory_space<semaphore_mem>>
      %dma_start3A_462 = arith.constant 0 : i32
      %dma_start3A_463 = arith.constant 0 : i32
      %dma_start3A_464 = tpu.memref_slice %arg14[%run_scoped3A_46, %dma_start3A_462, %dma_start3A_463] : memref<4x64x128xf32, #tpu.memory_space<vmem>> -> memref<1x64x128xf32, #tpu.memory_space<vmem>>
      %dma_start3A_465 = tpu.memref_squeeze %dma_start3A_464 : memref<1x64x128xf32, #tpu.memory_space<vmem>> -> memref<64x128xf32, #tpu.memory_space<vmem>>
      %dma_start3A_466 = arith.constant 0 : i32
      %dma_start3A_467 = tpu.memref_slice %arg16[%add3A_45, %dma_start3A_466] : memref<10240x128xf32, #tpu.memory_space<vmem_shared>> -> memref<64x128xf32, #tpu.memory_space<vmem_shared>>
      %dma_start3A_468 = arith.constant 0 : i32
      %dma_start3A_469 = tpu.memref_slice %arg16[%add3A_45, %dma_start3A_468] : memref<10240x128xf32, #tpu.memory_space<vmem_shared>> -> memref<64x128xf32, #tpu.memory_space<vmem_shared>>
      %dma_start3A_470 = arith.constant 0 : i32
      %dma_start3A_471 = arith.constant 0 : i32
      %dma_start3A_472 = tpu.memref_slice %arg14[%run_scoped3A_46, %dma_start3A_470, %dma_start3A_471] : memref<4x64x128xf32, #tpu.memory_space<vmem>> -> memref<1x64x128xf32, #tpu.memory_space<vmem>>
      %dma_start3A_473 = tpu.memref_squeeze %dma_start3A_472 : memref<1x64x128xf32, #tpu.memory_space<vmem>> -> memref<64x128xf32, #tpu.memory_space<vmem>>
      tpu.enqueue_dma source(%dma_start3A_473 : memref<64x128xf32, #tpu.memory_space<vmem>>) target(%dma_start3A_469 : memref<64x128xf32, #tpu.memory_space<vmem_shared>>) target_semaphore(%run_scoped3A_461 : memref<!tpu.dma_semaphore, #tpu.memory_space<semaphore_mem>>)
      %dma_wait3A_474 = arith.constant 0 : i32
      %dma_wait3A_475 = arith.constant 0 : i32
      %dma_wait3A_476 = tpu.memref_slice %arg14[%run_scoped3A_46, %dma_wait3A_474, %dma_wait3A_475] : memref<4x64x128xf32, #tpu.memory_space<vmem>> -> memref<1x64x128xf32, #tpu.memory_space<vmem>>
      %dma_wait3A_477 = tpu.memref_squeeze %dma_wait3A_476 : memref<1x64x128xf32, #tpu.memory_space<vmem>> -> memref<64x128xf32, #tpu.memory_space<vmem>>
      %dma_wait3A_478 = arith.constant 0 : i32
      %dma_wait3A_479 = tpu.memref_slice %arg16[%add3A_45, %dma_wait3A_478] : memref<10240x128xf32, #tpu.memory_space<vmem_shared>> -> memref<64x128xf32, #tpu.memory_space<vmem_shared>>
      %dma_wait3A_480 = arith.constant 0 : i32
      %dma_wait3A_481 = tpu.memref_slice %arg16[%add3A_45, %dma_wait3A_480] : memref<10240x128xf32, #tpu.memory_space<vmem_shared>> -> memref<64x128xf32, #tpu.memory_space<vmem_shared>>
      %dma_wait3A_482 = arith.constant 0 : i32
      %dma_wait3A_483 = arith.constant 0 : i32
      %dma_wait3A_484 = tpu.memref_slice %arg14[%run_scoped3A_46, %dma_wait3A_482, %dma_wait3A_483] : memref<4x64x128xf32, #tpu.memory_space<vmem>> -> memref<1x64x128xf32, #tpu.memory_space<vmem>>
      %dma_wait3A_485 = tpu.memref_squeeze %dma_wait3A_484 : memref<1x64x128xf32, #tpu.memory_space<vmem>> -> memref<64x128xf32, #tpu.memory_space<vmem>>
      tpu.wait_dma2 semaphore(%run_scoped3A_461 : memref<!tpu.dma_semaphore, #tpu.memory_space<semaphore_mem>>) src(%dma_wait3A_485 : memref<64x128xf32, #tpu.memory_space<vmem>>) dst(%dma_wait3A_481 : memref<64x128xf32, #tpu.memory_space<vmem_shared>>)
      tpu.yield
    }) : () -> ()
    %mul3A_47 = arith.constant 640 : i32
    %mul3A_48 = arith.muli %arg1, %mul3A_47 : i32
    %add3A_49 = arith.constant 448 : i32
    %add3A_50 = arith.addi %mul3A_48, %add3A_49 : i32
    %run_scoped3A_51 = arith.constant 0 : i32
    "tpu.region"() ({
      %run_scoped3A_461 = tpu.sem_alloc : memref<!tpu.dma_semaphore, #tpu.memory_space<semaphore_mem>>
      %dma_start3A_462 = arith.constant 0 : i32
      %dma_start3A_463 = arith.constant 0 : i32
      %dma_start3A_464 = tpu.memref_slice %arg14[%run_scoped3A_51, %dma_start3A_462, %dma_start3A_463] : memref<4x64x128xf32, #tpu.memory_space<vmem>> -> memref<1x64x128xf32, #tpu.memory_space<vmem>>
      %dma_start3A_465 = tpu.memref_squeeze %dma_start3A_464 : memref<1x64x128xf32, #tpu.memory_space<vmem>> -> memref<64x128xf32, #tpu.memory_space<vmem>>
      %dma_start3A_466 = arith.constant 0 : i32
      %dma_start3A_467 = tpu.memref_slice %arg16[%add3A_50, %dma_start3A_466] : memref<10240x128xf32, #tpu.memory_space<vmem_shared>> -> memref<64x128xf32, #tpu.memory_space<vmem_shared>>
      %dma_start3A_468 = arith.constant 0 : i32
      %dma_start3A_469 = tpu.memref_slice %arg16[%add3A_50, %dma_start3A_468] : memref<10240x128xf32, #tpu.memory_space<vmem_shared>> -> memref<64x128xf32, #tpu.memory_space<vmem_shared>>
      %dma_start3A_470 = arith.constant 0 : i32
      %dma_start3A_471 = arith.constant 0 : i32
      %dma_start3A_472 = tpu.memref_slice %arg14[%run_scoped3A_51, %dma_start3A_470, %dma_start3A_471] : memref<4x64x128xf32, #tpu.memory_space<vmem>> -> memref<1x64x128xf32, #tpu.memory_space<vmem>>
      %dma_start3A_473 = tpu.memref_squeeze %dma_start3A_472 : memref<1x64x128xf32, #tpu.memory_space<vmem>> -> memref<64x128xf32, #tpu.memory_space<vmem>>
      tpu.enqueue_dma source(%dma_start3A_473 : memref<64x128xf32, #tpu.memory_space<vmem>>) target(%dma_start3A_469 : memref<64x128xf32, #tpu.memory_space<vmem_shared>>) target_semaphore(%run_scoped3A_461 : memref<!tpu.dma_semaphore, #tpu.memory_space<semaphore_mem>>)
      %dma_wait3A_474 = arith.constant 0 : i32
      %dma_wait3A_475 = arith.constant 0 : i32
      %dma_wait3A_476 = tpu.memref_slice %arg14[%run_scoped3A_51, %dma_wait3A_474, %dma_wait3A_475] : memref<4x64x128xf32, #tpu.memory_space<vmem>> -> memref<1x64x128xf32, #tpu.memory_space<vmem>>
      %dma_wait3A_477 = tpu.memref_squeeze %dma_wait3A_476 : memref<1x64x128xf32, #tpu.memory_space<vmem>> -> memref<64x128xf32, #tpu.memory_space<vmem>>
      %dma_wait3A_478 = arith.constant 0 : i32
      %dma_wait3A_479 = tpu.memref_slice %arg16[%add3A_50, %dma_wait3A_478] : memref<10240x128xf32, #tpu.memory_space<vmem_shared>> -> memref<64x128xf32, #tpu.memory_space<vmem_shared>>
      %dma_wait3A_480 = arith.constant 0 : i32
      %dma_wait3A_481 = tpu.memref_slice %arg16[%add3A_50, %dma_wait3A_480] : memref<10240x128xf32, #tpu.memory_space<vmem_shared>> -> memref<64x128xf32, #tpu.memory_space<vmem_shared>>
      %dma_wait3A_482 = arith.constant 0 : i32
      %dma_wait3A_483 = arith.constant 0 : i32
      %dma_wait3A_484 = tpu.memref_slice %arg14[%run_scoped3A_51, %dma_wait3A_482, %dma_wait3A_483] : memref<4x64x128xf32, #tpu.memory_space<vmem>> -> memref<1x64x128xf32, #tpu.memory_space<vmem>>
      %dma_wait3A_485 = tpu.memref_squeeze %dma_wait3A_484 : memref<1x64x128xf32, #tpu.memory_space<vmem>> -> memref<64x128xf32, #tpu.memory_space<vmem>>
      tpu.wait_dma2 semaphore(%run_scoped3A_461 : memref<!tpu.dma_semaphore, #tpu.memory_space<semaphore_mem>>) src(%dma_wait3A_485 : memref<64x128xf32, #tpu.memory_space<vmem>>) dst(%dma_wait3A_481 : memref<64x128xf32, #tpu.memory_space<vmem_shared>>)
      tpu.yield
    }) : () -> ()
    %mul3A_52 = arith.constant 640 : i32
    %mul3A_53 = arith.muli %arg1, %mul3A_52 : i32
    %add3A_54 = arith.constant 512 : i32
    %add3A_55 = arith.addi %mul3A_53, %add3A_54 : i32
    %run_scoped3A_56 = arith.constant 0 : i32
    "tpu.region"() ({
      %run_scoped3A_461 = tpu.sem_alloc : memref<!tpu.dma_semaphore, #tpu.memory_space<semaphore_mem>>
      %dma_start3A_462 = arith.constant 0 : i32
      %dma_start3A_463 = arith.constant 0 : i32
      %dma_start3A_464 = tpu.memref_slice %arg14[%run_scoped3A_56, %dma_start3A_462, %dma_start3A_463] : memref<4x64x128xf32, #tpu.memory_space<vmem>> -> memref<1x64x128xf32, #tpu.memory_space<vmem>>
      %dma_start3A_465 = tpu.memref_squeeze %dma_start3A_464 : memref<1x64x128xf32, #tpu.memory_space<vmem>> -> memref<64x128xf32, #tpu.memory_space<vmem>>
      %dma_start3A_466 = arith.constant 0 : i32
      %dma_start3A_467 = tpu.memref_slice %arg16[%add3A_55, %dma_start3A_466] : memref<10240x128xf32, #tpu.memory_space<vmem_shared>> -> memref<64x128xf32, #tpu.memory_space<vmem_shared>>
      %dma_start3A_468 = arith.constant 0 : i32
      %dma_start3A_469 = tpu.memref_slice %arg16[%add3A_55, %dma_start3A_468] : memref<10240x128xf32, #tpu.memory_space<vmem_shared>> -> memref<64x128xf32, #tpu.memory_space<vmem_shared>>
      %dma_start3A_470 = arith.constant 0 : i32
      %dma_start3A_471 = arith.constant 0 : i32
      %dma_start3A_472 = tpu.memref_slice %arg14[%run_scoped3A_56, %dma_start3A_470, %dma_start3A_471] : memref<4x64x128xf32, #tpu.memory_space<vmem>> -> memref<1x64x128xf32, #tpu.memory_space<vmem>>
      %dma_start3A_473 = tpu.memref_squeeze %dma_start3A_472 : memref<1x64x128xf32, #tpu.memory_space<vmem>> -> memref<64x128xf32, #tpu.memory_space<vmem>>
      tpu.enqueue_dma source(%dma_start3A_473 : memref<64x128xf32, #tpu.memory_space<vmem>>) target(%dma_start3A_469 : memref<64x128xf32, #tpu.memory_space<vmem_shared>>) target_semaphore(%run_scoped3A_461 : memref<!tpu.dma_semaphore, #tpu.memory_space<semaphore_mem>>)
      %dma_wait3A_474 = arith.constant 0 : i32
      %dma_wait3A_475 = arith.constant 0 : i32
      %dma_wait3A_476 = tpu.memref_slice %arg14[%run_scoped3A_56, %dma_wait3A_474, %dma_wait3A_475] : memref<4x64x128xf32, #tpu.memory_space<vmem>> -> memref<1x64x128xf32, #tpu.memory_space<vmem>>
      %dma_wait3A_477 = tpu.memref_squeeze %dma_wait3A_476 : memref<1x64x128xf32, #tpu.memory_space<vmem>> -> memref<64x128xf32, #tpu.memory_space<vmem>>
      %dma_wait3A_478 = arith.constant 0 : i32
      %dma_wait3A_479 = tpu.memref_slice %arg16[%add3A_55, %dma_wait3A_478] : memref<10240x128xf32, #tpu.memory_space<vmem_shared>> -> memref<64x128xf32, #tpu.memory_space<vmem_shared>>
      %dma_wait3A_480 = arith.constant 0 : i32
      %dma_wait3A_481 = tpu.memref_slice %arg16[%add3A_55, %dma_wait3A_480] : memref<10240x128xf32, #tpu.memory_space<vmem_shared>> -> memref<64x128xf32, #tpu.memory_space<vmem_shared>>
      %dma_wait3A_482 = arith.constant 0 : i32
      %dma_wait3A_483 = arith.constant 0 : i32
      %dma_wait3A_484 = tpu.memref_slice %arg14[%run_scoped3A_56, %dma_wait3A_482, %dma_wait3A_483] : memref<4x64x128xf32, #tpu.memory_space<vmem>> -> memref<1x64x128xf32, #tpu.memory_space<vmem>>
      %dma_wait3A_485 = tpu.memref_squeeze %dma_wait3A_484 : memref<1x64x128xf32, #tpu.memory_space<vmem>> -> memref<64x128xf32, #tpu.memory_space<vmem>>
      tpu.wait_dma2 semaphore(%run_scoped3A_461 : memref<!tpu.dma_semaphore, #tpu.memory_space<semaphore_mem>>) src(%dma_wait3A_485 : memref<64x128xf32, #tpu.memory_space<vmem>>) dst(%dma_wait3A_481 : memref<64x128xf32, #tpu.memory_space<vmem_shared>>)
      tpu.yield
    }) : () -> ()
    %mul3A_57 = arith.constant 640 : i32
    %mul3A_58 = arith.muli %arg1, %mul3A_57 : i32
    %add3A_59 = arith.constant 576 : i32
    %add3A_60 = arith.addi %mul3A_58, %add3A_59 : i32
    %run_scoped3A_61 = arith.constant 0 : i32
    "tpu.region"() ({
      %run_scoped3A_461 = tpu.sem_alloc : memref<!tpu.dma_semaphore, #tpu.memory_space<semaphore_mem>>
      %dma_start3A_462 = arith.constant 0 : i32
      %dma_start3A_463 = arith.constant 0 : i32
      %dma_start3A_464 = tpu.memref_slice %arg14[%run_scoped3A_61, %dma_start3A_462, %dma_start3A_463] : memref<4x64x128xf32, #tpu.memory_space<vmem>> -> memref<1x64x128xf32, #tpu.memory_space<vmem>>
      %dma_start3A_465 = tpu.memref_squeeze %dma_start3A_464 : memref<1x64x128xf32, #tpu.memory_space<vmem>> -> memref<64x128xf32, #tpu.memory_space<vmem>>
      %dma_start3A_466 = arith.constant 0 : i32
      %dma_start3A_467 = tpu.memref_slice %arg16[%add3A_60, %dma_start3A_466] : memref<10240x128xf32, #tpu.memory_space<vmem_shared>> -> memref<64x128xf32, #tpu.memory_space<vmem_shared>>
      %dma_start3A_468 = arith.constant 0 : i32
      %dma_start3A_469 = tpu.memref_slice %arg16[%add3A_60, %dma_start3A_468] : memref<10240x128xf32, #tpu.memory_space<vmem_shared>> -> memref<64x128xf32, #tpu.memory_space<vmem_shared>>
      %dma_start3A_470 = arith.constant 0 : i32
      %dma_start3A_471 = arith.constant 0 : i32
      %dma_start3A_472 = tpu.memref_slice %arg14[%run_scoped3A_61, %dma_start3A_470, %dma_start3A_471] : memref<4x64x128xf32, #tpu.memory_space<vmem>> -> memref<1x64x128xf32, #tpu.memory_space<vmem>>
      %dma_start3A_473 = tpu.memref_squeeze %dma_start3A_472 : memref<1x64x128xf32, #tpu.memory_space<vmem>> -> memref<64x128xf32, #tpu.memory_space<vmem>>
      tpu.enqueue_dma source(%dma_start3A_473 : memref<64x128xf32, #tpu.memory_space<vmem>>) target(%dma_start3A_469 : memref<64x128xf32, #tpu.memory_space<vmem_shared>>) target_semaphore(%run_scoped3A_461 : memref<!tpu.dma_semaphore, #tpu.memory_space<semaphore_mem>>)
      %dma_wait3A_474 = arith.constant 0 : i32
      %dma_wait3A_475 = arith.constant 0 : i32
      %dma_wait3A_476 = tpu.memref_slice %arg14[%run_scoped3A_61, %dma_wait3A_474, %dma_wait3A_475] : memref<4x64x128xf32, #tpu.memory_space<vmem>> -> memref<1x64x128xf32, #tpu.memory_space<vmem>>
      %dma_wait3A_477 = tpu.memref_squeeze %dma_wait3A_476 : memref<1x64x128xf32, #tpu.memory_space<vmem>> -> memref<64x128xf32, #tpu.memory_space<vmem>>
      %dma_wait3A_478 = arith.constant 0 : i32
      %dma_wait3A_479 = tpu.memref_slice %arg16[%add3A_60, %dma_wait3A_478] : memref<10240x128xf32, #tpu.memory_space<vmem_shared>> -> memref<64x128xf32, #tpu.memory_space<vmem_shared>>
      %dma_wait3A_480 = arith.constant 0 : i32
      %dma_wait3A_481 = tpu.memref_slice %arg16[%add3A_60, %dma_wait3A_480] : memref<10240x128xf32, #tpu.memory_space<vmem_shared>> -> memref<64x128xf32, #tpu.memory_space<vmem_shared>>
      %dma_wait3A_482 = arith.constant 0 : i32
      %dma_wait3A_483 = arith.constant 0 : i32
      %dma_wait3A_484 = tpu.memref_slice %arg14[%run_scoped3A_61, %dma_wait3A_482, %dma_wait3A_483] : memref<4x64x128xf32, #tpu.memory_space<vmem>> -> memref<1x64x128xf32, #tpu.memory_space<vmem>>
      %dma_wait3A_485 = tpu.memref_squeeze %dma_wait3A_484 : memref<1x64x128xf32, #tpu.memory_space<vmem>> -> memref<64x128xf32, #tpu.memory_space<vmem>>
      tpu.wait_dma2 semaphore(%run_scoped3A_461 : memref<!tpu.dma_semaphore, #tpu.memory_space<semaphore_mem>>) src(%dma_wait3A_485 : memref<64x128xf32, #tpu.memory_space<vmem>>) dst(%dma_wait3A_481 : memref<64x128xf32, #tpu.memory_space<vmem_shared>>)
      tpu.yield
    }) : () -> ()
    %mul3A_62 = arith.constant 640 : i32
    %mul3A_63 = arith.muli %arg1, %mul3A_62 : i32
    "tpu.region"() ({
      %run_scoped3A_461 = tpu.sem_alloc : memref<!tpu.dma_semaphore, #tpu.memory_space<semaphore_mem>>
      %dma_start3A_462 = tpu.memref_slice %arg17[%mul3A_63] : memref<10240xf32, #tpu.memory_space<vmem_shared>> -> memref<640xf32, #tpu.memory_space<vmem_shared>>
      %dma_start3A_463 = tpu.memref_slice %arg17[%mul3A_63] : memref<10240xf32, #tpu.memory_space<vmem_shared>> -> memref<640xf32, #tpu.memory_space<vmem_shared>>
      tpu.enqueue_dma source(%arg15 : memref<640xf32, #tpu.memory_space<vmem>>) target(%dma_start3A_463 : memref<640xf32, #tpu.memory_space<vmem_shared>>) target_semaphore(%run_scoped3A_461 : memref<!tpu.dma_semaphore, #tpu.memory_space<semaphore_mem>>)
      %dma_wait3A_464 = tpu.memref_slice %arg17[%mul3A_63] : memref<10240xf32, #tpu.memory_space<vmem_shared>> -> memref<640xf32, #tpu.memory_space<vmem_shared>>
      %dma_wait3A_465 = tpu.memref_slice %arg17[%mul3A_63] : memref<10240xf32, #tpu.memory_space<vmem_shared>> -> memref<640xf32, #tpu.memory_space<vmem_shared>>
      tpu.wait_dma2 semaphore(%run_scoped3A_461 : memref<!tpu.dma_semaphore, #tpu.memory_space<semaphore_mem>>) src(%arg15 : memref<640xf32, #tpu.memory_space<vmem>>) dst(%dma_wait3A_465 : memref<640xf32, #tpu.memory_space<vmem_shared>>)
      tpu.yield
    }) : () -> ()
    %barrier3A = arith.constant 0 : index
    tpu.barrier barrier_id(%barrier3A)
    %dma_start3A = arith.constant 0 : i32
    %dma_start3A_64 = arith.constant 0 : i32
    %dma_start3A_65 = arith.constant 0 : i32
    %dma_start3A_66 = tpu.memref_slice %arg8[%dma_start3A_64, %dma_start3A_65] : memref<8x64xi32, #tpu.memory_space<vmem>> -> memref<1x64xi32, #tpu.memory_space<vmem>>
    %dma_start3A_67 = tpu.memref_squeeze %dma_start3A_66 : memref<1x64xi32, #tpu.memory_space<vmem>> -> memref<64xi32, #tpu.memory_space<vmem>>
    %dma_start3A_68 = arith.constant 0 : i32
    %dma_start3A_69 = tpu.memref_slice %arg5[%add3A, %dma_start3A, %dma_start3A_68] : memref<32x162x64xi32, #tpu.memory_space<hbm>> -> memref<1x1x64xi32, #tpu.memory_space<hbm>>
    %dma_start3A_70 = tpu.memref_squeeze %dma_start3A_69 : memref<1x1x64xi32, #tpu.memory_space<hbm>> -> memref<64xi32, #tpu.memory_space<hbm>>
    %dma_start3A_71 = arith.constant 0 : i32
    %dma_start3A_72 = tpu.memref_slice %arg8[%dma_start3A_64, %dma_start3A_71] : memref<8x64xi32, #tpu.memory_space<vmem>> -> memref<1x64xi32, #tpu.memory_space<vmem>>
    %dma_start3A_73 = tpu.memref_squeeze %dma_start3A_72 : memref<1x64xi32, #tpu.memory_space<vmem>> -> memref<64xi32, #tpu.memory_space<vmem>>
    %dma_start3A_74 = arith.constant 0 : i32
    %dma_start3A_75 = tpu.memref_slice %arg5[%add3A, %dma_start3A, %dma_start3A_74] : memref<32x162x64xi32, #tpu.memory_space<hbm>> -> memref<1x1x64xi32, #tpu.memory_space<hbm>>
    %dma_start3A_76 = tpu.memref_squeeze %dma_start3A_75 : memref<1x1x64xi32, #tpu.memory_space<hbm>> -> memref<64xi32, #tpu.memory_space<hbm>>
    tpu.enqueue_dma source(%dma_start3A_76 : memref<64xi32, #tpu.memory_space<hbm>>) target(%dma_start3A_73 : memref<64xi32, #tpu.memory_space<vmem>>) target_semaphore(%arg20 : memref<!tpu.dma_semaphore, #tpu.memory_space<semaphore_mem>>)
    %dma_start3A_77 = arith.constant 1 : i32
    %dma_start3A_78 = arith.constant 1 : i32
    %dma_start3A_79 = arith.constant 0 : i32
    %dma_start3A_80 = tpu.memref_slice %arg8[%dma_start3A_78, %dma_start3A_79] : memref<8x64xi32, #tpu.memory_space<vmem>> -> memref<1x64xi32, #tpu.memory_space<vmem>>
    %dma_start3A_81 = tpu.memref_squeeze %dma_start3A_80 : memref<1x64xi32, #tpu.memory_space<vmem>> -> memref<64xi32, #tpu.memory_space<vmem>>
    %dma_start3A_82 = arith.constant 0 : i32
    %dma_start3A_83 = tpu.memref_slice %arg5[%add3A, %dma_start3A_77, %dma_start3A_82] : memref<32x162x64xi32, #tpu.memory_space<hbm>> -> memref<1x1x64xi32, #tpu.memory_space<hbm>>
    %dma_start3A_84 = tpu.memref_squeeze %dma_start3A_83 : memref<1x1x64xi32, #tpu.memory_space<hbm>> -> memref<64xi32, #tpu.memory_space<hbm>>
    %dma_start3A_85 = arith.constant 0 : i32
    %dma_start3A_86 = tpu.memref_slice %arg8[%dma_start3A_78, %dma_start3A_85] : memref<8x64xi32, #tpu.memory_space<vmem>> -> memref<1x64xi32, #tpu.memory_space<vmem>>
    %dma_start3A_87 = tpu.memref_squeeze %dma_start3A_86 : memref<1x64xi32, #tpu.memory_space<vmem>> -> memref<64xi32, #tpu.memory_space<vmem>>
    %dma_start3A_88 = arith.constant 0 : i32
    %dma_start3A_89 = tpu.memref_slice %arg5[%add3A, %dma_start3A_77, %dma_start3A_88] : memref<32x162x64xi32, #tpu.memory_space<hbm>> -> memref<1x1x64xi32, #tpu.memory_space<hbm>>
    %dma_start3A_90 = tpu.memref_squeeze %dma_start3A_89 : memref<1x1x64xi32, #tpu.memory_space<hbm>> -> memref<64xi32, #tpu.memory_space<hbm>>
    tpu.enqueue_dma source(%dma_start3A_90 : memref<64xi32, #tpu.memory_space<hbm>>) target(%dma_start3A_87 : memref<64xi32, #tpu.memory_space<vmem>>) target_semaphore(%arg20 : memref<!tpu.dma_semaphore, #tpu.memory_space<semaphore_mem>>)
    %dma_start3A_91 = arith.constant 2 : i32
    %dma_start3A_92 = arith.constant 2 : i32
    %dma_start3A_93 = arith.constant 0 : i32
    %dma_start3A_94 = tpu.memref_slice %arg8[%dma_start3A_92, %dma_start3A_93] : memref<8x64xi32, #tpu.memory_space<vmem>> -> memref<1x64xi32, #tpu.memory_space<vmem>>
    %dma_start3A_95 = tpu.memref_squeeze %dma_start3A_94 : memref<1x64xi32, #tpu.memory_space<vmem>> -> memref<64xi32, #tpu.memory_space<vmem>>
    %dma_start3A_96 = arith.constant 0 : i32
    %dma_start3A_97 = tpu.memref_slice %arg5[%add3A, %dma_start3A_91, %dma_start3A_96] : memref<32x162x64xi32, #tpu.memory_space<hbm>> -> memref<1x1x64xi32, #tpu.memory_space<hbm>>
    %dma_start3A_98 = tpu.memref_squeeze %dma_start3A_97 : memref<1x1x64xi32, #tpu.memory_space<hbm>> -> memref<64xi32, #tpu.memory_space<hbm>>
    %dma_start3A_99 = arith.constant 0 : i32
    %dma_start3A_100 = tpu.memref_slice %arg8[%dma_start3A_92, %dma_start3A_99] : memref<8x64xi32, #tpu.memory_space<vmem>> -> memref<1x64xi32, #tpu.memory_space<vmem>>
    %dma_start3A_101 = tpu.memref_squeeze %dma_start3A_100 : memref<1x64xi32, #tpu.memory_space<vmem>> -> memref<64xi32, #tpu.memory_space<vmem>>
    %dma_start3A_102 = arith.constant 0 : i32
    %dma_start3A_103 = tpu.memref_slice %arg5[%add3A, %dma_start3A_91, %dma_start3A_102] : memref<32x162x64xi32, #tpu.memory_space<hbm>> -> memref<1x1x64xi32, #tpu.memory_space<hbm>>
    %dma_start3A_104 = tpu.memref_squeeze %dma_start3A_103 : memref<1x1x64xi32, #tpu.memory_space<hbm>> -> memref<64xi32, #tpu.memory_space<hbm>>
    tpu.enqueue_dma source(%dma_start3A_104 : memref<64xi32, #tpu.memory_space<hbm>>) target(%dma_start3A_101 : memref<64xi32, #tpu.memory_space<vmem>>) target_semaphore(%arg20 : memref<!tpu.dma_semaphore, #tpu.memory_space<semaphore_mem>>)
    %dma_start3A_105 = arith.constant 3 : i32
    %dma_start3A_106 = arith.constant 3 : i32
    %dma_start3A_107 = arith.constant 0 : i32
    %dma_start3A_108 = tpu.memref_slice %arg8[%dma_start3A_106, %dma_start3A_107] : memref<8x64xi32, #tpu.memory_space<vmem>> -> memref<1x64xi32, #tpu.memory_space<vmem>>
    %dma_start3A_109 = tpu.memref_squeeze %dma_start3A_108 : memref<1x64xi32, #tpu.memory_space<vmem>> -> memref<64xi32, #tpu.memory_space<vmem>>
    %dma_start3A_110 = arith.constant 0 : i32
    %dma_start3A_111 = tpu.memref_slice %arg5[%add3A, %dma_start3A_105, %dma_start3A_110] : memref<32x162x64xi32, #tpu.memory_space<hbm>> -> memref<1x1x64xi32, #tpu.memory_space<hbm>>
    %dma_start3A_112 = tpu.memref_squeeze %dma_start3A_111 : memref<1x1x64xi32, #tpu.memory_space<hbm>> -> memref<64xi32, #tpu.memory_space<hbm>>
    %dma_start3A_113 = arith.constant 0 : i32
    %dma_start3A_114 = tpu.memref_slice %arg8[%dma_start3A_106, %dma_start3A_113] : memref<8x64xi32, #tpu.memory_space<vmem>> -> memref<1x64xi32, #tpu.memory_space<vmem>>
    %dma_start3A_115 = tpu.memref_squeeze %dma_start3A_114 : memref<1x64xi32, #tpu.memory_space<vmem>> -> memref<64xi32, #tpu.memory_space<vmem>>
    %dma_start3A_116 = arith.constant 0 : i32
    %dma_start3A_117 = tpu.memref_slice %arg5[%add3A, %dma_start3A_105, %dma_start3A_116] : memref<32x162x64xi32, #tpu.memory_space<hbm>> -> memref<1x1x64xi32, #tpu.memory_space<hbm>>
    %dma_start3A_118 = tpu.memref_squeeze %dma_start3A_117 : memref<1x1x64xi32, #tpu.memory_space<hbm>> -> memref<64xi32, #tpu.memory_space<hbm>>
    tpu.enqueue_dma source(%dma_start3A_118 : memref<64xi32, #tpu.memory_space<hbm>>) target(%dma_start3A_115 : memref<64xi32, #tpu.memory_space<vmem>>) target_semaphore(%arg20 : memref<!tpu.dma_semaphore, #tpu.memory_space<semaphore_mem>>)
    %dma_start3A_119 = arith.constant 4 : i32
    %dma_start3A_120 = arith.constant 4 : i32
    %dma_start3A_121 = arith.constant 0 : i32
    %dma_start3A_122 = tpu.memref_slice %arg8[%dma_start3A_120, %dma_start3A_121] : memref<8x64xi32, #tpu.memory_space<vmem>> -> memref<1x64xi32, #tpu.memory_space<vmem>>
    %dma_start3A_123 = tpu.memref_squeeze %dma_start3A_122 : memref<1x64xi32, #tpu.memory_space<vmem>> -> memref<64xi32, #tpu.memory_space<vmem>>
    %dma_start3A_124 = arith.constant 0 : i32
    %dma_start3A_125 = tpu.memref_slice %arg5[%add3A, %dma_start3A_119, %dma_start3A_124] : memref<32x162x64xi32, #tpu.memory_space<hbm>> -> memref<1x1x64xi32, #tpu.memory_space<hbm>>
    %dma_start3A_126 = tpu.memref_squeeze %dma_start3A_125 : memref<1x1x64xi32, #tpu.memory_space<hbm>> -> memref<64xi32, #tpu.memory_space<hbm>>
    %dma_start3A_127 = arith.constant 0 : i32
    %dma_start3A_128 = tpu.memref_slice %arg8[%dma_start3A_120, %dma_start3A_127] : memref<8x64xi32, #tpu.memory_space<vmem>> -> memref<1x64xi32, #tpu.memory_space<vmem>>
    %dma_start3A_129 = tpu.memref_squeeze %dma_start3A_128 : memref<1x64xi32, #tpu.memory_space<vmem>> -> memref<64xi32, #tpu.memory_space<vmem>>
    %dma_start3A_130 = arith.constant 0 : i32
    %dma_start3A_131 = tpu.memref_slice %arg5[%add3A, %dma_start3A_119, %dma_start3A_130] : memref<32x162x64xi32, #tpu.memory_space<hbm>> -> memref<1x1x64xi32, #tpu.memory_space<hbm>>
    %dma_start3A_132 = tpu.memref_squeeze %dma_start3A_131 : memref<1x1x64xi32, #tpu.memory_space<hbm>> -> memref<64xi32, #tpu.memory_space<hbm>>
    tpu.enqueue_dma source(%dma_start3A_132 : memref<64xi32, #tpu.memory_space<hbm>>) target(%dma_start3A_129 : memref<64xi32, #tpu.memory_space<vmem>>) target_semaphore(%arg20 : memref<!tpu.dma_semaphore, #tpu.memory_space<semaphore_mem>>)
    %dma_start3A_133 = arith.constant 5 : i32
    %dma_start3A_134 = arith.constant 5 : i32
    %dma_start3A_135 = arith.constant 0 : i32
    %dma_start3A_136 = tpu.memref_slice %arg8[%dma_start3A_134, %dma_start3A_135] : memref<8x64xi32, #tpu.memory_space<vmem>> -> memref<1x64xi32, #tpu.memory_space<vmem>>
    %dma_start3A_137 = tpu.memref_squeeze %dma_start3A_136 : memref<1x64xi32, #tpu.memory_space<vmem>> -> memref<64xi32, #tpu.memory_space<vmem>>
    %dma_start3A_138 = arith.constant 0 : i32
    %dma_start3A_139 = tpu.memref_slice %arg5[%add3A, %dma_start3A_133, %dma_start3A_138] : memref<32x162x64xi32, #tpu.memory_space<hbm>> -> memref<1x1x64xi32, #tpu.memory_space<hbm>>
    %dma_start3A_140 = tpu.memref_squeeze %dma_start3A_139 : memref<1x1x64xi32, #tpu.memory_space<hbm>> -> memref<64xi32, #tpu.memory_space<hbm>>
    %dma_start3A_141 = arith.constant 0 : i32
    %dma_start3A_142 = tpu.memref_slice %arg8[%dma_start3A_134, %dma_start3A_141] : memref<8x64xi32, #tpu.memory_space<vmem>> -> memref<1x64xi32, #tpu.memory_space<vmem>>
    %dma_start3A_143 = tpu.memref_squeeze %dma_start3A_142 : memref<1x64xi32, #tpu.memory_space<vmem>> -> memref<64xi32, #tpu.memory_space<vmem>>
    %dma_start3A_144 = arith.constant 0 : i32
    %dma_start3A_145 = tpu.memref_slice %arg5[%add3A, %dma_start3A_133, %dma_start3A_144] : memref<32x162x64xi32, #tpu.memory_space<hbm>> -> memref<1x1x64xi32, #tpu.memory_space<hbm>>
    %dma_start3A_146 = tpu.memref_squeeze %dma_start3A_145 : memref<1x1x64xi32, #tpu.memory_space<hbm>> -> memref<64xi32, #tpu.memory_space<hbm>>
    tpu.enqueue_dma source(%dma_start3A_146 : memref<64xi32, #tpu.memory_space<hbm>>) target(%dma_start3A_143 : memref<64xi32, #tpu.memory_space<vmem>>) target_semaphore(%arg20 : memref<!tpu.dma_semaphore, #tpu.memory_space<semaphore_mem>>)
    %dma_start3A_147 = arith.constant 6 : i32
    %dma_start3A_148 = arith.constant 6 : i32
    %dma_start3A_149 = arith.constant 0 : i32
    %dma_start3A_150 = tpu.memref_slice %arg8[%dma_start3A_148, %dma_start3A_149] : memref<8x64xi32, #tpu.memory_space<vmem>> -> memref<1x64xi32, #tpu.memory_space<vmem>>
    %dma_start3A_151 = tpu.memref_squeeze %dma_start3A_150 : memref<1x64xi32, #tpu.memory_space<vmem>> -> memref<64xi32, #tpu.memory_space<vmem>>
    %dma_start3A_152 = arith.constant 0 : i32
    %dma_start3A_153 = tpu.memref_slice %arg5[%add3A, %dma_start3A_147, %dma_start3A_152] : memref<32x162x64xi32, #tpu.memory_space<hbm>> -> memref<1x1x64xi32, #tpu.memory_space<hbm>>
    %dma_start3A_154 = tpu.memref_squeeze %dma_start3A_153 : memref<1x1x64xi32, #tpu.memory_space<hbm>> -> memref<64xi32, #tpu.memory_space<hbm>>
    %dma_start3A_155 = arith.constant 0 : i32
    %dma_start3A_156 = tpu.memref_slice %arg8[%dma_start3A_148, %dma_start3A_155] : memref<8x64xi32, #tpu.memory_space<vmem>> -> memref<1x64xi32, #tpu.memory_space<vmem>>
    %dma_start3A_157 = tpu.memref_squeeze %dma_start3A_156 : memref<1x64xi32, #tpu.memory_space<vmem>> -> memref<64xi32, #tpu.memory_space<vmem>>
    %dma_start3A_158 = arith.constant 0 : i32
    %dma_start3A_159 = tpu.memref_slice %arg5[%add3A, %dma_start3A_147, %dma_start3A_158] : memref<32x162x64xi32, #tpu.memory_space<hbm>> -> memref<1x1x64xi32, #tpu.memory_space<hbm>>
    %dma_start3A_160 = tpu.memref_squeeze %dma_start3A_159 : memref<1x1x64xi32, #tpu.memory_space<hbm>> -> memref<64xi32, #tpu.memory_space<hbm>>
    tpu.enqueue_dma source(%dma_start3A_160 : memref<64xi32, #tpu.memory_space<hbm>>) target(%dma_start3A_157 : memref<64xi32, #tpu.memory_space<vmem>>) target_semaphore(%arg20 : memref<!tpu.dma_semaphore, #tpu.memory_space<semaphore_mem>>)
    %dma_start3A_161 = arith.constant 7 : i32
    %dma_start3A_162 = arith.constant 7 : i32
    %dma_start3A_163 = arith.constant 0 : i32
    %dma_start3A_164 = tpu.memref_slice %arg8[%dma_start3A_162, %dma_start3A_163] : memref<8x64xi32, #tpu.memory_space<vmem>> -> memref<1x64xi32, #tpu.memory_space<vmem>>
    %dma_start3A_165 = tpu.memref_squeeze %dma_start3A_164 : memref<1x64xi32, #tpu.memory_space<vmem>> -> memref<64xi32, #tpu.memory_space<vmem>>
    %dma_start3A_166 = arith.constant 0 : i32
    %dma_start3A_167 = tpu.memref_slice %arg5[%add3A, %dma_start3A_161, %dma_start3A_166] : memref<32x162x64xi32, #tpu.memory_space<hbm>> -> memref<1x1x64xi32, #tpu.memory_space<hbm>>
    %dma_start3A_168 = tpu.memref_squeeze %dma_start3A_167 : memref<1x1x64xi32, #tpu.memory_space<hbm>> -> memref<64xi32, #tpu.memory_space<hbm>>
    %dma_start3A_169 = arith.constant 0 : i32
    %dma_start3A_170 = tpu.memref_slice %arg8[%dma_start3A_162, %dma_start3A_169] : memref<8x64xi32, #tpu.memory_space<vmem>> -> memref<1x64xi32, #tpu.memory_space<vmem>>
    %dma_start3A_171 = tpu.memref_squeeze %dma_start3A_170 : memref<1x64xi32, #tpu.memory_space<vmem>> -> memref<64xi32, #tpu.memory_space<vmem>>
    %dma_start3A_172 = arith.constant 0 : i32
    %dma_start3A_173 = tpu.memref_slice %arg5[%add3A, %dma_start3A_161, %dma_start3A_172] : memref<32x162x64xi32, #tpu.memory_space<hbm>> -> memref<1x1x64xi32, #tpu.memory_space<hbm>>
    %dma_start3A_174 = tpu.memref_squeeze %dma_start3A_173 : memref<1x1x64xi32, #tpu.memory_space<hbm>> -> memref<64xi32, #tpu.memory_space<hbm>>
    tpu.enqueue_dma source(%dma_start3A_174 : memref<64xi32, #tpu.memory_space<hbm>>) target(%dma_start3A_171 : memref<64xi32, #tpu.memory_space<vmem>>) target_semaphore(%arg20 : memref<!tpu.dma_semaphore, #tpu.memory_space<semaphore_mem>>)
    %dma_wait3A = arith.constant 0 : i32
    %dma_wait3A_175 = arith.constant 0 : i32
    %dma_wait3A_176 = arith.constant 0 : i32
    %dma_wait3A_177 = tpu.memref_slice %arg8[%dma_wait3A_175, %dma_wait3A_176] : memref<8x64xi32, #tpu.memory_space<vmem>> -> memref<1x64xi32, #tpu.memory_space<vmem>>
    %dma_wait3A_178 = tpu.memref_squeeze %dma_wait3A_177 : memref<1x64xi32, #tpu.memory_space<vmem>> -> memref<64xi32, #tpu.memory_space<vmem>>
    %dma_wait3A_179 = arith.constant 0 : i32
    %dma_wait3A_180 = tpu.memref_slice %arg5[%add3A, %dma_wait3A, %dma_wait3A_179] : memref<32x162x64xi32, #tpu.memory_space<hbm>> -> memref<1x1x64xi32, #tpu.memory_space<hbm>>
    %dma_wait3A_181 = tpu.memref_squeeze %dma_wait3A_180 : memref<1x1x64xi32, #tpu.memory_space<hbm>> -> memref<64xi32, #tpu.memory_space<hbm>>
    %dma_wait3A_182 = arith.constant 0 : i32
    %dma_wait3A_183 = tpu.memref_slice %arg8[%dma_wait3A_175, %dma_wait3A_182] : memref<8x64xi32, #tpu.memory_space<vmem>> -> memref<1x64xi32, #tpu.memory_space<vmem>>
    %dma_wait3A_184 = tpu.memref_squeeze %dma_wait3A_183 : memref<1x64xi32, #tpu.memory_space<vmem>> -> memref<64xi32, #tpu.memory_space<vmem>>
    %dma_wait3A_185 = arith.constant 0 : i32
    %dma_wait3A_186 = tpu.memref_slice %arg5[%add3A, %dma_wait3A, %dma_wait3A_185] : memref<32x162x64xi32, #tpu.memory_space<hbm>> -> memref<1x1x64xi32, #tpu.memory_space<hbm>>
    %dma_wait3A_187 = tpu.memref_squeeze %dma_wait3A_186 : memref<1x1x64xi32, #tpu.memory_space<hbm>> -> memref<64xi32, #tpu.memory_space<hbm>>
    tpu.wait_dma2 semaphore(%arg20 : memref<!tpu.dma_semaphore, #tpu.memory_space<semaphore_mem>>) src(%dma_wait3A_187 : memref<64xi32, #tpu.memory_space<hbm>>) dst(%dma_wait3A_184 : memref<64xi32, #tpu.memory_space<vmem>>)
    %get3A = arith.constant 0 : i32
    %get3A_188 = arith.index_cast %get3A : i32 to index
    %get3A_189 = arith.constant 0 : index
    %get3A_190 = tpu.vector_load %arg8[%get3A_188, %get3A_189] {strides = array<i32>} : memref<8x64xi32, #tpu.memory_space<vmem>>, vector<16xi32>,
    %and3A = arith.constant 65535 : i32
    %and3A_191 = vector.broadcast %and3A : i32 to vector<16xi32>
    %and3A_192 = arith.andi %get3A_190, %and3A_191 : vector<16xi32>
    %swap3A = arith.constant 0 : i32
    %swap3A_193 = arith.index_cast %swap3A : i32 to index
    %swap3A_194 = arith.constant 0 : index
    %swap3A_195 = tpu.vector_load %arg9[%swap3A_193, %swap3A_194] {strides = array<i32>} : memref<4x64xi32, #tpu.memory_space<vmem>>, vector<16xi32>,
    tpu.vector_store %arg9[%swap3A_193, %swap3A_194], %and3A_192 {strides = array<i32>} : memref<4x64xi32, #tpu.memory_space<vmem>>, vector<16xi32>,
    %shift_right_logical3A = arith.constant 16 : i32
    %shift_right_logical3A_196 = vector.broadcast %shift_right_logical3A : i32 to vector<16xi32>
    %shift_right_logical3A_197 = arith.shrui %get3A_190, %shift_right_logical3A_196 : vector<16xi32>
    %swap3A_198 = arith.constant 0 : i32
    %swap3A_199 = arith.index_cast %swap3A_198 : i32 to index
    %swap3A_200 = arith.constant 0 : index
    %swap3A_201 = tpu.vector_load %arg10[%swap3A_199, %swap3A_200] {strides = array<i32>} : memref<4x64xi32, #tpu.memory_space<vmem>>, vector<16xi32>,
    tpu.vector_store %arg10[%swap3A_199, %swap3A_200], %shift_right_logical3A_197 {strides = array<i32>} : memref<4x64xi32, #tpu.memory_space<vmem>>, vector<16xi32>,
    %get3A_202 = arith.constant 0 : i32
    %get3A_203 = arith.index_cast %get3A_202 : i32 to index
    %get3A_204 = arith.constant 16 : index
    %get3A_205 = tpu.vector_load %arg8[%get3A_203, %get3A_204] {strides = array<i32>} : memref<8x64xi32, #tpu.memory_space<vmem>>, vector<16xi32>,
    %and3A_206 = arith.constant 65535 : i32
    %and3A_207 = vector.broadcast %and3A_206 : i32 to vector<16xi32>
    %and3A_208 = arith.andi %get3A_205, %and3A_207 : vector<16xi32>
    %swap3A_209 = arith.constant 0 : i32
    %swap3A_210 = arith.index_cast %swap3A_209 : i32 to index
    %swap3A_211 = arith.constant 16 : index
    %swap3A_212 = tpu.vector_load %arg9[%swap3A_210, %swap3A_211] {strides = array<i32>} : memref<4x64xi32, #tpu.memory_space<vmem>>, vector<16xi32>,
    tpu.vector_store %arg9[%swap3A_210, %swap3A_211], %and3A_208 {strides = array<i32>} : memref<4x64xi32, #tpu.memory_space<vmem>>, vector<16xi32>,
    %shift_right_logical3A_213 = arith.constant 16 : i32
    %shift_right_logical3A_214 = vector.broadcast %shift_right_logical3A_213 : i32 to vector<16xi32>
    %shift_right_logical3A_215 = arith.shrui %get3A_205, %shift_right_logical3A_214 : vector<16xi32>
    %swap3A_216 = arith.constant 0 : i32
    %swap3A_217 = arith.index_cast %swap3A_216 : i32 to index
    %swap3A_218 = arith.constant 16 : index
    %swap3A_219 = tpu.vector_load %arg10[%swap3A_217, %swap3A_218] {strides = array<i32>} : memref<4x64xi32, #tpu.memory_space<vmem>>, vector<16xi32>,
    tpu.vector_store %arg10[%swap3A_217, %swap3A_218], %shift_right_logical3A_215 {strides = array<i32>} : memref<4x64xi32, #tpu.memory_space<vmem>>, vector<16xi32>,
    %get3A_220 = arith.constant 0 : i32
    %get3A_221 = arith.index_cast %get3A_220 : i32 to index
    %get3A_222 = arith.constant 32 : index
    %get3A_223 = tpu.vector_load %arg8[%get3A_221, %get3A_222] {strides = array<i32>} : memref<8x64xi32, #tpu.memory_space<vmem>>, vector<16xi32>,
    %and3A_224 = arith.constant 65535 : i32
    %and3A_225 = vector.broadcast %and3A_224 : i32 to vector<16xi32>
    %and3A_226 = arith.andi %get3A_223, %and3A_225 : vector<16xi32>
    %swap3A_227 = arith.constant 0 : i32
    %swap3A_228 = arith.index_cast %swap3A_227 : i32 to index
    %swap3A_229 = arith.constant 32 : index
    %swap3A_230 = tpu.vector_load %arg9[%swap3A_228, %swap3A_229] {strides = array<i32>} : memref<4x64xi32, #tpu.memory_space<vmem>>, vector<16xi32>,
    tpu.vector_store %arg9[%swap3A_228, %swap3A_229], %and3A_226 {strides = array<i32>} : memref<4x64xi32, #tpu.memory_space<vmem>>, vector<16xi32>,
    %shift_right_logical3A_231 = arith.constant 16 : i32
    %shift_right_logical3A_232 = vector.broadcast %shift_right_logical3A_231 : i32 to vector<16xi32>
    %shift_right_logical3A_233 = arith.shrui %get3A_223, %shift_right_logical3A_232 : vector<16xi32>
    %swap3A_234 = arith.constant 0 : i32
    %swap3A_235 = arith.index_cast %swap3A_234 : i32 to index
    %swap3A_236 = arith.constant 32 : index
    %swap3A_237 = tpu.vector_load %arg10[%swap3A_235, %swap3A_236] {strides = array<i32>} : memref<4x64xi32, #tpu.memory_space<vmem>>, vector<16xi32>,
    tpu.vector_store %arg10[%swap3A_235, %swap3A_236], %shift_right_logical3A_233 {strides = array<i32>} : memref<4x64xi32, #tpu.memory_space<vmem>>, vector<16xi32>,
    %get3A_238 = arith.constant 0 : i32
    %get3A_239 = arith.index_cast %get3A_238 : i32 to index
    %get3A_240 = arith.constant 48 : index
    %get3A_241 = tpu.vector_load %arg8[%get3A_239, %get3A_240] {strides = array<i32>} : memref<8x64xi32, #tpu.memory_space<vmem>>, vector<16xi32>,
    %and3A_242 = arith.constant 65535 : i32
    %and3A_243 = vector.broadcast %and3A_242 : i32 to vector<16xi32>
    %and3A_244 = arith.andi %get3A_241, %and3A_243 : vector<16xi32>
    %swap3A_245 = arith.constant 0 : i32
    %swap3A_246 = arith.index_cast %swap3A_245 : i32 to index
    %swap3A_247 = arith.constant 48 : index
    %swap3A_248 = tpu.vector_load %arg9[%swap3A_246, %swap3A_247] {strides = array<i32>} : memref<4x64xi32, #tpu.memory_space<vmem>>, vector<16xi32>,
    tpu.vector_store %arg9[%swap3A_246, %swap3A_247], %and3A_244 {strides = array<i32>} : memref<4x64xi32, #tpu.memory_space<vmem>>, vector<16xi32>,
    %shift_right_logical3A_249 = arith.constant 16 : i32
    %shift_right_logical3A_250 = vector.broadcast %shift_right_logical3A_249 : i32 to vector<16xi32>
    %shift_right_logical3A_251 = arith.shrui %get3A_241, %shift_right_logical3A_250 : vector<16xi32>
    %swap3A_252 = arith.constant 0 : i32
    %swap3A_253 = arith.index_cast %swap3A_252 : i32 to index
    %swap3A_254 = arith.constant 48 : index
    %swap3A_255 = tpu.vector_load %arg10[%swap3A_253, %swap3A_254] {strides = array<i32>} : memref<4x64xi32, #tpu.memory_space<vmem>>, vector<16xi32>,
    tpu.vector_store %arg10[%swap3A_253, %swap3A_254], %shift_right_logical3A_251 {strides = array<i32>} : memref<4x64xi32, #tpu.memory_space<vmem>>, vector<16xi32>,
    %dma_start3A_256 = arith.constant 0 : i32
    %dma_start3A_257 = arith.constant 0 : i32
    %dma_start3A_258 = arith.constant 0 : i32
    %dma_start3A_259 = arith.constant 0 : i32
    %dma_start3A_260 = tpu.memref_slice %arg14[%dma_start3A_257, %dma_start3A_258, %dma_start3A_259] : memref<4x64x128xf32, #tpu.memory_space<vmem>> -> memref<1x64x128xf32, #tpu.memory_space<vmem>>
    %dma_start3A_261 = tpu.memref_squeeze %dma_start3A_260 : memref<1x64x128xf32, #tpu.memory_space<vmem>> -> memref<64x128xf32, #tpu.memory_space<vmem>>
    %dma_start3A_262 = arith.constant 0 : i32
    %dma_start3A_263 = tpu.memref_slice %arg9[%dma_start3A_256, %dma_start3A_262] : memref<4x64xi32, #tpu.memory_space<vmem>> -> memref<1x64xi32, #tpu.memory_space<vmem>>
    %dma_start3A_264 = tpu.memref_squeeze %dma_start3A_263 : memref<1x64xi32, #tpu.memory_space<vmem>> -> memref<64xi32, #tpu.memory_space<vmem>>
    %dma_start3A_265 = arith.constant 0 : i32
    %dma_start3A_266 = arith.constant 0 : i32
    %dma_start3A_267 = tpu.memref_slice %arg2[%dma_start3A_265, %dma_start3A_266] : memref<10240x128xf32, #tpu.memory_space<hbm>> -> memref<10240x128xf32, #tpu.memory_space<hbm>>
    tpu.enqueue_indirect_dma source(%dma_start3A_267 : memref<10240x128xf32, #tpu.memory_space<hbm>>) target(%dma_start3A_261 : memref<64x128xf32, #tpu.memory_space<vmem>>) offsets(%dma_start3A_264 : memref<64xi32, #tpu.memory_space<vmem>>) semaphore(%arg18 : memref<!tpu.dma_semaphore, #tpu.memory_space<semaphore_mem>>)
    %dma_start3A_268 = arith.constant 0 : i32
    %dma_start3A_269 = arith.constant 0 : i32
    %dma_start3A_270 = arith.constant 0 : i32
    %dma_start3A_271 = tpu.memref_slice %arg11[%dma_start3A_269, %dma_start3A_270] : memref<4x64xf32, #tpu.memory_space<vmem>> -> memref<1x64xf32, #tpu.memory_space<vmem>>
    %dma_start3A_272 = tpu.memref_squeeze %dma_start3A_271 : memref<1x64xf32, #tpu.memory_space<vmem>> -> memref<64xf32, #tpu.memory_space<vmem>>
    %dma_start3A_273 = arith.constant 0 : i32
    %dma_start3A_274 = tpu.memref_slice %arg9[%dma_start3A_268, %dma_start3A_273] : memref<4x64xi32, #tpu.memory_space<vmem>> -> memref<1x64xi32, #tpu.memory_space<vmem>>
    %dma_start3A_275 = tpu.memref_squeeze %dma_start3A_274 : memref<1x64xi32, #tpu.memory_space<vmem>> -> memref<64xi32, #tpu.memory_space<vmem>>
    %dma_start3A_276 = arith.constant 0 : i32
    %dma_start3A_277 = tpu.memref_slice %arg3[%dma_start3A_276] : memref<10240xf32, #tpu.memory_space<hbm>> -> memref<10240xf32, #tpu.memory_space<hbm>>
    tpu.enqueue_indirect_dma source(%dma_start3A_277 : memref<10240xf32, #tpu.memory_space<hbm>>) target(%dma_start3A_272 : memref<64xf32, #tpu.memory_space<vmem>>) offsets(%dma_start3A_275 : memref<64xi32, #tpu.memory_space<vmem>>) semaphore(%arg18 : memref<!tpu.dma_semaphore, #tpu.memory_space<semaphore_mem>>)
    %dma_start3A_278 = arith.constant 0 : i32
    %dma_start3A_279 = arith.constant 0 : i32
    %dma_start3A_280 = arith.constant 0 : i32
    %dma_start3A_281 = tpu.memref_slice %arg12[%dma_start3A_279, %dma_start3A_280] : memref<4x64xf32, #tpu.memory_space<vmem>> -> memref<1x64xf32, #tpu.memory_space<vmem>>
    %dma_start3A_282 = tpu.memref_squeeze %dma_start3A_281 : memref<1x64xf32, #tpu.memory_space<vmem>> -> memref<64xf32, #tpu.memory_space<vmem>>
    %dma_start3A_283 = arith.constant 0 : i32
    %dma_start3A_284 = tpu.memref_slice %arg10[%dma_start3A_278, %dma_start3A_283] : memref<4x64xi32, #tpu.memory_space<vmem>> -> memref<1x64xi32, #tpu.memory_space<vmem>>
    %dma_start3A_285 = tpu.memref_squeeze %dma_start3A_284 : memref<1x64xi32, #tpu.memory_space<vmem>> -> memref<64xi32, #tpu.memory_space<vmem>>
    %dma_start3A_286 = arith.constant 0 : i32
    %dma_start3A_287 = tpu.memref_slice %arg4[%dma_start3A_286] : memref<10240xf32, #tpu.memory_space<hbm>> -> memref<10240xf32, #tpu.memory_space<hbm>>
    tpu.enqueue_indirect_dma source(%dma_start3A_287 : memref<10240xf32, #tpu.memory_space<hbm>>) target(%dma_start3A_282 : memref<64xf32, #tpu.memory_space<vmem>>) offsets(%dma_start3A_285 : memref<64xi32, #tpu.memory_space<vmem>>) semaphore(%arg18 : memref<!tpu.dma_semaphore, #tpu.memory_space<semaphore_mem>>)
    %dma_wait3A_288 = arith.constant 1 : i32
    %dma_wait3A_289 = arith.constant 1 : i32
    %dma_wait3A_290 = arith.constant 0 : i32
    %dma_wait3A_291 = tpu.memref_slice %arg8[%dma_wait3A_289, %dma_wait3A_290] : memref<8x64xi32, #tpu.memory_space<vmem>> -> memref<1x64xi32, #tpu.memory_space<vmem>>
    %dma_wait3A_292 = tpu.memref_squeeze %dma_wait3A_291 : memref<1x64xi32, #tpu.memory_space<vmem>> -> memref<64xi32, #tpu.memory_space<vmem>>
    %dma_wait3A_293 = arith.constant 0 : i32
    %dma_wait3A_294 = tpu.memref_slice %arg5[%add3A, %dma_wait3A_288, %dma_wait3A_293] : memref<32x162x64xi32, #tpu.memory_space<hbm>> -> memref<1x1x64xi32, #tpu.memory_space<hbm>>
    %dma_wait3A_295 = tpu.memref_squeeze %dma_wait3A_294 : memref<1x1x64xi32, #tpu.memory_space<hbm>> -> memref<64xi32, #tpu.memory_space<hbm>>
    %dma_wait3A_296 = arith.constant 0 : i32
    %dma_wait3A_297 = tpu.memref_slice %arg8[%dma_wait3A_289, %dma_wait3A_296] : memref<8x64xi32, #tpu.memory_space<vmem>> -> memref<1x64xi32, #tpu.memory_space<vmem>>
    %dma_wait3A_298 = tpu.memref_squeeze %dma_wait3A_297 : memref<1x64xi32, #tpu.memory_space<vmem>> -> memref<64xi32, #tpu.memory_space<vmem>>
    %dma_wait3A_299 = arith.constant 0 : i32
    %dma_wait3A_300 = tpu.memref_slice %arg5[%add3A, %dma_wait3A_288, %dma_wait3A_299] : memref<32x162x64xi32, #tpu.memory_space<hbm>> -> memref<1x1x64xi32, #tpu.memory_space<hbm>>
    %dma_wait3A_301 = tpu.memref_squeeze %dma_wait3A_300 : memref<1x1x64xi32, #tpu.memory_space<hbm>> -> memref<64xi32, #tpu.memory_space<hbm>>
    tpu.wait_dma2 semaphore(%arg20 : memref<!tpu.dma_semaphore, #tpu.memory_space<semaphore_mem>>) src(%dma_wait3A_301 : memref<64xi32, #tpu.memory_space<hbm>>) dst(%dma_wait3A_298 : memref<64xi32, #tpu.memory_space<vmem>>)
    %get3A_302 = arith.constant 1 : i32
    %get3A_303 = arith.index_cast %get3A_302 : i32 to index
    %get3A_304 = arith.constant 0 : index
    %get3A_305 = tpu.vector_load %arg8[%get3A_303, %get3A_304] {strides = array<i32>} : memref<8x64xi32, #tpu.memory_space<vmem>>, vector<16xi32>,
    %and3A_306 = arith.constant 65535 : i32
    %and3A_307 = vector.broadcast %and3A_306 : i32 to vector<16xi32>
    %and3A_308 = arith.andi %get3A_305, %and3A_307 : vector<16xi32>
    %swap3A_309 = arith.constant 1 : i32
    %swap3A_310 = arith.index_cast %swap3A_309 : i32 to index
    %swap3A_311 = arith.constant 0 : index
    %swap3A_312 = tpu.vector_load %arg9[%swap3A_310, %swap3A_311] {strides = array<i32>} : memref<4x64xi32, #tpu.memory_space<vmem>>, vector<16xi32>,
    tpu.vector_store %arg9[%swap3A_310, %swap3A_311], %and3A_308 {strides = array<i32>} : memref<4x64xi32, #tpu.memory_space<vmem>>, vector<16xi32>,
    %shift_right_logical3A_313 = arith.constant 16 : i32
    %shift_right_logical3A_314 = vector.broadcast %shift_right_logical3A_313 : i32 to vector<16xi32>
    %shift_right_logical3A_315 = arith.shrui %get3A_305, %shift_right_logical3A_314 : vector<16xi32>
    %swap3A_316 = arith.constant 1 : i32
    %swap3A_317 = arith.index_cast %swap3A_316 : i32 to index
    %swap3A_318 = arith.constant 0 : index
    %swap3A_319 = tpu.vector_load %arg10[%swap3A_317, %swap3A_318] {strides = array<i32>} : memref<4x64xi32, #tpu.memory_space<vmem>>, vector<16xi32>,
    tpu.vector_store %arg10[%swap3A_317, %swap3A_318], %shift_right_logical3A_315 {strides = array<i32>} : memref<4x64xi32, #tpu.memory_space<vmem>>, vector<16xi32>,
    %get3A_320 = arith.constant 1 : i32
    %get3A_321 = arith.index_cast %get3A_320 : i32 to index
    %get3A_322 = arith.constant 16 : index
    %get3A_323 = tpu.vector_load %arg8[%get3A_321, %get3A_322] {strides = array<i32>} : memref<8x64xi32, #tpu.memory_space<vmem>>, vector<16xi32>,
    %and3A_324 = arith.constant 65535 : i32
    %and3A_325 = vector.broadcast %and3A_324 : i32 to vector<16xi32>
    %and3A_326 = arith.andi %get3A_323, %and3A_325 : vector<16xi32>
    %swap3A_327 = arith.constant 1 : i32
    %swap3A_328 = arith.index_cast %swap3A_327 : i32 to index
    %swap3A_329 = arith.constant 16 : index
    %swap3A_330 = tpu.vector_load %arg9[%swap3A_328, %swap3A_329] {strides = array<i32>} : memref<4x64xi32, #tpu.memory_space<vmem>>, vector<16xi32>,
    tpu.vector_store %arg9[%swap3A_328, %swap3A_329], %and3A_326 {strides = array<i32>} : memref<4x64xi32, #tpu.memory_space<vmem>>, vector<16xi32>,
    %shift_right_logical3A_331 = arith.constant 16 : i32
    %shift_right_logical3A_332 = vector.broadcast %shift_right_logical3A_331 : i32 to vector<16xi32>
    %shift_right_logical3A_333 = arith.shrui %get3A_323, %shift_right_logical3A_332 : vector<16xi32>
    %swap3A_334 = arith.constant 1 : i32
    %swap3A_335 = arith.index_cast %swap3A_334 : i32 to index
    %swap3A_336 = arith.constant 16 : index
    %swap3A_337 = tpu.vector_load %arg10[%swap3A_335, %swap3A_336] {strides = array<i32>} : memref<4x64xi32, #tpu.memory_space<vmem>>, vector<16xi32>,
    tpu.vector_store %arg10[%swap3A_335, %swap3A_336], %shift_right_logical3A_333 {strides = array<i32>} : memref<4x64xi32, #tpu.memory_space<vmem>>, vector<16xi32>,
    %get3A_338 = arith.constant 1 : i32
    %get3A_339 = arith.index_cast %get3A_338 : i32 to index
    %get3A_340 = arith.constant 32 : index
    %get3A_341 = tpu.vector_load %arg8[%get3A_339, %get3A_340] {strides = array<i32>} : memref<8x64xi32, #tpu.memory_space<vmem>>, vector<16xi32>,
    %and3A_342 = arith.constant 65535 : i32
    %and3A_343 = vector.broadcast %and3A_342 : i32 to vector<16xi32>
    %and3A_344 = arith.andi %get3A_341, %and3A_343 : vector<16xi32>
    %swap3A_345 = arith.constant 1 : i32
    %swap3A_346 = arith.index_cast %swap3A_345 : i32 to index
    %swap3A_347 = arith.constant 32 : index
    %swap3A_348 = tpu.vector_load %arg9[%swap3A_346, %swap3A_347] {strides = array<i32>} : memref<4x64xi32, #tpu.memory_space<vmem>>, vector<16xi32>,
    tpu.vector_store %arg9[%swap3A_346, %swap3A_347], %and3A_344 {strides = array<i32>} : memref<4x64xi32, #tpu.memory_space<vmem>>, vector<16xi32>,
    %shift_right_logical3A_349 = arith.constant 16 : i32
    %shift_right_logical3A_350 = vector.broadcast %shift_right_logical3A_349 : i32 to vector<16xi32>
    %shift_right_logical3A_351 = arith.shrui %get3A_341, %shift_right_logical3A_350 : vector<16xi32>
    %swap3A_352 = arith.constant 1 : i32
    %swap3A_353 = arith.index_cast %swap3A_352 : i32 to index
    %swap3A_354 = arith.constant 32 : index
    %swap3A_355 = tpu.vector_load %arg10[%swap3A_353, %swap3A_354] {strides = array<i32>} : memref<4x64xi32, #tpu.memory_space<vmem>>, vector<16xi32>,
    tpu.vector_store %arg10[%swap3A_353, %swap3A_354], %shift_right_logical3A_351 {strides = array<i32>} : memref<4x64xi32, #tpu.memory_space<vmem>>, vector<16xi32>,
    %get3A_356 = arith.constant 1 : i32
    %get3A_357 = arith.index_cast %get3A_356 : i32 to index
    %get3A_358 = arith.constant 48 : index
    %get3A_359 = tpu.vector_load %arg8[%get3A_357, %get3A_358] {strides = array<i32>} : memref<8x64xi32, #tpu.memory_space<vmem>>, vector<16xi32>,
    %and3A_360 = arith.constant 65535 : i32
    %and3A_361 = vector.broadcast %and3A_360 : i32 to vector<16xi32>
    %and3A_362 = arith.andi %get3A_359, %and3A_361 : vector<16xi32>
    %swap3A_363 = arith.constant 1 : i32
    %swap3A_364 = arith.index_cast %swap3A_363 : i32 to index
    %swap3A_365 = arith.constant 48 : index
    %swap3A_366 = tpu.vector_load %arg9[%swap3A_364, %swap3A_365] {strides = array<i32>} : memref<4x64xi32, #tpu.memory_space<vmem>>, vector<16xi32>,
    tpu.vector_store %arg9[%swap3A_364, %swap3A_365], %and3A_362 {strides = array<i32>} : memref<4x64xi32, #tpu.memory_space<vmem>>, vector<16xi32>,
    %shift_right_logical3A_367 = arith.constant 16 : i32
    %shift_right_logical3A_368 = vector.broadcast %shift_right_logical3A_367 : i32 to vector<16xi32>
    %shift_right_logical3A_369 = arith.shrui %get3A_359, %shift_right_logical3A_368 : vector<16xi32>
    %swap3A_370 = arith.constant 1 : i32
    %swap3A_371 = arith.index_cast %swap3A_370 : i32 to index
    %swap3A_372 = arith.constant 48 : index
    %swap3A_373 = tpu.vector_load %arg10[%swap3A_371, %swap3A_372] {strides = array<i32>} : memref<4x64xi32, #tpu.memory_space<vmem>>, vector<16xi32>,
    tpu.vector_store %arg10[%swap3A_371, %swap3A_372], %shift_right_logical3A_369 {strides = array<i32>} : memref<4x64xi32, #tpu.memory_space<vmem>>, vector<16xi32>,
    %dma_start3A_374 = arith.constant 1 : i32
    %dma_start3A_375 = arith.constant 1 : i32
    %dma_start3A_376 = arith.constant 0 : i32
    %dma_start3A_377 = arith.constant 0 : i32
    %dma_start3A_378 = tpu.memref_slice %arg14[%dma_start3A_375, %dma_start3A_376, %dma_start3A_377] : memref<4x64x128xf32, #tpu.memory_space<vmem>> -> memref<1x64x128xf32, #tpu.memory_space<vmem>>
    %dma_start3A_379 = tpu.memref_squeeze %dma_start3A_378 : memref<1x64x128xf32, #tpu.memory_space<vmem>> -> memref<64x128xf32, #tpu.memory_space<vmem>>
    %dma_start3A_380 = arith.constant 0 : i32
    %dma_start3A_381 = tpu.memref_slice %arg9[%dma_start3A_374, %dma_start3A_380] : memref<4x64xi32, #tpu.memory_space<vmem>> -> memref<1x64xi32, #tpu.memory_space<vmem>>
    %dma_start3A_382 = tpu.memref_squeeze %dma_start3A_381 : memref<1x64xi32, #tpu.memory_space<vmem>> -> memref<64xi32, #tpu.memory_space<vmem>>
    %dma_start3A_383 = arith.constant 0 : i32
    %dma_start3A_384 = arith.constant 0 : i32
    %dma_start3A_385 = tpu.memref_slice %arg2[%dma_start3A_383, %dma_start3A_384] : memref<10240x128xf32, #tpu.memory_space<hbm>> -> memref<10240x128xf32, #tpu.memory_space<hbm>>
    tpu.enqueue_indirect_dma source(%dma_start3A_385 : memref<10240x128xf32, #tpu.memory_space<hbm>>) target(%dma_start3A_379 : memref<64x128xf32, #tpu.memory_space<vmem>>) offsets(%dma_start3A_382 : memref<64xi32, #tpu.memory_space<vmem>>) semaphore(%arg18 : memref<!tpu.dma_semaphore, #tpu.memory_space<semaphore_mem>>)
    %dma_start3A_386 = arith.constant 1 : i32
    %dma_start3A_387 = arith.constant 1 : i32
    %dma_start3A_388 = arith.constant 0 : i32
    %dma_start3A_389 = tpu.memref_slice %arg11[%dma_start3A_387, %dma_start3A_388] : memref<4x64xf32, #tpu.memory_space<vmem>> -> memref<1x64xf32, #tpu.memory_space<vmem>>
    %dma_start3A_390 = tpu.memref_squeeze %dma_start3A_389 : memref<1x64xf32, #tpu.memory_space<vmem>> -> memref<64xf32, #tpu.memory_space<vmem>>
    %dma_start3A_391 = arith.constant 0 : i32
    %dma_start3A_392 = tpu.memref_slice %arg9[%dma_start3A_386, %dma_start3A_391] : memref<4x64xi32, #tpu.memory_space<vmem>> -> memref<1x64xi32, #tpu.memory_space<vmem>>
    %dma_start3A_393 = tpu.memref_squeeze %dma_start3A_392 : memref<1x64xi32, #tpu.memory_space<vmem>> -> memref<64xi32, #tpu.memory_space<vmem>>
    %dma_start3A_394 = arith.constant 0 : i32
    %dma_start3A_395 = tpu.memref_slice %arg3[%dma_start3A_394] : memref<10240xf32, #tpu.memory_space<hbm>> -> memref<10240xf32, #tpu.memory_space<hbm>>
    tpu.enqueue_indirect_dma source(%dma_start3A_395 : memref<10240xf32, #tpu.memory_space<hbm>>) target(%dma_start3A_390 : memref<64xf32, #tpu.memory_space<vmem>>) offsets(%dma_start3A_393 : memref<64xi32, #tpu.memory_space<vmem>>) semaphore(%arg18 : memref<!tpu.dma_semaphore, #tpu.memory_space<semaphore_mem>>)
    %dma_start3A_396 = arith.constant 1 : i32
    %dma_start3A_397 = arith.constant 1 : i32
    %dma_start3A_398 = arith.constant 0 : i32
    %dma_start3A_399 = tpu.memref_slice %arg12[%dma_start3A_397, %dma_start3A_398] : memref<4x64xf32, #tpu.memory_space<vmem>> -> memref<1x64xf32, #tpu.memory_space<vmem>>
    %dma_start3A_400 = tpu.memref_squeeze %dma_start3A_399 : memref<1x64xf32, #tpu.memory_space<vmem>> -> memref<64xf32, #tpu.memory_space<vmem>>
    %dma_start3A_401 = arith.constant 0 : i32
    %dma_start3A_402 = tpu.memref_slice %arg10[%dma_start3A_396, %dma_start3A_401] : memref<4x64xi32, #tpu.memory_space<vmem>> -> memref<1x64xi32, #tpu.memory_space<vmem>>
    %dma_start3A_403 = tpu.memref_squeeze %dma_start3A_402 : memref<1x64xi32, #tpu.memory_space<vmem>> -> memref<64xi32, #tpu.memory_space<vmem>>
    %dma_start3A_404 = arith.constant 0 : i32
    %dma_start3A_405 = tpu.memref_slice %arg4[%dma_start3A_404] : memref<10240xf32, #tpu.memory_space<hbm>> -> memref<10240xf32, #tpu.memory_space<hbm>>
    tpu.enqueue_indirect_dma source(%dma_start3A_405 : memref<10240xf32, #tpu.memory_space<hbm>>) target(%dma_start3A_400 : memref<64xf32, #tpu.memory_space<vmem>>) offsets(%dma_start3A_403 : memref<64xi32, #tpu.memory_space<vmem>>) semaphore(%arg18 : memref<!tpu.dma_semaphore, #tpu.memory_space<semaphore_mem>>)
    %scan3A_406 = arith.constant 0 : i32
    %scan3A_407 = arith.constant 0 : i32
    %scan3A_408 = arith.constant 162 : i32
    %scan3A_409 = arith.addi %scan3A_407, %scan3A_408 : i32
    %scan3A_410 = arith.constant 1 : i32
    scf.for %scan3A_461 = %scan3A_407 to %scan3A_409 step %scan3A_410  : i32 {
      %rem3A = arith.constant 4 : i32
      %rem3A_462 = arith.remsi %scan3A_461, %rem3A : i32
      %add3A_463 = arith.constant 2 : i32
      %add3A_464 = arith.addi %scan3A_461, %add3A_463 : i32
      %rem3A_465 = arith.constant 4 : i32
      %rem3A_466 = arith.remsi %add3A_464, %rem3A_465 : i32
      %ge3A = arith.constant 2 : i32
      %ge3A_467 = arith.cmpi sge, %scan3A_461, %ge3A : i32
      %convert_element_type3A = arith.extui %ge3A_467 : i1 to i32
      %cond3A = arith.constant 0 : i32
      %cond3A_468 = arith.cmpi ne, %convert_element_type3A, %cond3A : i32
      scf.if %cond3A_468 {
        %dma_wait3A_602 = arith.constant 0 : i32
        %dma_wait3A_603 = arith.constant 0 : i32
        %dma_wait3A_604 = tpu.memref_slice %arg14[%rem3A_466, %dma_wait3A_602, %dma_wait3A_603] : memref<4x64x128xf32, #tpu.memory_space<vmem>> -> memref<1x64x128xf32, #tpu.memory_space<vmem>>
        %dma_wait3A_605 = tpu.memref_squeeze %dma_wait3A_604 : memref<1x64x128xf32, #tpu.memory_space<vmem>> -> memref<64x128xf32, #tpu.memory_space<vmem>>
        %dma_wait3A_606 = arith.constant 0 : i32
        %dma_wait3A_607 = tpu.memref_slice %arg10[%rem3A_466, %dma_wait3A_606] : memref<4x64xi32, #tpu.memory_space<vmem>> -> memref<1x64xi32, #tpu.memory_space<vmem>>
        %dma_wait3A_608 = tpu.memref_squeeze %dma_wait3A_607 : memref<1x64xi32, #tpu.memory_space<vmem>> -> memref<64xi32, #tpu.memory_space<vmem>>
        %dma_wait3A_609 = arith.constant 0 : i32
        %dma_wait3A_610 = arith.constant 0 : i32
        %dma_wait3A_611 = tpu.memref_slice %arg16[%dma_wait3A_609, %dma_wait3A_610] : memref<10240x128xf32, #tpu.memory_space<vmem_shared>> -> memref<10240x128xf32, #tpu.memory_space<vmem_shared>>
        tpu.wait_indirect_dma semaphore(%arg19 : memref<!tpu.dma_semaphore, #tpu.memory_space<semaphore_mem>>) src(%dma_wait3A_605 : memref<64x128xf32, #tpu.memory_space<vmem>>) dst(%dma_wait3A_611 : memref<10240x128xf32, #tpu.memory_space<vmem_shared>>)
        %dma_wait3A_612 = arith.constant 0 : i32
        %dma_wait3A_613 = tpu.memref_slice %arg13[%dma_wait3A_612] : memref<256xf32, #tpu.memory_space<vmem>> -> memref<64xf32, #tpu.memory_space<vmem>>
        %dma_wait3A_614 = arith.constant 0 : i32
        %dma_wait3A_615 = tpu.memref_slice %arg10[%rem3A_466, %dma_wait3A_614] : memref<4x64xi32, #tpu.memory_space<vmem>> -> memref<1x64xi32, #tpu.memory_space<vmem>>
        %dma_wait3A_616 = tpu.memref_squeeze %dma_wait3A_615 : memref<1x64xi32, #tpu.memory_space<vmem>> -> memref<64xi32, #tpu.memory_space<vmem>>
        %dma_wait3A_617 = arith.constant 0 : i32
        %dma_wait3A_618 = tpu.memref_slice %arg17[%dma_wait3A_617] : memref<10240xf32, #tpu.memory_space<vmem_shared>> -> memref<10240xf32, #tpu.memory_space<vmem_shared>>
        tpu.wait_indirect_dma semaphore(%arg19 : memref<!tpu.dma_semaphore, #tpu.memory_space<semaphore_mem>>) src(%dma_wait3A_613 : memref<64xf32, #tpu.memory_space<vmem>>) dst(%dma_wait3A_618 : memref<10240xf32, #tpu.memory_space<vmem_shared>>)
      } else {
      }
      %add3A_469 = arith.constant 2 : i32
      %add3A_470 = arith.addi %scan3A_461, %add3A_469 : i32
      %lt3A = arith.constant 162 : i32
      %lt3A_471 = arith.cmpi slt, %add3A_470, %lt3A : i32
      %convert_element_type3A_472 = arith.extui %lt3A_471 : i1 to i32
      %cond3A_473 = arith.constant 0 : i32
      %cond3A_474 = arith.cmpi ne, %convert_element_type3A_472, %cond3A_473 : i32
      scf.if %cond3A_474 {
        %add3A_602 = arith.constant 2 : i32
        %add3A_603 = arith.addi %scan3A_461, %add3A_602 : i32
        %rem3A_604 = arith.constant 8 : i32
        %rem3A_605 = arith.remsi %add3A_603, %rem3A_604 : i32
        %dma_wait3A_606 = arith.constant 0 : i32
        %dma_wait3A_607 = arith.constant 0 : i32
        %dma_wait3A_608 = tpu.memref_slice %arg8[%rem3A_605, %dma_wait3A_607] : memref<8x64xi32, #tpu.memory_space<vmem>> -> memref<1x64xi32, #tpu.memory_space<vmem>>
        %dma_wait3A_609 = tpu.memref_squeeze %dma_wait3A_608 : memref<1x64xi32, #tpu.memory_space<vmem>> -> memref<64xi32, #tpu.memory_space<vmem>>
        %dma_wait3A_610 = arith.constant 0 : i32
        %dma_wait3A_611 = tpu.memref_slice %arg5[%add3A, %dma_wait3A_606, %dma_wait3A_610] : memref<32x162x64xi32, #tpu.memory_space<hbm>> -> memref<1x1x64xi32, #tpu.memory_space<hbm>>
        %dma_wait3A_612 = tpu.memref_squeeze %dma_wait3A_611 : memref<1x1x64xi32, #tpu.memory_space<hbm>> -> memref<64xi32, #tpu.memory_space<hbm>>
        %dma_wait3A_613 = arith.constant 0 : i32
        %dma_wait3A_614 = tpu.memref_slice %arg8[%rem3A_605, %dma_wait3A_613] : memref<8x64xi32, #tpu.memory_space<vmem>> -> memref<1x64xi32, #tpu.memory_space<vmem>>
        %dma_wait3A_615 = tpu.memref_squeeze %dma_wait3A_614 : memref<1x64xi32, #tpu.memory_space<vmem>> -> memref<64xi32, #tpu.memory_space<vmem>>
        %dma_wait3A_616 = arith.constant 0 : i32
        %dma_wait3A_617 = tpu.memref_slice %arg5[%add3A, %dma_wait3A_606, %dma_wait3A_616] : memref<32x162x64xi32, #tpu.memory_space<hbm>> -> memref<1x1x64xi32, #tpu.memory_space<hbm>>
        %dma_wait3A_618 = tpu.memref_squeeze %dma_wait3A_617 : memref<1x1x64xi32, #tpu.memory_space<hbm>> -> memref<64xi32, #tpu.memory_space<hbm>>
        tpu.wait_dma2 semaphore(%arg20 : memref<!tpu.dma_semaphore, #tpu.memory_space<semaphore_mem>>) src(%dma_wait3A_618 : memref<64xi32, #tpu.memory_space<hbm>>) dst(%dma_wait3A_615 : memref<64xi32, #tpu.memory_space<vmem>>)
        %add3A_619 = arith.constant 2 : i32
        %add3A_620 = arith.addi %scan3A_461, %add3A_619 : i32
        %rem3A_621 = arith.constant 8 : i32
        %rem3A_622 = arith.remsi %add3A_620, %rem3A_621 : i32
        %get3A_623 = arith.index_cast %rem3A_622 : i32 to index
        %get3A_624 = arith.constant 0 : index
        %get3A_625 = tpu.vector_load %arg8[%get3A_623, %get3A_624] {strides = array<i32>} : memref<8x64xi32, #tpu.memory_space<vmem>>, vector<16xi32>,
        %and3A_626 = arith.constant 65535 : i32
        %and3A_627 = vector.broadcast %and3A_626 : i32 to vector<16xi32>
        %and3A_628 = arith.andi %get3A_625, %and3A_627 : vector<16xi32>
        %swap3A_629 = arith.index_cast %rem3A_466 : i32 to index
        %swap3A_630 = arith.constant 0 : index
        %swap3A_631 = tpu.vector_load %arg9[%swap3A_629, %swap3A_630] {strides = array<i32>} : memref<4x64xi32, #tpu.memory_space<vmem>>, vector<16xi32>,
        tpu.vector_store %arg9[%swap3A_629, %swap3A_630], %and3A_628 {strides = array<i32>} : memref<4x64xi32, #tpu.memory_space<vmem>>, vector<16xi32>,
        %shift_right_logical3A_632 = arith.constant 16 : i32
        %shift_right_logical3A_633 = vector.broadcast %shift_right_logical3A_632 : i32 to vector<16xi32>
        %shift_right_logical3A_634 = arith.shrui %get3A_625, %shift_right_logical3A_633 : vector<16xi32>
        %swap3A_635 = arith.index_cast %rem3A_466 : i32 to index
        %swap3A_636 = arith.constant 0 : index
        %swap3A_637 = tpu.vector_load %arg10[%swap3A_635, %swap3A_636] {strides = array<i32>} : memref<4x64xi32, #tpu.memory_space<vmem>>, vector<16xi32>,
        tpu.vector_store %arg10[%swap3A_635, %swap3A_636], %shift_right_logical3A_634 {strides = array<i32>} : memref<4x64xi32, #tpu.memory_space<vmem>>, vector<16xi32>,
        %get3A_638 = arith.index_cast %rem3A_622 : i32 to index
        %get3A_639 = arith.constant 16 : index
        %get3A_640 = tpu.vector_load %arg8[%get3A_638, %get3A_639] {strides = array<i32>} : memref<8x64xi32, #tpu.memory_space<vmem>>, vector<16xi32>,
        %and3A_641 = arith.constant 65535 : i32
        %and3A_642 = vector.broadcast %and3A_641 : i32 to vector<16xi32>
        %and3A_643 = arith.andi %get3A_640, %and3A_642 : vector<16xi32>
        %swap3A_644 = arith.index_cast %rem3A_466 : i32 to index
        %swap3A_645 = arith.constant 16 : index
        %swap3A_646 = tpu.vector_load %arg9[%swap3A_644, %swap3A_645] {strides = array<i32>} : memref<4x64xi32, #tpu.memory_space<vmem>>, vector<16xi32>,
        tpu.vector_store %arg9[%swap3A_644, %swap3A_645], %and3A_643 {strides = array<i32>} : memref<4x64xi32, #tpu.memory_space<vmem>>, vector<16xi32>,
        %shift_right_logical3A_647 = arith.constant 16 : i32
        %shift_right_logical3A_648 = vector.broadcast %shift_right_logical3A_647 : i32 to vector<16xi32>
        %shift_right_logical3A_649 = arith.shrui %get3A_640, %shift_right_logical3A_648 : vector<16xi32>
        %swap3A_650 = arith.index_cast %rem3A_466 : i32 to index
        %swap3A_651 = arith.constant 16 : index
        %swap3A_652 = tpu.vector_load %arg10[%swap3A_650, %swap3A_651] {strides = array<i32>} : memref<4x64xi32, #tpu.memory_space<vmem>>, vector<16xi32>,
        tpu.vector_store %arg10[%swap3A_650, %swap3A_651], %shift_right_logical3A_649 {strides = array<i32>} : memref<4x64xi32, #tpu.memory_space<vmem>>, vector<16xi32>,
        %get3A_653 = arith.index_cast %rem3A_622 : i32 to index
        %get3A_654 = arith.constant 32 : index
        %get3A_655 = tpu.vector_load %arg8[%get3A_653, %get3A_654] {strides = array<i32>} : memref<8x64xi32, #tpu.memory_space<vmem>>, vector<16xi32>,
        %and3A_656 = arith.constant 65535 : i32
        %and3A_657 = vector.broadcast %and3A_656 : i32 to vector<16xi32>
        %and3A_658 = arith.andi %get3A_655, %and3A_657 : vector<16xi32>
        %swap3A_659 = arith.index_cast %rem3A_466 : i32 to index
        %swap3A_660 = arith.constant 32 : index
        %swap3A_661 = tpu.vector_load %arg9[%swap3A_659, %swap3A_660] {strides = array<i32>} : memref<4x64xi32, #tpu.memory_space<vmem>>, vector<16xi32>,
        tpu.vector_store %arg9[%swap3A_659, %swap3A_660], %and3A_658 {strides = array<i32>} : memref<4x64xi32, #tpu.memory_space<vmem>>, vector<16xi32>,
        %shift_right_logical3A_662 = arith.constant 16 : i32
        %shift_right_logical3A_663 = vector.broadcast %shift_right_logical3A_662 : i32 to vector<16xi32>
        %shift_right_logical3A_664 = arith.shrui %get3A_655, %shift_right_logical3A_663 : vector<16xi32>
        %swap3A_665 = arith.index_cast %rem3A_466 : i32 to index
        %swap3A_666 = arith.constant 32 : index
        %swap3A_667 = tpu.vector_load %arg10[%swap3A_665, %swap3A_666] {strides = array<i32>} : memref<4x64xi32, #tpu.memory_space<vmem>>, vector<16xi32>,
        tpu.vector_store %arg10[%swap3A_665, %swap3A_666], %shift_right_logical3A_664 {strides = array<i32>} : memref<4x64xi32, #tpu.memory_space<vmem>>, vector<16xi32>,
        %get3A_668 = arith.index_cast %rem3A_622 : i32 to index
        %get3A_669 = arith.constant 48 : index
        %get3A_670 = tpu.vector_load %arg8[%get3A_668, %get3A_669] {strides = array<i32>} : memref<8x64xi32, #tpu.memory_space<vmem>>, vector<16xi32>,
        %and3A_671 = arith.constant 65535 : i32
        %and3A_672 = vector.broadcast %and3A_671 : i32 to vector<16xi32>
        %and3A_673 = arith.andi %get3A_670, %and3A_672 : vector<16xi32>
        %swap3A_674 = arith.index_cast %rem3A_466 : i32 to index
        %swap3A_675 = arith.constant 48 : index
        %swap3A_676 = tpu.vector_load %arg9[%swap3A_674, %swap3A_675] {strides = array<i32>} : memref<4x64xi32, #tpu.memory_space<vmem>>, vector<16xi32>,
        tpu.vector_store %arg9[%swap3A_674, %swap3A_675], %and3A_673 {strides = array<i32>} : memref<4x64xi32, #tpu.memory_space<vmem>>, vector<16xi32>,
        %shift_right_logical3A_677 = arith.constant 16 : i32
        %shift_right_logical3A_678 = vector.broadcast %shift_right_logical3A_677 : i32 to vector<16xi32>
        %shift_right_logical3A_679 = arith.shrui %get3A_670, %shift_right_logical3A_678 : vector<16xi32>
        %swap3A_680 = arith.index_cast %rem3A_466 : i32 to index
        %swap3A_681 = arith.constant 48 : index
        %swap3A_682 = tpu.vector_load %arg10[%swap3A_680, %swap3A_681] {strides = array<i32>} : memref<4x64xi32, #tpu.memory_space<vmem>>, vector<16xi32>,
        tpu.vector_store %arg10[%swap3A_680, %swap3A_681], %shift_right_logical3A_679 {strides = array<i32>} : memref<4x64xi32, #tpu.memory_space<vmem>>, vector<16xi32>,
        %dma_start3A_683 = arith.constant 0 : i32
        %dma_start3A_684 = arith.constant 0 : i32
        %dma_start3A_685 = tpu.memref_slice %arg14[%rem3A_466, %dma_start3A_683, %dma_start3A_684] : memref<4x64x128xf32, #tpu.memory_space<vmem>> -> memref<1x64x128xf32, #tpu.memory_space<vmem>>
        %dma_start3A_686 = tpu.memref_squeeze %dma_start3A_685 : memref<1x64x128xf32, #tpu.memory_space<vmem>> -> memref<64x128xf32, #tpu.memory_space<vmem>>
        %dma_start3A_687 = arith.constant 0 : i32
        %dma_start3A_688 = tpu.memref_slice %arg9[%rem3A_466, %dma_start3A_687] : memref<4x64xi32, #tpu.memory_space<vmem>> -> memref<1x64xi32, #tpu.memory_space<vmem>>
        %dma_start3A_689 = tpu.memref_squeeze %dma_start3A_688 : memref<1x64xi32, #tpu.memory_space<vmem>> -> memref<64xi32, #tpu.memory_space<vmem>>
        %dma_start3A_690 = arith.constant 0 : i32
        %dma_start3A_691 = arith.constant 0 : i32
        %dma_start3A_692 = tpu.memref_slice %arg2[%dma_start3A_690, %dma_start3A_691] : memref<10240x128xf32, #tpu.memory_space<hbm>> -> memref<10240x128xf32, #tpu.memory_space<hbm>>
        tpu.enqueue_indirect_dma source(%dma_start3A_692 : memref<10240x128xf32, #tpu.memory_space<hbm>>) target(%dma_start3A_686 : memref<64x128xf32, #tpu.memory_space<vmem>>) offsets(%dma_start3A_689 : memref<64xi32, #tpu.memory_space<vmem>>) semaphore(%arg18 : memref<!tpu.dma_semaphore, #tpu.memory_space<semaphore_mem>>)
        %dma_start3A_693 = arith.constant 0 : i32
        %dma_start3A_694 = tpu.memref_slice %arg11[%rem3A_466, %dma_start3A_693] : memref<4x64xf32, #tpu.memory_space<vmem>> -> memref<1x64xf32, #tpu.memory_space<vmem>>
        %dma_start3A_695 = tpu.memref_squeeze %dma_start3A_694 : memref<1x64xf32, #tpu.memory_space<vmem>> -> memref<64xf32, #tpu.memory_space<vmem>>
        %dma_start3A_696 = arith.constant 0 : i32
        %dma_start3A_697 = tpu.memref_slice %arg9[%rem3A_466, %dma_start3A_696] : memref<4x64xi32, #tpu.memory_space<vmem>> -> memref<1x64xi32, #tpu.memory_space<vmem>>
        %dma_start3A_698 = tpu.memref_squeeze %dma_start3A_697 : memref<1x64xi32, #tpu.memory_space<vmem>> -> memref<64xi32, #tpu.memory_space<vmem>>
        %dma_start3A_699 = arith.constant 0 : i32
        %dma_start3A_700 = tpu.memref_slice %arg3[%dma_start3A_699] : memref<10240xf32, #tpu.memory_space<hbm>> -> memref<10240xf32, #tpu.memory_space<hbm>>
        tpu.enqueue_indirect_dma source(%dma_start3A_700 : memref<10240xf32, #tpu.memory_space<hbm>>) target(%dma_start3A_695 : memref<64xf32, #tpu.memory_space<vmem>>) offsets(%dma_start3A_698 : memref<64xi32, #tpu.memory_space<vmem>>) semaphore(%arg18 : memref<!tpu.dma_semaphore, #tpu.memory_space<semaphore_mem>>)
        %dma_start3A_701 = arith.constant 0 : i32
        %dma_start3A_702 = tpu.memref_slice %arg12[%rem3A_466, %dma_start3A_701] : memref<4x64xf32, #tpu.memory_space<vmem>> -> memref<1x64xf32, #tpu.memory_space<vmem>>
        %dma_start3A_703 = tpu.memref_squeeze %dma_start3A_702 : memref<1x64xf32, #tpu.memory_space<vmem>> -> memref<64xf32, #tpu.memory_space<vmem>>
        %dma_start3A_704 = arith.constant 0 : i32
        %dma_start3A_705 = tpu.memref_slice %arg10[%rem3A_466, %dma_start3A_704] : memref<4x64xi32, #tpu.memory_space<vmem>> -> memref<1x64xi32, #tpu.memory_space<vmem>>
        %dma_start3A_706 = tpu.memref_squeeze %dma_start3A_705 : memref<1x64xi32, #tpu.memory_space<vmem>> -> memref<64xi32, #tpu.memory_space<vmem>>
        %dma_start3A_707 = arith.constant 0 : i32
        %dma_start3A_708 = tpu.memref_slice %arg4[%dma_start3A_707] : memref<10240xf32, #tpu.memory_space<hbm>> -> memref<10240xf32, #tpu.memory_space<hbm>>
        tpu.enqueue_indirect_dma source(%dma_start3A_708 : memref<10240xf32, #tpu.memory_space<hbm>>) target(%dma_start3A_703 : memref<64xf32, #tpu.memory_space<vmem>>) offsets(%dma_start3A_706 : memref<64xi32, #tpu.memory_space<vmem>>) semaphore(%arg18 : memref<!tpu.dma_semaphore, #tpu.memory_space<semaphore_mem>>)
      } else {
      }
      %add3A_475 = arith.constant 8 : i32
      %add3A_476 = arith.addi %scan3A_461, %add3A_475 : i32
      %lt3A_477 = arith.constant 162 : i32
      %lt3A_478 = arith.cmpi slt, %add3A_476, %lt3A_477 : i32
      %convert_element_type3A_479 = arith.extui %lt3A_478 : i1 to i32
      %cond3A_480 = arith.constant 0 : i32
      %cond3A_481 = arith.cmpi ne, %convert_element_type3A_479, %cond3A_480 : i32
      scf.if %cond3A_481 {
        %add3A_602 = arith.constant 8 : i32
        %add3A_603 = arith.addi %scan3A_461, %add3A_602 : i32
        %add3A_604 = arith.constant 8 : i32
        %add3A_605 = arith.addi %scan3A_461, %add3A_604 : i32
        %rem3A_606 = arith.constant 8 : i32
        %rem3A_607 = arith.remsi %add3A_605, %rem3A_606 : i32
        %dma_start3A_608 = arith.constant 0 : i32
        %dma_start3A_609 = tpu.memref_slice %arg8[%rem3A_607, %dma_start3A_608] : memref<8x64xi32, #tpu.memory_space<vmem>> -> memref<1x64xi32, #tpu.memory_space<vmem>>
        %dma_start3A_610 = tpu.memref_squeeze %dma_start3A_609 : memref<1x64xi32, #tpu.memory_space<vmem>> -> memref<64xi32, #tpu.memory_space<vmem>>
        %dma_start3A_611 = arith.constant 0 : i32
        %dma_start3A_612 = tpu.memref_slice %arg5[%add3A, %add3A_603, %dma_start3A_611] : memref<32x162x64xi32, #tpu.memory_space<hbm>> -> memref<1x1x64xi32, #tpu.memory_space<hbm>>
        %dma_start3A_613 = tpu.memref_squeeze %dma_start3A_612 : memref<1x1x64xi32, #tpu.memory_space<hbm>> -> memref<64xi32, #tpu.memory_space<hbm>>
        %dma_start3A_614 = arith.constant 0 : i32
        %dma_start3A_615 = tpu.memref_slice %arg8[%rem3A_607, %dma_start3A_614] : memref<8x64xi32, #tpu.memory_space<vmem>> -> memref<1x64xi32, #tpu.memory_space<vmem>>
        %dma_start3A_616 = tpu.memref_squeeze %dma_start3A_615 : memref<1x64xi32, #tpu.memory_space<vmem>> -> memref<64xi32, #tpu.memory_space<vmem>>
        %dma_start3A_617 = arith.constant 0 : i32
        %dma_start3A_618 = tpu.memref_slice %arg5[%add3A, %add3A_603, %dma_start3A_617] : memref<32x162x64xi32, #tpu.memory_space<hbm>> -> memref<1x1x64xi32, #tpu.memory_space<hbm>>
        %dma_start3A_619 = tpu.memref_squeeze %dma_start3A_618 : memref<1x1x64xi32, #tpu.memory_space<hbm>> -> memref<64xi32, #tpu.memory_space<hbm>>
        tpu.enqueue_dma source(%dma_start3A_619 : memref<64xi32, #tpu.memory_space<hbm>>) target(%dma_start3A_616 : memref<64xi32, #tpu.memory_space<vmem>>) target_semaphore(%arg20 : memref<!tpu.dma_semaphore, #tpu.memory_space<semaphore_mem>>)
      } else {
      }
      %dma_wait3A_482 = arith.constant 0 : i32
      %dma_wait3A_483 = arith.constant 0 : i32
      %dma_wait3A_484 = tpu.memref_slice %arg14[%rem3A_462, %dma_wait3A_482, %dma_wait3A_483] : memref<4x64x128xf32, #tpu.memory_space<vmem>> -> memref<1x64x128xf32, #tpu.memory_space<vmem>>
      %dma_wait3A_485 = tpu.memref_squeeze %dma_wait3A_484 : memref<1x64x128xf32, #tpu.memory_space<vmem>> -> memref<64x128xf32, #tpu.memory_space<vmem>>
      %dma_wait3A_486 = arith.constant 0 : i32
      %dma_wait3A_487 = tpu.memref_slice %arg9[%rem3A_462, %dma_wait3A_486] : memref<4x64xi32, #tpu.memory_space<vmem>> -> memref<1x64xi32, #tpu.memory_space<vmem>>
      %dma_wait3A_488 = tpu.memref_squeeze %dma_wait3A_487 : memref<1x64xi32, #tpu.memory_space<vmem>> -> memref<64xi32, #tpu.memory_space<vmem>>
      %dma_wait3A_489 = arith.constant 0 : i32
      %dma_wait3A_490 = arith.constant 0 : i32
      %dma_wait3A_491 = tpu.memref_slice %arg2[%dma_wait3A_489, %dma_wait3A_490] : memref<10240x128xf32, #tpu.memory_space<hbm>> -> memref<10240x128xf32, #tpu.memory_space<hbm>>
      tpu.wait_indirect_dma semaphore(%arg18 : memref<!tpu.dma_semaphore, #tpu.memory_space<semaphore_mem>>) src(%dma_wait3A_491 : memref<10240x128xf32, #tpu.memory_space<hbm>>) dst(%dma_wait3A_485 : memref<64x128xf32, #tpu.memory_space<vmem>>)
      %dma_wait3A_492 = arith.constant 0 : i32
      %dma_wait3A_493 = tpu.memref_slice %arg11[%rem3A_462, %dma_wait3A_492] : memref<4x64xf32, #tpu.memory_space<vmem>> -> memref<1x64xf32, #tpu.memory_space<vmem>>
      %dma_wait3A_494 = tpu.memref_squeeze %dma_wait3A_493 : memref<1x64xf32, #tpu.memory_space<vmem>> -> memref<64xf32, #tpu.memory_space<vmem>>
      %dma_wait3A_495 = arith.constant 0 : i32
      %dma_wait3A_496 = tpu.memref_slice %arg9[%rem3A_462, %dma_wait3A_495] : memref<4x64xi32, #tpu.memory_space<vmem>> -> memref<1x64xi32, #tpu.memory_space<vmem>>
      %dma_wait3A_497 = tpu.memref_squeeze %dma_wait3A_496 : memref<1x64xi32, #tpu.memory_space<vmem>> -> memref<64xi32, #tpu.memory_space<vmem>>
      %dma_wait3A_498 = arith.constant 0 : i32
      %dma_wait3A_499 = tpu.memref_slice %arg3[%dma_wait3A_498] : memref<10240xf32, #tpu.memory_space<hbm>> -> memref<10240xf32, #tpu.memory_space<hbm>>
      tpu.wait_indirect_dma semaphore(%arg18 : memref<!tpu.dma_semaphore, #tpu.memory_space<semaphore_mem>>) src(%dma_wait3A_499 : memref<10240xf32, #tpu.memory_space<hbm>>) dst(%dma_wait3A_494 : memref<64xf32, #tpu.memory_space<vmem>>)
      %dma_wait3A_500 = arith.constant 0 : i32
      %dma_wait3A_501 = tpu.memref_slice %arg12[%rem3A_462, %dma_wait3A_500] : memref<4x64xf32, #tpu.memory_space<vmem>> -> memref<1x64xf32, #tpu.memory_space<vmem>>
      %dma_wait3A_502 = tpu.memref_squeeze %dma_wait3A_501 : memref<1x64xf32, #tpu.memory_space<vmem>> -> memref<64xf32, #tpu.memory_space<vmem>>
      %dma_wait3A_503 = arith.constant 0 : i32
      %dma_wait3A_504 = tpu.memref_slice %arg10[%rem3A_462, %dma_wait3A_503] : memref<4x64xi32, #tpu.memory_space<vmem>> -> memref<1x64xi32, #tpu.memory_space<vmem>>
      %dma_wait3A_505 = tpu.memref_squeeze %dma_wait3A_504 : memref<1x64xi32, #tpu.memory_space<vmem>> -> memref<64xi32, #tpu.memory_space<vmem>>
      %dma_wait3A_506 = arith.constant 0 : i32
      %dma_wait3A_507 = tpu.memref_slice %arg4[%dma_wait3A_506] : memref<10240xf32, #tpu.memory_space<hbm>> -> memref<10240xf32, #tpu.memory_space<hbm>>
      tpu.wait_indirect_dma semaphore(%arg18 : memref<!tpu.dma_semaphore, #tpu.memory_space<semaphore_mem>>) src(%dma_wait3A_507 : memref<10240xf32, #tpu.memory_space<hbm>>) dst(%dma_wait3A_502 : memref<64xf32, #tpu.memory_space<vmem>>)
      %get3A_508 = arith.index_cast %rem3A_462 : i32 to index
      %get3A_509 = arith.constant 0 : index
      %get3A_510 = tpu.vector_load %arg11[%get3A_508, %get3A_509] {strides = array<i32>} : memref<4x64xf32, #tpu.memory_space<vmem>>, vector<16xf32>,
      %get3A_511 = arith.index_cast %rem3A_462 : i32 to index
      %get3A_512 = arith.constant 0 : index
      %get3A_513 = tpu.vector_load %arg12[%get3A_511, %get3A_512] {strides = array<i32>} : memref<4x64xf32, #tpu.memory_space<vmem>>, vector<16xf32>,
      %add3A_514 = arith.addf %get3A_510, %get3A_513 : vector<16xf32>
      %mul3A_515 = arith.constant 2.000000e-01 : f32
      %mul3A_516 = vector.broadcast %mul3A_515 : f32 to vector<16xf32>
      %mul3A_517 = arith.mulf %mul3A_516, %add3A_514 : vector<16xf32>
      %max3A = arith.maximumf %add3A_514, %mul3A_517 : vector<16xf32>
      %exp3A = math.exp %max3A : vector<16xf32>
      %mul3A_518 = arith.constant 64 : i32
      %mul3A_519 = arith.muli %rem3A_462, %mul3A_518 : i32
      %add3A_520 = arith.constant 0 : i32
      %add3A_521 = arith.addi %mul3A_519, %add3A_520 : i32
      %swap3A_522 = arith.index_cast %add3A_521 : i32 to index
      %swap3A_523 = tpu.vector_load %arg13[%swap3A_522] {strides = array<i32>} : memref<256xf32, #tpu.memory_space<vmem>>, vector<16xf32>,
      tpu.vector_store %arg13[%swap3A_522], %exp3A {strides = array<i32>} : memref<256xf32, #tpu.memory_space<vmem>>, vector<16xf32>,
      %get3A_524 = arith.index_cast %rem3A_462 : i32 to index
      %get3A_525 = arith.constant 16 : index
      %get3A_526 = tpu.vector_load %arg11[%get3A_524, %get3A_525] {strides = array<i32>} : memref<4x64xf32, #tpu.memory_space<vmem>>, vector<16xf32>,
      %get3A_527 = arith.index_cast %rem3A_462 : i32 to index
      %get3A_528 = arith.constant 16 : index
      %get3A_529 = tpu.vector_load %arg12[%get3A_527, %get3A_528] {strides = array<i32>} : memref<4x64xf32, #tpu.memory_space<vmem>>, vector<16xf32>,
      %add3A_530 = arith.addf %get3A_526, %get3A_529 : vector<16xf32>
      %mul3A_531 = arith.constant 2.000000e-01 : f32
      %mul3A_532 = vector.broadcast %mul3A_531 : f32 to vector<16xf32>
      %mul3A_533 = arith.mulf %mul3A_532, %add3A_530 : vector<16xf32>
      %max3A_534 = arith.maximumf %add3A_530, %mul3A_533 : vector<16xf32>
      %exp3A_535 = math.exp %max3A_534 : vector<16xf32>
      %mul3A_536 = arith.constant 64 : i32
      %mul3A_537 = arith.muli %rem3A_462, %mul3A_536 : i32
      %add3A_538 = arith.constant 16 : i32
      %add3A_539 = arith.addi %mul3A_537, %add3A_538 : i32
      %swap3A_540 = arith.index_cast %add3A_539 : i32 to index
      %swap3A_541 = tpu.vector_load %arg13[%swap3A_540] {strides = array<i32>} : memref<256xf32, #tpu.memory_space<vmem>>, vector<16xf32>,
      tpu.vector_store %arg13[%swap3A_540], %exp3A_535 {strides = array<i32>} : memref<256xf32, #tpu.memory_space<vmem>>, vector<16xf32>,
      %get3A_542 = arith.index_cast %rem3A_462 : i32 to index
      %get3A_543 = arith.constant 32 : index
      %get3A_544 = tpu.vector_load %arg11[%get3A_542, %get3A_543] {strides = array<i32>} : memref<4x64xf32, #tpu.memory_space<vmem>>, vector<16xf32>,
      %get3A_545 = arith.index_cast %rem3A_462 : i32 to index
      %get3A_546 = arith.constant 32 : index
      %get3A_547 = tpu.vector_load %arg12[%get3A_545, %get3A_546] {strides = array<i32>} : memref<4x64xf32, #tpu.memory_space<vmem>>, vector<16xf32>,
      %add3A_548 = arith.addf %get3A_544, %get3A_547 : vector<16xf32>
      %mul3A_549 = arith.constant 2.000000e-01 : f32
      %mul3A_550 = vector.broadcast %mul3A_549 : f32 to vector<16xf32>
      %mul3A_551 = arith.mulf %mul3A_550, %add3A_548 : vector<16xf32>
      %max3A_552 = arith.maximumf %add3A_548, %mul3A_551 : vector<16xf32>
      %exp3A_553 = math.exp %max3A_552 : vector<16xf32>
      %mul3A_554 = arith.constant 64 : i32
      %mul3A_555 = arith.muli %rem3A_462, %mul3A_554 : i32
      %add3A_556 = arith.constant 32 : i32
      %add3A_557 = arith.addi %mul3A_555, %add3A_556 : i32
      %swap3A_558 = arith.index_cast %add3A_557 : i32 to index
      %swap3A_559 = tpu.vector_load %arg13[%swap3A_558] {strides = array<i32>} : memref<256xf32, #tpu.memory_space<vmem>>, vector<16xf32>,
      tpu.vector_store %arg13[%swap3A_558], %exp3A_553 {strides = array<i32>} : memref<256xf32, #tpu.memory_space<vmem>>, vector<16xf32>,
      %get3A_560 = arith.index_cast %rem3A_462 : i32 to index
      %get3A_561 = arith.constant 48 : index
      %get3A_562 = tpu.vector_load %arg11[%get3A_560, %get3A_561] {strides = array<i32>} : memref<4x64xf32, #tpu.memory_space<vmem>>, vector<16xf32>,
      %get3A_563 = arith.index_cast %rem3A_462 : i32 to index
      %get3A_564 = arith.constant 48 : index
      %get3A_565 = tpu.vector_load %arg12[%get3A_563, %get3A_564] {strides = array<i32>} : memref<4x64xf32, #tpu.memory_space<vmem>>, vector<16xf32>,
      %add3A_566 = arith.addf %get3A_562, %get3A_565 : vector<16xf32>
      %mul3A_567 = arith.constant 2.000000e-01 : f32
      %mul3A_568 = vector.broadcast %mul3A_567 : f32 to vector<16xf32>
      %mul3A_569 = arith.mulf %mul3A_568, %add3A_566 : vector<16xf32>
      %max3A_570 = arith.maximumf %add3A_566, %mul3A_569 : vector<16xf32>
      %exp3A_571 = math.exp %max3A_570 : vector<16xf32>
      %mul3A_572 = arith.constant 64 : i32
      %mul3A_573 = arith.muli %rem3A_462, %mul3A_572 : i32
      %add3A_574 = arith.constant 48 : i32
      %add3A_575 = arith.addi %mul3A_573, %add3A_574 : i32
      %swap3A_576 = arith.index_cast %add3A_575 : i32 to index
      %swap3A_577 = tpu.vector_load %arg13[%swap3A_576] {strides = array<i32>} : memref<256xf32, #tpu.memory_space<vmem>>, vector<16xf32>,
      tpu.vector_store %arg13[%swap3A_576], %exp3A_571 {strides = array<i32>} : memref<256xf32, #tpu.memory_space<vmem>>, vector<16xf32>,
      %scan3A_578 = arith.constant 0 : i32
      %scan3A_579 = arith.constant 0 : i32
      %scan3A_580 = arith.constant 64 : i32
      %scan3A_581 = arith.addi %scan3A_579, %scan3A_580 : i32
      %scan3A_582 = arith.constant 1 : i32
      scf.for %scan3A_602 = %scan3A_579 to %scan3A_581 step %scan3A_582  : i32 {
        %broadcast_in_dim3A_603 = arith.constant 0 : i32
        %broadcast_in_dim3A_604 = vector.broadcast %broadcast_in_dim3A_603 : i32 to vector<16xi32>
        %mul3A_605 = arith.constant 64 : i32
        %mul3A_606 = arith.muli %rem3A_462, %mul3A_605 : i32
        %add3A_607 = arith.addi %mul3A_606, %scan3A_602 : i32
        %add3A_608 = vector.broadcast %add3A_607 : i32 to vector<16xi32>
        %add3A_609 = arith.addi %broadcast_in_dim3A_604, %add3A_608 : vector<16xi32>
        %gather3A = tpu.vector_load_idx %arg13[%add3A_609] : memref<256xf32, #tpu.memory_space<vmem>>[vector<16xi32>], vector<16xf32>,
        %get3A_610 = arith.index_cast %rem3A_462 : i32 to index
        %get3A_611 = arith.index_cast %scan3A_602 : i32 to index
        %get3A_612 = arith.constant 0 : index
        %get3A_613 = tpu.vector_load %arg14[%get3A_610, %get3A_611, %get3A_612] {strides = array<i32>} : memref<4x64x128xf32, #tpu.memory_space<vmem>>, vector<16xf32>,
        %mul3A_614 = arith.mulf %get3A_613, %gather3A : vector<16xf32>
        %swap3A_615 = arith.index_cast %rem3A_462 : i32 to index
        %swap3A_616 = arith.index_cast %scan3A_602 : i32 to index
        %swap3A_617 = arith.constant 0 : index
        %swap3A_618 = tpu.vector_load %arg14[%swap3A_615, %swap3A_616, %swap3A_617] {strides = array<i32>} : memref<4x64x128xf32, #tpu.memory_space<vmem>>, vector<16xf32>,
        tpu.vector_store %arg14[%swap3A_615, %swap3A_616, %swap3A_617], %mul3A_614 {strides = array<i32>} : memref<4x64x128xf32, #tpu.memory_space<vmem>>, vector<16xf32>,
        %get3A_619 = arith.index_cast %rem3A_462 : i32 to index
        %get3A_620 = arith.index_cast %scan3A_602 : i32 to index
        %get3A_621 = arith.constant 16 : index
        %get3A_622 = tpu.vector_load %arg14[%get3A_619, %get3A_620, %get3A_621] {strides = array<i32>} : memref<4x64x128xf32, #tpu.memory_space<vmem>>, vector<16xf32>,
        %mul3A_623 = arith.mulf %get3A_622, %gather3A : vector<16xf32>
        %swap3A_624 = arith.index_cast %rem3A_462 : i32 to index
        %swap3A_625 = arith.index_cast %scan3A_602 : i32 to index
        %swap3A_626 = arith.constant 16 : index
        %swap3A_627 = tpu.vector_load %arg14[%swap3A_624, %swap3A_625, %swap3A_626] {strides = array<i32>} : memref<4x64x128xf32, #tpu.memory_space<vmem>>, vector<16xf32>,
        tpu.vector_store %arg14[%swap3A_624, %swap3A_625, %swap3A_626], %mul3A_623 {strides = array<i32>} : memref<4x64x128xf32, #tpu.memory_space<vmem>>, vector<16xf32>,
        %get3A_628 = arith.index_cast %rem3A_462 : i32 to index
        %get3A_629 = arith.index_cast %scan3A_602 : i32 to index
        %get3A_630 = arith.constant 32 : index
        %get3A_631 = tpu.vector_load %arg14[%get3A_628, %get3A_629, %get3A_630] {strides = array<i32>} : memref<4x64x128xf32, #tpu.memory_space<vmem>>, vector<16xf32>,
        %mul3A_632 = arith.mulf %get3A_631, %gather3A : vector<16xf32>
        %swap3A_633 = arith.index_cast %rem3A_462 : i32 to index
        %swap3A_634 = arith.index_cast %scan3A_602 : i32 to index
        %swap3A_635 = arith.constant 32 : index
        %swap3A_636 = tpu.vector_load %arg14[%swap3A_633, %swap3A_634, %swap3A_635] {strides = array<i32>} : memref<4x64x128xf32, #tpu.memory_space<vmem>>, vector<16xf32>,
        tpu.vector_store %arg14[%swap3A_633, %swap3A_634, %swap3A_635], %mul3A_632 {strides = array<i32>} : memref<4x64x128xf32, #tpu.memory_space<vmem>>, vector<16xf32>,
        %get3A_637 = arith.index_cast %rem3A_462 : i32 to index
        %get3A_638 = arith.index_cast %scan3A_602 : i32 to index
        %get3A_639 = arith.constant 48 : index
        %get3A_640 = tpu.vector_load %arg14[%get3A_637, %get3A_638, %get3A_639] {strides = array<i32>} : memref<4x64x128xf32, #tpu.memory_space<vmem>>, vector<16xf32>,
        %mul3A_641 = arith.mulf %get3A_640, %gather3A : vector<16xf32>
        %swap3A_642 = arith.index_cast %rem3A_462 : i32 to index
        %swap3A_643 = arith.index_cast %scan3A_602 : i32 to index
        %swap3A_644 = arith.constant 48 : index
        %swap3A_645 = tpu.vector_load %arg14[%swap3A_642, %swap3A_643, %swap3A_644] {strides = array<i32>} : memref<4x64x128xf32, #tpu.memory_space<vmem>>, vector<16xf32>,
        tpu.vector_store %arg14[%swap3A_642, %swap3A_643, %swap3A_644], %mul3A_641 {strides = array<i32>} : memref<4x64x128xf32, #tpu.memory_space<vmem>>, vector<16xf32>,
        %get3A_646 = arith.index_cast %rem3A_462 : i32 to index
        %get3A_647 = arith.index_cast %scan3A_602 : i32 to index
        %get3A_648 = arith.constant 64 : index
        %get3A_649 = tpu.vector_load %arg14[%get3A_646, %get3A_647, %get3A_648] {strides = array<i32>} : memref<4x64x128xf32, #tpu.memory_space<vmem>>, vector<16xf32>,
        %mul3A_650 = arith.mulf %get3A_649, %gather3A : vector<16xf32>
        %swap3A_651 = arith.index_cast %rem3A_462 : i32 to index
        %swap3A_652 = arith.index_cast %scan3A_602 : i32 to index
        %swap3A_653 = arith.constant 64 : index
        %swap3A_654 = tpu.vector_load %arg14[%swap3A_651, %swap3A_652, %swap3A_653] {strides = array<i32>} : memref<4x64x128xf32, #tpu.memory_space<vmem>>, vector<16xf32>,
        tpu.vector_store %arg14[%swap3A_651, %swap3A_652, %swap3A_653], %mul3A_650 {strides = array<i32>} : memref<4x64x128xf32, #tpu.memory_space<vmem>>, vector<16xf32>,
        %get3A_655 = arith.index_cast %rem3A_462 : i32 to index
        %get3A_656 = arith.index_cast %scan3A_602 : i32 to index
        %get3A_657 = arith.constant 80 : index
        %get3A_658 = tpu.vector_load %arg14[%get3A_655, %get3A_656, %get3A_657] {strides = array<i32>} : memref<4x64x128xf32, #tpu.memory_space<vmem>>, vector<16xf32>,
        %mul3A_659 = arith.mulf %get3A_658, %gather3A : vector<16xf32>
        %swap3A_660 = arith.index_cast %rem3A_462 : i32 to index
        %swap3A_661 = arith.index_cast %scan3A_602 : i32 to index
        %swap3A_662 = arith.constant 80 : index
        %swap3A_663 = tpu.vector_load %arg14[%swap3A_660, %swap3A_661, %swap3A_662] {strides = array<i32>} : memref<4x64x128xf32, #tpu.memory_space<vmem>>, vector<16xf32>,
        tpu.vector_store %arg14[%swap3A_660, %swap3A_661, %swap3A_662], %mul3A_659 {strides = array<i32>} : memref<4x64x128xf32, #tpu.memory_space<vmem>>, vector<16xf32>,
        %get3A_664 = arith.index_cast %rem3A_462 : i32 to index
        %get3A_665 = arith.index_cast %scan3A_602 : i32 to index
        %get3A_666 = arith.constant 96 : index
        %get3A_667 = tpu.vector_load %arg14[%get3A_664, %get3A_665, %get3A_666] {strides = array<i32>} : memref<4x64x128xf32, #tpu.memory_space<vmem>>, vector<16xf32>,
        %mul3A_668 = arith.mulf %get3A_667, %gather3A : vector<16xf32>
        %swap3A_669 = arith.index_cast %rem3A_462 : i32 to index
        %swap3A_670 = arith.index_cast %scan3A_602 : i32 to index
        %swap3A_671 = arith.constant 96 : index
        %swap3A_672 = tpu.vector_load %arg14[%swap3A_669, %swap3A_670, %swap3A_671] {strides = array<i32>} : memref<4x64x128xf32, #tpu.memory_space<vmem>>, vector<16xf32>,
        tpu.vector_store %arg14[%swap3A_669, %swap3A_670, %swap3A_671], %mul3A_668 {strides = array<i32>} : memref<4x64x128xf32, #tpu.memory_space<vmem>>, vector<16xf32>,
        %get3A_673 = arith.index_cast %rem3A_462 : i32 to index
        %get3A_674 = arith.index_cast %scan3A_602 : i32 to index
        %get3A_675 = arith.constant 112 : index
        %get3A_676 = tpu.vector_load %arg14[%get3A_673, %get3A_674, %get3A_675] {strides = array<i32>} : memref<4x64x128xf32, #tpu.memory_space<vmem>>, vector<16xf32>,
        %mul3A_677 = arith.mulf %get3A_676, %gather3A : vector<16xf32>
        %swap3A_678 = arith.index_cast %rem3A_462 : i32 to index
        %swap3A_679 = arith.index_cast %scan3A_602 : i32 to index
        %swap3A_680 = arith.constant 112 : index
        %swap3A_681 = tpu.vector_load %arg14[%swap3A_678, %swap3A_679, %swap3A_680] {strides = array<i32>} : memref<4x64x128xf32, #tpu.memory_space<vmem>>, vector<16xf32>,
        tpu.vector_store %arg14[%swap3A_678, %swap3A_679, %swap3A_680], %mul3A_677 {strides = array<i32>} : memref<4x64x128xf32, #tpu.memory_space<vmem>>, vector<16xf32>,
      }
      %scan3A_583 = arith.constant 64 : i32
      %dma_start3A_584 = arith.constant 0 : i32
      %dma_start3A_585 = arith.constant 0 : i32
      %dma_start3A_586 = tpu.memref_slice %arg14[%rem3A_462, %dma_start3A_584, %dma_start3A_585] : memref<4x64x128xf32, #tpu.memory_space<vmem>> -> memref<1x64x128xf32, #tpu.memory_space<vmem>>
      %dma_start3A_587 = tpu.memref_squeeze %dma_start3A_586 : memref<1x64x128xf32, #tpu.memory_space<vmem>> -> memref<64x128xf32, #tpu.memory_space<vmem>>
      %dma_start3A_588 = arith.constant 0 : i32
      %dma_start3A_589 = tpu.memref_slice %arg10[%rem3A_462, %dma_start3A_588] : memref<4x64xi32, #tpu.memory_space<vmem>> -> memref<1x64xi32, #tpu.memory_space<vmem>>
      %dma_start3A_590 = tpu.memref_squeeze %dma_start3A_589 : memref<1x64xi32, #tpu.memory_space<vmem>> -> memref<64xi32, #tpu.memory_space<vmem>>
      %dma_start3A_591 = arith.constant 0 : i32
      %dma_start3A_592 = arith.constant 0 : i32
      %dma_start3A_593 = tpu.memref_slice %arg16[%dma_start3A_591, %dma_start3A_592] : memref<10240x128xf32, #tpu.memory_space<vmem_shared>> -> memref<10240x128xf32, #tpu.memory_space<vmem_shared>>
      tpu.enqueue_indirect_dma source(%dma_start3A_587 : memref<64x128xf32, #tpu.memory_space<vmem>>) target(%dma_start3A_593 : memref<10240x128xf32, #tpu.memory_space<vmem_shared>>) offsets(%dma_start3A_590 : memref<64xi32, #tpu.memory_space<vmem>>) semaphore(%arg19 : memref<!tpu.dma_semaphore, #tpu.memory_space<semaphore_mem>>) {add = true}
      %mul3A_594 = arith.constant 64 : i32
      %mul3A_595 = arith.muli %rem3A_462, %mul3A_594 : i32
      %dma_start3A_596 = tpu.memref_slice %arg13[%mul3A_595] : memref<256xf32, #tpu.memory_space<vmem>> -> memref<64xf32, #tpu.memory_space<vmem>>
      %dma_start3A_597 = arith.constant 0 : i32
      %dma_start3A_598 = tpu.memref_slice %arg10[%rem3A_462, %dma_start3A_597] : memref<4x64xi32, #tpu.memory_space<vmem>> -> memref<1x64xi32, #tpu.memory_space<vmem>>
      %dma_start3A_599 = tpu.memref_squeeze %dma_start3A_598 : memref<1x64xi32, #tpu.memory_space<vmem>> -> memref<64xi32, #tpu.memory_space<vmem>>
      %dma_start3A_600 = arith.constant 0 : i32
      %dma_start3A_601 = tpu.memref_slice %arg17[%dma_start3A_600] : memref<10240xf32, #tpu.memory_space<vmem_shared>> -> memref<10240xf32, #tpu.memory_space<vmem_shared>>
      tpu.enqueue_indirect_dma source(%dma_start3A_596 : memref<64xf32, #tpu.memory_space<vmem>>) target(%dma_start3A_601 : memref<10240xf32, #tpu.memory_space<vmem_shared>>) offsets(%dma_start3A_599 : memref<64xi32, #tpu.memory_space<vmem>>) semaphore(%arg19 : memref<!tpu.dma_semaphore, #tpu.memory_space<semaphore_mem>>) {add = true}
    }
    %scan3A_411 = arith.constant 162 : i32
    %dma_wait3A_412 = arith.constant 0 : i32
    %dma_wait3A_413 = arith.constant 0 : i32
    %dma_wait3A_414 = arith.constant 0 : i32
    %dma_wait3A_415 = arith.constant 0 : i32
    %dma_wait3A_416 = tpu.memref_slice %arg14[%dma_wait3A_412, %dma_wait3A_414, %dma_wait3A_415] : memref<4x64x128xf32, #tpu.memory_space<vmem>> -> memref<1x64x128xf32, #tpu.memory_space<vmem>>
    %dma_wait3A_417 = tpu.memref_squeeze %dma_wait3A_416 : memref<1x64x128xf32, #tpu.memory_space<vmem>> -> memref<64x128xf32, #tpu.memory_space<vmem>>
    %dma_wait3A_418 = arith.constant 0 : i32
    %dma_wait3A_419 = tpu.memref_slice %arg10[%dma_wait3A_413, %dma_wait3A_418] : memref<4x64xi32, #tpu.memory_space<vmem>> -> memref<1x64xi32, #tpu.memory_space<vmem>>
    %dma_wait3A_420 = tpu.memref_squeeze %dma_wait3A_419 : memref<1x64xi32, #tpu.memory_space<vmem>> -> memref<64xi32, #tpu.memory_space<vmem>>
    %dma_wait3A_421 = arith.constant 0 : i32
    %dma_wait3A_422 = arith.constant 0 : i32
    %dma_wait3A_423 = tpu.memref_slice %arg16[%dma_wait3A_421, %dma_wait3A_422] : memref<10240x128xf32, #tpu.memory_space<vmem_shared>> -> memref<10240x128xf32, #tpu.memory_space<vmem_shared>>
    tpu.wait_indirect_dma semaphore(%arg19 : memref<!tpu.dma_semaphore, #tpu.memory_space<semaphore_mem>>) src(%dma_wait3A_417 : memref<64x128xf32, #tpu.memory_space<vmem>>) dst(%dma_wait3A_423 : memref<10240x128xf32, #tpu.memory_space<vmem_shared>>)
    %dma_wait3A_424 = arith.constant 0 : i32
    %dma_wait3A_425 = arith.constant 0 : i32
    %dma_wait3A_426 = tpu.memref_slice %arg13[%dma_wait3A_425] : memref<256xf32, #tpu.memory_space<vmem>> -> memref<64xf32, #tpu.memory_space<vmem>>
    %dma_wait3A_427 = arith.constant 0 : i32
    %dma_wait3A_428 = tpu.memref_slice %arg10[%dma_wait3A_424, %dma_wait3A_427] : memref<4x64xi32, #tpu.memory_space<vmem>> -> memref<1x64xi32, #tpu.memory_space<vmem>>
    %dma_wait3A_429 = tpu.memref_squeeze %dma_wait3A_428 : memref<1x64xi32, #tpu.memory_space<vmem>> -> memref<64xi32, #tpu.memory_space<vmem>>
    %dma_wait3A_430 = arith.constant 0 : i32
    %dma_wait3A_431 = tpu.memref_slice %arg17[%dma_wait3A_430] : memref<10240xf32, #tpu.memory_space<vmem_shared>> -> memref<10240xf32, #tpu.memory_space<vmem_shared>>
    tpu.wait_indirect_dma semaphore(%arg19 : memref<!tpu.dma_semaphore, #tpu.memory_space<semaphore_mem>>) src(%dma_wait3A_426 : memref<64xf32, #tpu.memory_space<vmem>>) dst(%dma_wait3A_431 : memref<10240xf32, #tpu.memory_space<vmem_shared>>)
    %dma_wait3A_432 = arith.constant 1 : i32
    %dma_wait3A_433 = arith.constant 1 : i32
    %dma_wait3A_434 = arith.constant 0 : i32
    %dma_wait3A_435 = arith.constant 0 : i32
    %dma_wait3A_436 = tpu.memref_slice %arg14[%dma_wait3A_432, %dma_wait3A_434, %dma_wait3A_435] : memref<4x64x128xf32, #tpu.memory_space<vmem>> -> memref<1x64x128xf32, #tpu.memory_space<vmem>>
    %dma_wait3A_437 = tpu.memref_squeeze %dma_wait3A_436 : memref<1x64x128xf32, #tpu.memory_space<vmem>> -> memref<64x128xf32, #tpu.memory_space<vmem>>
    %dma_wait3A_438 = arith.constant 0 : i32
    %dma_wait3A_439 = tpu.memref_slice %arg10[%dma_wait3A_433, %dma_wait3A_438] : memref<4x64xi32, #tpu.memory_space<vmem>> -> memref<1x64xi32, #tpu.memory_space<vmem>>
    %dma_wait3A_440 = tpu.memref_squeeze %dma_wait3A_439 : memref<1x64xi32, #tpu.memory_space<vmem>> -> memref<64xi32, #tpu.memory_space<vmem>>
    %dma_wait3A_441 = arith.constant 0 : i32
    %dma_wait3A_442 = arith.constant 0 : i32
    %dma_wait3A_443 = tpu.memref_slice %arg16[%dma_wait3A_441, %dma_wait3A_442] : memref<10240x128xf32, #tpu.memory_space<vmem_shared>> -> memref<10240x128xf32, #tpu.memory_space<vmem_shared>>
    tpu.wait_indirect_dma semaphore(%arg19 : memref<!tpu.dma_semaphore, #tpu.memory_space<semaphore_mem>>) src(%dma_wait3A_437 : memref<64x128xf32, #tpu.memory_space<vmem>>) dst(%dma_wait3A_443 : memref<10240x128xf32, #tpu.memory_space<vmem_shared>>)
    %dma_wait3A_444 = arith.constant 1 : i32
    %dma_wait3A_445 = arith.constant 0 : i32
    %dma_wait3A_446 = tpu.memref_slice %arg13[%dma_wait3A_445] : memref<256xf32, #tpu.memory_space<vmem>> -> memref<64xf32, #tpu.memory_space<vmem>>
    %dma_wait3A_447 = arith.constant 0 : i32
    %dma_wait3A_448 = tpu.memref_slice %arg10[%dma_wait3A_444, %dma_wait3A_447] : memref<4x64xi32, #tpu.memory_space<vmem>> -> memref<1x64xi32, #tpu.memory_space<vmem>>
    %dma_wait3A_449 = tpu.memref_squeeze %dma_wait3A_448 : memref<1x64xi32, #tpu.memory_space<vmem>> -> memref<64xi32, #tpu.memory_space<vmem>>
    %dma_wait3A_450 = arith.constant 0 : i32
    %dma_wait3A_451 = tpu.memref_slice %arg17[%dma_wait3A_450] : memref<10240xf32, #tpu.memory_space<vmem_shared>> -> memref<10240xf32, #tpu.memory_space<vmem_shared>>
    tpu.wait_indirect_dma semaphore(%arg19 : memref<!tpu.dma_semaphore, #tpu.memory_space<semaphore_mem>>) src(%dma_wait3A_446 : memref<64xf32, #tpu.memory_space<vmem>>) dst(%dma_wait3A_451 : memref<10240xf32, #tpu.memory_space<vmem_shared>>)
    %barrier3A_452 = arith.constant 0 : index
    tpu.barrier barrier_id(%barrier3A_452)
    %mul3A_453 = arith.constant 640 : i32
    %mul3A_454 = arith.muli %arg1, %mul3A_453 : i32
    %mul3A_455 = arith.constant 640 : i32
    %mul3A_456 = arith.muli %arg1, %mul3A_455 : i32
    "tpu.region"() ({
      %run_scoped3A_461 = tpu.sem_alloc : memref<!tpu.dma_semaphore, #tpu.memory_space<semaphore_mem>>
      %dma_start3A_462 = arith.constant 0 : i32
      %dma_start3A_463 = tpu.memref_slice %arg6[%arg0, %mul3A_456, %dma_start3A_462] : memref<2x10240x128xf32, #tpu.memory_space<hbm>> -> memref<1x640x128xf32, #tpu.memory_space<hbm>>
      %dma_start3A_464 = tpu.memref_squeeze %dma_start3A_463 : memref<1x640x128xf32, #tpu.memory_space<hbm>> -> memref<640x128xf32, #tpu.memory_space<hbm>>
      %dma_start3A_465 = arith.constant 0 : i32
      %dma_start3A_466 = tpu.memref_slice %arg16[%mul3A_454, %dma_start3A_465] : memref<10240x128xf32, #tpu.memory_space<vmem_shared>> -> memref<640x128xf32, #tpu.memory_space<vmem_shared>>
      tpu.enqueue_dma source(%dma_start3A_466 : memref<640x128xf32, #tpu.memory_space<vmem_shared>>) target(%dma_start3A_464 : memref<640x128xf32, #tpu.memory_space<hbm>>) target_semaphore(%run_scoped3A_461 : memref<!tpu.dma_semaphore, #tpu.memory_space<semaphore_mem>>)
      %dma_wait3A_467 = arith.constant 0 : i32
      %dma_wait3A_468 = tpu.memref_slice %arg6[%arg0, %mul3A_456, %dma_wait3A_467] : memref<2x10240x128xf32, #tpu.memory_space<hbm>> -> memref<1x640x128xf32, #tpu.memory_space<hbm>>
      %dma_wait3A_469 = tpu.memref_squeeze %dma_wait3A_468 : memref<1x640x128xf32, #tpu.memory_space<hbm>> -> memref<640x128xf32, #tpu.memory_space<hbm>>
      %dma_wait3A_470 = arith.constant 0 : i32
      %dma_wait3A_471 = tpu.memref_slice %arg16[%mul3A_454, %dma_wait3A_470] : memref<10240x128xf32, #tpu.memory_space<vmem_shared>> -> memref<640x128xf32, #tpu.memory_space<vmem_shared>>
      tpu.wait_dma2 semaphore(%run_scoped3A_461 : memref<!tpu.dma_semaphore, #tpu.memory_space<semaphore_mem>>) src(%dma_wait3A_471 : memref<640x128xf32, #tpu.memory_space<vmem_shared>>) dst(%dma_wait3A_469 : memref<640x128xf32, #tpu.memory_space<hbm>>)
      tpu.yield
    }) : () -> ()
    %mul3A_457 = arith.constant 640 : i32
    %mul3A_458 = arith.muli %arg1, %mul3A_457 : i32
    %mul3A_459 = arith.constant 640 : i32
    %mul3A_460 = arith.muli %arg1, %mul3A_459 : i32
    "tpu.region"() ({
      %run_scoped3A_461 = tpu.sem_alloc : memref<!tpu.dma_semaphore, #tpu.memory_space<semaphore_mem>>
      %dma_start3A_462 = tpu.memref_slice %arg7[%arg0, %mul3A_460] : memref<2x10240xf32, #tpu.memory_space<hbm>> -> memref<1x640xf32, #tpu.memory_space<hbm>>
      %dma_start3A_463 = tpu.memref_squeeze %dma_start3A_462 : memref<1x640xf32, #tpu.memory_space<hbm>> -> memref<640xf32, #tpu.memory_space<hbm>>
      %dma_start3A_464 = tpu.memref_slice %arg17[%mul3A_458] : memref<10240xf32, #tpu.memory_space<vmem_shared>> -> memref<640xf32, #tpu.memory_space<vmem_shared>>
      tpu.enqueue_dma source(%dma_start3A_464 : memref<640xf32, #tpu.memory_space<vmem_shared>>) target(%dma_start3A_463 : memref<640xf32, #tpu.memory_space<hbm>>) target_semaphore(%run_scoped3A_461 : memref<!tpu.dma_semaphore, #tpu.memory_space<semaphore_mem>>)
      %dma_wait3A_465 = tpu.memref_slice %arg7[%arg0, %mul3A_460] : memref<2x10240xf32, #tpu.memory_space<hbm>> -> memref<1x640xf32, #tpu.memory_space<hbm>>
      %dma_wait3A_466 = tpu.memref_squeeze %dma_wait3A_465 : memref<1x640xf32, #tpu.memory_space<hbm>> -> memref<640xf32, #tpu.memory_space<hbm>>
      %dma_wait3A_467 = tpu.memref_slice %arg17[%mul3A_458] : memref<10240xf32, #tpu.memory_space<vmem_shared>> -> memref<640xf32, #tpu.memory_space<vmem_shared>>
      tpu.wait_dma2 semaphore(%run_scoped3A_461 : memref<!tpu.dma_semaphore, #tpu.memory_space<semaphore_mem>>) src(%dma_wait3A_467 : memref<640xf32, #tpu.memory_space<vmem_shared>>) dst(%dma_wait3A_466 : memref<640xf32, #tpu.memory_space<hbm>>)
      tpu.yield
    }) : () -> ()
    return
  }
}

#map = affine_map<(d0, d1) -> (0, 0)>
#map1 = affine_map<(d0, d1) -> (0)>
#map2 = affine_map<(d0, d1) -> (0, 0, 0)>
module attributes {stable_mosaic.version = 14 : i64} {
  func.func @_sc_agg(%arg0: i32, %arg1: i32, %arg2: memref<10240x128xf32, #tpu.memory_space<hbm>>, %arg3: memref<10240xf32, #tpu.memory_space<hbm>>, %arg4: memref<10240xf32, #tpu.memory_space<hbm>>, %arg5: memref<32x162x64xi32, #tpu.memory_space<hbm>>, %arg6: memref<2x10240x128xf32, #tpu.memory_space<hbm>>, %arg7: memref<2x10240xf32, #tpu.memory_space<hbm>>, %arg8: memref<8x64xi32, #tpu.memory_space<vmem>>, %arg9: memref<4x64xi32, #tpu.memory_space<vmem>>, %arg10: memref<4x64xi32, #tpu.memory_space<vmem>>, %arg11: memref<4x64xf32, #tpu.memory_space<vmem>>, %arg12: memref<4x64xf32, #tpu.memory_space<vmem>>, %arg13: memref<256xf32, #tpu.memory_space<vmem>>, %arg14: memref<4x64x128xf32, #tpu.memory_space<vmem>>, %arg15: memref<640xf32, #tpu.memory_space<vmem>>, %arg16: memref<10240x128xf32, #tpu.memory_space<vmem_shared>>, %arg17: memref<10240xf32, #tpu.memory_space<vmem_shared>>, %arg18: memref<!tpu.dma_semaphore, #tpu.memory_space<semaphore_mem>>, %arg19: memref<!tpu.dma_semaphore, #tpu.memory_space<semaphore_mem>>, %arg20: memref<!tpu.dma_semaphore, #tpu.memory_space<semaphore_mem>>) attributes {dimension_semantics = [#tpu.dimension_semantics<core_parallel>, #tpu.dimension_semantics<subcore_parallel>], iteration_bounds = array<i64: 2, 16>, scalar_prefetch = 0 : i64, scratch_operands = 13 : i64, tpu.core_type = #tpu.core_type<sc_vector_subcore>, window_params = [{transform_indices = #map}, {transform_indices = #map1}, {transform_indices = #map1}, {transform_indices = #map2}, {transform_indices = #map2}, {transform_indices = #map}]} {
    %mul3A = arith.constant 16 : i32
    %mul3A_0 = arith.muli %arg0, %mul3A : i32
    %add3A = arith.addi %mul3A_0, %arg1 : i32
    %broadcast_in_dim3A = arith.constant 0.000000e+00 : f32
    %broadcast_in_dim3A_1 = vector.broadcast %broadcast_in_dim3A : f32 to vector<16xf32>
    %scan3A = arith.constant 0 : i32
    %scan3A_2 = arith.constant 0 : i32
    %scan3A_3 = arith.constant 64 : i32
    %scan3A_4 = arith.addi %scan3A_2, %scan3A_3 : i32
    %scan3A_5 = arith.constant 1 : i32
    scf.for %scan3A_461 = %scan3A_2 to %scan3A_4 step %scan3A_5  : i32 {
      %swap3A_462 = arith.constant 0 : i32
      %swap3A_463 = arith.index_cast %swap3A_462 : i32 to index
      %swap3A_464 = arith.index_cast %scan3A_461 : i32 to index
      %swap3A_465 = arith.constant 0 : index
      %swap3A_466 = tpu.vector_load %arg14[%swap3A_463, %swap3A_464, %swap3A_465] {strides = array<i32>} : memref<4x64x128xf32, #tpu.memory_space<vmem>>, vector<16xf32>,
      tpu.vector_store %arg14[%swap3A_463, %swap3A_464, %swap3A_465], %broadcast_in_dim3A_1 {strides = array<i32>} : memref<4x64x128xf32, #tpu.memory_space<vmem>>, vector<16xf32>,
      %swap3A_467 = arith.constant 0 : i32
      %swap3A_468 = arith.index_cast %swap3A_467 : i32 to index
      %swap3A_469 = arith.index_cast %scan3A_461 : i32 to index
      %swap3A_470 = arith.constant 16 : index
      %swap3A_471 = tpu.vector_load %arg14[%swap3A_468, %swap3A_469, %swap3A_470] {strides = array<i32>} : memref<4x64x128xf32, #tpu.memory_space<vmem>>, vector<16xf32>,
      tpu.vector_store %arg14[%swap3A_468, %swap3A_469, %swap3A_470], %broadcast_in_dim3A_1 {strides = array<i32>} : memref<4x64x128xf32, #tpu.memory_space<vmem>>, vector<16xf32>,
      %swap3A_472 = arith.constant 0 : i32
      %swap3A_473 = arith.index_cast %swap3A_472 : i32 to index
      %swap3A_474 = arith.index_cast %scan3A_461 : i32 to index
      %swap3A_475 = arith.constant 32 : index
      %swap3A_476 = tpu.vector_load %arg14[%swap3A_473, %swap3A_474, %swap3A_475] {strides = array<i32>} : memref<4x64x128xf32, #tpu.memory_space<vmem>>, vector<16xf32>,
      tpu.vector_store %arg14[%swap3A_473, %swap3A_474, %swap3A_475], %broadcast_in_dim3A_1 {strides = array<i32>} : memref<4x64x128xf32, #tpu.memory_space<vmem>>, vector<16xf32>,
      %swap3A_477 = arith.constant 0 : i32
      %swap3A_478 = arith.index_cast %swap3A_477 : i32 to index
      %swap3A_479 = arith.index_cast %scan3A_461 : i32 to index
      %swap3A_480 = arith.constant 48 : index
      %swap3A_481 = tpu.vector_load %arg14[%swap3A_478, %swap3A_479, %swap3A_480] {strides = array<i32>} : memref<4x64x128xf32, #tpu.memory_space<vmem>>, vector<16xf32>,
      tpu.vector_store %arg14[%swap3A_478, %swap3A_479, %swap3A_480], %broadcast_in_dim3A_1 {strides = array<i32>} : memref<4x64x128xf32, #tpu.memory_space<vmem>>, vector<16xf32>,
      %swap3A_482 = arith.constant 0 : i32
      %swap3A_483 = arith.index_cast %swap3A_482 : i32 to index
      %swap3A_484 = arith.index_cast %scan3A_461 : i32 to index
      %swap3A_485 = arith.constant 64 : index
      %swap3A_486 = tpu.vector_load %arg14[%swap3A_483, %swap3A_484, %swap3A_485] {strides = array<i32>} : memref<4x64x128xf32, #tpu.memory_space<vmem>>, vector<16xf32>,
      tpu.vector_store %arg14[%swap3A_483, %swap3A_484, %swap3A_485], %broadcast_in_dim3A_1 {strides = array<i32>} : memref<4x64x128xf32, #tpu.memory_space<vmem>>, vector<16xf32>,
      %swap3A_487 = arith.constant 0 : i32
      %swap3A_488 = arith.index_cast %swap3A_487 : i32 to index
      %swap3A_489 = arith.index_cast %scan3A_461 : i32 to index
      %swap3A_490 = arith.constant 80 : index
      %swap3A_491 = tpu.vector_load %arg14[%swap3A_488, %swap3A_489, %swap3A_490] {strides = array<i32>} : memref<4x64x128xf32, #tpu.memory_space<vmem>>, vector<16xf32>,
      tpu.vector_store %arg14[%swap3A_488, %swap3A_489, %swap3A_490], %broadcast_in_dim3A_1 {strides = array<i32>} : memref<4x64x128xf32, #tpu.memory_space<vmem>>, vector<16xf32>,
      %swap3A_492 = arith.constant 0 : i32
      %swap3A_493 = arith.index_cast %swap3A_492 : i32 to index
      %swap3A_494 = arith.index_cast %scan3A_461 : i32 to index
      %swap3A_495 = arith.constant 96 : index
      %swap3A_496 = tpu.vector_load %arg14[%swap3A_493, %swap3A_494, %swap3A_495] {strides = array<i32>} : memref<4x64x128xf32, #tpu.memory_space<vmem>>, vector<16xf32>,
      tpu.vector_store %arg14[%swap3A_493, %swap3A_494, %swap3A_495], %broadcast_in_dim3A_1 {strides = array<i32>} : memref<4x64x128xf32, #tpu.memory_space<vmem>>, vector<16xf32>,
      %swap3A_497 = arith.constant 0 : i32
      %swap3A_498 = arith.index_cast %swap3A_497 : i32 to index
      %swap3A_499 = arith.index_cast %scan3A_461 : i32 to index
      %swap3A_500 = arith.constant 112 : index
      %swap3A_501 = tpu.vector_load %arg14[%swap3A_498, %swap3A_499, %swap3A_500] {strides = array<i32>} : memref<4x64x128xf32, #tpu.memory_space<vmem>>, vector<16xf32>,
      tpu.vector_store %arg14[%swap3A_498, %swap3A_499, %swap3A_500], %broadcast_in_dim3A_1 {strides = array<i32>} : memref<4x64x128xf32, #tpu.memory_space<vmem>>, vector<16xf32>,
    }
    %scan3A_6 = arith.constant 64 : i32
    %scan3A_7 = arith.constant 0 : i32
    %scan3A_8 = arith.constant 0 : i32
    %scan3A_9 = arith.constant 40 : i32
    %scan3A_10 = arith.addi %scan3A_8, %scan3A_9 : i32
    %scan3A_11 = arith.constant 1 : i32
    scf.for %scan3A_461 = %scan3A_8 to %scan3A_10 step %scan3A_11  : i32 {
      %mul3A_462 = arith.constant 16 : i32
      %mul3A_463 = arith.muli %scan3A_461, %mul3A_462 : i32
      %swap3A_464 = arith.index_cast %mul3A_463 : i32 to index
      %swap3A_465 = tpu.vector_load %arg15[%swap3A_464] {strides = array<i32>} : memref<640xf32, #tpu.memory_space<vmem>>, vector<16xf32>,
      tpu.vector_store %arg15[%swap3A_464], %broadcast_in_dim3A_1 {strides = array<i32>} : memref<640xf32, #tpu.memory_space<vmem>>, vector<16xf32>,
    }
    %scan3A_12 = arith.constant 40 : i32
    %mul3A_13 = arith.constant 640 : i32
    %mul3A_14 = arith.muli %arg1, %mul3A_13 : i32
    %add3A_15 = arith.constant 0 : i32
    %add3A_16 = arith.addi %mul3A_14, %add3A_15 : i32
    %run_scoped3A = arith.constant 0 : i32
    "tpu.region"() ({
      %run_scoped3A_461 = tpu.sem_alloc : memref<!tpu.dma_semaphore, #tpu.memory_space<semaphore_mem>>
      %dma_start3A_462 = arith.constant 0 : i32
      %dma_start3A_463 = arith.constant 0 : i32
      %dma_start3A_464 = tpu.memref_slice %arg14[%run_scoped3A, %dma_start3A_462, %dma_start3A_463] : memref<4x64x128xf32, #tpu.memory_space<vmem>> -> memref<1x64x128xf32, #tpu.memory_space<vmem>>
      %dma_start3A_465 = tpu.memref_squeeze %dma_start3A_464 : memref<1x64x128xf32, #tpu.memory_space<vmem>> -> memref<64x128xf32, #tpu.memory_space<vmem>>
      %dma_start3A_466 = arith.constant 0 : i32
      %dma_start3A_467 = tpu.memref_slice %arg16[%add3A_16, %dma_start3A_466] : memref<10240x128xf32, #tpu.memory_space<vmem_shared>> -> memref<64x128xf32, #tpu.memory_space<vmem_shared>>
      %dma_start3A_468 = arith.constant 0 : i32
      %dma_start3A_469 = tpu.memref_slice %arg16[%add3A_16, %dma_start3A_468] : memref<10240x128xf32, #tpu.memory_space<vmem_shared>> -> memref<64x128xf32, #tpu.memory_space<vmem_shared>>
      %dma_start3A_470 = arith.constant 0 : i32
      %dma_start3A_471 = arith.constant 0 : i32
      %dma_start3A_472 = tpu.memref_slice %arg14[%run_scoped3A, %dma_start3A_470, %dma_start3A_471] : memref<4x64x128xf32, #tpu.memory_space<vmem>> -> memref<1x64x128xf32, #tpu.memory_space<vmem>>
      %dma_start3A_473 = tpu.memref_squeeze %dma_start3A_472 : memref<1x64x128xf32, #tpu.memory_space<vmem>> -> memref<64x128xf32, #tpu.memory_space<vmem>>
      tpu.enqueue_dma source(%dma_start3A_473 : memref<64x128xf32, #tpu.memory_space<vmem>>) target(%dma_start3A_469 : memref<64x128xf32, #tpu.memory_space<vmem_shared>>) target_semaphore(%run_scoped3A_461 : memref<!tpu.dma_semaphore, #tpu.memory_space<semaphore_mem>>)
      %dma_wait3A_474 = arith.constant 0 : i32
      %dma_wait3A_475 = arith.constant 0 : i32
      %dma_wait3A_476 = tpu.memref_slice %arg14[%run_scoped3A, %dma_wait3A_474, %dma_wait3A_475] : memref<4x64x128xf32, #tpu.memory_space<vmem>> -> memref<1x64x128xf32, #tpu.memory_space<vmem>>
      %dma_wait3A_477 = tpu.memref_squeeze %dma_wait3A_476 : memref<1x64x128xf32, #tpu.memory_space<vmem>> -> memref<64x128xf32, #tpu.memory_space<vmem>>
      %dma_wait3A_478 = arith.constant 0 : i32
      %dma_wait3A_479 = tpu.memref_slice %arg16[%add3A_16, %dma_wait3A_478] : memref<10240x128xf32, #tpu.memory_space<vmem_shared>> -> memref<64x128xf32, #tpu.memory_space<vmem_shared>>
      %dma_wait3A_480 = arith.constant 0 : i32
      %dma_wait3A_481 = tpu.memref_slice %arg16[%add3A_16, %dma_wait3A_480] : memref<10240x128xf32, #tpu.memory_space<vmem_shared>> -> memref<64x128xf32, #tpu.memory_space<vmem_shared>>
      %dma_wait3A_482 = arith.constant 0 : i32
      %dma_wait3A_483 = arith.constant 0 : i32
      %dma_wait3A_484 = tpu.memref_slice %arg14[%run_scoped3A, %dma_wait3A_482, %dma_wait3A_483] : memref<4x64x128xf32, #tpu.memory_space<vmem>> -> memref<1x64x128xf32, #tpu.memory_space<vmem>>
      %dma_wait3A_485 = tpu.memref_squeeze %dma_wait3A_484 : memref<1x64x128xf32, #tpu.memory_space<vmem>> -> memref<64x128xf32, #tpu.memory_space<vmem>>
      tpu.wait_dma2 semaphore(%run_scoped3A_461 : memref<!tpu.dma_semaphore, #tpu.memory_space<semaphore_mem>>) src(%dma_wait3A_485 : memref<64x128xf32, #tpu.memory_space<vmem>>) dst(%dma_wait3A_481 : memref<64x128xf32, #tpu.memory_space<vmem_shared>>)
      tpu.yield
    }) : () -> ()
    %mul3A_17 = arith.constant 640 : i32
    %mul3A_18 = arith.muli %arg1, %mul3A_17 : i32
    %add3A_19 = arith.constant 64 : i32
    %add3A_20 = arith.addi %mul3A_18, %add3A_19 : i32
    %run_scoped3A_21 = arith.constant 0 : i32
    "tpu.region"() ({
      %run_scoped3A_461 = tpu.sem_alloc : memref<!tpu.dma_semaphore, #tpu.memory_space<semaphore_mem>>
      %dma_start3A_462 = arith.constant 0 : i32
      %dma_start3A_463 = arith.constant 0 : i32
      %dma_start3A_464 = tpu.memref_slice %arg14[%run_scoped3A_21, %dma_start3A_462, %dma_start3A_463] : memref<4x64x128xf32, #tpu.memory_space<vmem>> -> memref<1x64x128xf32, #tpu.memory_space<vmem>>
      %dma_start3A_465 = tpu.memref_squeeze %dma_start3A_464 : memref<1x64x128xf32, #tpu.memory_space<vmem>> -> memref<64x128xf32, #tpu.memory_space<vmem>>
      %dma_start3A_466 = arith.constant 0 : i32
      %dma_start3A_467 = tpu.memref_slice %arg16[%add3A_20, %dma_start3A_466] : memref<10240x128xf32, #tpu.memory_space<vmem_shared>> -> memref<64x128xf32, #tpu.memory_space<vmem_shared>>
      %dma_start3A_468 = arith.constant 0 : i32
      %dma_start3A_469 = tpu.memref_slice %arg16[%add3A_20, %dma_start3A_468] : memref<10240x128xf32, #tpu.memory_space<vmem_shared>> -> memref<64x128xf32, #tpu.memory_space<vmem_shared>>
      %dma_start3A_470 = arith.constant 0 : i32
      %dma_start3A_471 = arith.constant 0 : i32
      %dma_start3A_472 = tpu.memref_slice %arg14[%run_scoped3A_21, %dma_start3A_470, %dma_start3A_471] : memref<4x64x128xf32, #tpu.memory_space<vmem>> -> memref<1x64x128xf32, #tpu.memory_space<vmem>>
      %dma_start3A_473 = tpu.memref_squeeze %dma_start3A_472 : memref<1x64x128xf32, #tpu.memory_space<vmem>> -> memref<64x128xf32, #tpu.memory_space<vmem>>
      tpu.enqueue_dma source(%dma_start3A_473 : memref<64x128xf32, #tpu.memory_space<vmem>>) target(%dma_start3A_469 : memref<64x128xf32, #tpu.memory_space<vmem_shared>>) target_semaphore(%run_scoped3A_461 : memref<!tpu.dma_semaphore, #tpu.memory_space<semaphore_mem>>)
      %dma_wait3A_474 = arith.constant 0 : i32
      %dma_wait3A_475 = arith.constant 0 : i32
      %dma_wait3A_476 = tpu.memref_slice %arg14[%run_scoped3A_21, %dma_wait3A_474, %dma_wait3A_475] : memref<4x64x128xf32, #tpu.memory_space<vmem>> -> memref<1x64x128xf32, #tpu.memory_space<vmem>>
      %dma_wait3A_477 = tpu.memref_squeeze %dma_wait3A_476 : memref<1x64x128xf32, #tpu.memory_space<vmem>> -> memref<64x128xf32, #tpu.memory_space<vmem>>
      %dma_wait3A_478 = arith.constant 0 : i32
      %dma_wait3A_479 = tpu.memref_slice %arg16[%add3A_20, %dma_wait3A_478] : memref<10240x128xf32, #tpu.memory_space<vmem_shared>> -> memref<64x128xf32, #tpu.memory_space<vmem_shared>>
      %dma_wait3A_480 = arith.constant 0 : i32
      %dma_wait3A_481 = tpu.memref_slice %arg16[%add3A_20, %dma_wait3A_480] : memref<10240x128xf32, #tpu.memory_space<vmem_shared>> -> memref<64x128xf32, #tpu.memory_space<vmem_shared>>
      %dma_wait3A_482 = arith.constant 0 : i32
      %dma_wait3A_483 = arith.constant 0 : i32
      %dma_wait3A_484 = tpu.memref_slice %arg14[%run_scoped3A_21, %dma_wait3A_482, %dma_wait3A_483] : memref<4x64x128xf32, #tpu.memory_space<vmem>> -> memref<1x64x128xf32, #tpu.memory_space<vmem>>
      %dma_wait3A_485 = tpu.memref_squeeze %dma_wait3A_484 : memref<1x64x128xf32, #tpu.memory_space<vmem>> -> memref<64x128xf32, #tpu.memory_space<vmem>>
      tpu.wait_dma2 semaphore(%run_scoped3A_461 : memref<!tpu.dma_semaphore, #tpu.memory_space<semaphore_mem>>) src(%dma_wait3A_485 : memref<64x128xf32, #tpu.memory_space<vmem>>) dst(%dma_wait3A_481 : memref<64x128xf32, #tpu.memory_space<vmem_shared>>)
      tpu.yield
    }) : () -> ()
    %mul3A_22 = arith.constant 640 : i32
    %mul3A_23 = arith.muli %arg1, %mul3A_22 : i32
    %add3A_24 = arith.constant 128 : i32
    %add3A_25 = arith.addi %mul3A_23, %add3A_24 : i32
    %run_scoped3A_26 = arith.constant 0 : i32
    "tpu.region"() ({
      %run_scoped3A_461 = tpu.sem_alloc : memref<!tpu.dma_semaphore, #tpu.memory_space<semaphore_mem>>
      %dma_start3A_462 = arith.constant 0 : i32
      %dma_start3A_463 = arith.constant 0 : i32
      %dma_start3A_464 = tpu.memref_slice %arg14[%run_scoped3A_26, %dma_start3A_462, %dma_start3A_463] : memref<4x64x128xf32, #tpu.memory_space<vmem>> -> memref<1x64x128xf32, #tpu.memory_space<vmem>>
      %dma_start3A_465 = tpu.memref_squeeze %dma_start3A_464 : memref<1x64x128xf32, #tpu.memory_space<vmem>> -> memref<64x128xf32, #tpu.memory_space<vmem>>
      %dma_start3A_466 = arith.constant 0 : i32
      %dma_start3A_467 = tpu.memref_slice %arg16[%add3A_25, %dma_start3A_466] : memref<10240x128xf32, #tpu.memory_space<vmem_shared>> -> memref<64x128xf32, #tpu.memory_space<vmem_shared>>
      %dma_start3A_468 = arith.constant 0 : i32
      %dma_start3A_469 = tpu.memref_slice %arg16[%add3A_25, %dma_start3A_468] : memref<10240x128xf32, #tpu.memory_space<vmem_shared>> -> memref<64x128xf32, #tpu.memory_space<vmem_shared>>
      %dma_start3A_470 = arith.constant 0 : i32
      %dma_start3A_471 = arith.constant 0 : i32
      %dma_start3A_472 = tpu.memref_slice %arg14[%run_scoped3A_26, %dma_start3A_470, %dma_start3A_471] : memref<4x64x128xf32, #tpu.memory_space<vmem>> -> memref<1x64x128xf32, #tpu.memory_space<vmem>>
      %dma_start3A_473 = tpu.memref_squeeze %dma_start3A_472 : memref<1x64x128xf32, #tpu.memory_space<vmem>> -> memref<64x128xf32, #tpu.memory_space<vmem>>
      tpu.enqueue_dma source(%dma_start3A_473 : memref<64x128xf32, #tpu.memory_space<vmem>>) target(%dma_start3A_469 : memref<64x128xf32, #tpu.memory_space<vmem_shared>>) target_semaphore(%run_scoped3A_461 : memref<!tpu.dma_semaphore, #tpu.memory_space<semaphore_mem>>)
      %dma_wait3A_474 = arith.constant 0 : i32
      %dma_wait3A_475 = arith.constant 0 : i32
      %dma_wait3A_476 = tpu.memref_slice %arg14[%run_scoped3A_26, %dma_wait3A_474, %dma_wait3A_475] : memref<4x64x128xf32, #tpu.memory_space<vmem>> -> memref<1x64x128xf32, #tpu.memory_space<vmem>>
      %dma_wait3A_477 = tpu.memref_squeeze %dma_wait3A_476 : memref<1x64x128xf32, #tpu.memory_space<vmem>> -> memref<64x128xf32, #tpu.memory_space<vmem>>
      %dma_wait3A_478 = arith.constant 0 : i32
      %dma_wait3A_479 = tpu.memref_slice %arg16[%add3A_25, %dma_wait3A_478] : memref<10240x128xf32, #tpu.memory_space<vmem_shared>> -> memref<64x128xf32, #tpu.memory_space<vmem_shared>>
      %dma_wait3A_480 = arith.constant 0 : i32
      %dma_wait3A_481 = tpu.memref_slice %arg16[%add3A_25, %dma_wait3A_480] : memref<10240x128xf32, #tpu.memory_space<vmem_shared>> -> memref<64x128xf32, #tpu.memory_space<vmem_shared>>
      %dma_wait3A_482 = arith.constant 0 : i32
      %dma_wait3A_483 = arith.constant 0 : i32
      %dma_wait3A_484 = tpu.memref_slice %arg14[%run_scoped3A_26, %dma_wait3A_482, %dma_wait3A_483] : memref<4x64x128xf32, #tpu.memory_space<vmem>> -> memref<1x64x128xf32, #tpu.memory_space<vmem>>
      %dma_wait3A_485 = tpu.memref_squeeze %dma_wait3A_484 : memref<1x64x128xf32, #tpu.memory_space<vmem>> -> memref<64x128xf32, #tpu.memory_space<vmem>>
      tpu.wait_dma2 semaphore(%run_scoped3A_461 : memref<!tpu.dma_semaphore, #tpu.memory_space<semaphore_mem>>) src(%dma_wait3A_485 : memref<64x128xf32, #tpu.memory_space<vmem>>) dst(%dma_wait3A_481 : memref<64x128xf32, #tpu.memory_space<vmem_shared>>)
      tpu.yield
    }) : () -> ()
    %mul3A_27 = arith.constant 640 : i32
    %mul3A_28 = arith.muli %arg1, %mul3A_27 : i32
    %add3A_29 = arith.constant 192 : i32
    %add3A_30 = arith.addi %mul3A_28, %add3A_29 : i32
    %run_scoped3A_31 = arith.constant 0 : i32
    "tpu.region"() ({
      %run_scoped3A_461 = tpu.sem_alloc : memref<!tpu.dma_semaphore, #tpu.memory_space<semaphore_mem>>
      %dma_start3A_462 = arith.constant 0 : i32
      %dma_start3A_463 = arith.constant 0 : i32
      %dma_start3A_464 = tpu.memref_slice %arg14[%run_scoped3A_31, %dma_start3A_462, %dma_start3A_463] : memref<4x64x128xf32, #tpu.memory_space<vmem>> -> memref<1x64x128xf32, #tpu.memory_space<vmem>>
      %dma_start3A_465 = tpu.memref_squeeze %dma_start3A_464 : memref<1x64x128xf32, #tpu.memory_space<vmem>> -> memref<64x128xf32, #tpu.memory_space<vmem>>
      %dma_start3A_466 = arith.constant 0 : i32
      %dma_start3A_467 = tpu.memref_slice %arg16[%add3A_30, %dma_start3A_466] : memref<10240x128xf32, #tpu.memory_space<vmem_shared>> -> memref<64x128xf32, #tpu.memory_space<vmem_shared>>
      %dma_start3A_468 = arith.constant 0 : i32
      %dma_start3A_469 = tpu.memref_slice %arg16[%add3A_30, %dma_start3A_468] : memref<10240x128xf32, #tpu.memory_space<vmem_shared>> -> memref<64x128xf32, #tpu.memory_space<vmem_shared>>
      %dma_start3A_470 = arith.constant 0 : i32
      %dma_start3A_471 = arith.constant 0 : i32
      %dma_start3A_472 = tpu.memref_slice %arg14[%run_scoped3A_31, %dma_start3A_470, %dma_start3A_471] : memref<4x64x128xf32, #tpu.memory_space<vmem>> -> memref<1x64x128xf32, #tpu.memory_space<vmem>>
      %dma_start3A_473 = tpu.memref_squeeze %dma_start3A_472 : memref<1x64x128xf32, #tpu.memory_space<vmem>> -> memref<64x128xf32, #tpu.memory_space<vmem>>
      tpu.enqueue_dma source(%dma_start3A_473 : memref<64x128xf32, #tpu.memory_space<vmem>>) target(%dma_start3A_469 : memref<64x128xf32, #tpu.memory_space<vmem_shared>>) target_semaphore(%run_scoped3A_461 : memref<!tpu.dma_semaphore, #tpu.memory_space<semaphore_mem>>)
      %dma_wait3A_474 = arith.constant 0 : i32
      %dma_wait3A_475 = arith.constant 0 : i32
      %dma_wait3A_476 = tpu.memref_slice %arg14[%run_scoped3A_31, %dma_wait3A_474, %dma_wait3A_475] : memref<4x64x128xf32, #tpu.memory_space<vmem>> -> memref<1x64x128xf32, #tpu.memory_space<vmem>>
      %dma_wait3A_477 = tpu.memref_squeeze %dma_wait3A_476 : memref<1x64x128xf32, #tpu.memory_space<vmem>> -> memref<64x128xf32, #tpu.memory_space<vmem>>
      %dma_wait3A_478 = arith.constant 0 : i32
      %dma_wait3A_479 = tpu.memref_slice %arg16[%add3A_30, %dma_wait3A_478] : memref<10240x128xf32, #tpu.memory_space<vmem_shared>> -> memref<64x128xf32, #tpu.memory_space<vmem_shared>>
      %dma_wait3A_480 = arith.constant 0 : i32
      %dma_wait3A_481 = tpu.memref_slice %arg16[%add3A_30, %dma_wait3A_480] : memref<10240x128xf32, #tpu.memory_space<vmem_shared>> -> memref<64x128xf32, #tpu.memory_space<vmem_shared>>
      %dma_wait3A_482 = arith.constant 0 : i32
      %dma_wait3A_483 = arith.constant 0 : i32
      %dma_wait3A_484 = tpu.memref_slice %arg14[%run_scoped3A_31, %dma_wait3A_482, %dma_wait3A_483] : memref<4x64x128xf32, #tpu.memory_space<vmem>> -> memref<1x64x128xf32, #tpu.memory_space<vmem>>
      %dma_wait3A_485 = tpu.memref_squeeze %dma_wait3A_484 : memref<1x64x128xf32, #tpu.memory_space<vmem>> -> memref<64x128xf32, #tpu.memory_space<vmem>>
      tpu.wait_dma2 semaphore(%run_scoped3A_461 : memref<!tpu.dma_semaphore, #tpu.memory_space<semaphore_mem>>) src(%dma_wait3A_485 : memref<64x128xf32, #tpu.memory_space<vmem>>) dst(%dma_wait3A_481 : memref<64x128xf32, #tpu.memory_space<vmem_shared>>)
      tpu.yield
    }) : () -> ()
    %mul3A_32 = arith.constant 640 : i32
    %mul3A_33 = arith.muli %arg1, %mul3A_32 : i32
    %add3A_34 = arith.constant 256 : i32
    %add3A_35 = arith.addi %mul3A_33, %add3A_34 : i32
    %run_scoped3A_36 = arith.constant 0 : i32
    "tpu.region"() ({
      %run_scoped3A_461 = tpu.sem_alloc : memref<!tpu.dma_semaphore, #tpu.memory_space<semaphore_mem>>
      %dma_start3A_462 = arith.constant 0 : i32
      %dma_start3A_463 = arith.constant 0 : i32
      %dma_start3A_464 = tpu.memref_slice %arg14[%run_scoped3A_36, %dma_start3A_462, %dma_start3A_463] : memref<4x64x128xf32, #tpu.memory_space<vmem>> -> memref<1x64x128xf32, #tpu.memory_space<vmem>>
      %dma_start3A_465 = tpu.memref_squeeze %dma_start3A_464 : memref<1x64x128xf32, #tpu.memory_space<vmem>> -> memref<64x128xf32, #tpu.memory_space<vmem>>
      %dma_start3A_466 = arith.constant 0 : i32
      %dma_start3A_467 = tpu.memref_slice %arg16[%add3A_35, %dma_start3A_466] : memref<10240x128xf32, #tpu.memory_space<vmem_shared>> -> memref<64x128xf32, #tpu.memory_space<vmem_shared>>
      %dma_start3A_468 = arith.constant 0 : i32
      %dma_start3A_469 = tpu.memref_slice %arg16[%add3A_35, %dma_start3A_468] : memref<10240x128xf32, #tpu.memory_space<vmem_shared>> -> memref<64x128xf32, #tpu.memory_space<vmem_shared>>
      %dma_start3A_470 = arith.constant 0 : i32
      %dma_start3A_471 = arith.constant 0 : i32
      %dma_start3A_472 = tpu.memref_slice %arg14[%run_scoped3A_36, %dma_start3A_470, %dma_start3A_471] : memref<4x64x128xf32, #tpu.memory_space<vmem>> -> memref<1x64x128xf32, #tpu.memory_space<vmem>>
      %dma_start3A_473 = tpu.memref_squeeze %dma_start3A_472 : memref<1x64x128xf32, #tpu.memory_space<vmem>> -> memref<64x128xf32, #tpu.memory_space<vmem>>
      tpu.enqueue_dma source(%dma_start3A_473 : memref<64x128xf32, #tpu.memory_space<vmem>>) target(%dma_start3A_469 : memref<64x128xf32, #tpu.memory_space<vmem_shared>>) target_semaphore(%run_scoped3A_461 : memref<!tpu.dma_semaphore, #tpu.memory_space<semaphore_mem>>)
      %dma_wait3A_474 = arith.constant 0 : i32
      %dma_wait3A_475 = arith.constant 0 : i32
      %dma_wait3A_476 = tpu.memref_slice %arg14[%run_scoped3A_36, %dma_wait3A_474, %dma_wait3A_475] : memref<4x64x128xf32, #tpu.memory_space<vmem>> -> memref<1x64x128xf32, #tpu.memory_space<vmem>>
      %dma_wait3A_477 = tpu.memref_squeeze %dma_wait3A_476 : memref<1x64x128xf32, #tpu.memory_space<vmem>> -> memref<64x128xf32, #tpu.memory_space<vmem>>
      %dma_wait3A_478 = arith.constant 0 : i32
      %dma_wait3A_479 = tpu.memref_slice %arg16[%add3A_35, %dma_wait3A_478] : memref<10240x128xf32, #tpu.memory_space<vmem_shared>> -> memref<64x128xf32, #tpu.memory_space<vmem_shared>>
      %dma_wait3A_480 = arith.constant 0 : i32
      %dma_wait3A_481 = tpu.memref_slice %arg16[%add3A_35, %dma_wait3A_480] : memref<10240x128xf32, #tpu.memory_space<vmem_shared>> -> memref<64x128xf32, #tpu.memory_space<vmem_shared>>
      %dma_wait3A_482 = arith.constant 0 : i32
      %dma_wait3A_483 = arith.constant 0 : i32
      %dma_wait3A_484 = tpu.memref_slice %arg14[%run_scoped3A_36, %dma_wait3A_482, %dma_wait3A_483] : memref<4x64x128xf32, #tpu.memory_space<vmem>> -> memref<1x64x128xf32, #tpu.memory_space<vmem>>
      %dma_wait3A_485 = tpu.memref_squeeze %dma_wait3A_484 : memref<1x64x128xf32, #tpu.memory_space<vmem>> -> memref<64x128xf32, #tpu.memory_space<vmem>>
      tpu.wait_dma2 semaphore(%run_scoped3A_461 : memref<!tpu.dma_semaphore, #tpu.memory_space<semaphore_mem>>) src(%dma_wait3A_485 : memref<64x128xf32, #tpu.memory_space<vmem>>) dst(%dma_wait3A_481 : memref<64x128xf32, #tpu.memory_space<vmem_shared>>)
      tpu.yield
    }) : () -> ()
    %mul3A_37 = arith.constant 640 : i32
    %mul3A_38 = arith.muli %arg1, %mul3A_37 : i32
    %add3A_39 = arith.constant 320 : i32
    %add3A_40 = arith.addi %mul3A_38, %add3A_39 : i32
    %run_scoped3A_41 = arith.constant 0 : i32
    "tpu.region"() ({
      %run_scoped3A_461 = tpu.sem_alloc : memref<!tpu.dma_semaphore, #tpu.memory_space<semaphore_mem>>
      %dma_start3A_462 = arith.constant 0 : i32
      %dma_start3A_463 = arith.constant 0 : i32
      %dma_start3A_464 = tpu.memref_slice %arg14[%run_scoped3A_41, %dma_start3A_462, %dma_start3A_463] : memref<4x64x128xf32, #tpu.memory_space<vmem>> -> memref<1x64x128xf32, #tpu.memory_space<vmem>>
      %dma_start3A_465 = tpu.memref_squeeze %dma_start3A_464 : memref<1x64x128xf32, #tpu.memory_space<vmem>> -> memref<64x128xf32, #tpu.memory_space<vmem>>
      %dma_start3A_466 = arith.constant 0 : i32
      %dma_start3A_467 = tpu.memref_slice %arg16[%add3A_40, %dma_start3A_466] : memref<10240x128xf32, #tpu.memory_space<vmem_shared>> -> memref<64x128xf32, #tpu.memory_space<vmem_shared>>
      %dma_start3A_468 = arith.constant 0 : i32
      %dma_start3A_469 = tpu.memref_slice %arg16[%add3A_40, %dma_start3A_468] : memref<10240x128xf32, #tpu.memory_space<vmem_shared>> -> memref<64x128xf32, #tpu.memory_space<vmem_shared>>
      %dma_start3A_470 = arith.constant 0 : i32
      %dma_start3A_471 = arith.constant 0 : i32
      %dma_start3A_472 = tpu.memref_slice %arg14[%run_scoped3A_41, %dma_start3A_470, %dma_start3A_471] : memref<4x64x128xf32, #tpu.memory_space<vmem>> -> memref<1x64x128xf32, #tpu.memory_space<vmem>>
      %dma_start3A_473 = tpu.memref_squeeze %dma_start3A_472 : memref<1x64x128xf32, #tpu.memory_space<vmem>> -> memref<64x128xf32, #tpu.memory_space<vmem>>
      tpu.enqueue_dma source(%dma_start3A_473 : memref<64x128xf32, #tpu.memory_space<vmem>>) target(%dma_start3A_469 : memref<64x128xf32, #tpu.memory_space<vmem_shared>>) target_semaphore(%run_scoped3A_461 : memref<!tpu.dma_semaphore, #tpu.memory_space<semaphore_mem>>)
      %dma_wait3A_474 = arith.constant 0 : i32
      %dma_wait3A_475 = arith.constant 0 : i32
      %dma_wait3A_476 = tpu.memref_slice %arg14[%run_scoped3A_41, %dma_wait3A_474, %dma_wait3A_475] : memref<4x64x128xf32, #tpu.memory_space<vmem>> -> memref<1x64x128xf32, #tpu.memory_space<vmem>>
      %dma_wait3A_477 = tpu.memref_squeeze %dma_wait3A_476 : memref<1x64x128xf32, #tpu.memory_space<vmem>> -> memref<64x128xf32, #tpu.memory_space<vmem>>
      %dma_wait3A_478 = arith.constant 0 : i32
      %dma_wait3A_479 = tpu.memref_slice %arg16[%add3A_40, %dma_wait3A_478] : memref<10240x128xf32, #tpu.memory_space<vmem_shared>> -> memref<64x128xf32, #tpu.memory_space<vmem_shared>>
      %dma_wait3A_480 = arith.constant 0 : i32
      %dma_wait3A_481 = tpu.memref_slice %arg16[%add3A_40, %dma_wait3A_480] : memref<10240x128xf32, #tpu.memory_space<vmem_shared>> -> memref<64x128xf32, #tpu.memory_space<vmem_shared>>
      %dma_wait3A_482 = arith.constant 0 : i32
      %dma_wait3A_483 = arith.constant 0 : i32
      %dma_wait3A_484 = tpu.memref_slice %arg14[%run_scoped3A_41, %dma_wait3A_482, %dma_wait3A_483] : memref<4x64x128xf32, #tpu.memory_space<vmem>> -> memref<1x64x128xf32, #tpu.memory_space<vmem>>
      %dma_wait3A_485 = tpu.memref_squeeze %dma_wait3A_484 : memref<1x64x128xf32, #tpu.memory_space<vmem>> -> memref<64x128xf32, #tpu.memory_space<vmem>>
      tpu.wait_dma2 semaphore(%run_scoped3A_461 : memref<!tpu.dma_semaphore, #tpu.memory_space<semaphore_mem>>) src(%dma_wait3A_485 : memref<64x128xf32, #tpu.memory_space<vmem>>) dst(%dma_wait3A_481 : memref<64x128xf32, #tpu.memory_space<vmem_shared>>)
      tpu.yield
    }) : () -> ()
    %mul3A_42 = arith.constant 640 : i32
    %mul3A_43 = arith.muli %arg1, %mul3A_42 : i32
    %add3A_44 = arith.constant 384 : i32
    %add3A_45 = arith.addi %mul3A_43, %add3A_44 : i32
    %run_scoped3A_46 = arith.constant 0 : i32
    "tpu.region"() ({
      %run_scoped3A_461 = tpu.sem_alloc : memref<!tpu.dma_semaphore, #tpu.memory_space<semaphore_mem>>
      %dma_start3A_462 = arith.constant 0 : i32
      %dma_start3A_463 = arith.constant 0 : i32
      %dma_start3A_464 = tpu.memref_slice %arg14[%run_scoped3A_46, %dma_start3A_462, %dma_start3A_463] : memref<4x64x128xf32, #tpu.memory_space<vmem>> -> memref<1x64x128xf32, #tpu.memory_space<vmem>>
      %dma_start3A_465 = tpu.memref_squeeze %dma_start3A_464 : memref<1x64x128xf32, #tpu.memory_space<vmem>> -> memref<64x128xf32, #tpu.memory_space<vmem>>
      %dma_start3A_466 = arith.constant 0 : i32
      %dma_start3A_467 = tpu.memref_slice %arg16[%add3A_45, %dma_start3A_466] : memref<10240x128xf32, #tpu.memory_space<vmem_shared>> -> memref<64x128xf32, #tpu.memory_space<vmem_shared>>
      %dma_start3A_468 = arith.constant 0 : i32
      %dma_start3A_469 = tpu.memref_slice %arg16[%add3A_45, %dma_start3A_468] : memref<10240x128xf32, #tpu.memory_space<vmem_shared>> -> memref<64x128xf32, #tpu.memory_space<vmem_shared>>
      %dma_start3A_470 = arith.constant 0 : i32
      %dma_start3A_471 = arith.constant 0 : i32
      %dma_start3A_472 = tpu.memref_slice %arg14[%run_scoped3A_46, %dma_start3A_470, %dma_start3A_471] : memref<4x64x128xf32, #tpu.memory_space<vmem>> -> memref<1x64x128xf32, #tpu.memory_space<vmem>>
      %dma_start3A_473 = tpu.memref_squeeze %dma_start3A_472 : memref<1x64x128xf32, #tpu.memory_space<vmem>> -> memref<64x128xf32, #tpu.memory_space<vmem>>
      tpu.enqueue_dma source(%dma_start3A_473 : memref<64x128xf32, #tpu.memory_space<vmem>>) target(%dma_start3A_469 : memref<64x128xf32, #tpu.memory_space<vmem_shared>>) target_semaphore(%run_scoped3A_461 : memref<!tpu.dma_semaphore, #tpu.memory_space<semaphore_mem>>)
      %dma_wait3A_474 = arith.constant 0 : i32
      %dma_wait3A_475 = arith.constant 0 : i32
      %dma_wait3A_476 = tpu.memref_slice %arg14[%run_scoped3A_46, %dma_wait3A_474, %dma_wait3A_475] : memref<4x64x128xf32, #tpu.memory_space<vmem>> -> memref<1x64x128xf32, #tpu.memory_space<vmem>>
      %dma_wait3A_477 = tpu.memref_squeeze %dma_wait3A_476 : memref<1x64x128xf32, #tpu.memory_space<vmem>> -> memref<64x128xf32, #tpu.memory_space<vmem>>
      %dma_wait3A_478 = arith.constant 0 : i32
      %dma_wait3A_479 = tpu.memref_slice %arg16[%add3A_45, %dma_wait3A_478] : memref<10240x128xf32, #tpu.memory_space<vmem_shared>> -> memref<64x128xf32, #tpu.memory_space<vmem_shared>>
      %dma_wait3A_480 = arith.constant 0 : i32
      %dma_wait3A_481 = tpu.memref_slice %arg16[%add3A_45, %dma_wait3A_480] : memref<10240x128xf32, #tpu.memory_space<vmem_shared>> -> memref<64x128xf32, #tpu.memory_space<vmem_shared>>
      %dma_wait3A_482 = arith.constant 0 : i32
      %dma_wait3A_483 = arith.constant 0 : i32
      %dma_wait3A_484 = tpu.memref_slice %arg14[%run_scoped3A_46, %dma_wait3A_482, %dma_wait3A_483] : memref<4x64x128xf32, #tpu.memory_space<vmem>> -> memref<1x64x128xf32, #tpu.memory_space<vmem>>
      %dma_wait3A_485 = tpu.memref_squeeze %dma_wait3A_484 : memref<1x64x128xf32, #tpu.memory_space<vmem>> -> memref<64x128xf32, #tpu.memory_space<vmem>>
      tpu.wait_dma2 semaphore(%run_scoped3A_461 : memref<!tpu.dma_semaphore, #tpu.memory_space<semaphore_mem>>) src(%dma_wait3A_485 : memref<64x128xf32, #tpu.memory_space<vmem>>) dst(%dma_wait3A_481 : memref<64x128xf32, #tpu.memory_space<vmem_shared>>)
      tpu.yield
    }) : () -> ()
    %mul3A_47 = arith.constant 640 : i32
    %mul3A_48 = arith.muli %arg1, %mul3A_47 : i32
    %add3A_49 = arith.constant 448 : i32
    %add3A_50 = arith.addi %mul3A_48, %add3A_49 : i32
    %run_scoped3A_51 = arith.constant 0 : i32
    "tpu.region"() ({
      %run_scoped3A_461 = tpu.sem_alloc : memref<!tpu.dma_semaphore, #tpu.memory_space<semaphore_mem>>
      %dma_start3A_462 = arith.constant 0 : i32
      %dma_start3A_463 = arith.constant 0 : i32
      %dma_start3A_464 = tpu.memref_slice %arg14[%run_scoped3A_51, %dma_start3A_462, %dma_start3A_463] : memref<4x64x128xf32, #tpu.memory_space<vmem>> -> memref<1x64x128xf32, #tpu.memory_space<vmem>>
      %dma_start3A_465 = tpu.memref_squeeze %dma_start3A_464 : memref<1x64x128xf32, #tpu.memory_space<vmem>> -> memref<64x128xf32, #tpu.memory_space<vmem>>
      %dma_start3A_466 = arith.constant 0 : i32
      %dma_start3A_467 = tpu.memref_slice %arg16[%add3A_50, %dma_start3A_466] : memref<10240x128xf32, #tpu.memory_space<vmem_shared>> -> memref<64x128xf32, #tpu.memory_space<vmem_shared>>
      %dma_start3A_468 = arith.constant 0 : i32
      %dma_start3A_469 = tpu.memref_slice %arg16[%add3A_50, %dma_start3A_468] : memref<10240x128xf32, #tpu.memory_space<vmem_shared>> -> memref<64x128xf32, #tpu.memory_space<vmem_shared>>
      %dma_start3A_470 = arith.constant 0 : i32
      %dma_start3A_471 = arith.constant 0 : i32
      %dma_start3A_472 = tpu.memref_slice %arg14[%run_scoped3A_51, %dma_start3A_470, %dma_start3A_471] : memref<4x64x128xf32, #tpu.memory_space<vmem>> -> memref<1x64x128xf32, #tpu.memory_space<vmem>>
      %dma_start3A_473 = tpu.memref_squeeze %dma_start3A_472 : memref<1x64x128xf32, #tpu.memory_space<vmem>> -> memref<64x128xf32, #tpu.memory_space<vmem>>
      tpu.enqueue_dma source(%dma_start3A_473 : memref<64x128xf32, #tpu.memory_space<vmem>>) target(%dma_start3A_469 : memref<64x128xf32, #tpu.memory_space<vmem_shared>>) target_semaphore(%run_scoped3A_461 : memref<!tpu.dma_semaphore, #tpu.memory_space<semaphore_mem>>)
      %dma_wait3A_474 = arith.constant 0 : i32
      %dma_wait3A_475 = arith.constant 0 : i32
      %dma_wait3A_476 = tpu.memref_slice %arg14[%run_scoped3A_51, %dma_wait3A_474, %dma_wait3A_475] : memref<4x64x128xf32, #tpu.memory_space<vmem>> -> memref<1x64x128xf32, #tpu.memory_space<vmem>>
      %dma_wait3A_477 = tpu.memref_squeeze %dma_wait3A_476 : memref<1x64x128xf32, #tpu.memory_space<vmem>> -> memref<64x128xf32, #tpu.memory_space<vmem>>
      %dma_wait3A_478 = arith.constant 0 : i32
      %dma_wait3A_479 = tpu.memref_slice %arg16[%add3A_50, %dma_wait3A_478] : memref<10240x128xf32, #tpu.memory_space<vmem_shared>> -> memref<64x128xf32, #tpu.memory_space<vmem_shared>>
      %dma_wait3A_480 = arith.constant 0 : i32
      %dma_wait3A_481 = tpu.memref_slice %arg16[%add3A_50, %dma_wait3A_480] : memref<10240x128xf32, #tpu.memory_space<vmem_shared>> -> memref<64x128xf32, #tpu.memory_space<vmem_shared>>
      %dma_wait3A_482 = arith.constant 0 : i32
      %dma_wait3A_483 = arith.constant 0 : i32
      %dma_wait3A_484 = tpu.memref_slice %arg14[%run_scoped3A_51, %dma_wait3A_482, %dma_wait3A_483] : memref<4x64x128xf32, #tpu.memory_space<vmem>> -> memref<1x64x128xf32, #tpu.memory_space<vmem>>
      %dma_wait3A_485 = tpu.memref_squeeze %dma_wait3A_484 : memref<1x64x128xf32, #tpu.memory_space<vmem>> -> memref<64x128xf32, #tpu.memory_space<vmem>>
      tpu.wait_dma2 semaphore(%run_scoped3A_461 : memref<!tpu.dma_semaphore, #tpu.memory_space<semaphore_mem>>) src(%dma_wait3A_485 : memref<64x128xf32, #tpu.memory_space<vmem>>) dst(%dma_wait3A_481 : memref<64x128xf32, #tpu.memory_space<vmem_shared>>)
      tpu.yield
    }) : () -> ()
    %mul3A_52 = arith.constant 640 : i32
    %mul3A_53 = arith.muli %arg1, %mul3A_52 : i32
    %add3A_54 = arith.constant 512 : i32
    %add3A_55 = arith.addi %mul3A_53, %add3A_54 : i32
    %run_scoped3A_56 = arith.constant 0 : i32
    "tpu.region"() ({
      %run_scoped3A_461 = tpu.sem_alloc : memref<!tpu.dma_semaphore, #tpu.memory_space<semaphore_mem>>
      %dma_start3A_462 = arith.constant 0 : i32
      %dma_start3A_463 = arith.constant 0 : i32
      %dma_start3A_464 = tpu.memref_slice %arg14[%run_scoped3A_56, %dma_start3A_462, %dma_start3A_463] : memref<4x64x128xf32, #tpu.memory_space<vmem>> -> memref<1x64x128xf32, #tpu.memory_space<vmem>>
      %dma_start3A_465 = tpu.memref_squeeze %dma_start3A_464 : memref<1x64x128xf32, #tpu.memory_space<vmem>> -> memref<64x128xf32, #tpu.memory_space<vmem>>
      %dma_start3A_466 = arith.constant 0 : i32
      %dma_start3A_467 = tpu.memref_slice %arg16[%add3A_55, %dma_start3A_466] : memref<10240x128xf32, #tpu.memory_space<vmem_shared>> -> memref<64x128xf32, #tpu.memory_space<vmem_shared>>
      %dma_start3A_468 = arith.constant 0 : i32
      %dma_start3A_469 = tpu.memref_slice %arg16[%add3A_55, %dma_start3A_468] : memref<10240x128xf32, #tpu.memory_space<vmem_shared>> -> memref<64x128xf32, #tpu.memory_space<vmem_shared>>
      %dma_start3A_470 = arith.constant 0 : i32
      %dma_start3A_471 = arith.constant 0 : i32
      %dma_start3A_472 = tpu.memref_slice %arg14[%run_scoped3A_56, %dma_start3A_470, %dma_start3A_471] : memref<4x64x128xf32, #tpu.memory_space<vmem>> -> memref<1x64x128xf32, #tpu.memory_space<vmem>>
      %dma_start3A_473 = tpu.memref_squeeze %dma_start3A_472 : memref<1x64x128xf32, #tpu.memory_space<vmem>> -> memref<64x128xf32, #tpu.memory_space<vmem>>
      tpu.enqueue_dma source(%dma_start3A_473 : memref<64x128xf32, #tpu.memory_space<vmem>>) target(%dma_start3A_469 : memref<64x128xf32, #tpu.memory_space<vmem_shared>>) target_semaphore(%run_scoped3A_461 : memref<!tpu.dma_semaphore, #tpu.memory_space<semaphore_mem>>)
      %dma_wait3A_474 = arith.constant 0 : i32
      %dma_wait3A_475 = arith.constant 0 : i32
      %dma_wait3A_476 = tpu.memref_slice %arg14[%run_scoped3A_56, %dma_wait3A_474, %dma_wait3A_475] : memref<4x64x128xf32, #tpu.memory_space<vmem>> -> memref<1x64x128xf32, #tpu.memory_space<vmem>>
      %dma_wait3A_477 = tpu.memref_squeeze %dma_wait3A_476 : memref<1x64x128xf32, #tpu.memory_space<vmem>> -> memref<64x128xf32, #tpu.memory_space<vmem>>
      %dma_wait3A_478 = arith.constant 0 : i32
      %dma_wait3A_479 = tpu.memref_slice %arg16[%add3A_55, %dma_wait3A_478] : memref<10240x128xf32, #tpu.memory_space<vmem_shared>> -> memref<64x128xf32, #tpu.memory_space<vmem_shared>>
      %dma_wait3A_480 = arith.constant 0 : i32
      %dma_wait3A_481 = tpu.memref_slice %arg16[%add3A_55, %dma_wait3A_480] : memref<10240x128xf32, #tpu.memory_space<vmem_shared>> -> memref<64x128xf32, #tpu.memory_space<vmem_shared>>
      %dma_wait3A_482 = arith.constant 0 : i32
      %dma_wait3A_483 = arith.constant 0 : i32
      %dma_wait3A_484 = tpu.memref_slice %arg14[%run_scoped3A_56, %dma_wait3A_482, %dma_wait3A_483] : memref<4x64x128xf32, #tpu.memory_space<vmem>> -> memref<1x64x128xf32, #tpu.memory_space<vmem>>
      %dma_wait3A_485 = tpu.memref_squeeze %dma_wait3A_484 : memref<1x64x128xf32, #tpu.memory_space<vmem>> -> memref<64x128xf32, #tpu.memory_space<vmem>>
      tpu.wait_dma2 semaphore(%run_scoped3A_461 : memref<!tpu.dma_semaphore, #tpu.memory_space<semaphore_mem>>) src(%dma_wait3A_485 : memref<64x128xf32, #tpu.memory_space<vmem>>) dst(%dma_wait3A_481 : memref<64x128xf32, #tpu.memory_space<vmem_shared>>)
      tpu.yield
    }) : () -> ()
    %mul3A_57 = arith.constant 640 : i32
    %mul3A_58 = arith.muli %arg1, %mul3A_57 : i32
    %add3A_59 = arith.constant 576 : i32
    %add3A_60 = arith.addi %mul3A_58, %add3A_59 : i32
    %run_scoped3A_61 = arith.constant 0 : i32
    "tpu.region"() ({
      %run_scoped3A_461 = tpu.sem_alloc : memref<!tpu.dma_semaphore, #tpu.memory_space<semaphore_mem>>
      %dma_start3A_462 = arith.constant 0 : i32
      %dma_start3A_463 = arith.constant 0 : i32
      %dma_start3A_464 = tpu.memref_slice %arg14[%run_scoped3A_61, %dma_start3A_462, %dma_start3A_463] : memref<4x64x128xf32, #tpu.memory_space<vmem>> -> memref<1x64x128xf32, #tpu.memory_space<vmem>>
      %dma_start3A_465 = tpu.memref_squeeze %dma_start3A_464 : memref<1x64x128xf32, #tpu.memory_space<vmem>> -> memref<64x128xf32, #tpu.memory_space<vmem>>
      %dma_start3A_466 = arith.constant 0 : i32
      %dma_start3A_467 = tpu.memref_slice %arg16[%add3A_60, %dma_start3A_466] : memref<10240x128xf32, #tpu.memory_space<vmem_shared>> -> memref<64x128xf32, #tpu.memory_space<vmem_shared>>
      %dma_start3A_468 = arith.constant 0 : i32
      %dma_start3A_469 = tpu.memref_slice %arg16[%add3A_60, %dma_start3A_468] : memref<10240x128xf32, #tpu.memory_space<vmem_shared>> -> memref<64x128xf32, #tpu.memory_space<vmem_shared>>
      %dma_start3A_470 = arith.constant 0 : i32
      %dma_start3A_471 = arith.constant 0 : i32
      %dma_start3A_472 = tpu.memref_slice %arg14[%run_scoped3A_61, %dma_start3A_470, %dma_start3A_471] : memref<4x64x128xf32, #tpu.memory_space<vmem>> -> memref<1x64x128xf32, #tpu.memory_space<vmem>>
      %dma_start3A_473 = tpu.memref_squeeze %dma_start3A_472 : memref<1x64x128xf32, #tpu.memory_space<vmem>> -> memref<64x128xf32, #tpu.memory_space<vmem>>
      tpu.enqueue_dma source(%dma_start3A_473 : memref<64x128xf32, #tpu.memory_space<vmem>>) target(%dma_start3A_469 : memref<64x128xf32, #tpu.memory_space<vmem_shared>>) target_semaphore(%run_scoped3A_461 : memref<!tpu.dma_semaphore, #tpu.memory_space<semaphore_mem>>)
      %dma_wait3A_474 = arith.constant 0 : i32
      %dma_wait3A_475 = arith.constant 0 : i32
      %dma_wait3A_476 = tpu.memref_slice %arg14[%run_scoped3A_61, %dma_wait3A_474, %dma_wait3A_475] : memref<4x64x128xf32, #tpu.memory_space<vmem>> -> memref<1x64x128xf32, #tpu.memory_space<vmem>>
      %dma_wait3A_477 = tpu.memref_squeeze %dma_wait3A_476 : memref<1x64x128xf32, #tpu.memory_space<vmem>> -> memref<64x128xf32, #tpu.memory_space<vmem>>
      %dma_wait3A_478 = arith.constant 0 : i32
      %dma_wait3A_479 = tpu.memref_slice %arg16[%add3A_60, %dma_wait3A_478] : memref<10240x128xf32, #tpu.memory_space<vmem_shared>> -> memref<64x128xf32, #tpu.memory_space<vmem_shared>>
      %dma_wait3A_480 = arith.constant 0 : i32
      %dma_wait3A_481 = tpu.memref_slice %arg16[%add3A_60, %dma_wait3A_480] : memref<10240x128xf32, #tpu.memory_space<vmem_shared>> -> memref<64x128xf32, #tpu.memory_space<vmem_shared>>
      %dma_wait3A_482 = arith.constant 0 : i32
      %dma_wait3A_483 = arith.constant 0 : i32
      %dma_wait3A_484 = tpu.memref_slice %arg14[%run_scoped3A_61, %dma_wait3A_482, %dma_wait3A_483] : memref<4x64x128xf32, #tpu.memory_space<vmem>> -> memref<1x64x128xf32, #tpu.memory_space<vmem>>
      %dma_wait3A_485 = tpu.memref_squeeze %dma_wait3A_484 : memref<1x64x128xf32, #tpu.memory_space<vmem>> -> memref<64x128xf32, #tpu.memory_space<vmem>>
      tpu.wait_dma2 semaphore(%run_scoped3A_461 : memref<!tpu.dma_semaphore, #tpu.memory_space<semaphore_mem>>) src(%dma_wait3A_485 : memref<64x128xf32, #tpu.memory_space<vmem>>) dst(%dma_wait3A_481 : memref<64x128xf32, #tpu.memory_space<vmem_shared>>)
      tpu.yield
    }) : () -> ()
    %mul3A_62 = arith.constant 640 : i32
    %mul3A_63 = arith.muli %arg1, %mul3A_62 : i32
    "tpu.region"() ({
      %run_scoped3A_461 = tpu.sem_alloc : memref<!tpu.dma_semaphore, #tpu.memory_space<semaphore_mem>>
      %dma_start3A_462 = tpu.memref_slice %arg17[%mul3A_63] : memref<10240xf32, #tpu.memory_space<vmem_shared>> -> memref<640xf32, #tpu.memory_space<vmem_shared>>
      %dma_start3A_463 = tpu.memref_slice %arg17[%mul3A_63] : memref<10240xf32, #tpu.memory_space<vmem_shared>> -> memref<640xf32, #tpu.memory_space<vmem_shared>>
      tpu.enqueue_dma source(%arg15 : memref<640xf32, #tpu.memory_space<vmem>>) target(%dma_start3A_463 : memref<640xf32, #tpu.memory_space<vmem_shared>>) target_semaphore(%run_scoped3A_461 : memref<!tpu.dma_semaphore, #tpu.memory_space<semaphore_mem>>)
      %dma_wait3A_464 = tpu.memref_slice %arg17[%mul3A_63] : memref<10240xf32, #tpu.memory_space<vmem_shared>> -> memref<640xf32, #tpu.memory_space<vmem_shared>>
      %dma_wait3A_465 = tpu.memref_slice %arg17[%mul3A_63] : memref<10240xf32, #tpu.memory_space<vmem_shared>> -> memref<640xf32, #tpu.memory_space<vmem_shared>>
      tpu.wait_dma2 semaphore(%run_scoped3A_461 : memref<!tpu.dma_semaphore, #tpu.memory_space<semaphore_mem>>) src(%arg15 : memref<640xf32, #tpu.memory_space<vmem>>) dst(%dma_wait3A_465 : memref<640xf32, #tpu.memory_space<vmem_shared>>)
      tpu.yield
    }) : () -> ()
    %barrier3A = arith.constant 0 : index
    tpu.barrier barrier_id(%barrier3A)
    %dma_start3A = arith.constant 0 : i32
    %dma_start3A_64 = arith.constant 0 : i32
    %dma_start3A_65 = arith.constant 0 : i32
    %dma_start3A_66 = tpu.memref_slice %arg8[%dma_start3A_64, %dma_start3A_65] : memref<8x64xi32, #tpu.memory_space<vmem>> -> memref<1x64xi32, #tpu.memory_space<vmem>>
    %dma_start3A_67 = tpu.memref_squeeze %dma_start3A_66 : memref<1x64xi32, #tpu.memory_space<vmem>> -> memref<64xi32, #tpu.memory_space<vmem>>
    %dma_start3A_68 = arith.constant 0 : i32
    %dma_start3A_69 = tpu.memref_slice %arg5[%add3A, %dma_start3A, %dma_start3A_68] : memref<32x162x64xi32, #tpu.memory_space<hbm>> -> memref<1x1x64xi32, #tpu.memory_space<hbm>>
    %dma_start3A_70 = tpu.memref_squeeze %dma_start3A_69 : memref<1x1x64xi32, #tpu.memory_space<hbm>> -> memref<64xi32, #tpu.memory_space<hbm>>
    %dma_start3A_71 = arith.constant 0 : i32
    %dma_start3A_72 = tpu.memref_slice %arg8[%dma_start3A_64, %dma_start3A_71] : memref<8x64xi32, #tpu.memory_space<vmem>> -> memref<1x64xi32, #tpu.memory_space<vmem>>
    %dma_start3A_73 = tpu.memref_squeeze %dma_start3A_72 : memref<1x64xi32, #tpu.memory_space<vmem>> -> memref<64xi32, #tpu.memory_space<vmem>>
    %dma_start3A_74 = arith.constant 0 : i32
    %dma_start3A_75 = tpu.memref_slice %arg5[%add3A, %dma_start3A, %dma_start3A_74] : memref<32x162x64xi32, #tpu.memory_space<hbm>> -> memref<1x1x64xi32, #tpu.memory_space<hbm>>
    %dma_start3A_76 = tpu.memref_squeeze %dma_start3A_75 : memref<1x1x64xi32, #tpu.memory_space<hbm>> -> memref<64xi32, #tpu.memory_space<hbm>>
    tpu.enqueue_dma source(%dma_start3A_76 : memref<64xi32, #tpu.memory_space<hbm>>) target(%dma_start3A_73 : memref<64xi32, #tpu.memory_space<vmem>>) target_semaphore(%arg20 : memref<!tpu.dma_semaphore, #tpu.memory_space<semaphore_mem>>)
    %dma_start3A_77 = arith.constant 1 : i32
    %dma_start3A_78 = arith.constant 1 : i32
    %dma_start3A_79 = arith.constant 0 : i32
    %dma_start3A_80 = tpu.memref_slice %arg8[%dma_start3A_78, %dma_start3A_79] : memref<8x64xi32, #tpu.memory_space<vmem>> -> memref<1x64xi32, #tpu.memory_space<vmem>>
    %dma_start3A_81 = tpu.memref_squeeze %dma_start3A_80 : memref<1x64xi32, #tpu.memory_space<vmem>> -> memref<64xi32, #tpu.memory_space<vmem>>
    %dma_start3A_82 = arith.constant 0 : i32
    %dma_start3A_83 = tpu.memref_slice %arg5[%add3A, %dma_start3A_77, %dma_start3A_82] : memref<32x162x64xi32, #tpu.memory_space<hbm>> -> memref<1x1x64xi32, #tpu.memory_space<hbm>>
    %dma_start3A_84 = tpu.memref_squeeze %dma_start3A_83 : memref<1x1x64xi32, #tpu.memory_space<hbm>> -> memref<64xi32, #tpu.memory_space<hbm>>
    %dma_start3A_85 = arith.constant 0 : i32
    %dma_start3A_86 = tpu.memref_slice %arg8[%dma_start3A_78, %dma_start3A_85] : memref<8x64xi32, #tpu.memory_space<vmem>> -> memref<1x64xi32, #tpu.memory_space<vmem>>
    %dma_start3A_87 = tpu.memref_squeeze %dma_start3A_86 : memref<1x64xi32, #tpu.memory_space<vmem>> -> memref<64xi32, #tpu.memory_space<vmem>>
    %dma_start3A_88 = arith.constant 0 : i32
    %dma_start3A_89 = tpu.memref_slice %arg5[%add3A, %dma_start3A_77, %dma_start3A_88] : memref<32x162x64xi32, #tpu.memory_space<hbm>> -> memref<1x1x64xi32, #tpu.memory_space<hbm>>
    %dma_start3A_90 = tpu.memref_squeeze %dma_start3A_89 : memref<1x1x64xi32, #tpu.memory_space<hbm>> -> memref<64xi32, #tpu.memory_space<hbm>>
    tpu.enqueue_dma source(%dma_start3A_90 : memref<64xi32, #tpu.memory_space<hbm>>) target(%dma_start3A_87 : memref<64xi32, #tpu.memory_space<vmem>>) target_semaphore(%arg20 : memref<!tpu.dma_semaphore, #tpu.memory_space<semaphore_mem>>)
    %dma_start3A_91 = arith.constant 2 : i32
    %dma_start3A_92 = arith.constant 2 : i32
    %dma_start3A_93 = arith.constant 0 : i32
    %dma_start3A_94 = tpu.memref_slice %arg8[%dma_start3A_92, %dma_start3A_93] : memref<8x64xi32, #tpu.memory_space<vmem>> -> memref<1x64xi32, #tpu.memory_space<vmem>>
    %dma_start3A_95 = tpu.memref_squeeze %dma_start3A_94 : memref<1x64xi32, #tpu.memory_space<vmem>> -> memref<64xi32, #tpu.memory_space<vmem>>
    %dma_start3A_96 = arith.constant 0 : i32
    %dma_start3A_97 = tpu.memref_slice %arg5[%add3A, %dma_start3A_91, %dma_start3A_96] : memref<32x162x64xi32, #tpu.memory_space<hbm>> -> memref<1x1x64xi32, #tpu.memory_space<hbm>>
    %dma_start3A_98 = tpu.memref_squeeze %dma_start3A_97 : memref<1x1x64xi32, #tpu.memory_space<hbm>> -> memref<64xi32, #tpu.memory_space<hbm>>
    %dma_start3A_99 = arith.constant 0 : i32
    %dma_start3A_100 = tpu.memref_slice %arg8[%dma_start3A_92, %dma_start3A_99] : memref<8x64xi32, #tpu.memory_space<vmem>> -> memref<1x64xi32, #tpu.memory_space<vmem>>
    %dma_start3A_101 = tpu.memref_squeeze %dma_start3A_100 : memref<1x64xi32, #tpu.memory_space<vmem>> -> memref<64xi32, #tpu.memory_space<vmem>>
    %dma_start3A_102 = arith.constant 0 : i32
    %dma_start3A_103 = tpu.memref_slice %arg5[%add3A, %dma_start3A_91, %dma_start3A_102] : memref<32x162x64xi32, #tpu.memory_space<hbm>> -> memref<1x1x64xi32, #tpu.memory_space<hbm>>
    %dma_start3A_104 = tpu.memref_squeeze %dma_start3A_103 : memref<1x1x64xi32, #tpu.memory_space<hbm>> -> memref<64xi32, #tpu.memory_space<hbm>>
    tpu.enqueue_dma source(%dma_start3A_104 : memref<64xi32, #tpu.memory_space<hbm>>) target(%dma_start3A_101 : memref<64xi32, #tpu.memory_space<vmem>>) target_semaphore(%arg20 : memref<!tpu.dma_semaphore, #tpu.memory_space<semaphore_mem>>)
    %dma_start3A_105 = arith.constant 3 : i32
    %dma_start3A_106 = arith.constant 3 : i32
    %dma_start3A_107 = arith.constant 0 : i32
    %dma_start3A_108 = tpu.memref_slice %arg8[%dma_start3A_106, %dma_start3A_107] : memref<8x64xi32, #tpu.memory_space<vmem>> -> memref<1x64xi32, #tpu.memory_space<vmem>>
    %dma_start3A_109 = tpu.memref_squeeze %dma_start3A_108 : memref<1x64xi32, #tpu.memory_space<vmem>> -> memref<64xi32, #tpu.memory_space<vmem>>
    %dma_start3A_110 = arith.constant 0 : i32
    %dma_start3A_111 = tpu.memref_slice %arg5[%add3A, %dma_start3A_105, %dma_start3A_110] : memref<32x162x64xi32, #tpu.memory_space<hbm>> -> memref<1x1x64xi32, #tpu.memory_space<hbm>>
    %dma_start3A_112 = tpu.memref_squeeze %dma_start3A_111 : memref<1x1x64xi32, #tpu.memory_space<hbm>> -> memref<64xi32, #tpu.memory_space<hbm>>
    %dma_start3A_113 = arith.constant 0 : i32
    %dma_start3A_114 = tpu.memref_slice %arg8[%dma_start3A_106, %dma_start3A_113] : memref<8x64xi32, #tpu.memory_space<vmem>> -> memref<1x64xi32, #tpu.memory_space<vmem>>
    %dma_start3A_115 = tpu.memref_squeeze %dma_start3A_114 : memref<1x64xi32, #tpu.memory_space<vmem>> -> memref<64xi32, #tpu.memory_space<vmem>>
    %dma_start3A_116 = arith.constant 0 : i32
    %dma_start3A_117 = tpu.memref_slice %arg5[%add3A, %dma_start3A_105, %dma_start3A_116] : memref<32x162x64xi32, #tpu.memory_space<hbm>> -> memref<1x1x64xi32, #tpu.memory_space<hbm>>
    %dma_start3A_118 = tpu.memref_squeeze %dma_start3A_117 : memref<1x1x64xi32, #tpu.memory_space<hbm>> -> memref<64xi32, #tpu.memory_space<hbm>>
    tpu.enqueue_dma source(%dma_start3A_118 : memref<64xi32, #tpu.memory_space<hbm>>) target(%dma_start3A_115 : memref<64xi32, #tpu.memory_space<vmem>>) target_semaphore(%arg20 : memref<!tpu.dma_semaphore, #tpu.memory_space<semaphore_mem>>)
    %dma_start3A_119 = arith.constant 4 : i32
    %dma_start3A_120 = arith.constant 4 : i32
    %dma_start3A_121 = arith.constant 0 : i32
    %dma_start3A_122 = tpu.memref_slice %arg8[%dma_start3A_120, %dma_start3A_121] : memref<8x64xi32, #tpu.memory_space<vmem>> -> memref<1x64xi32, #tpu.memory_space<vmem>>
    %dma_start3A_123 = tpu.memref_squeeze %dma_start3A_122 : memref<1x64xi32, #tpu.memory_space<vmem>> -> memref<64xi32, #tpu.memory_space<vmem>>
    %dma_start3A_124 = arith.constant 0 : i32
    %dma_start3A_125 = tpu.memref_slice %arg5[%add3A, %dma_start3A_119, %dma_start3A_124] : memref<32x162x64xi32, #tpu.memory_space<hbm>> -> memref<1x1x64xi32, #tpu.memory_space<hbm>>
    %dma_start3A_126 = tpu.memref_squeeze %dma_start3A_125 : memref<1x1x64xi32, #tpu.memory_space<hbm>> -> memref<64xi32, #tpu.memory_space<hbm>>
    %dma_start3A_127 = arith.constant 0 : i32
    %dma_start3A_128 = tpu.memref_slice %arg8[%dma_start3A_120, %dma_start3A_127] : memref<8x64xi32, #tpu.memory_space<vmem>> -> memref<1x64xi32, #tpu.memory_space<vmem>>
    %dma_start3A_129 = tpu.memref_squeeze %dma_start3A_128 : memref<1x64xi32, #tpu.memory_space<vmem>> -> memref<64xi32, #tpu.memory_space<vmem>>
    %dma_start3A_130 = arith.constant 0 : i32
    %dma_start3A_131 = tpu.memref_slice %arg5[%add3A, %dma_start3A_119, %dma_start3A_130] : memref<32x162x64xi32, #tpu.memory_space<hbm>> -> memref<1x1x64xi32, #tpu.memory_space<hbm>>
    %dma_start3A_132 = tpu.memref_squeeze %dma_start3A_131 : memref<1x1x64xi32, #tpu.memory_space<hbm>> -> memref<64xi32, #tpu.memory_space<hbm>>
    tpu.enqueue_dma source(%dma_start3A_132 : memref<64xi32, #tpu.memory_space<hbm>>) target(%dma_start3A_129 : memref<64xi32, #tpu.memory_space<vmem>>) target_semaphore(%arg20 : memref<!tpu.dma_semaphore, #tpu.memory_space<semaphore_mem>>)
    %dma_start3A_133 = arith.constant 5 : i32
    %dma_start3A_134 = arith.constant 5 : i32
    %dma_start3A_135 = arith.constant 0 : i32
    %dma_start3A_136 = tpu.memref_slice %arg8[%dma_start3A_134, %dma_start3A_135] : memref<8x64xi32, #tpu.memory_space<vmem>> -> memref<1x64xi32, #tpu.memory_space<vmem>>
    %dma_start3A_137 = tpu.memref_squeeze %dma_start3A_136 : memref<1x64xi32, #tpu.memory_space<vmem>> -> memref<64xi32, #tpu.memory_space<vmem>>
    %dma_start3A_138 = arith.constant 0 : i32
    %dma_start3A_139 = tpu.memref_slice %arg5[%add3A, %dma_start3A_133, %dma_start3A_138] : memref<32x162x64xi32, #tpu.memory_space<hbm>> -> memref<1x1x64xi32, #tpu.memory_space<hbm>>
    %dma_start3A_140 = tpu.memref_squeeze %dma_start3A_139 : memref<1x1x64xi32, #tpu.memory_space<hbm>> -> memref<64xi32, #tpu.memory_space<hbm>>
    %dma_start3A_141 = arith.constant 0 : i32
    %dma_start3A_142 = tpu.memref_slice %arg8[%dma_start3A_134, %dma_start3A_141] : memref<8x64xi32, #tpu.memory_space<vmem>> -> memref<1x64xi32, #tpu.memory_space<vmem>>
    %dma_start3A_143 = tpu.memref_squeeze %dma_start3A_142 : memref<1x64xi32, #tpu.memory_space<vmem>> -> memref<64xi32, #tpu.memory_space<vmem>>
    %dma_start3A_144 = arith.constant 0 : i32
    %dma_start3A_145 = tpu.memref_slice %arg5[%add3A, %dma_start3A_133, %dma_start3A_144] : memref<32x162x64xi32, #tpu.memory_space<hbm>> -> memref<1x1x64xi32, #tpu.memory_space<hbm>>
    %dma_start3A_146 = tpu.memref_squeeze %dma_start3A_145 : memref<1x1x64xi32, #tpu.memory_space<hbm>> -> memref<64xi32, #tpu.memory_space<hbm>>
    tpu.enqueue_dma source(%dma_start3A_146 : memref<64xi32, #tpu.memory_space<hbm>>) target(%dma_start3A_143 : memref<64xi32, #tpu.memory_space<vmem>>) target_semaphore(%arg20 : memref<!tpu.dma_semaphore, #tpu.memory_space<semaphore_mem>>)
    %dma_start3A_147 = arith.constant 6 : i32
    %dma_start3A_148 = arith.constant 6 : i32
    %dma_start3A_149 = arith.constant 0 : i32
    %dma_start3A_150 = tpu.memref_slice %arg8[%dma_start3A_148, %dma_start3A_149] : memref<8x64xi32, #tpu.memory_space<vmem>> -> memref<1x64xi32, #tpu.memory_space<vmem>>
    %dma_start3A_151 = tpu.memref_squeeze %dma_start3A_150 : memref<1x64xi32, #tpu.memory_space<vmem>> -> memref<64xi32, #tpu.memory_space<vmem>>
    %dma_start3A_152 = arith.constant 0 : i32
    %dma_start3A_153 = tpu.memref_slice %arg5[%add3A, %dma_start3A_147, %dma_start3A_152] : memref<32x162x64xi32, #tpu.memory_space<hbm>> -> memref<1x1x64xi32, #tpu.memory_space<hbm>>
    %dma_start3A_154 = tpu.memref_squeeze %dma_start3A_153 : memref<1x1x64xi32, #tpu.memory_space<hbm>> -> memref<64xi32, #tpu.memory_space<hbm>>
    %dma_start3A_155 = arith.constant 0 : i32
    %dma_start3A_156 = tpu.memref_slice %arg8[%dma_start3A_148, %dma_start3A_155] : memref<8x64xi32, #tpu.memory_space<vmem>> -> memref<1x64xi32, #tpu.memory_space<vmem>>
    %dma_start3A_157 = tpu.memref_squeeze %dma_start3A_156 : memref<1x64xi32, #tpu.memory_space<vmem>> -> memref<64xi32, #tpu.memory_space<vmem>>
    %dma_start3A_158 = arith.constant 0 : i32
    %dma_start3A_159 = tpu.memref_slice %arg5[%add3A, %dma_start3A_147, %dma_start3A_158] : memref<32x162x64xi32, #tpu.memory_space<hbm>> -> memref<1x1x64xi32, #tpu.memory_space<hbm>>
    %dma_start3A_160 = tpu.memref_squeeze %dma_start3A_159 : memref<1x1x64xi32, #tpu.memory_space<hbm>> -> memref<64xi32, #tpu.memory_space<hbm>>
    tpu.enqueue_dma source(%dma_start3A_160 : memref<64xi32, #tpu.memory_space<hbm>>) target(%dma_start3A_157 : memref<64xi32, #tpu.memory_space<vmem>>) target_semaphore(%arg20 : memref<!tpu.dma_semaphore, #tpu.memory_space<semaphore_mem>>)
    %dma_start3A_161 = arith.constant 7 : i32
    %dma_start3A_162 = arith.constant 7 : i32
    %dma_start3A_163 = arith.constant 0 : i32
    %dma_start3A_164 = tpu.memref_slice %arg8[%dma_start3A_162, %dma_start3A_163] : memref<8x64xi32, #tpu.memory_space<vmem>> -> memref<1x64xi32, #tpu.memory_space<vmem>>
    %dma_start3A_165 = tpu.memref_squeeze %dma_start3A_164 : memref<1x64xi32, #tpu.memory_space<vmem>> -> memref<64xi32, #tpu.memory_space<vmem>>
    %dma_start3A_166 = arith.constant 0 : i32
    %dma_start3A_167 = tpu.memref_slice %arg5[%add3A, %dma_start3A_161, %dma_start3A_166] : memref<32x162x64xi32, #tpu.memory_space<hbm>> -> memref<1x1x64xi32, #tpu.memory_space<hbm>>
    %dma_start3A_168 = tpu.memref_squeeze %dma_start3A_167 : memref<1x1x64xi32, #tpu.memory_space<hbm>> -> memref<64xi32, #tpu.memory_space<hbm>>
    %dma_start3A_169 = arith.constant 0 : i32
    %dma_start3A_170 = tpu.memref_slice %arg8[%dma_start3A_162, %dma_start3A_169] : memref<8x64xi32, #tpu.memory_space<vmem>> -> memref<1x64xi32, #tpu.memory_space<vmem>>
    %dma_start3A_171 = tpu.memref_squeeze %dma_start3A_170 : memref<1x64xi32, #tpu.memory_space<vmem>> -> memref<64xi32, #tpu.memory_space<vmem>>
    %dma_start3A_172 = arith.constant 0 : i32
    %dma_start3A_173 = tpu.memref_slice %arg5[%add3A, %dma_start3A_161, %dma_start3A_172] : memref<32x162x64xi32, #tpu.memory_space<hbm>> -> memref<1x1x64xi32, #tpu.memory_space<hbm>>
    %dma_start3A_174 = tpu.memref_squeeze %dma_start3A_173 : memref<1x1x64xi32, #tpu.memory_space<hbm>> -> memref<64xi32, #tpu.memory_space<hbm>>
    tpu.enqueue_dma source(%dma_start3A_174 : memref<64xi32, #tpu.memory_space<hbm>>) target(%dma_start3A_171 : memref<64xi32, #tpu.memory_space<vmem>>) target_semaphore(%arg20 : memref<!tpu.dma_semaphore, #tpu.memory_space<semaphore_mem>>)
    %dma_wait3A = arith.constant 0 : i32
    %dma_wait3A_175 = arith.constant 0 : i32
    %dma_wait3A_176 = arith.constant 0 : i32
    %dma_wait3A_177 = tpu.memref_slice %arg8[%dma_wait3A_175, %dma_wait3A_176] : memref<8x64xi32, #tpu.memory_space<vmem>> -> memref<1x64xi32, #tpu.memory_space<vmem>>
    %dma_wait3A_178 = tpu.memref_squeeze %dma_wait3A_177 : memref<1x64xi32, #tpu.memory_space<vmem>> -> memref<64xi32, #tpu.memory_space<vmem>>
    %dma_wait3A_179 = arith.constant 0 : i32
    %dma_wait3A_180 = tpu.memref_slice %arg5[%add3A, %dma_wait3A, %dma_wait3A_179] : memref<32x162x64xi32, #tpu.memory_space<hbm>> -> memref<1x1x64xi32, #tpu.memory_space<hbm>>
    %dma_wait3A_181 = tpu.memref_squeeze %dma_wait3A_180 : memref<1x1x64xi32, #tpu.memory_space<hbm>> -> memref<64xi32, #tpu.memory_space<hbm>>
    %dma_wait3A_182 = arith.constant 0 : i32
    %dma_wait3A_183 = tpu.memref_slice %arg8[%dma_wait3A_175, %dma_wait3A_182] : memref<8x64xi32, #tpu.memory_space<vmem>> -> memref<1x64xi32, #tpu.memory_space<vmem>>
    %dma_wait3A_184 = tpu.memref_squeeze %dma_wait3A_183 : memref<1x64xi32, #tpu.memory_space<vmem>> -> memref<64xi32, #tpu.memory_space<vmem>>
    %dma_wait3A_185 = arith.constant 0 : i32
    %dma_wait3A_186 = tpu.memref_slice %arg5[%add3A, %dma_wait3A, %dma_wait3A_185] : memref<32x162x64xi32, #tpu.memory_space<hbm>> -> memref<1x1x64xi32, #tpu.memory_space<hbm>>
    %dma_wait3A_187 = tpu.memref_squeeze %dma_wait3A_186 : memref<1x1x64xi32, #tpu.memory_space<hbm>> -> memref<64xi32, #tpu.memory_space<hbm>>
    tpu.wait_dma2 semaphore(%arg20 : memref<!tpu.dma_semaphore, #tpu.memory_space<semaphore_mem>>) src(%dma_wait3A_187 : memref<64xi32, #tpu.memory_space<hbm>>) dst(%dma_wait3A_184 : memref<64xi32, #tpu.memory_space<vmem>>)
    %get3A = arith.constant 0 : i32
    %get3A_188 = arith.index_cast %get3A : i32 to index
    %get3A_189 = arith.constant 0 : index
    %get3A_190 = tpu.vector_load %arg8[%get3A_188, %get3A_189] {strides = array<i32>} : memref<8x64xi32, #tpu.memory_space<vmem>>, vector<16xi32>,
    %and3A = arith.constant 65535 : i32
    %and3A_191 = vector.broadcast %and3A : i32 to vector<16xi32>
    %and3A_192 = arith.andi %get3A_190, %and3A_191 : vector<16xi32>
    %swap3A = arith.constant 0 : i32
    %swap3A_193 = arith.index_cast %swap3A : i32 to index
    %swap3A_194 = arith.constant 0 : index
    %swap3A_195 = tpu.vector_load %arg9[%swap3A_193, %swap3A_194] {strides = array<i32>} : memref<4x64xi32, #tpu.memory_space<vmem>>, vector<16xi32>,
    tpu.vector_store %arg9[%swap3A_193, %swap3A_194], %and3A_192 {strides = array<i32>} : memref<4x64xi32, #tpu.memory_space<vmem>>, vector<16xi32>,
    %shift_right_logical3A = arith.constant 16 : i32
    %shift_right_logical3A_196 = vector.broadcast %shift_right_logical3A : i32 to vector<16xi32>
    %shift_right_logical3A_197 = arith.shrui %get3A_190, %shift_right_logical3A_196 : vector<16xi32>
    %swap3A_198 = arith.constant 0 : i32
    %swap3A_199 = arith.index_cast %swap3A_198 : i32 to index
    %swap3A_200 = arith.constant 0 : index
    %swap3A_201 = tpu.vector_load %arg10[%swap3A_199, %swap3A_200] {strides = array<i32>} : memref<4x64xi32, #tpu.memory_space<vmem>>, vector<16xi32>,
    tpu.vector_store %arg10[%swap3A_199, %swap3A_200], %shift_right_logical3A_197 {strides = array<i32>} : memref<4x64xi32, #tpu.memory_space<vmem>>, vector<16xi32>,
    %get3A_202 = arith.constant 0 : i32
    %get3A_203 = arith.index_cast %get3A_202 : i32 to index
    %get3A_204 = arith.constant 16 : index
    %get3A_205 = tpu.vector_load %arg8[%get3A_203, %get3A_204] {strides = array<i32>} : memref<8x64xi32, #tpu.memory_space<vmem>>, vector<16xi32>,
    %and3A_206 = arith.constant 65535 : i32
    %and3A_207 = vector.broadcast %and3A_206 : i32 to vector<16xi32>
    %and3A_208 = arith.andi %get3A_205, %and3A_207 : vector<16xi32>
    %swap3A_209 = arith.constant 0 : i32
    %swap3A_210 = arith.index_cast %swap3A_209 : i32 to index
    %swap3A_211 = arith.constant 16 : index
    %swap3A_212 = tpu.vector_load %arg9[%swap3A_210, %swap3A_211] {strides = array<i32>} : memref<4x64xi32, #tpu.memory_space<vmem>>, vector<16xi32>,
    tpu.vector_store %arg9[%swap3A_210, %swap3A_211], %and3A_208 {strides = array<i32>} : memref<4x64xi32, #tpu.memory_space<vmem>>, vector<16xi32>,
    %shift_right_logical3A_213 = arith.constant 16 : i32
    %shift_right_logical3A_214 = vector.broadcast %shift_right_logical3A_213 : i32 to vector<16xi32>
    %shift_right_logical3A_215 = arith.shrui %get3A_205, %shift_right_logical3A_214 : vector<16xi32>
    %swap3A_216 = arith.constant 0 : i32
    %swap3A_217 = arith.index_cast %swap3A_216 : i32 to index
    %swap3A_218 = arith.constant 16 : index
    %swap3A_219 = tpu.vector_load %arg10[%swap3A_217, %swap3A_218] {strides = array<i32>} : memref<4x64xi32, #tpu.memory_space<vmem>>, vector<16xi32>,
    tpu.vector_store %arg10[%swap3A_217, %swap3A_218], %shift_right_logical3A_215 {strides = array<i32>} : memref<4x64xi32, #tpu.memory_space<vmem>>, vector<16xi32>,
    %get3A_220 = arith.constant 0 : i32
    %get3A_221 = arith.index_cast %get3A_220 : i32 to index
    %get3A_222 = arith.constant 32 : index
    %get3A_223 = tpu.vector_load %arg8[%get3A_221, %get3A_222] {strides = array<i32>} : memref<8x64xi32, #tpu.memory_space<vmem>>, vector<16xi32>,
    %and3A_224 = arith.constant 65535 : i32
    %and3A_225 = vector.broadcast %and3A_224 : i32 to vector<16xi32>
    %and3A_226 = arith.andi %get3A_223, %and3A_225 : vector<16xi32>
    %swap3A_227 = arith.constant 0 : i32
    %swap3A_228 = arith.index_cast %swap3A_227 : i32 to index
    %swap3A_229 = arith.constant 32 : index
    %swap3A_230 = tpu.vector_load %arg9[%swap3A_228, %swap3A_229] {strides = array<i32>} : memref<4x64xi32, #tpu.memory_space<vmem>>, vector<16xi32>,
    tpu.vector_store %arg9[%swap3A_228, %swap3A_229], %and3A_226 {strides = array<i32>} : memref<4x64xi32, #tpu.memory_space<vmem>>, vector<16xi32>,
    %shift_right_logical3A_231 = arith.constant 16 : i32
    %shift_right_logical3A_232 = vector.broadcast %shift_right_logical3A_231 : i32 to vector<16xi32>
    %shift_right_logical3A_233 = arith.shrui %get3A_223, %shift_right_logical3A_232 : vector<16xi32>
    %swap3A_234 = arith.constant 0 : i32
    %swap3A_235 = arith.index_cast %swap3A_234 : i32 to index
    %swap3A_236 = arith.constant 32 : index
    %swap3A_237 = tpu.vector_load %arg10[%swap3A_235, %swap3A_236] {strides = array<i32>} : memref<4x64xi32, #tpu.memory_space<vmem>>, vector<16xi32>,
    tpu.vector_store %arg10[%swap3A_235, %swap3A_236], %shift_right_logical3A_233 {strides = array<i32>} : memref<4x64xi32, #tpu.memory_space<vmem>>, vector<16xi32>,
    %get3A_238 = arith.constant 0 : i32
    %get3A_239 = arith.index_cast %get3A_238 : i32 to index
    %get3A_240 = arith.constant 48 : index
    %get3A_241 = tpu.vector_load %arg8[%get3A_239, %get3A_240] {strides = array<i32>} : memref<8x64xi32, #tpu.memory_space<vmem>>, vector<16xi32>,
    %and3A_242 = arith.constant 65535 : i32
    %and3A_243 = vector.broadcast %and3A_242 : i32 to vector<16xi32>
    %and3A_244 = arith.andi %get3A_241, %and3A_243 : vector<16xi32>
    %swap3A_245 = arith.constant 0 : i32
    %swap3A_246 = arith.index_cast %swap3A_245 : i32 to index
    %swap3A_247 = arith.constant 48 : index
    %swap3A_248 = tpu.vector_load %arg9[%swap3A_246, %swap3A_247] {strides = array<i32>} : memref<4x64xi32, #tpu.memory_space<vmem>>, vector<16xi32>,
    tpu.vector_store %arg9[%swap3A_246, %swap3A_247], %and3A_244 {strides = array<i32>} : memref<4x64xi32, #tpu.memory_space<vmem>>, vector<16xi32>,
    %shift_right_logical3A_249 = arith.constant 16 : i32
    %shift_right_logical3A_250 = vector.broadcast %shift_right_logical3A_249 : i32 to vector<16xi32>
    %shift_right_logical3A_251 = arith.shrui %get3A_241, %shift_right_logical3A_250 : vector<16xi32>
    %swap3A_252 = arith.constant 0 : i32
    %swap3A_253 = arith.index_cast %swap3A_252 : i32 to index
    %swap3A_254 = arith.constant 48 : index
    %swap3A_255 = tpu.vector_load %arg10[%swap3A_253, %swap3A_254] {strides = array<i32>} : memref<4x64xi32, #tpu.memory_space<vmem>>, vector<16xi32>,
    tpu.vector_store %arg10[%swap3A_253, %swap3A_254], %shift_right_logical3A_251 {strides = array<i32>} : memref<4x64xi32, #tpu.memory_space<vmem>>, vector<16xi32>,
    %dma_start3A_256 = arith.constant 0 : i32
    %dma_start3A_257 = arith.constant 0 : i32
    %dma_start3A_258 = arith.constant 0 : i32
    %dma_start3A_259 = arith.constant 0 : i32
    %dma_start3A_260 = tpu.memref_slice %arg14[%dma_start3A_257, %dma_start3A_258, %dma_start3A_259] : memref<4x64x128xf32, #tpu.memory_space<vmem>> -> memref<1x64x128xf32, #tpu.memory_space<vmem>>
    %dma_start3A_261 = tpu.memref_squeeze %dma_start3A_260 : memref<1x64x128xf32, #tpu.memory_space<vmem>> -> memref<64x128xf32, #tpu.memory_space<vmem>>
    %dma_start3A_262 = arith.constant 0 : i32
    %dma_start3A_263 = tpu.memref_slice %arg9[%dma_start3A_256, %dma_start3A_262] : memref<4x64xi32, #tpu.memory_space<vmem>> -> memref<1x64xi32, #tpu.memory_space<vmem>>
    %dma_start3A_264 = tpu.memref_squeeze %dma_start3A_263 : memref<1x64xi32, #tpu.memory_space<vmem>> -> memref<64xi32, #tpu.memory_space<vmem>>
    %dma_start3A_265 = arith.constant 0 : i32
    %dma_start3A_266 = arith.constant 0 : i32
    %dma_start3A_267 = tpu.memref_slice %arg2[%dma_start3A_265, %dma_start3A_266] : memref<10240x128xf32, #tpu.memory_space<hbm>> -> memref<10240x128xf32, #tpu.memory_space<hbm>>
    tpu.enqueue_indirect_dma source(%dma_start3A_267 : memref<10240x128xf32, #tpu.memory_space<hbm>>) target(%dma_start3A_261 : memref<64x128xf32, #tpu.memory_space<vmem>>) offsets(%dma_start3A_264 : memref<64xi32, #tpu.memory_space<vmem>>) semaphore(%arg18 : memref<!tpu.dma_semaphore, #tpu.memory_space<semaphore_mem>>)
    %dma_start3A_268 = arith.constant 0 : i32
    %dma_start3A_269 = arith.constant 0 : i32
    %dma_start3A_270 = arith.constant 0 : i32
    %dma_start3A_271 = tpu.memref_slice %arg11[%dma_start3A_269, %dma_start3A_270] : memref<4x64xf32, #tpu.memory_space<vmem>> -> memref<1x64xf32, #tpu.memory_space<vmem>>
    %dma_start3A_272 = tpu.memref_squeeze %dma_start3A_271 : memref<1x64xf32, #tpu.memory_space<vmem>> -> memref<64xf32, #tpu.memory_space<vmem>>
    %dma_start3A_273 = arith.constant 0 : i32
    %dma_start3A_274 = tpu.memref_slice %arg9[%dma_start3A_268, %dma_start3A_273] : memref<4x64xi32, #tpu.memory_space<vmem>> -> memref<1x64xi32, #tpu.memory_space<vmem>>
    %dma_start3A_275 = tpu.memref_squeeze %dma_start3A_274 : memref<1x64xi32, #tpu.memory_space<vmem>> -> memref<64xi32, #tpu.memory_space<vmem>>
    %dma_start3A_276 = arith.constant 0 : i32
    %dma_start3A_277 = tpu.memref_slice %arg3[%dma_start3A_276] : memref<10240xf32, #tpu.memory_space<hbm>> -> memref<10240xf32, #tpu.memory_space<hbm>>
    tpu.enqueue_indirect_dma source(%dma_start3A_277 : memref<10240xf32, #tpu.memory_space<hbm>>) target(%dma_start3A_272 : memref<64xf32, #tpu.memory_space<vmem>>) offsets(%dma_start3A_275 : memref<64xi32, #tpu.memory_space<vmem>>) semaphore(%arg18 : memref<!tpu.dma_semaphore, #tpu.memory_space<semaphore_mem>>)
    %dma_start3A_278 = arith.constant 0 : i32
    %dma_start3A_279 = arith.constant 0 : i32
    %dma_start3A_280 = arith.constant 0 : i32
    %dma_start3A_281 = tpu.memref_slice %arg12[%dma_start3A_279, %dma_start3A_280] : memref<4x64xf32, #tpu.memory_space<vmem>> -> memref<1x64xf32, #tpu.memory_space<vmem>>
    %dma_start3A_282 = tpu.memref_squeeze %dma_start3A_281 : memref<1x64xf32, #tpu.memory_space<vmem>> -> memref<64xf32, #tpu.memory_space<vmem>>
    %dma_start3A_283 = arith.constant 0 : i32
    %dma_start3A_284 = tpu.memref_slice %arg10[%dma_start3A_278, %dma_start3A_283] : memref<4x64xi32, #tpu.memory_space<vmem>> -> memref<1x64xi32, #tpu.memory_space<vmem>>
    %dma_start3A_285 = tpu.memref_squeeze %dma_start3A_284 : memref<1x64xi32, #tpu.memory_space<vmem>> -> memref<64xi32, #tpu.memory_space<vmem>>
    %dma_start3A_286 = arith.constant 0 : i32
    %dma_start3A_287 = tpu.memref_slice %arg4[%dma_start3A_286] : memref<10240xf32, #tpu.memory_space<hbm>> -> memref<10240xf32, #tpu.memory_space<hbm>>
    tpu.enqueue_indirect_dma source(%dma_start3A_287 : memref<10240xf32, #tpu.memory_space<hbm>>) target(%dma_start3A_282 : memref<64xf32, #tpu.memory_space<vmem>>) offsets(%dma_start3A_285 : memref<64xi32, #tpu.memory_space<vmem>>) semaphore(%arg18 : memref<!tpu.dma_semaphore, #tpu.memory_space<semaphore_mem>>)
    %dma_wait3A_288 = arith.constant 1 : i32
    %dma_wait3A_289 = arith.constant 1 : i32
    %dma_wait3A_290 = arith.constant 0 : i32
    %dma_wait3A_291 = tpu.memref_slice %arg8[%dma_wait3A_289, %dma_wait3A_290] : memref<8x64xi32, #tpu.memory_space<vmem>> -> memref<1x64xi32, #tpu.memory_space<vmem>>
    %dma_wait3A_292 = tpu.memref_squeeze %dma_wait3A_291 : memref<1x64xi32, #tpu.memory_space<vmem>> -> memref<64xi32, #tpu.memory_space<vmem>>
    %dma_wait3A_293 = arith.constant 0 : i32
    %dma_wait3A_294 = tpu.memref_slice %arg5[%add3A, %dma_wait3A_288, %dma_wait3A_293] : memref<32x162x64xi32, #tpu.memory_space<hbm>> -> memref<1x1x64xi32, #tpu.memory_space<hbm>>
    %dma_wait3A_295 = tpu.memref_squeeze %dma_wait3A_294 : memref<1x1x64xi32, #tpu.memory_space<hbm>> -> memref<64xi32, #tpu.memory_space<hbm>>
    %dma_wait3A_296 = arith.constant 0 : i32
    %dma_wait3A_297 = tpu.memref_slice %arg8[%dma_wait3A_289, %dma_wait3A_296] : memref<8x64xi32, #tpu.memory_space<vmem>> -> memref<1x64xi32, #tpu.memory_space<vmem>>
    %dma_wait3A_298 = tpu.memref_squeeze %dma_wait3A_297 : memref<1x64xi32, #tpu.memory_space<vmem>> -> memref<64xi32, #tpu.memory_space<vmem>>
    %dma_wait3A_299 = arith.constant 0 : i32
    %dma_wait3A_300 = tpu.memref_slice %arg5[%add3A, %dma_wait3A_288, %dma_wait3A_299] : memref<32x162x64xi32, #tpu.memory_space<hbm>> -> memref<1x1x64xi32, #tpu.memory_space<hbm>>
    %dma_wait3A_301 = tpu.memref_squeeze %dma_wait3A_300 : memref<1x1x64xi32, #tpu.memory_space<hbm>> -> memref<64xi32, #tpu.memory_space<hbm>>
    tpu.wait_dma2 semaphore(%arg20 : memref<!tpu.dma_semaphore, #tpu.memory_space<semaphore_mem>>) src(%dma_wait3A_301 : memref<64xi32, #tpu.memory_space<hbm>>) dst(%dma_wait3A_298 : memref<64xi32, #tpu.memory_space<vmem>>)
    %get3A_302 = arith.constant 1 : i32
    %get3A_303 = arith.index_cast %get3A_302 : i32 to index
    %get3A_304 = arith.constant 0 : index
    %get3A_305 = tpu.vector_load %arg8[%get3A_303, %get3A_304] {strides = array<i32>} : memref<8x64xi32, #tpu.memory_space<vmem>>, vector<16xi32>,
    %and3A_306 = arith.constant 65535 : i32
    %and3A_307 = vector.broadcast %and3A_306 : i32 to vector<16xi32>
    %and3A_308 = arith.andi %get3A_305, %and3A_307 : vector<16xi32>
    %swap3A_309 = arith.constant 1 : i32
    %swap3A_310 = arith.index_cast %swap3A_309 : i32 to index
    %swap3A_311 = arith.constant 0 : index
    %swap3A_312 = tpu.vector_load %arg9[%swap3A_310, %swap3A_311] {strides = array<i32>} : memref<4x64xi32, #tpu.memory_space<vmem>>, vector<16xi32>,
    tpu.vector_store %arg9[%swap3A_310, %swap3A_311], %and3A_308 {strides = array<i32>} : memref<4x64xi32, #tpu.memory_space<vmem>>, vector<16xi32>,
    %shift_right_logical3A_313 = arith.constant 16 : i32
    %shift_right_logical3A_314 = vector.broadcast %shift_right_logical3A_313 : i32 to vector<16xi32>
    %shift_right_logical3A_315 = arith.shrui %get3A_305, %shift_right_logical3A_314 : vector<16xi32>
    %swap3A_316 = arith.constant 1 : i32
    %swap3A_317 = arith.index_cast %swap3A_316 : i32 to index
    %swap3A_318 = arith.constant 0 : index
    %swap3A_319 = tpu.vector_load %arg10[%swap3A_317, %swap3A_318] {strides = array<i32>} : memref<4x64xi32, #tpu.memory_space<vmem>>, vector<16xi32>,
    tpu.vector_store %arg10[%swap3A_317, %swap3A_318], %shift_right_logical3A_315 {strides = array<i32>} : memref<4x64xi32, #tpu.memory_space<vmem>>, vector<16xi32>,
    %get3A_320 = arith.constant 1 : i32
    %get3A_321 = arith.index_cast %get3A_320 : i32 to index
    %get3A_322 = arith.constant 16 : index
    %get3A_323 = tpu.vector_load %arg8[%get3A_321, %get3A_322] {strides = array<i32>} : memref<8x64xi32, #tpu.memory_space<vmem>>, vector<16xi32>,
    %and3A_324 = arith.constant 65535 : i32
    %and3A_325 = vector.broadcast %and3A_324 : i32 to vector<16xi32>
    %and3A_326 = arith.andi %get3A_323, %and3A_325 : vector<16xi32>
    %swap3A_327 = arith.constant 1 : i32
    %swap3A_328 = arith.index_cast %swap3A_327 : i32 to index
    %swap3A_329 = arith.constant 16 : index
    %swap3A_330 = tpu.vector_load %arg9[%swap3A_328, %swap3A_329] {strides = array<i32>} : memref<4x64xi32, #tpu.memory_space<vmem>>, vector<16xi32>,
    tpu.vector_store %arg9[%swap3A_328, %swap3A_329], %and3A_326 {strides = array<i32>} : memref<4x64xi32, #tpu.memory_space<vmem>>, vector<16xi32>,
    %shift_right_logical3A_331 = arith.constant 16 : i32
    %shift_right_logical3A_332 = vector.broadcast %shift_right_logical3A_331 : i32 to vector<16xi32>
    %shift_right_logical3A_333 = arith.shrui %get3A_323, %shift_right_logical3A_332 : vector<16xi32>
    %swap3A_334 = arith.constant 1 : i32
    %swap3A_335 = arith.index_cast %swap3A_334 : i32 to index
    %swap3A_336 = arith.constant 16 : index
    %swap3A_337 = tpu.vector_load %arg10[%swap3A_335, %swap3A_336] {strides = array<i32>} : memref<4x64xi32, #tpu.memory_space<vmem>>, vector<16xi32>,
    tpu.vector_store %arg10[%swap3A_335, %swap3A_336], %shift_right_logical3A_333 {strides = array<i32>} : memref<4x64xi32, #tpu.memory_space<vmem>>, vector<16xi32>,
    %get3A_338 = arith.constant 1 : i32
    %get3A_339 = arith.index_cast %get3A_338 : i32 to index
    %get3A_340 = arith.constant 32 : index
    %get3A_341 = tpu.vector_load %arg8[%get3A_339, %get3A_340] {strides = array<i32>} : memref<8x64xi32, #tpu.memory_space<vmem>>, vector<16xi32>,
    %and3A_342 = arith.constant 65535 : i32
    %and3A_343 = vector.broadcast %and3A_342 : i32 to vector<16xi32>
    %and3A_344 = arith.andi %get3A_341, %and3A_343 : vector<16xi32>
    %swap3A_345 = arith.constant 1 : i32
    %swap3A_346 = arith.index_cast %swap3A_345 : i32 to index
    %swap3A_347 = arith.constant 32 : index
    %swap3A_348 = tpu.vector_load %arg9[%swap3A_346, %swap3A_347] {strides = array<i32>} : memref<4x64xi32, #tpu.memory_space<vmem>>, vector<16xi32>,
    tpu.vector_store %arg9[%swap3A_346, %swap3A_347], %and3A_344 {strides = array<i32>} : memref<4x64xi32, #tpu.memory_space<vmem>>, vector<16xi32>,
    %shift_right_logical3A_349 = arith.constant 16 : i32
    %shift_right_logical3A_350 = vector.broadcast %shift_right_logical3A_349 : i32 to vector<16xi32>
    %shift_right_logical3A_351 = arith.shrui %get3A_341, %shift_right_logical3A_350 : vector<16xi32>
    %swap3A_352 = arith.constant 1 : i32
    %swap3A_353 = arith.index_cast %swap3A_352 : i32 to index
    %swap3A_354 = arith.constant 32 : index
    %swap3A_355 = tpu.vector_load %arg10[%swap3A_353, %swap3A_354] {strides = array<i32>} : memref<4x64xi32, #tpu.memory_space<vmem>>, vector<16xi32>,
    tpu.vector_store %arg10[%swap3A_353, %swap3A_354], %shift_right_logical3A_351 {strides = array<i32>} : memref<4x64xi32, #tpu.memory_space<vmem>>, vector<16xi32>,
    %get3A_356 = arith.constant 1 : i32
    %get3A_357 = arith.index_cast %get3A_356 : i32 to index
    %get3A_358 = arith.constant 48 : index
    %get3A_359 = tpu.vector_load %arg8[%get3A_357, %get3A_358] {strides = array<i32>} : memref<8x64xi32, #tpu.memory_space<vmem>>, vector<16xi32>,
    %and3A_360 = arith.constant 65535 : i32
    %and3A_361 = vector.broadcast %and3A_360 : i32 to vector<16xi32>
    %and3A_362 = arith.andi %get3A_359, %and3A_361 : vector<16xi32>
    %swap3A_363 = arith.constant 1 : i32
    %swap3A_364 = arith.index_cast %swap3A_363 : i32 to index
    %swap3A_365 = arith.constant 48 : index
    %swap3A_366 = tpu.vector_load %arg9[%swap3A_364, %swap3A_365] {strides = array<i32>} : memref<4x64xi32, #tpu.memory_space<vmem>>, vector<16xi32>,
    tpu.vector_store %arg9[%swap3A_364, %swap3A_365], %and3A_362 {strides = array<i32>} : memref<4x64xi32, #tpu.memory_space<vmem>>, vector<16xi32>,
    %shift_right_logical3A_367 = arith.constant 16 : i32
    %shift_right_logical3A_368 = vector.broadcast %shift_right_logical3A_367 : i32 to vector<16xi32>
    %shift_right_logical3A_369 = arith.shrui %get3A_359, %shift_right_logical3A_368 : vector<16xi32>
    %swap3A_370 = arith.constant 1 : i32
    %swap3A_371 = arith.index_cast %swap3A_370 : i32 to index
    %swap3A_372 = arith.constant 48 : index
    %swap3A_373 = tpu.vector_load %arg10[%swap3A_371, %swap3A_372] {strides = array<i32>} : memref<4x64xi32, #tpu.memory_space<vmem>>, vector<16xi32>,
    tpu.vector_store %arg10[%swap3A_371, %swap3A_372], %shift_right_logical3A_369 {strides = array<i32>} : memref<4x64xi32, #tpu.memory_space<vmem>>, vector<16xi32>,
    %dma_start3A_374 = arith.constant 1 : i32
    %dma_start3A_375 = arith.constant 1 : i32
    %dma_start3A_376 = arith.constant 0 : i32
    %dma_start3A_377 = arith.constant 0 : i32
    %dma_start3A_378 = tpu.memref_slice %arg14[%dma_start3A_375, %dma_start3A_376, %dma_start3A_377] : memref<4x64x128xf32, #tpu.memory_space<vmem>> -> memref<1x64x128xf32, #tpu.memory_space<vmem>>
    %dma_start3A_379 = tpu.memref_squeeze %dma_start3A_378 : memref<1x64x128xf32, #tpu.memory_space<vmem>> -> memref<64x128xf32, #tpu.memory_space<vmem>>
    %dma_start3A_380 = arith.constant 0 : i32
    %dma_start3A_381 = tpu.memref_slice %arg9[%dma_start3A_374, %dma_start3A_380] : memref<4x64xi32, #tpu.memory_space<vmem>> -> memref<1x64xi32, #tpu.memory_space<vmem>>
    %dma_start3A_382 = tpu.memref_squeeze %dma_start3A_381 : memref<1x64xi32, #tpu.memory_space<vmem>> -> memref<64xi32, #tpu.memory_space<vmem>>
    %dma_start3A_383 = arith.constant 0 : i32
    %dma_start3A_384 = arith.constant 0 : i32
    %dma_start3A_385 = tpu.memref_slice %arg2[%dma_start3A_383, %dma_start3A_384] : memref<10240x128xf32, #tpu.memory_space<hbm>> -> memref<10240x128xf32, #tpu.memory_space<hbm>>
    tpu.enqueue_indirect_dma source(%dma_start3A_385 : memref<10240x128xf32, #tpu.memory_space<hbm>>) target(%dma_start3A_379 : memref<64x128xf32, #tpu.memory_space<vmem>>) offsets(%dma_start3A_382 : memref<64xi32, #tpu.memory_space<vmem>>) semaphore(%arg18 : memref<!tpu.dma_semaphore, #tpu.memory_space<semaphore_mem>>)
    %dma_start3A_386 = arith.constant 1 : i32
    %dma_start3A_387 = arith.constant 1 : i32
    %dma_start3A_388 = arith.constant 0 : i32
    %dma_start3A_389 = tpu.memref_slice %arg11[%dma_start3A_387, %dma_start3A_388] : memref<4x64xf32, #tpu.memory_space<vmem>> -> memref<1x64xf32, #tpu.memory_space<vmem>>
    %dma_start3A_390 = tpu.memref_squeeze %dma_start3A_389 : memref<1x64xf32, #tpu.memory_space<vmem>> -> memref<64xf32, #tpu.memory_space<vmem>>
    %dma_start3A_391 = arith.constant 0 : i32
    %dma_start3A_392 = tpu.memref_slice %arg9[%dma_start3A_386, %dma_start3A_391] : memref<4x64xi32, #tpu.memory_space<vmem>> -> memref<1x64xi32, #tpu.memory_space<vmem>>
    %dma_start3A_393 = tpu.memref_squeeze %dma_start3A_392 : memref<1x64xi32, #tpu.memory_space<vmem>> -> memref<64xi32, #tpu.memory_space<vmem>>
    %dma_start3A_394 = arith.constant 0 : i32
    %dma_start3A_395 = tpu.memref_slice %arg3[%dma_start3A_394] : memref<10240xf32, #tpu.memory_space<hbm>> -> memref<10240xf32, #tpu.memory_space<hbm>>
    tpu.enqueue_indirect_dma source(%dma_start3A_395 : memref<10240xf32, #tpu.memory_space<hbm>>) target(%dma_start3A_390 : memref<64xf32, #tpu.memory_space<vmem>>) offsets(%dma_start3A_393 : memref<64xi32, #tpu.memory_space<vmem>>) semaphore(%arg18 : memref<!tpu.dma_semaphore, #tpu.memory_space<semaphore_mem>>)
    %dma_start3A_396 = arith.constant 1 : i32
    %dma_start3A_397 = arith.constant 1 : i32
    %dma_start3A_398 = arith.constant 0 : i32
    %dma_start3A_399 = tpu.memref_slice %arg12[%dma_start3A_397, %dma_start3A_398] : memref<4x64xf32, #tpu.memory_space<vmem>> -> memref<1x64xf32, #tpu.memory_space<vmem>>
    %dma_start3A_400 = tpu.memref_squeeze %dma_start3A_399 : memref<1x64xf32, #tpu.memory_space<vmem>> -> memref<64xf32, #tpu.memory_space<vmem>>
    %dma_start3A_401 = arith.constant 0 : i32
    %dma_start3A_402 = tpu.memref_slice %arg10[%dma_start3A_396, %dma_start3A_401] : memref<4x64xi32, #tpu.memory_space<vmem>> -> memref<1x64xi32, #tpu.memory_space<vmem>>
    %dma_start3A_403 = tpu.memref_squeeze %dma_start3A_402 : memref<1x64xi32, #tpu.memory_space<vmem>> -> memref<64xi32, #tpu.memory_space<vmem>>
    %dma_start3A_404 = arith.constant 0 : i32
    %dma_start3A_405 = tpu.memref_slice %arg4[%dma_start3A_404] : memref<10240xf32, #tpu.memory_space<hbm>> -> memref<10240xf32, #tpu.memory_space<hbm>>
    tpu.enqueue_indirect_dma source(%dma_start3A_405 : memref<10240xf32, #tpu.memory_space<hbm>>) target(%dma_start3A_400 : memref<64xf32, #tpu.memory_space<vmem>>) offsets(%dma_start3A_403 : memref<64xi32, #tpu.memory_space<vmem>>) semaphore(%arg18 : memref<!tpu.dma_semaphore, #tpu.memory_space<semaphore_mem>>)
    %scan3A_406 = arith.constant 0 : i32
    %scan3A_407 = arith.constant 0 : i32
    %scan3A_408 = arith.constant 162 : i32
    %scan3A_409 = arith.addi %scan3A_407, %scan3A_408 : i32
    %scan3A_410 = arith.constant 1 : i32
    scf.for %scan3A_461 = %scan3A_407 to %scan3A_409 step %scan3A_410  : i32 {
      %rem3A = arith.constant 4 : i32
      %rem3A_462 = arith.remsi %scan3A_461, %rem3A : i32
      %add3A_463 = arith.constant 2 : i32
      %add3A_464 = arith.addi %scan3A_461, %add3A_463 : i32
      %rem3A_465 = arith.constant 4 : i32
      %rem3A_466 = arith.remsi %add3A_464, %rem3A_465 : i32
      %ge3A = arith.constant 2 : i32
      %ge3A_467 = arith.cmpi sge, %scan3A_461, %ge3A : i32
      %convert_element_type3A = arith.extui %ge3A_467 : i1 to i32
      %cond3A = arith.constant 0 : i32
      %cond3A_468 = arith.cmpi ne, %convert_element_type3A, %cond3A : i32
      scf.if %cond3A_468 {
        %dma_wait3A_602 = arith.constant 0 : i32
        %dma_wait3A_603 = arith.constant 0 : i32
        %dma_wait3A_604 = tpu.memref_slice %arg14[%rem3A_466, %dma_wait3A_602, %dma_wait3A_603] : memref<4x64x128xf32, #tpu.memory_space<vmem>> -> memref<1x64x128xf32, #tpu.memory_space<vmem>>
        %dma_wait3A_605 = tpu.memref_squeeze %dma_wait3A_604 : memref<1x64x128xf32, #tpu.memory_space<vmem>> -> memref<64x128xf32, #tpu.memory_space<vmem>>
        %dma_wait3A_606 = arith.constant 0 : i32
        %dma_wait3A_607 = tpu.memref_slice %arg10[%rem3A_466, %dma_wait3A_606] : memref<4x64xi32, #tpu.memory_space<vmem>> -> memref<1x64xi32, #tpu.memory_space<vmem>>
        %dma_wait3A_608 = tpu.memref_squeeze %dma_wait3A_607 : memref<1x64xi32, #tpu.memory_space<vmem>> -> memref<64xi32, #tpu.memory_space<vmem>>
        %dma_wait3A_609 = arith.constant 0 : i32
        %dma_wait3A_610 = arith.constant 0 : i32
        %dma_wait3A_611 = tpu.memref_slice %arg16[%dma_wait3A_609, %dma_wait3A_610] : memref<10240x128xf32, #tpu.memory_space<vmem_shared>> -> memref<10240x128xf32, #tpu.memory_space<vmem_shared>>
        tpu.wait_indirect_dma semaphore(%arg19 : memref<!tpu.dma_semaphore, #tpu.memory_space<semaphore_mem>>) src(%dma_wait3A_605 : memref<64x128xf32, #tpu.memory_space<vmem>>) dst(%dma_wait3A_611 : memref<10240x128xf32, #tpu.memory_space<vmem_shared>>)
        %dma_wait3A_612 = arith.constant 0 : i32
        %dma_wait3A_613 = tpu.memref_slice %arg13[%dma_wait3A_612] : memref<256xf32, #tpu.memory_space<vmem>> -> memref<64xf32, #tpu.memory_space<vmem>>
        %dma_wait3A_614 = arith.constant 0 : i32
        %dma_wait3A_615 = tpu.memref_slice %arg10[%rem3A_466, %dma_wait3A_614] : memref<4x64xi32, #tpu.memory_space<vmem>> -> memref<1x64xi32, #tpu.memory_space<vmem>>
        %dma_wait3A_616 = tpu.memref_squeeze %dma_wait3A_615 : memref<1x64xi32, #tpu.memory_space<vmem>> -> memref<64xi32, #tpu.memory_space<vmem>>
        %dma_wait3A_617 = arith.constant 0 : i32
        %dma_wait3A_618 = tpu.memref_slice %arg17[%dma_wait3A_617] : memref<10240xf32, #tpu.memory_space<vmem_shared>> -> memref<10240xf32, #tpu.memory_space<vmem_shared>>
        tpu.wait_indirect_dma semaphore(%arg19 : memref<!tpu.dma_semaphore, #tpu.memory_space<semaphore_mem>>) src(%dma_wait3A_613 : memref<64xf32, #tpu.memory_space<vmem>>) dst(%dma_wait3A_618 : memref<10240xf32, #tpu.memory_space<vmem_shared>>)
      } else {
      }
      %add3A_469 = arith.constant 2 : i32
      %add3A_470 = arith.addi %scan3A_461, %add3A_469 : i32
      %lt3A = arith.constant 162 : i32
      %lt3A_471 = arith.cmpi slt, %add3A_470, %lt3A : i32
      %convert_element_type3A_472 = arith.extui %lt3A_471 : i1 to i32
      %cond3A_473 = arith.constant 0 : i32
      %cond3A_474 = arith.cmpi ne, %convert_element_type3A_472, %cond3A_473 : i32
      scf.if %cond3A_474 {
        %add3A_602 = arith.constant 2 : i32
        %add3A_603 = arith.addi %scan3A_461, %add3A_602 : i32
        %rem3A_604 = arith.constant 8 : i32
        %rem3A_605 = arith.remsi %add3A_603, %rem3A_604 : i32
        %dma_wait3A_606 = arith.constant 0 : i32
        %dma_wait3A_607 = arith.constant 0 : i32
        %dma_wait3A_608 = tpu.memref_slice %arg8[%rem3A_605, %dma_wait3A_607] : memref<8x64xi32, #tpu.memory_space<vmem>> -> memref<1x64xi32, #tpu.memory_space<vmem>>
        %dma_wait3A_609 = tpu.memref_squeeze %dma_wait3A_608 : memref<1x64xi32, #tpu.memory_space<vmem>> -> memref<64xi32, #tpu.memory_space<vmem>>
        %dma_wait3A_610 = arith.constant 0 : i32
        %dma_wait3A_611 = tpu.memref_slice %arg5[%add3A, %dma_wait3A_606, %dma_wait3A_610] : memref<32x162x64xi32, #tpu.memory_space<hbm>> -> memref<1x1x64xi32, #tpu.memory_space<hbm>>
        %dma_wait3A_612 = tpu.memref_squeeze %dma_wait3A_611 : memref<1x1x64xi32, #tpu.memory_space<hbm>> -> memref<64xi32, #tpu.memory_space<hbm>>
        %dma_wait3A_613 = arith.constant 0 : i32
        %dma_wait3A_614 = tpu.memref_slice %arg8[%rem3A_605, %dma_wait3A_613] : memref<8x64xi32, #tpu.memory_space<vmem>> -> memref<1x64xi32, #tpu.memory_space<vmem>>
        %dma_wait3A_615 = tpu.memref_squeeze %dma_wait3A_614 : memref<1x64xi32, #tpu.memory_space<vmem>> -> memref<64xi32, #tpu.memory_space<vmem>>
        %dma_wait3A_616 = arith.constant 0 : i32
        %dma_wait3A_617 = tpu.memref_slice %arg5[%add3A, %dma_wait3A_606, %dma_wait3A_616] : memref<32x162x64xi32, #tpu.memory_space<hbm>> -> memref<1x1x64xi32, #tpu.memory_space<hbm>>
        %dma_wait3A_618 = tpu.memref_squeeze %dma_wait3A_617 : memref<1x1x64xi32, #tpu.memory_space<hbm>> -> memref<64xi32, #tpu.memory_space<hbm>>
        tpu.wait_dma2 semaphore(%arg20 : memref<!tpu.dma_semaphore, #tpu.memory_space<semaphore_mem>>) src(%dma_wait3A_618 : memref<64xi32, #tpu.memory_space<hbm>>) dst(%dma_wait3A_615 : memref<64xi32, #tpu.memory_space<vmem>>)
        %add3A_619 = arith.constant 2 : i32
        %add3A_620 = arith.addi %scan3A_461, %add3A_619 : i32
        %rem3A_621 = arith.constant 8 : i32
        %rem3A_622 = arith.remsi %add3A_620, %rem3A_621 : i32
        %get3A_623 = arith.index_cast %rem3A_622 : i32 to index
        %get3A_624 = arith.constant 0 : index
        %get3A_625 = tpu.vector_load %arg8[%get3A_623, %get3A_624] {strides = array<i32>} : memref<8x64xi32, #tpu.memory_space<vmem>>, vector<16xi32>,
        %and3A_626 = arith.constant 65535 : i32
        %and3A_627 = vector.broadcast %and3A_626 : i32 to vector<16xi32>
        %and3A_628 = arith.andi %get3A_625, %and3A_627 : vector<16xi32>
        %swap3A_629 = arith.index_cast %rem3A_466 : i32 to index
        %swap3A_630 = arith.constant 0 : index
        %swap3A_631 = tpu.vector_load %arg9[%swap3A_629, %swap3A_630] {strides = array<i32>} : memref<4x64xi32, #tpu.memory_space<vmem>>, vector<16xi32>,
        tpu.vector_store %arg9[%swap3A_629, %swap3A_630], %and3A_628 {strides = array<i32>} : memref<4x64xi32, #tpu.memory_space<vmem>>, vector<16xi32>,
        %shift_right_logical3A_632 = arith.constant 16 : i32
        %shift_right_logical3A_633 = vector.broadcast %shift_right_logical3A_632 : i32 to vector<16xi32>
        %shift_right_logical3A_634 = arith.shrui %get3A_625, %shift_right_logical3A_633 : vector<16xi32>
        %swap3A_635 = arith.index_cast %rem3A_466 : i32 to index
        %swap3A_636 = arith.constant 0 : index
        %swap3A_637 = tpu.vector_load %arg10[%swap3A_635, %swap3A_636] {strides = array<i32>} : memref<4x64xi32, #tpu.memory_space<vmem>>, vector<16xi32>,
        tpu.vector_store %arg10[%swap3A_635, %swap3A_636], %shift_right_logical3A_634 {strides = array<i32>} : memref<4x64xi32, #tpu.memory_space<vmem>>, vector<16xi32>,
        %get3A_638 = arith.index_cast %rem3A_622 : i32 to index
        %get3A_639 = arith.constant 16 : index
        %get3A_640 = tpu.vector_load %arg8[%get3A_638, %get3A_639] {strides = array<i32>} : memref<8x64xi32, #tpu.memory_space<vmem>>, vector<16xi32>,
        %and3A_641 = arith.constant 65535 : i32
        %and3A_642 = vector.broadcast %and3A_641 : i32 to vector<16xi32>
        %and3A_643 = arith.andi %get3A_640, %and3A_642 : vector<16xi32>
        %swap3A_644 = arith.index_cast %rem3A_466 : i32 to index
        %swap3A_645 = arith.constant 16 : index
        %swap3A_646 = tpu.vector_load %arg9[%swap3A_644, %swap3A_645] {strides = array<i32>} : memref<4x64xi32, #tpu.memory_space<vmem>>, vector<16xi32>,
        tpu.vector_store %arg9[%swap3A_644, %swap3A_645], %and3A_643 {strides = array<i32>} : memref<4x64xi32, #tpu.memory_space<vmem>>, vector<16xi32>,
        %shift_right_logical3A_647 = arith.constant 16 : i32
        %shift_right_logical3A_648 = vector.broadcast %shift_right_logical3A_647 : i32 to vector<16xi32>
        %shift_right_logical3A_649 = arith.shrui %get3A_640, %shift_right_logical3A_648 : vector<16xi32>
        %swap3A_650 = arith.index_cast %rem3A_466 : i32 to index
        %swap3A_651 = arith.constant 16 : index
        %swap3A_652 = tpu.vector_load %arg10[%swap3A_650, %swap3A_651] {strides = array<i32>} : memref<4x64xi32, #tpu.memory_space<vmem>>, vector<16xi32>,
        tpu.vector_store %arg10[%swap3A_650, %swap3A_651], %shift_right_logical3A_649 {strides = array<i32>} : memref<4x64xi32, #tpu.memory_space<vmem>>, vector<16xi32>,
        %get3A_653 = arith.index_cast %rem3A_622 : i32 to index
        %get3A_654 = arith.constant 32 : index
        %get3A_655 = tpu.vector_load %arg8[%get3A_653, %get3A_654] {strides = array<i32>} : memref<8x64xi32, #tpu.memory_space<vmem>>, vector<16xi32>,
        %and3A_656 = arith.constant 65535 : i32
        %and3A_657 = vector.broadcast %and3A_656 : i32 to vector<16xi32>
        %and3A_658 = arith.andi %get3A_655, %and3A_657 : vector<16xi32>
        %swap3A_659 = arith.index_cast %rem3A_466 : i32 to index
        %swap3A_660 = arith.constant 32 : index
        %swap3A_661 = tpu.vector_load %arg9[%swap3A_659, %swap3A_660] {strides = array<i32>} : memref<4x64xi32, #tpu.memory_space<vmem>>, vector<16xi32>,
        tpu.vector_store %arg9[%swap3A_659, %swap3A_660], %and3A_658 {strides = array<i32>} : memref<4x64xi32, #tpu.memory_space<vmem>>, vector<16xi32>,
        %shift_right_logical3A_662 = arith.constant 16 : i32
        %shift_right_logical3A_663 = vector.broadcast %shift_right_logical3A_662 : i32 to vector<16xi32>
        %shift_right_logical3A_664 = arith.shrui %get3A_655, %shift_right_logical3A_663 : vector<16xi32>
        %swap3A_665 = arith.index_cast %rem3A_466 : i32 to index
        %swap3A_666 = arith.constant 32 : index
        %swap3A_667 = tpu.vector_load %arg10[%swap3A_665, %swap3A_666] {strides = array<i32>} : memref<4x64xi32, #tpu.memory_space<vmem>>, vector<16xi32>,
        tpu.vector_store %arg10[%swap3A_665, %swap3A_666], %shift_right_logical3A_664 {strides = array<i32>} : memref<4x64xi32, #tpu.memory_space<vmem>>, vector<16xi32>,
        %get3A_668 = arith.index_cast %rem3A_622 : i32 to index
        %get3A_669 = arith.constant 48 : index
        %get3A_670 = tpu.vector_load %arg8[%get3A_668, %get3A_669] {strides = array<i32>} : memref<8x64xi32, #tpu.memory_space<vmem>>, vector<16xi32>,
        %and3A_671 = arith.constant 65535 : i32
        %and3A_672 = vector.broadcast %and3A_671 : i32 to vector<16xi32>
        %and3A_673 = arith.andi %get3A_670, %and3A_672 : vector<16xi32>
        %swap3A_674 = arith.index_cast %rem3A_466 : i32 to index
        %swap3A_675 = arith.constant 48 : index
        %swap3A_676 = tpu.vector_load %arg9[%swap3A_674, %swap3A_675] {strides = array<i32>} : memref<4x64xi32, #tpu.memory_space<vmem>>, vector<16xi32>,
        tpu.vector_store %arg9[%swap3A_674, %swap3A_675], %and3A_673 {strides = array<i32>} : memref<4x64xi32, #tpu.memory_space<vmem>>, vector<16xi32>,
        %shift_right_logical3A_677 = arith.constant 16 : i32
        %shift_right_logical3A_678 = vector.broadcast %shift_right_logical3A_677 : i32 to vector<16xi32>
        %shift_right_logical3A_679 = arith.shrui %get3A_670, %shift_right_logical3A_678 : vector<16xi32>
        %swap3A_680 = arith.index_cast %rem3A_466 : i32 to index
        %swap3A_681 = arith.constant 48 : index
        %swap3A_682 = tpu.vector_load %arg10[%swap3A_680, %swap3A_681] {strides = array<i32>} : memref<4x64xi32, #tpu.memory_space<vmem>>, vector<16xi32>,
        tpu.vector_store %arg10[%swap3A_680, %swap3A_681], %shift_right_logical3A_679 {strides = array<i32>} : memref<4x64xi32, #tpu.memory_space<vmem>>, vector<16xi32>,
        %dma_start3A_683 = arith.constant 0 : i32
        %dma_start3A_684 = arith.constant 0 : i32
        %dma_start3A_685 = tpu.memref_slice %arg14[%rem3A_466, %dma_start3A_683, %dma_start3A_684] : memref<4x64x128xf32, #tpu.memory_space<vmem>> -> memref<1x64x128xf32, #tpu.memory_space<vmem>>
        %dma_start3A_686 = tpu.memref_squeeze %dma_start3A_685 : memref<1x64x128xf32, #tpu.memory_space<vmem>> -> memref<64x128xf32, #tpu.memory_space<vmem>>
        %dma_start3A_687 = arith.constant 0 : i32
        %dma_start3A_688 = tpu.memref_slice %arg9[%rem3A_466, %dma_start3A_687] : memref<4x64xi32, #tpu.memory_space<vmem>> -> memref<1x64xi32, #tpu.memory_space<vmem>>
        %dma_start3A_689 = tpu.memref_squeeze %dma_start3A_688 : memref<1x64xi32, #tpu.memory_space<vmem>> -> memref<64xi32, #tpu.memory_space<vmem>>
        %dma_start3A_690 = arith.constant 0 : i32
        %dma_start3A_691 = arith.constant 0 : i32
        %dma_start3A_692 = tpu.memref_slice %arg2[%dma_start3A_690, %dma_start3A_691] : memref<10240x128xf32, #tpu.memory_space<hbm>> -> memref<10240x128xf32, #tpu.memory_space<hbm>>
        tpu.enqueue_indirect_dma source(%dma_start3A_692 : memref<10240x128xf32, #tpu.memory_space<hbm>>) target(%dma_start3A_686 : memref<64x128xf32, #tpu.memory_space<vmem>>) offsets(%dma_start3A_689 : memref<64xi32, #tpu.memory_space<vmem>>) semaphore(%arg18 : memref<!tpu.dma_semaphore, #tpu.memory_space<semaphore_mem>>)
        %dma_start3A_693 = arith.constant 0 : i32
        %dma_start3A_694 = tpu.memref_slice %arg11[%rem3A_466, %dma_start3A_693] : memref<4x64xf32, #tpu.memory_space<vmem>> -> memref<1x64xf32, #tpu.memory_space<vmem>>
        %dma_start3A_695 = tpu.memref_squeeze %dma_start3A_694 : memref<1x64xf32, #tpu.memory_space<vmem>> -> memref<64xf32, #tpu.memory_space<vmem>>
        %dma_start3A_696 = arith.constant 0 : i32
        %dma_start3A_697 = tpu.memref_slice %arg9[%rem3A_466, %dma_start3A_696] : memref<4x64xi32, #tpu.memory_space<vmem>> -> memref<1x64xi32, #tpu.memory_space<vmem>>
        %dma_start3A_698 = tpu.memref_squeeze %dma_start3A_697 : memref<1x64xi32, #tpu.memory_space<vmem>> -> memref<64xi32, #tpu.memory_space<vmem>>
        %dma_start3A_699 = arith.constant 0 : i32
        %dma_start3A_700 = tpu.memref_slice %arg3[%dma_start3A_699] : memref<10240xf32, #tpu.memory_space<hbm>> -> memref<10240xf32, #tpu.memory_space<hbm>>
        tpu.enqueue_indirect_dma source(%dma_start3A_700 : memref<10240xf32, #tpu.memory_space<hbm>>) target(%dma_start3A_695 : memref<64xf32, #tpu.memory_space<vmem>>) offsets(%dma_start3A_698 : memref<64xi32, #tpu.memory_space<vmem>>) semaphore(%arg18 : memref<!tpu.dma_semaphore, #tpu.memory_space<semaphore_mem>>)
        %dma_start3A_701 = arith.constant 0 : i32
        %dma_start3A_702 = tpu.memref_slice %arg12[%rem3A_466, %dma_start3A_701] : memref<4x64xf32, #tpu.memory_space<vmem>> -> memref<1x64xf32, #tpu.memory_space<vmem>>
        %dma_start3A_703 = tpu.memref_squeeze %dma_start3A_702 : memref<1x64xf32, #tpu.memory_space<vmem>> -> memref<64xf32, #tpu.memory_space<vmem>>
        %dma_start3A_704 = arith.constant 0 : i32
        %dma_start3A_705 = tpu.memref_slice %arg10[%rem3A_466, %dma_start3A_704] : memref<4x64xi32, #tpu.memory_space<vmem>> -> memref<1x64xi32, #tpu.memory_space<vmem>>
        %dma_start3A_706 = tpu.memref_squeeze %dma_start3A_705 : memref<1x64xi32, #tpu.memory_space<vmem>> -> memref<64xi32, #tpu.memory_space<vmem>>
        %dma_start3A_707 = arith.constant 0 : i32
        %dma_start3A_708 = tpu.memref_slice %arg4[%dma_start3A_707] : memref<10240xf32, #tpu.memory_space<hbm>> -> memref<10240xf32, #tpu.memory_space<hbm>>
        tpu.enqueue_indirect_dma source(%dma_start3A_708 : memref<10240xf32, #tpu.memory_space<hbm>>) target(%dma_start3A_703 : memref<64xf32, #tpu.memory_space<vmem>>) offsets(%dma_start3A_706 : memref<64xi32, #tpu.memory_space<vmem>>) semaphore(%arg18 : memref<!tpu.dma_semaphore, #tpu.memory_space<semaphore_mem>>)
      } else {
      }
      %add3A_475 = arith.constant 8 : i32
      %add3A_476 = arith.addi %scan3A_461, %add3A_475 : i32
      %lt3A_477 = arith.constant 162 : i32
      %lt3A_478 = arith.cmpi slt, %add3A_476, %lt3A_477 : i32
      %convert_element_type3A_479 = arith.extui %lt3A_478 : i1 to i32
      %cond3A_480 = arith.constant 0 : i32
      %cond3A_481 = arith.cmpi ne, %convert_element_type3A_479, %cond3A_480 : i32
      scf.if %cond3A_481 {
        %add3A_602 = arith.constant 8 : i32
        %add3A_603 = arith.addi %scan3A_461, %add3A_602 : i32
        %add3A_604 = arith.constant 8 : i32
        %add3A_605 = arith.addi %scan3A_461, %add3A_604 : i32
        %rem3A_606 = arith.constant 8 : i32
        %rem3A_607 = arith.remsi %add3A_605, %rem3A_606 : i32
        %dma_start3A_608 = arith.constant 0 : i32
        %dma_start3A_609 = tpu.memref_slice %arg8[%rem3A_607, %dma_start3A_608] : memref<8x64xi32, #tpu.memory_space<vmem>> -> memref<1x64xi32, #tpu.memory_space<vmem>>
        %dma_start3A_610 = tpu.memref_squeeze %dma_start3A_609 : memref<1x64xi32, #tpu.memory_space<vmem>> -> memref<64xi32, #tpu.memory_space<vmem>>
        %dma_start3A_611 = arith.constant 0 : i32
        %dma_start3A_612 = tpu.memref_slice %arg5[%add3A, %add3A_603, %dma_start3A_611] : memref<32x162x64xi32, #tpu.memory_space<hbm>> -> memref<1x1x64xi32, #tpu.memory_space<hbm>>
        %dma_start3A_613 = tpu.memref_squeeze %dma_start3A_612 : memref<1x1x64xi32, #tpu.memory_space<hbm>> -> memref<64xi32, #tpu.memory_space<hbm>>
        %dma_start3A_614 = arith.constant 0 : i32
        %dma_start3A_615 = tpu.memref_slice %arg8[%rem3A_607, %dma_start3A_614] : memref<8x64xi32, #tpu.memory_space<vmem>> -> memref<1x64xi32, #tpu.memory_space<vmem>>
        %dma_start3A_616 = tpu.memref_squeeze %dma_start3A_615 : memref<1x64xi32, #tpu.memory_space<vmem>> -> memref<64xi32, #tpu.memory_space<vmem>>
        %dma_start3A_617 = arith.constant 0 : i32
        %dma_start3A_618 = tpu.memref_slice %arg5[%add3A, %add3A_603, %dma_start3A_617] : memref<32x162x64xi32, #tpu.memory_space<hbm>> -> memref<1x1x64xi32, #tpu.memory_space<hbm>>
        %dma_start3A_619 = tpu.memref_squeeze %dma_start3A_618 : memref<1x1x64xi32, #tpu.memory_space<hbm>> -> memref<64xi32, #tpu.memory_space<hbm>>
        tpu.enqueue_dma source(%dma_start3A_619 : memref<64xi32, #tpu.memory_space<hbm>>) target(%dma_start3A_616 : memref<64xi32, #tpu.memory_space<vmem>>) target_semaphore(%arg20 : memref<!tpu.dma_semaphore, #tpu.memory_space<semaphore_mem>>)
      } else {
      }
      %dma_wait3A_482 = arith.constant 0 : i32
      %dma_wait3A_483 = arith.constant 0 : i32
      %dma_wait3A_484 = tpu.memref_slice %arg14[%rem3A_462, %dma_wait3A_482, %dma_wait3A_483] : memref<4x64x128xf32, #tpu.memory_space<vmem>> -> memref<1x64x128xf32, #tpu.memory_space<vmem>>
      %dma_wait3A_485 = tpu.memref_squeeze %dma_wait3A_484 : memref<1x64x128xf32, #tpu.memory_space<vmem>> -> memref<64x128xf32, #tpu.memory_space<vmem>>
      %dma_wait3A_486 = arith.constant 0 : i32
      %dma_wait3A_487 = tpu.memref_slice %arg9[%rem3A_462, %dma_wait3A_486] : memref<4x64xi32, #tpu.memory_space<vmem>> -> memref<1x64xi32, #tpu.memory_space<vmem>>
      %dma_wait3A_488 = tpu.memref_squeeze %dma_wait3A_487 : memref<1x64xi32, #tpu.memory_space<vmem>> -> memref<64xi32, #tpu.memory_space<vmem>>
      %dma_wait3A_489 = arith.constant 0 : i32
      %dma_wait3A_490 = arith.constant 0 : i32
      %dma_wait3A_491 = tpu.memref_slice %arg2[%dma_wait3A_489, %dma_wait3A_490] : memref<10240x128xf32, #tpu.memory_space<hbm>> -> memref<10240x128xf32, #tpu.memory_space<hbm>>
      tpu.wait_indirect_dma semaphore(%arg18 : memref<!tpu.dma_semaphore, #tpu.memory_space<semaphore_mem>>) src(%dma_wait3A_491 : memref<10240x128xf32, #tpu.memory_space<hbm>>) dst(%dma_wait3A_485 : memref<64x128xf32, #tpu.memory_space<vmem>>)
      %dma_wait3A_492 = arith.constant 0 : i32
      %dma_wait3A_493 = tpu.memref_slice %arg11[%rem3A_462, %dma_wait3A_492] : memref<4x64xf32, #tpu.memory_space<vmem>> -> memref<1x64xf32, #tpu.memory_space<vmem>>
      %dma_wait3A_494 = tpu.memref_squeeze %dma_wait3A_493 : memref<1x64xf32, #tpu.memory_space<vmem>> -> memref<64xf32, #tpu.memory_space<vmem>>
      %dma_wait3A_495 = arith.constant 0 : i32
      %dma_wait3A_496 = tpu.memref_slice %arg9[%rem3A_462, %dma_wait3A_495] : memref<4x64xi32, #tpu.memory_space<vmem>> -> memref<1x64xi32, #tpu.memory_space<vmem>>
      %dma_wait3A_497 = tpu.memref_squeeze %dma_wait3A_496 : memref<1x64xi32, #tpu.memory_space<vmem>> -> memref<64xi32, #tpu.memory_space<vmem>>
      %dma_wait3A_498 = arith.constant 0 : i32
      %dma_wait3A_499 = tpu.memref_slice %arg3[%dma_wait3A_498] : memref<10240xf32, #tpu.memory_space<hbm>> -> memref<10240xf32, #tpu.memory_space<hbm>>
      tpu.wait_indirect_dma semaphore(%arg18 : memref<!tpu.dma_semaphore, #tpu.memory_space<semaphore_mem>>) src(%dma_wait3A_499 : memref<10240xf32, #tpu.memory_space<hbm>>) dst(%dma_wait3A_494 : memref<64xf32, #tpu.memory_space<vmem>>)
      %dma_wait3A_500 = arith.constant 0 : i32
      %dma_wait3A_501 = tpu.memref_slice %arg12[%rem3A_462, %dma_wait3A_500] : memref<4x64xf32, #tpu.memory_space<vmem>> -> memref<1x64xf32, #tpu.memory_space<vmem>>
      %dma_wait3A_502 = tpu.memref_squeeze %dma_wait3A_501 : memref<1x64xf32, #tpu.memory_space<vmem>> -> memref<64xf32, #tpu.memory_space<vmem>>
      %dma_wait3A_503 = arith.constant 0 : i32
      %dma_wait3A_504 = tpu.memref_slice %arg10[%rem3A_462, %dma_wait3A_503] : memref<4x64xi32, #tpu.memory_space<vmem>> -> memref<1x64xi32, #tpu.memory_space<vmem>>
      %dma_wait3A_505 = tpu.memref_squeeze %dma_wait3A_504 : memref<1x64xi32, #tpu.memory_space<vmem>> -> memref<64xi32, #tpu.memory_space<vmem>>
      %dma_wait3A_506 = arith.constant 0 : i32
      %dma_wait3A_507 = tpu.memref_slice %arg4[%dma_wait3A_506] : memref<10240xf32, #tpu.memory_space<hbm>> -> memref<10240xf32, #tpu.memory_space<hbm>>
      tpu.wait_indirect_dma semaphore(%arg18 : memref<!tpu.dma_semaphore, #tpu.memory_space<semaphore_mem>>) src(%dma_wait3A_507 : memref<10240xf32, #tpu.memory_space<hbm>>) dst(%dma_wait3A_502 : memref<64xf32, #tpu.memory_space<vmem>>)
      %get3A_508 = arith.index_cast %rem3A_462 : i32 to index
      %get3A_509 = arith.constant 0 : index
      %get3A_510 = tpu.vector_load %arg11[%get3A_508, %get3A_509] {strides = array<i32>} : memref<4x64xf32, #tpu.memory_space<vmem>>, vector<16xf32>,
      %get3A_511 = arith.index_cast %rem3A_462 : i32 to index
      %get3A_512 = arith.constant 0 : index
      %get3A_513 = tpu.vector_load %arg12[%get3A_511, %get3A_512] {strides = array<i32>} : memref<4x64xf32, #tpu.memory_space<vmem>>, vector<16xf32>,
      %add3A_514 = arith.addf %get3A_510, %get3A_513 : vector<16xf32>
      %mul3A_515 = arith.constant 2.000000e-01 : f32
      %mul3A_516 = vector.broadcast %mul3A_515 : f32 to vector<16xf32>
      %mul3A_517 = arith.mulf %mul3A_516, %add3A_514 : vector<16xf32>
      %max3A = arith.maximumf %add3A_514, %mul3A_517 : vector<16xf32>
      %exp3A = math.exp %max3A : vector<16xf32>
      %mul3A_518 = arith.constant 64 : i32
      %mul3A_519 = arith.muli %rem3A_462, %mul3A_518 : i32
      %add3A_520 = arith.constant 0 : i32
      %add3A_521 = arith.addi %mul3A_519, %add3A_520 : i32
      %swap3A_522 = arith.index_cast %add3A_521 : i32 to index
      %swap3A_523 = tpu.vector_load %arg13[%swap3A_522] {strides = array<i32>} : memref<256xf32, #tpu.memory_space<vmem>>, vector<16xf32>,
      tpu.vector_store %arg13[%swap3A_522], %exp3A {strides = array<i32>} : memref<256xf32, #tpu.memory_space<vmem>>, vector<16xf32>,
      %get3A_524 = arith.index_cast %rem3A_462 : i32 to index
      %get3A_525 = arith.constant 16 : index
      %get3A_526 = tpu.vector_load %arg11[%get3A_524, %get3A_525] {strides = array<i32>} : memref<4x64xf32, #tpu.memory_space<vmem>>, vector<16xf32>,
      %get3A_527 = arith.index_cast %rem3A_462 : i32 to index
      %get3A_528 = arith.constant 16 : index
      %get3A_529 = tpu.vector_load %arg12[%get3A_527, %get3A_528] {strides = array<i32>} : memref<4x64xf32, #tpu.memory_space<vmem>>, vector<16xf32>,
      %add3A_530 = arith.addf %get3A_526, %get3A_529 : vector<16xf32>
      %mul3A_531 = arith.constant 2.000000e-01 : f32
      %mul3A_532 = vector.broadcast %mul3A_531 : f32 to vector<16xf32>
      %mul3A_533 = arith.mulf %mul3A_532, %add3A_530 : vector<16xf32>
      %max3A_534 = arith.maximumf %add3A_530, %mul3A_533 : vector<16xf32>
      %exp3A_535 = math.exp %max3A_534 : vector<16xf32>
      %mul3A_536 = arith.constant 64 : i32
      %mul3A_537 = arith.muli %rem3A_462, %mul3A_536 : i32
      %add3A_538 = arith.constant 16 : i32
      %add3A_539 = arith.addi %mul3A_537, %add3A_538 : i32
      %swap3A_540 = arith.index_cast %add3A_539 : i32 to index
      %swap3A_541 = tpu.vector_load %arg13[%swap3A_540] {strides = array<i32>} : memref<256xf32, #tpu.memory_space<vmem>>, vector<16xf32>,
      tpu.vector_store %arg13[%swap3A_540], %exp3A_535 {strides = array<i32>} : memref<256xf32, #tpu.memory_space<vmem>>, vector<16xf32>,
      %get3A_542 = arith.index_cast %rem3A_462 : i32 to index
      %get3A_543 = arith.constant 32 : index
      %get3A_544 = tpu.vector_load %arg11[%get3A_542, %get3A_543] {strides = array<i32>} : memref<4x64xf32, #tpu.memory_space<vmem>>, vector<16xf32>,
      %get3A_545 = arith.index_cast %rem3A_462 : i32 to index
      %get3A_546 = arith.constant 32 : index
      %get3A_547 = tpu.vector_load %arg12[%get3A_545, %get3A_546] {strides = array<i32>} : memref<4x64xf32, #tpu.memory_space<vmem>>, vector<16xf32>,
      %add3A_548 = arith.addf %get3A_544, %get3A_547 : vector<16xf32>
      %mul3A_549 = arith.constant 2.000000e-01 : f32
      %mul3A_550 = vector.broadcast %mul3A_549 : f32 to vector<16xf32>
      %mul3A_551 = arith.mulf %mul3A_550, %add3A_548 : vector<16xf32>
      %max3A_552 = arith.maximumf %add3A_548, %mul3A_551 : vector<16xf32>
      %exp3A_553 = math.exp %max3A_552 : vector<16xf32>
      %mul3A_554 = arith.constant 64 : i32
      %mul3A_555 = arith.muli %rem3A_462, %mul3A_554 : i32
      %add3A_556 = arith.constant 32 : i32
      %add3A_557 = arith.addi %mul3A_555, %add3A_556 : i32
      %swap3A_558 = arith.index_cast %add3A_557 : i32 to index
      %swap3A_559 = tpu.vector_load %arg13[%swap3A_558] {strides = array<i32>} : memref<256xf32, #tpu.memory_space<vmem>>, vector<16xf32>,
      tpu.vector_store %arg13[%swap3A_558], %exp3A_553 {strides = array<i32>} : memref<256xf32, #tpu.memory_space<vmem>>, vector<16xf32>,
      %get3A_560 = arith.index_cast %rem3A_462 : i32 to index
      %get3A_561 = arith.constant 48 : index
      %get3A_562 = tpu.vector_load %arg11[%get3A_560, %get3A_561] {strides = array<i32>} : memref<4x64xf32, #tpu.memory_space<vmem>>, vector<16xf32>,
      %get3A_563 = arith.index_cast %rem3A_462 : i32 to index
      %get3A_564 = arith.constant 48 : index
      %get3A_565 = tpu.vector_load %arg12[%get3A_563, %get3A_564] {strides = array<i32>} : memref<4x64xf32, #tpu.memory_space<vmem>>, vector<16xf32>,
      %add3A_566 = arith.addf %get3A_562, %get3A_565 : vector<16xf32>
      %mul3A_567 = arith.constant 2.000000e-01 : f32
      %mul3A_568 = vector.broadcast %mul3A_567 : f32 to vector<16xf32>
      %mul3A_569 = arith.mulf %mul3A_568, %add3A_566 : vector<16xf32>
      %max3A_570 = arith.maximumf %add3A_566, %mul3A_569 : vector<16xf32>
      %exp3A_571 = math.exp %max3A_570 : vector<16xf32>
      %mul3A_572 = arith.constant 64 : i32
      %mul3A_573 = arith.muli %rem3A_462, %mul3A_572 : i32
      %add3A_574 = arith.constant 48 : i32
      %add3A_575 = arith.addi %mul3A_573, %add3A_574 : i32
      %swap3A_576 = arith.index_cast %add3A_575 : i32 to index
      %swap3A_577 = tpu.vector_load %arg13[%swap3A_576] {strides = array<i32>} : memref<256xf32, #tpu.memory_space<vmem>>, vector<16xf32>,
      tpu.vector_store %arg13[%swap3A_576], %exp3A_571 {strides = array<i32>} : memref<256xf32, #tpu.memory_space<vmem>>, vector<16xf32>,
      %scan3A_578 = arith.constant 0 : i32
      %scan3A_579 = arith.constant 0 : i32
      %scan3A_580 = arith.constant 64 : i32
      %scan3A_581 = arith.addi %scan3A_579, %scan3A_580 : i32
      %scan3A_582 = arith.constant 1 : i32
      scf.for %scan3A_602 = %scan3A_579 to %scan3A_581 step %scan3A_582  : i32 {
        %broadcast_in_dim3A_603 = arith.constant 0 : i32
        %broadcast_in_dim3A_604 = vector.broadcast %broadcast_in_dim3A_603 : i32 to vector<16xi32>
        %mul3A_605 = arith.constant 64 : i32
        %mul3A_606 = arith.muli %rem3A_462, %mul3A_605 : i32
        %add3A_607 = arith.addi %mul3A_606, %scan3A_602 : i32
        %add3A_608 = vector.broadcast %add3A_607 : i32 to vector<16xi32>
        %add3A_609 = arith.addi %broadcast_in_dim3A_604, %add3A_608 : vector<16xi32>
        %gather3A = tpu.vector_load_idx %arg13[%add3A_609] : memref<256xf32, #tpu.memory_space<vmem>>[vector<16xi32>], vector<16xf32>,
        %get3A_610 = arith.index_cast %rem3A_462 : i32 to index
        %get3A_611 = arith.index_cast %scan3A_602 : i32 to index
        %get3A_612 = arith.constant 0 : index
        %get3A_613 = tpu.vector_load %arg14[%get3A_610, %get3A_611, %get3A_612] {strides = array<i32>} : memref<4x64x128xf32, #tpu.memory_space<vmem>>, vector<16xf32>,
        %mul3A_614 = arith.mulf %get3A_613, %gather3A : vector<16xf32>
        %swap3A_615 = arith.index_cast %rem3A_462 : i32 to index
        %swap3A_616 = arith.index_cast %scan3A_602 : i32 to index
        %swap3A_617 = arith.constant 0 : index
        %swap3A_618 = tpu.vector_load %arg14[%swap3A_615, %swap3A_616, %swap3A_617] {strides = array<i32>} : memref<4x64x128xf32, #tpu.memory_space<vmem>>, vector<16xf32>,
        tpu.vector_store %arg14[%swap3A_615, %swap3A_616, %swap3A_617], %mul3A_614 {strides = array<i32>} : memref<4x64x128xf32, #tpu.memory_space<vmem>>, vector<16xf32>,
        %get3A_619 = arith.index_cast %rem3A_462 : i32 to index
        %get3A_620 = arith.index_cast %scan3A_602 : i32 to index
        %get3A_621 = arith.constant 16 : index
        %get3A_622 = tpu.vector_load %arg14[%get3A_619, %get3A_620, %get3A_621] {strides = array<i32>} : memref<4x64x128xf32, #tpu.memory_space<vmem>>, vector<16xf32>,
        %mul3A_623 = arith.mulf %get3A_622, %gather3A : vector<16xf32>
        %swap3A_624 = arith.index_cast %rem3A_462 : i32 to index
        %swap3A_625 = arith.index_cast %scan3A_602 : i32 to index
        %swap3A_626 = arith.constant 16 : index
        %swap3A_627 = tpu.vector_load %arg14[%swap3A_624, %swap3A_625, %swap3A_626] {strides = array<i32>} : memref<4x64x128xf32, #tpu.memory_space<vmem>>, vector<16xf32>,
        tpu.vector_store %arg14[%swap3A_624, %swap3A_625, %swap3A_626], %mul3A_623 {strides = array<i32>} : memref<4x64x128xf32, #tpu.memory_space<vmem>>, vector<16xf32>,
        %get3A_628 = arith.index_cast %rem3A_462 : i32 to index
        %get3A_629 = arith.index_cast %scan3A_602 : i32 to index
        %get3A_630 = arith.constant 32 : index
        %get3A_631 = tpu.vector_load %arg14[%get3A_628, %get3A_629, %get3A_630] {strides = array<i32>} : memref<4x64x128xf32, #tpu.memory_space<vmem>>, vector<16xf32>,
        %mul3A_632 = arith.mulf %get3A_631, %gather3A : vector<16xf32>
        %swap3A_633 = arith.index_cast %rem3A_462 : i32 to index
        %swap3A_634 = arith.index_cast %scan3A_602 : i32 to index
        %swap3A_635 = arith.constant 32 : index
        %swap3A_636 = tpu.vector_load %arg14[%swap3A_633, %swap3A_634, %swap3A_635] {strides = array<i32>} : memref<4x64x128xf32, #tpu.memory_space<vmem>>, vector<16xf32>,
        tpu.vector_store %arg14[%swap3A_633, %swap3A_634, %swap3A_635], %mul3A_632 {strides = array<i32>} : memref<4x64x128xf32, #tpu.memory_space<vmem>>, vector<16xf32>,
        %get3A_637 = arith.index_cast %rem3A_462 : i32 to index
        %get3A_638 = arith.index_cast %scan3A_602 : i32 to index
        %get3A_639 = arith.constant 48 : index
        %get3A_640 = tpu.vector_load %arg14[%get3A_637, %get3A_638, %get3A_639] {strides = array<i32>} : memref<4x64x128xf32, #tpu.memory_space<vmem>>, vector<16xf32>,
        %mul3A_641 = arith.mulf %get3A_640, %gather3A : vector<16xf32>
        %swap3A_642 = arith.index_cast %rem3A_462 : i32 to index
        %swap3A_643 = arith.index_cast %scan3A_602 : i32 to index
        %swap3A_644 = arith.constant 48 : index
        %swap3A_645 = tpu.vector_load %arg14[%swap3A_642, %swap3A_643, %swap3A_644] {strides = array<i32>} : memref<4x64x128xf32, #tpu.memory_space<vmem>>, vector<16xf32>,
        tpu.vector_store %arg14[%swap3A_642, %swap3A_643, %swap3A_644], %mul3A_641 {strides = array<i32>} : memref<4x64x128xf32, #tpu.memory_space<vmem>>, vector<16xf32>,
        %get3A_646 = arith.index_cast %rem3A_462 : i32 to index
        %get3A_647 = arith.index_cast %scan3A_602 : i32 to index
        %get3A_648 = arith.constant 64 : index
        %get3A_649 = tpu.vector_load %arg14[%get3A_646, %get3A_647, %get3A_648] {strides = array<i32>} : memref<4x64x128xf32, #tpu.memory_space<vmem>>, vector<16xf32>,
        %mul3A_650 = arith.mulf %get3A_649, %gather3A : vector<16xf32>
        %swap3A_651 = arith.index_cast %rem3A_462 : i32 to index
        %swap3A_652 = arith.index_cast %scan3A_602 : i32 to index
        %swap3A_653 = arith.constant 64 : index
        %swap3A_654 = tpu.vector_load %arg14[%swap3A_651, %swap3A_652, %swap3A_653] {strides = array<i32>} : memref<4x64x128xf32, #tpu.memory_space<vmem>>, vector<16xf32>,
        tpu.vector_store %arg14[%swap3A_651, %swap3A_652, %swap3A_653], %mul3A_650 {strides = array<i32>} : memref<4x64x128xf32, #tpu.memory_space<vmem>>, vector<16xf32>,
        %get3A_655 = arith.index_cast %rem3A_462 : i32 to index
        %get3A_656 = arith.index_cast %scan3A_602 : i32 to index
        %get3A_657 = arith.constant 80 : index
        %get3A_658 = tpu.vector_load %arg14[%get3A_655, %get3A_656, %get3A_657] {strides = array<i32>} : memref<4x64x128xf32, #tpu.memory_space<vmem>>, vector<16xf32>,
        %mul3A_659 = arith.mulf %get3A_658, %gather3A : vector<16xf32>
        %swap3A_660 = arith.index_cast %rem3A_462 : i32 to index
        %swap3A_661 = arith.index_cast %scan3A_602 : i32 to index
        %swap3A_662 = arith.constant 80 : index
        %swap3A_663 = tpu.vector_load %arg14[%swap3A_660, %swap3A_661, %swap3A_662] {strides = array<i32>} : memref<4x64x128xf32, #tpu.memory_space<vmem>>, vector<16xf32>,
        tpu.vector_store %arg14[%swap3A_660, %swap3A_661, %swap3A_662], %mul3A_659 {strides = array<i32>} : memref<4x64x128xf32, #tpu.memory_space<vmem>>, vector<16xf32>,
        %get3A_664 = arith.index_cast %rem3A_462 : i32 to index
        %get3A_665 = arith.index_cast %scan3A_602 : i32 to index
        %get3A_666 = arith.constant 96 : index
        %get3A_667 = tpu.vector_load %arg14[%get3A_664, %get3A_665, %get3A_666] {strides = array<i32>} : memref<4x64x128xf32, #tpu.memory_space<vmem>>, vector<16xf32>,
        %mul3A_668 = arith.mulf %get3A_667, %gather3A : vector<16xf32>
        %swap3A_669 = arith.index_cast %rem3A_462 : i32 to index
        %swap3A_670 = arith.index_cast %scan3A_602 : i32 to index
        %swap3A_671 = arith.constant 96 : index
        %swap3A_672 = tpu.vector_load %arg14[%swap3A_669, %swap3A_670, %swap3A_671] {strides = array<i32>} : memref<4x64x128xf32, #tpu.memory_space<vmem>>, vector<16xf32>,
        tpu.vector_store %arg14[%swap3A_669, %swap3A_670, %swap3A_671], %mul3A_668 {strides = array<i32>} : memref<4x64x128xf32, #tpu.memory_space<vmem>>, vector<16xf32>,
        %get3A_673 = arith.index_cast %rem3A_462 : i32 to index
        %get3A_674 = arith.index_cast %scan3A_602 : i32 to index
        %get3A_675 = arith.constant 112 : index
        %get3A_676 = tpu.vector_load %arg14[%get3A_673, %get3A_674, %get3A_675] {strides = array<i32>} : memref<4x64x128xf32, #tpu.memory_space<vmem>>, vector<16xf32>,
        %mul3A_677 = arith.mulf %get3A_676, %gather3A : vector<16xf32>
        %swap3A_678 = arith.index_cast %rem3A_462 : i32 to index
        %swap3A_679 = arith.index_cast %scan3A_602 : i32 to index
        %swap3A_680 = arith.constant 112 : index
        %swap3A_681 = tpu.vector_load %arg14[%swap3A_678, %swap3A_679, %swap3A_680] {strides = array<i32>} : memref<4x64x128xf32, #tpu.memory_space<vmem>>, vector<16xf32>,
        tpu.vector_store %arg14[%swap3A_678, %swap3A_679, %swap3A_680], %mul3A_677 {strides = array<i32>} : memref<4x64x128xf32, #tpu.memory_space<vmem>>, vector<16xf32>,
      }
      %scan3A_583 = arith.constant 64 : i32
      %dma_start3A_584 = arith.constant 0 : i32
      %dma_start3A_585 = arith.constant 0 : i32
      %dma_start3A_586 = tpu.memref_slice %arg14[%rem3A_462, %dma_start3A_584, %dma_start3A_585] : memref<4x64x128xf32, #tpu.memory_space<vmem>> -> memref<1x64x128xf32, #tpu.memory_space<vmem>>
      %dma_start3A_587 = tpu.memref_squeeze %dma_start3A_586 : memref<1x64x128xf32, #tpu.memory_space<vmem>> -> memref<64x128xf32, #tpu.memory_space<vmem>>
      %dma_start3A_588 = arith.constant 0 : i32
      %dma_start3A_589 = tpu.memref_slice %arg10[%rem3A_462, %dma_start3A_588] : memref<4x64xi32, #tpu.memory_space<vmem>> -> memref<1x64xi32, #tpu.memory_space<vmem>>
      %dma_start3A_590 = tpu.memref_squeeze %dma_start3A_589 : memref<1x64xi32, #tpu.memory_space<vmem>> -> memref<64xi32, #tpu.memory_space<vmem>>
      %dma_start3A_591 = arith.constant 0 : i32
      %dma_start3A_592 = arith.constant 0 : i32
      %dma_start3A_593 = tpu.memref_slice %arg16[%dma_start3A_591, %dma_start3A_592] : memref<10240x128xf32, #tpu.memory_space<vmem_shared>> -> memref<10240x128xf32, #tpu.memory_space<vmem_shared>>
      tpu.enqueue_indirect_dma source(%dma_start3A_587 : memref<64x128xf32, #tpu.memory_space<vmem>>) target(%dma_start3A_593 : memref<10240x128xf32, #tpu.memory_space<vmem_shared>>) offsets(%dma_start3A_590 : memref<64xi32, #tpu.memory_space<vmem>>) semaphore(%arg19 : memref<!tpu.dma_semaphore, #tpu.memory_space<semaphore_mem>>) {add = true}
      %mul3A_594 = arith.constant 64 : i32
      %mul3A_595 = arith.muli %rem3A_462, %mul3A_594 : i32
      %dma_start3A_596 = tpu.memref_slice %arg13[%mul3A_595] : memref<256xf32, #tpu.memory_space<vmem>> -> memref<64xf32, #tpu.memory_space<vmem>>
      %dma_start3A_597 = arith.constant 0 : i32
      %dma_start3A_598 = tpu.memref_slice %arg10[%rem3A_462, %dma_start3A_597] : memref<4x64xi32, #tpu.memory_space<vmem>> -> memref<1x64xi32, #tpu.memory_space<vmem>>
      %dma_start3A_599 = tpu.memref_squeeze %dma_start3A_598 : memref<1x64xi32, #tpu.memory_space<vmem>> -> memref<64xi32, #tpu.memory_space<vmem>>
      %dma_start3A_600 = arith.constant 0 : i32
      %dma_start3A_601 = tpu.memref_slice %arg17[%dma_start3A_600] : memref<10240xf32, #tpu.memory_space<vmem_shared>> -> memref<10240xf32, #tpu.memory_space<vmem_shared>>
      tpu.enqueue_indirect_dma source(%dma_start3A_596 : memref<64xf32, #tpu.memory_space<vmem>>) target(%dma_start3A_601 : memref<10240xf32, #tpu.memory_space<vmem_shared>>) offsets(%dma_start3A_599 : memref<64xi32, #tpu.memory_space<vmem>>) semaphore(%arg19 : memref<!tpu.dma_semaphore, #tpu.memory_space<semaphore_mem>>) {add = true}
    }
    %scan3A_411 = arith.constant 162 : i32
    %dma_wait3A_412 = arith.constant 0 : i32
    %dma_wait3A_413 = arith.constant 0 : i32
    %dma_wait3A_414 = arith.constant 0 : i32
    %dma_wait3A_415 = arith.constant 0 : i32
    %dma_wait3A_416 = tpu.memref_slice %arg14[%dma_wait3A_412, %dma_wait3A_414, %dma_wait3A_415] : memref<4x64x128xf32, #tpu.memory_space<vmem>> -> memref<1x64x128xf32, #tpu.memory_space<vmem>>
    %dma_wait3A_417 = tpu.memref_squeeze %dma_wait3A_416 : memref<1x64x128xf32, #tpu.memory_space<vmem>> -> memref<64x128xf32, #tpu.memory_space<vmem>>
    %dma_wait3A_418 = arith.constant 0 : i32
    %dma_wait3A_419 = tpu.memref_slice %arg10[%dma_wait3A_413, %dma_wait3A_418] : memref<4x64xi32, #tpu.memory_space<vmem>> -> memref<1x64xi32, #tpu.memory_space<vmem>>
    %dma_wait3A_420 = tpu.memref_squeeze %dma_wait3A_419 : memref<1x64xi32, #tpu.memory_space<vmem>> -> memref<64xi32, #tpu.memory_space<vmem>>
    %dma_wait3A_421 = arith.constant 0 : i32
    %dma_wait3A_422 = arith.constant 0 : i32
    %dma_wait3A_423 = tpu.memref_slice %arg16[%dma_wait3A_421, %dma_wait3A_422] : memref<10240x128xf32, #tpu.memory_space<vmem_shared>> -> memref<10240x128xf32, #tpu.memory_space<vmem_shared>>
    tpu.wait_indirect_dma semaphore(%arg19 : memref<!tpu.dma_semaphore, #tpu.memory_space<semaphore_mem>>) src(%dma_wait3A_417 : memref<64x128xf32, #tpu.memory_space<vmem>>) dst(%dma_wait3A_423 : memref<10240x128xf32, #tpu.memory_space<vmem_shared>>)
    %dma_wait3A_424 = arith.constant 0 : i32
    %dma_wait3A_425 = arith.constant 0 : i32
    %dma_wait3A_426 = tpu.memref_slice %arg13[%dma_wait3A_425] : memref<256xf32, #tpu.memory_space<vmem>> -> memref<64xf32, #tpu.memory_space<vmem>>
    %dma_wait3A_427 = arith.constant 0 : i32
    %dma_wait3A_428 = tpu.memref_slice %arg10[%dma_wait3A_424, %dma_wait3A_427] : memref<4x64xi32, #tpu.memory_space<vmem>> -> memref<1x64xi32, #tpu.memory_space<vmem>>
    %dma_wait3A_429 = tpu.memref_squeeze %dma_wait3A_428 : memref<1x64xi32, #tpu.memory_space<vmem>> -> memref<64xi32, #tpu.memory_space<vmem>>
    %dma_wait3A_430 = arith.constant 0 : i32
    %dma_wait3A_431 = tpu.memref_slice %arg17[%dma_wait3A_430] : memref<10240xf32, #tpu.memory_space<vmem_shared>> -> memref<10240xf32, #tpu.memory_space<vmem_shared>>
    tpu.wait_indirect_dma semaphore(%arg19 : memref<!tpu.dma_semaphore, #tpu.memory_space<semaphore_mem>>) src(%dma_wait3A_426 : memref<64xf32, #tpu.memory_space<vmem>>) dst(%dma_wait3A_431 : memref<10240xf32, #tpu.memory_space<vmem_shared>>)
    %dma_wait3A_432 = arith.constant 1 : i32
    %dma_wait3A_433 = arith.constant 1 : i32
    %dma_wait3A_434 = arith.constant 0 : i32
    %dma_wait3A_435 = arith.constant 0 : i32
    %dma_wait3A_436 = tpu.memref_slice %arg14[%dma_wait3A_432, %dma_wait3A_434, %dma_wait3A_435] : memref<4x64x128xf32, #tpu.memory_space<vmem>> -> memref<1x64x128xf32, #tpu.memory_space<vmem>>
    %dma_wait3A_437 = tpu.memref_squeeze %dma_wait3A_436 : memref<1x64x128xf32, #tpu.memory_space<vmem>> -> memref<64x128xf32, #tpu.memory_space<vmem>>
    %dma_wait3A_438 = arith.constant 0 : i32
    %dma_wait3A_439 = tpu.memref_slice %arg10[%dma_wait3A_433, %dma_wait3A_438] : memref<4x64xi32, #tpu.memory_space<vmem>> -> memref<1x64xi32, #tpu.memory_space<vmem>>
    %dma_wait3A_440 = tpu.memref_squeeze %dma_wait3A_439 : memref<1x64xi32, #tpu.memory_space<vmem>> -> memref<64xi32, #tpu.memory_space<vmem>>
    %dma_wait3A_441 = arith.constant 0 : i32
    %dma_wait3A_442 = arith.constant 0 : i32
    %dma_wait3A_443 = tpu.memref_slice %arg16[%dma_wait3A_441, %dma_wait3A_442] : memref<10240x128xf32, #tpu.memory_space<vmem_shared>> -> memref<10240x128xf32, #tpu.memory_space<vmem_shared>>
    tpu.wait_indirect_dma semaphore(%arg19 : memref<!tpu.dma_semaphore, #tpu.memory_space<semaphore_mem>>) src(%dma_wait3A_437 : memref<64x128xf32, #tpu.memory_space<vmem>>) dst(%dma_wait3A_443 : memref<10240x128xf32, #tpu.memory_space<vmem_shared>>)
    %dma_wait3A_444 = arith.constant 1 : i32
    %dma_wait3A_445 = arith.constant 0 : i32
    %dma_wait3A_446 = tpu.memref_slice %arg13[%dma_wait3A_445] : memref<256xf32, #tpu.memory_space<vmem>> -> memref<64xf32, #tpu.memory_space<vmem>>
    %dma_wait3A_447 = arith.constant 0 : i32
    %dma_wait3A_448 = tpu.memref_slice %arg10[%dma_wait3A_444, %dma_wait3A_447] : memref<4x64xi32, #tpu.memory_space<vmem>> -> memref<1x64xi32, #tpu.memory_space<vmem>>
    %dma_wait3A_449 = tpu.memref_squeeze %dma_wait3A_448 : memref<1x64xi32, #tpu.memory_space<vmem>> -> memref<64xi32, #tpu.memory_space<vmem>>
    %dma_wait3A_450 = arith.constant 0 : i32
    %dma_wait3A_451 = tpu.memref_slice %arg17[%dma_wait3A_450] : memref<10240xf32, #tpu.memory_space<vmem_shared>> -> memref<10240xf32, #tpu.memory_space<vmem_shared>>
    tpu.wait_indirect_dma semaphore(%arg19 : memref<!tpu.dma_semaphore, #tpu.memory_space<semaphore_mem>>) src(%dma_wait3A_446 : memref<64xf32, #tpu.memory_space<vmem>>) dst(%dma_wait3A_451 : memref<10240xf32, #tpu.memory_space<vmem_shared>>)
    %barrier3A_452 = arith.constant 0 : index
    tpu.barrier barrier_id(%barrier3A_452)
    %mul3A_453 = arith.constant 640 : i32
    %mul3A_454 = arith.muli %arg1, %mul3A_453 : i32
    %mul3A_455 = arith.constant 640 : i32
    %mul3A_456 = arith.muli %arg1, %mul3A_455 : i32
    "tpu.region"() ({
      %run_scoped3A_461 = tpu.sem_alloc : memref<!tpu.dma_semaphore, #tpu.memory_space<semaphore_mem>>
      %dma_start3A_462 = arith.constant 0 : i32
      %dma_start3A_463 = tpu.memref_slice %arg6[%arg0, %mul3A_456, %dma_start3A_462] : memref<2x10240x128xf32, #tpu.memory_space<hbm>> -> memref<1x640x128xf32, #tpu.memory_space<hbm>>
      %dma_start3A_464 = tpu.memref_squeeze %dma_start3A_463 : memref<1x640x128xf32, #tpu.memory_space<hbm>> -> memref<640x128xf32, #tpu.memory_space<hbm>>
      %dma_start3A_465 = arith.constant 0 : i32
      %dma_start3A_466 = tpu.memref_slice %arg16[%mul3A_454, %dma_start3A_465] : memref<10240x128xf32, #tpu.memory_space<vmem_shared>> -> memref<640x128xf32, #tpu.memory_space<vmem_shared>>
      tpu.enqueue_dma source(%dma_start3A_466 : memref<640x128xf32, #tpu.memory_space<vmem_shared>>) target(%dma_start3A_464 : memref<640x128xf32, #tpu.memory_space<hbm>>) target_semaphore(%run_scoped3A_461 : memref<!tpu.dma_semaphore, #tpu.memory_space<semaphore_mem>>)
      %dma_wait3A_467 = arith.constant 0 : i32
      %dma_wait3A_468 = tpu.memref_slice %arg6[%arg0, %mul3A_456, %dma_wait3A_467] : memref<2x10240x128xf32, #tpu.memory_space<hbm>> -> memref<1x640x128xf32, #tpu.memory_space<hbm>>
      %dma_wait3A_469 = tpu.memref_squeeze %dma_wait3A_468 : memref<1x640x128xf32, #tpu.memory_space<hbm>> -> memref<640x128xf32, #tpu.memory_space<hbm>>
      %dma_wait3A_470 = arith.constant 0 : i32
      %dma_wait3A_471 = tpu.memref_slice %arg16[%mul3A_454, %dma_wait3A_470] : memref<10240x128xf32, #tpu.memory_space<vmem_shared>> -> memref<640x128xf32, #tpu.memory_space<vmem_shared>>
      tpu.wait_dma2 semaphore(%run_scoped3A_461 : memref<!tpu.dma_semaphore, #tpu.memory_space<semaphore_mem>>) src(%dma_wait3A_471 : memref<640x128xf32, #tpu.memory_space<vmem_shared>>) dst(%dma_wait3A_469 : memref<640x128xf32, #tpu.memory_space<hbm>>)
      tpu.yield
    }) : () -> ()
    %mul3A_457 = arith.constant 640 : i32
    %mul3A_458 = arith.muli %arg1, %mul3A_457 : i32
    %mul3A_459 = arith.constant 640 : i32
    %mul3A_460 = arith.muli %arg1, %mul3A_459 : i32
    "tpu.region"() ({
      %run_scoped3A_461 = tpu.sem_alloc : memref<!tpu.dma_semaphore, #tpu.memory_space<semaphore_mem>>
      %dma_start3A_462 = tpu.memref_slice %arg7[%arg0, %mul3A_460] : memref<2x10240xf32, #tpu.memory_space<hbm>> -> memref<1x640xf32, #tpu.memory_space<hbm>>
      %dma_start3A_463 = tpu.memref_squeeze %dma_start3A_462 : memref<1x640xf32, #tpu.memory_space<hbm>> -> memref<640xf32, #tpu.memory_space<hbm>>
      %dma_start3A_464 = tpu.memref_slice %arg17[%mul3A_458] : memref<10240xf32, #tpu.memory_space<vmem_shared>> -> memref<640xf32, #tpu.memory_space<vmem_shared>>
      tpu.enqueue_dma source(%dma_start3A_464 : memref<640xf32, #tpu.memory_space<vmem_shared>>) target(%dma_start3A_463 : memref<640xf32, #tpu.memory_space<hbm>>) target_semaphore(%run_scoped3A_461 : memref<!tpu.dma_semaphore, #tpu.memory_space<semaphore_mem>>)
      %dma_wait3A_465 = tpu.memref_slice %arg7[%arg0, %mul3A_460] : memref<2x10240xf32, #tpu.memory_space<hbm>> -> memref<1x640xf32, #tpu.memory_space<hbm>>
      %dma_wait3A_466 = tpu.memref_squeeze %dma_wait3A_465 : memref<1x640xf32, #tpu.memory_space<hbm>> -> memref<640xf32, #tpu.memory_space<hbm>>
      %dma_wait3A_467 = tpu.memref_slice %arg17[%mul3A_458] : memref<10240xf32, #tpu.memory_space<vmem_shared>> -> memref<640xf32, #tpu.memory_space<vmem_shared>>
      tpu.wait_dma2 semaphore(%run_scoped3A_461 : memref<!tpu.dma_semaphore, #tpu.memory_space<semaphore_mem>>) src(%dma_wait3A_467 : memref<640xf32, #tpu.memory_space<vmem_shared>>) dst(%dma_wait3A_466 : memref<640xf32, #tpu.memory_space<hbm>>)
      tpu.yield
    }) : () -> ()
    return
  }
}

module attributes {stable_mosaic.version = 14 : i64} {
  func.func @_tc_first_body(%arg0: i32, %arg1: memref<1024x128xf32, #tpu.memory_space<vmem>>, %arg2: memref<128x128xf32, #tpu.memory_space<vmem>>, %arg3: memref<1x128xf32, #tpu.memory_space<vmem>>, %arg4: memref<1x128xf32, #tpu.memory_space<vmem>>, %arg5: memref<1024x128xf32, #tpu.memory_space<vmem>>, %arg6: memref<1024x1xf32, #tpu.memory_space<vmem>>, %arg7: memref<1024x1xf32, #tpu.memory_space<vmem>>) attributes {dimension_semantics = [#tpu.dimension_semantics<arbitrary>], iteration_bounds = array<i64: 10>, scalar_prefetch = 0 : i64, scratch_operands = 0 : i64, tpu.core_type = #tpu.core_type<tc>, window_params = [{transform_indices = @transform_0, window_bounds = array<i64: 1024, 128>}, {pipeline_mode = #tpu.pipeline_mode<synchronous>, transform_indices = @transform_1, window_bounds = array<i64: 128, 128>}, {pipeline_mode = #tpu.pipeline_mode<synchronous>, transform_indices = @transform_2, window_bounds = array<i64: 1, 128>}, {pipeline_mode = #tpu.pipeline_mode<synchronous>, transform_indices = @transform_3, window_bounds = array<i64: 1, 128>}, {transform_indices = @transform_4, window_bounds = array<i64: 1024, 128>}, {transform_indices = @transform_5, window_bounds = array<i64: 1024, 1>}, {transform_indices = @transform_6, window_bounds = array<i64: 1024, 1>}]} {
    %get3A = arith.constant 0 : index
    %get3A_0 = arith.constant 0 : index
    %get3A_1 = vector.load %arg1[%get3A, %get3A_0] : memref<1024x128xf32, #tpu.memory_space<vmem>>, vector<1024x128xf32>
    %get3A_2 = arith.constant 0 : index
    %get3A_3 = arith.constant 0 : index
    %get3A_4 = vector.load %arg2[%get3A_2, %get3A_3] : memref<128x128xf32, #tpu.memory_space<vmem>>, vector<128x128xf32>
    %dot_general3A = arith.constant dense<0.000000e+00> : vector<1024x128xf32>
    %dot_general3A_5 = tpu.matmul %get3A_1, %get3A_4, %dot_general3A {dimension_numbers = #tpu.dot_dimension_numbers<[1], [0], [0], [1], [0, 0, 1, 1], [], []>, transpose_lhs_hint = false} : vector<1024x128xf32>, vector<128x128xf32>, vector<1024x128xf32> -> vector<1024x128xf32>
    %swap3A = arith.constant 0 : index
    %swap3A_6 = arith.constant 0 : index
    %swap3A_7 = vector.load %arg5[%swap3A, %swap3A_6] : memref<1024x128xf32, #tpu.memory_space<vmem>>, vector<1024x128xf32>
    tpu.vector_store %arg5[%swap3A, %swap3A_6], %dot_general3A_5 {strides = array<i32>} : memref<1024x128xf32, #tpu.memory_space<vmem>>, vector<1024x128xf32>,
    %get3A_8 = arith.constant 0 : index
    %get3A_9 = arith.constant 0 : index
    %get3A_10 = vector.load %arg3[%get3A_8, %get3A_9] : memref<1x128xf32, #tpu.memory_space<vmem>>, vector<1x128xf32>
    %mul3A = vector.broadcast %get3A_10 : vector<1x128xf32> to vector<1024x128xf32>
    %mul3A_11 = arith.mulf %dot_general3A_5, %mul3A : vector<1024x128xf32>
    %reduce_sum3A = arith.constant dense<0.000000e+00> : vector<1024xf32>
    %reduce_sum3A_12 = vector.multi_reduction <add>, %mul3A_11, %reduce_sum3A [1] : vector<1024x128xf32> to vector<1024xf32>
    %broadcast_in_dim3A = vector.shape_cast %reduce_sum3A_12 : vector<1024xf32> to vector<1024x1xf32>
    %swap3A_13 = arith.constant 0 : index
    %swap3A_14 = arith.constant 0 : index
    %swap3A_15 = vector.load %arg6[%swap3A_13, %swap3A_14] : memref<1024x1xf32, #tpu.memory_space<vmem>>, vector<1024x1xf32>
    tpu.vector_store %arg6[%swap3A_13, %swap3A_14], %broadcast_in_dim3A {strides = array<i32>} : memref<1024x1xf32, #tpu.memory_space<vmem>>, vector<1024x1xf32>,
    %get3A_16 = arith.constant 0 : index
    %get3A_17 = arith.constant 0 : index
    %get3A_18 = vector.load %arg4[%get3A_16, %get3A_17] : memref<1x128xf32, #tpu.memory_space<vmem>>, vector<1x128xf32>
    %mul3A_19 = vector.broadcast %get3A_18 : vector<1x128xf32> to vector<1024x128xf32>
    %mul3A_20 = arith.mulf %dot_general3A_5, %mul3A_19 : vector<1024x128xf32>
    %reduce_sum3A_21 = arith.constant dense<0.000000e+00> : vector<1024xf32>
    %reduce_sum3A_22 = vector.multi_reduction <add>, %mul3A_20, %reduce_sum3A_21 [1] : vector<1024x128xf32> to vector<1024xf32>
    %broadcast_in_dim3A_23 = vector.shape_cast %reduce_sum3A_22 : vector<1024xf32> to vector<1024x1xf32>
    %swap3A_24 = arith.constant 0 : index
    %swap3A_25 = arith.constant 0 : index
    %swap3A_26 = vector.load %arg7[%swap3A_24, %swap3A_25] : memref<1024x1xf32, #tpu.memory_space<vmem>>, vector<1024x1xf32>
    tpu.vector_store %arg7[%swap3A_24, %swap3A_25], %broadcast_in_dim3A_23 {strides = array<i32>} : memref<1024x1xf32, #tpu.memory_space<vmem>>, vector<1024x1xf32>,
    return
  }
  func.func @transform_0(%arg0: i32) -> (i32, i32) {
    %c0_i32 = arith.constant 0 : i32
    %c0_i32_0 = arith.constant 0 : i32
    return %arg0, %c0_i32 : i32, i32
  }
  func.func @transform_1(%arg0: i32) -> (i32, i32) {
    %c0_i32 = arith.constant 0 : i32
    %c0_i32_0 = arith.constant 0 : i32
    %c0_i32_1 = arith.constant 0 : i32
    return %c0_i32, %c0_i32_0 : i32, i32
  }
  func.func @transform_2(%arg0: i32) -> (i32, i32) {
    %c0_i32 = arith.constant 0 : i32
    %c0_i32_0 = arith.constant 0 : i32
    %c0_i32_1 = arith.constant 0 : i32
    return %c0_i32, %c0_i32_0 : i32, i32
  }
  func.func @transform_3(%arg0: i32) -> (i32, i32) {
    %c0_i32 = arith.constant 0 : i32
    %c0_i32_0 = arith.constant 0 : i32
    %c0_i32_1 = arith.constant 0 : i32
    return %c0_i32, %c0_i32_0 : i32, i32
  }
  func.func @transform_4(%arg0: i32) -> (i32, i32) {
    %c0_i32 = arith.constant 0 : i32
    %c0_i32_0 = arith.constant 0 : i32
    return %arg0, %c0_i32 : i32, i32
  }
  func.func @transform_5(%arg0: i32) -> (i32, i32) {
    %c0_i32 = arith.constant 0 : i32
    %c0_i32_0 = arith.constant 0 : i32
    return %arg0, %c0_i32 : i32, i32
  }
  func.func @transform_6(%arg0: i32) -> (i32, i32) {
    %c0_i32 = arith.constant 0 : i32
    %c0_i32_0 = arith.constant 0 : i32
    return %arg0, %c0_i32 : i32, i32
  }
}

module attributes {stable_mosaic.version = 14 : i64} {
  func.func @_tc_last_body(%arg0: i32, %arg1: memref<2x1024x128xf32, #tpu.memory_space<vmem>>, %arg2: memref<1024x1xf32, #tpu.memory_space<vmem>>, %arg3: memref<1024x1xf32, #tpu.memory_space<vmem>>, %arg4: memref<1x128xf32, #tpu.memory_space<vmem>>, %arg5: memref<128x128xf32, #tpu.memory_space<vmem>>, %arg6: memref<1x128xf32, #tpu.memory_space<vmem>>, %arg7: memref<1024x128xf32, #tpu.memory_space<vmem>>) attributes {dimension_semantics = [#tpu.dimension_semantics<arbitrary>], iteration_bounds = array<i64: 10>, scalar_prefetch = 0 : i64, scratch_operands = 0 : i64, tpu.core_type = #tpu.core_type<tc>, window_params = [{transform_indices = @transform_0, window_bounds = array<i64: 2, 1024, 128>}, {transform_indices = @transform_1, window_bounds = array<i64: 1024, 1>}, {transform_indices = @transform_2, window_bounds = array<i64: 1024, 1>}, {pipeline_mode = #tpu.pipeline_mode<synchronous>, transform_indices = @transform_3, window_bounds = array<i64: 1, 128>}, {pipeline_mode = #tpu.pipeline_mode<synchronous>, transform_indices = @transform_4, window_bounds = array<i64: 128, 128>}, {pipeline_mode = #tpu.pipeline_mode<synchronous>, transform_indices = @transform_5, window_bounds = array<i64: 1, 128>}, {transform_indices = @transform_6, window_bounds = array<i64: 1024, 128>}]} {
    %get3A = arith.constant 0 : index
    %get3A_0 = arith.constant 0 : index
    %get3A_1 = vector.load %arg2[%get3A, %get3A_0] : memref<1024x1xf32, #tpu.memory_space<vmem>>, vector<1024x1xf32>
    %get3A_2 = arith.constant 0 : index
    %get3A_3 = arith.constant 0 : index
    %get3A_4 = vector.load %arg3[%get3A_2, %get3A_3] : memref<1024x1xf32, #tpu.memory_space<vmem>>, vector<1024x1xf32>
    %add3A = arith.addf %get3A_1, %get3A_4 : vector<1024x1xf32>
    %add3A_5 = arith.constant 1.000000e-16 : f32
    %add3A_6 = vector.broadcast %add3A_5 : f32 to vector<1024x1xf32>
    %add3A_7 = arith.addf %add3A, %add3A_6 : vector<1024x1xf32>
    %get3A_8 = arith.constant 0 : index
    %get3A_9 = arith.constant 0 : index
    %get3A_10 = arith.constant 0 : index
    %get3A_11 = vector.load %arg1[%get3A_8, %get3A_9, %get3A_10] : memref<2x1024x128xf32, #tpu.memory_space<vmem>>, vector<1x1024x128xf32>
    %get3A_12 = vector.shape_cast %get3A_11 : vector<1x1024x128xf32> to vector<1024x128xf32>
    %get3A_13 = arith.constant 1 : index
    %get3A_14 = arith.constant 0 : index
    %get3A_15 = arith.constant 0 : index
    %get3A_16 = vector.load %arg1[%get3A_13, %get3A_14, %get3A_15] : memref<2x1024x128xf32, #tpu.memory_space<vmem>>, vector<1x1024x128xf32>
    %get3A_17 = vector.shape_cast %get3A_16 : vector<1x1024x128xf32> to vector<1024x128xf32>
    %add3A_18 = arith.addf %get3A_12, %get3A_17 : vector<1024x128xf32>
    %div3A = vector.broadcast %add3A_7 : vector<1024x1xf32> to vector<1024x128xf32>
    %div3A_19 = arith.divf %add3A_18, %div3A : vector<1024x128xf32>
    %get3A_20 = arith.constant 0 : index
    %get3A_21 = arith.constant 0 : index
    %get3A_22 = vector.load %arg4[%get3A_20, %get3A_21] : memref<1x128xf32, #tpu.memory_space<vmem>>, vector<1x128xf32>
    %add3A_23 = vector.broadcast %get3A_22 : vector<1x128xf32> to vector<1024x128xf32>
    %add3A_24 = arith.addf %div3A_19, %add3A_23 : vector<1024x128xf32>
    %max3A = arith.constant 0.000000e+00 : f32
    %max3A_25 = vector.broadcast %max3A : f32 to vector<1024x128xf32>
    %max3A_26 = arith.maximumf %add3A_24, %max3A_25 : vector<1024x128xf32>
    %get3A_27 = arith.constant 0 : index
    %get3A_28 = arith.constant 0 : index
    %get3A_29 = vector.load %arg5[%get3A_27, %get3A_28] : memref<128x128xf32, #tpu.memory_space<vmem>>, vector<128x128xf32>
    %dot_general3A = arith.constant dense<0.000000e+00> : vector<1024x128xf32>
    %dot_general3A_30 = tpu.matmul %max3A_26, %get3A_29, %dot_general3A {dimension_numbers = #tpu.dot_dimension_numbers<[1], [0], [0], [1], [0, 0, 1, 1], [], []>, transpose_lhs_hint = false} : vector<1024x128xf32>, vector<128x128xf32>, vector<1024x128xf32> -> vector<1024x128xf32>
    %get3A_31 = arith.constant 0 : index
    %get3A_32 = arith.constant 0 : index
    %get3A_33 = vector.load %arg6[%get3A_31, %get3A_32] : memref<1x128xf32, #tpu.memory_space<vmem>>, vector<1x128xf32>
    %add3A_34 = vector.broadcast %get3A_33 : vector<1x128xf32> to vector<1024x128xf32>
    %add3A_35 = arith.addf %dot_general3A_30, %add3A_34 : vector<1024x128xf32>
    %swap3A = arith.constant 0 : index
    %swap3A_36 = arith.constant 0 : index
    %swap3A_37 = vector.load %arg7[%swap3A, %swap3A_36] : memref<1024x128xf32, #tpu.memory_space<vmem>>, vector<1024x128xf32>
    tpu.vector_store %arg7[%swap3A, %swap3A_36], %add3A_35 {strides = array<i32>} : memref<1024x128xf32, #tpu.memory_space<vmem>>, vector<1024x128xf32>,
    return
  }
  func.func @transform_0(%arg0: i32) -> (i32, i32, i32) {
    %c0_i32 = arith.constant 0 : i32
    %c0_i32_0 = arith.constant 0 : i32
    %c0_i32_1 = arith.constant 0 : i32
    return %c0_i32, %arg0, %c0_i32_0 : i32, i32, i32
  }
  func.func @transform_1(%arg0: i32) -> (i32, i32) {
    %c0_i32 = arith.constant 0 : i32
    %c0_i32_0 = arith.constant 0 : i32
    return %arg0, %c0_i32 : i32, i32
  }
  func.func @transform_2(%arg0: i32) -> (i32, i32) {
    %c0_i32 = arith.constant 0 : i32
    %c0_i32_0 = arith.constant 0 : i32
    return %arg0, %c0_i32 : i32, i32
  }
  func.func @transform_3(%arg0: i32) -> (i32, i32) {
    %c0_i32 = arith.constant 0 : i32
    %c0_i32_0 = arith.constant 0 : i32
    %c0_i32_1 = arith.constant 0 : i32
    return %c0_i32, %c0_i32_0 : i32, i32
  }
  func.func @transform_4(%arg0: i32) -> (i32, i32) {
    %c0_i32 = arith.constant 0 : i32
    %c0_i32_0 = arith.constant 0 : i32
    %c0_i32_1 = arith.constant 0 : i32
    return %c0_i32, %c0_i32_0 : i32, i32
  }
  func.func @transform_5(%arg0: i32) -> (i32, i32) {
    %c0_i32 = arith.constant 0 : i32
    %c0_i32_0 = arith.constant 0 : i32
    %c0_i32_1 = arith.constant 0 : i32
    return %c0_i32, %c0_i32_0 : i32, i32
  }
  func.func @transform_6(%arg0: i32) -> (i32, i32) {
    %c0_i32 = arith.constant 0 : i32
    %c0_i32_0 = arith.constant 0 : i32
    return %arg0, %c0_i32 : i32, i32
  }
}

module attributes {stable_mosaic.version = 14 : i64} {
  func.func @_tc_mid_body(%arg0: i32, %arg1: memref<2x1024x128xf32, #tpu.memory_space<vmem>>, %arg2: memref<1024x1xf32, #tpu.memory_space<vmem>>, %arg3: memref<1024x1xf32, #tpu.memory_space<vmem>>, %arg4: memref<1x128xf32, #tpu.memory_space<vmem>>, %arg5: memref<128x128xf32, #tpu.memory_space<vmem>>, %arg6: memref<1x128xf32, #tpu.memory_space<vmem>>, %arg7: memref<1x128xf32, #tpu.memory_space<vmem>>, %arg8: memref<1024x128xf32, #tpu.memory_space<vmem>>, %arg9: memref<1024x1xf32, #tpu.memory_space<vmem>>, %arg10: memref<1024x1xf32, #tpu.memory_space<vmem>>) attributes {dimension_semantics = [#tpu.dimension_semantics<arbitrary>], iteration_bounds = array<i64: 10>, scalar_prefetch = 0 : i64, scratch_operands = 0 : i64, tpu.core_type = #tpu.core_type<tc>, window_params = [{transform_indices = @transform_0, window_bounds = array<i64: 2, 1024, 128>}, {transform_indices = @transform_1, window_bounds = array<i64: 1024, 1>}, {transform_indices = @transform_2, window_bounds = array<i64: 1024, 1>}, {pipeline_mode = #tpu.pipeline_mode<synchronous>, transform_indices = @transform_3, window_bounds = array<i64: 1, 128>}, {pipeline_mode = #tpu.pipeline_mode<synchronous>, transform_indices = @transform_4, window_bounds = array<i64: 128, 128>}, {pipeline_mode = #tpu.pipeline_mode<synchronous>, transform_indices = @transform_5, window_bounds = array<i64: 1, 128>}, {pipeline_mode = #tpu.pipeline_mode<synchronous>, transform_indices = @transform_6, window_bounds = array<i64: 1, 128>}, {transform_indices = @transform_7, window_bounds = array<i64: 1024, 128>}, {transform_indices = @transform_8, window_bounds = array<i64: 1024, 1>}, {transform_indices = @transform_9, window_bounds = array<i64: 1024, 1>}]} {
    %get3A = arith.constant 0 : index
    %get3A_0 = arith.constant 0 : index
    %get3A_1 = vector.load %arg2[%get3A, %get3A_0] : memref<1024x1xf32, #tpu.memory_space<vmem>>, vector<1024x1xf32>
    %get3A_2 = arith.constant 0 : index
    %get3A_3 = arith.constant 0 : index
    %get3A_4 = vector.load %arg3[%get3A_2, %get3A_3] : memref<1024x1xf32, #tpu.memory_space<vmem>>, vector<1024x1xf32>
    %add3A = arith.addf %get3A_1, %get3A_4 : vector<1024x1xf32>
    %add3A_5 = arith.constant 1.000000e-16 : f32
    %add3A_6 = vector.broadcast %add3A_5 : f32 to vector<1024x1xf32>
    %add3A_7 = arith.addf %add3A, %add3A_6 : vector<1024x1xf32>
    %get3A_8 = arith.constant 0 : index
    %get3A_9 = arith.constant 0 : index
    %get3A_10 = arith.constant 0 : index
    %get3A_11 = vector.load %arg1[%get3A_8, %get3A_9, %get3A_10] : memref<2x1024x128xf32, #tpu.memory_space<vmem>>, vector<1x1024x128xf32>
    %get3A_12 = vector.shape_cast %get3A_11 : vector<1x1024x128xf32> to vector<1024x128xf32>
    %get3A_13 = arith.constant 1 : index
    %get3A_14 = arith.constant 0 : index
    %get3A_15 = arith.constant 0 : index
    %get3A_16 = vector.load %arg1[%get3A_13, %get3A_14, %get3A_15] : memref<2x1024x128xf32, #tpu.memory_space<vmem>>, vector<1x1024x128xf32>
    %get3A_17 = vector.shape_cast %get3A_16 : vector<1x1024x128xf32> to vector<1024x128xf32>
    %add3A_18 = arith.addf %get3A_12, %get3A_17 : vector<1024x128xf32>
    %div3A = vector.broadcast %add3A_7 : vector<1024x1xf32> to vector<1024x128xf32>
    %div3A_19 = arith.divf %add3A_18, %div3A : vector<1024x128xf32>
    %get3A_20 = arith.constant 0 : index
    %get3A_21 = arith.constant 0 : index
    %get3A_22 = vector.load %arg4[%get3A_20, %get3A_21] : memref<1x128xf32, #tpu.memory_space<vmem>>, vector<1x128xf32>
    %add3A_23 = vector.broadcast %get3A_22 : vector<1x128xf32> to vector<1024x128xf32>
    %add3A_24 = arith.addf %div3A_19, %add3A_23 : vector<1024x128xf32>
    %max3A = arith.constant 0.000000e+00 : f32
    %max3A_25 = vector.broadcast %max3A : f32 to vector<1024x128xf32>
    %max3A_26 = arith.maximumf %add3A_24, %max3A_25 : vector<1024x128xf32>
    %get3A_27 = arith.constant 0 : index
    %get3A_28 = arith.constant 0 : index
    %get3A_29 = vector.load %arg5[%get3A_27, %get3A_28] : memref<128x128xf32, #tpu.memory_space<vmem>>, vector<128x128xf32>
    %dot_general3A = arith.constant dense<0.000000e+00> : vector<1024x128xf32>
    %dot_general3A_30 = tpu.matmul %max3A_26, %get3A_29, %dot_general3A {dimension_numbers = #tpu.dot_dimension_numbers<[1], [0], [0], [1], [0, 0, 1, 1], [], []>, transpose_lhs_hint = false} : vector<1024x128xf32>, vector<128x128xf32>, vector<1024x128xf32> -> vector<1024x128xf32>
    %swap3A = arith.constant 0 : index
    %swap3A_31 = arith.constant 0 : index
    %swap3A_32 = vector.load %arg8[%swap3A, %swap3A_31] : memref<1024x128xf32, #tpu.memory_space<vmem>>, vector<1024x128xf32>
    tpu.vector_store %arg8[%swap3A, %swap3A_31], %dot_general3A_30 {strides = array<i32>} : memref<1024x128xf32, #tpu.memory_space<vmem>>, vector<1024x128xf32>,
    %get3A_33 = arith.constant 0 : index
    %get3A_34 = arith.constant 0 : index
    %get3A_35 = vector.load %arg6[%get3A_33, %get3A_34] : memref<1x128xf32, #tpu.memory_space<vmem>>, vector<1x128xf32>
    %mul3A = vector.broadcast %get3A_35 : vector<1x128xf32> to vector<1024x128xf32>
    %mul3A_36 = arith.mulf %dot_general3A_30, %mul3A : vector<1024x128xf32>
    %reduce_sum3A = arith.constant dense<0.000000e+00> : vector<1024xf32>
    %reduce_sum3A_37 = vector.multi_reduction <add>, %mul3A_36, %reduce_sum3A [1] : vector<1024x128xf32> to vector<1024xf32>
    %broadcast_in_dim3A = vector.shape_cast %reduce_sum3A_37 : vector<1024xf32> to vector<1024x1xf32>
    %swap3A_38 = arith.constant 0 : index
    %swap3A_39 = arith.constant 0 : index
    %swap3A_40 = vector.load %arg9[%swap3A_38, %swap3A_39] : memref<1024x1xf32, #tpu.memory_space<vmem>>, vector<1024x1xf32>
    tpu.vector_store %arg9[%swap3A_38, %swap3A_39], %broadcast_in_dim3A {strides = array<i32>} : memref<1024x1xf32, #tpu.memory_space<vmem>>, vector<1024x1xf32>,
    %get3A_41 = arith.constant 0 : index
    %get3A_42 = arith.constant 0 : index
    %get3A_43 = vector.load %arg7[%get3A_41, %get3A_42] : memref<1x128xf32, #tpu.memory_space<vmem>>, vector<1x128xf32>
    %mul3A_44 = vector.broadcast %get3A_43 : vector<1x128xf32> to vector<1024x128xf32>
    %mul3A_45 = arith.mulf %dot_general3A_30, %mul3A_44 : vector<1024x128xf32>
    %reduce_sum3A_46 = arith.constant dense<0.000000e+00> : vector<1024xf32>
    %reduce_sum3A_47 = vector.multi_reduction <add>, %mul3A_45, %reduce_sum3A_46 [1] : vector<1024x128xf32> to vector<1024xf32>
    %broadcast_in_dim3A_48 = vector.shape_cast %reduce_sum3A_47 : vector<1024xf32> to vector<1024x1xf32>
    %swap3A_49 = arith.constant 0 : index
    %swap3A_50 = arith.constant 0 : index
    %swap3A_51 = vector.load %arg10[%swap3A_49, %swap3A_50] : memref<1024x1xf32, #tpu.memory_space<vmem>>, vector<1024x1xf32>
    tpu.vector_store %arg10[%swap3A_49, %swap3A_50], %broadcast_in_dim3A_48 {strides = array<i32>} : memref<1024x1xf32, #tpu.memory_space<vmem>>, vector<1024x1xf32>,
    return
  }
  func.func @transform_0(%arg0: i32) -> (i32, i32, i32) {
    %c0_i32 = arith.constant 0 : i32
    %c0_i32_0 = arith.constant 0 : i32
    %c0_i32_1 = arith.constant 0 : i32
    return %c0_i32, %arg0, %c0_i32_0 : i32, i32, i32
  }
  func.func @transform_1(%arg0: i32) -> (i32, i32) {
    %c0_i32 = arith.constant 0 : i32
    %c0_i32_0 = arith.constant 0 : i32
    return %arg0, %c0_i32 : i32, i32
  }
  func.func @transform_2(%arg0: i32) -> (i32, i32) {
    %c0_i32 = arith.constant 0 : i32
    %c0_i32_0 = arith.constant 0 : i32
    return %arg0, %c0_i32 : i32, i32
  }
  func.func @transform_3(%arg0: i32) -> (i32, i32) {
    %c0_i32 = arith.constant 0 : i32
    %c0_i32_0 = arith.constant 0 : i32
    %c0_i32_1 = arith.constant 0 : i32
    return %c0_i32, %c0_i32_0 : i32, i32
  }
  func.func @transform_4(%arg0: i32) -> (i32, i32) {
    %c0_i32 = arith.constant 0 : i32
    %c0_i32_0 = arith.constant 0 : i32
    %c0_i32_1 = arith.constant 0 : i32
    return %c0_i32, %c0_i32_0 : i32, i32
  }
  func.func @transform_5(%arg0: i32) -> (i32, i32) {
    %c0_i32 = arith.constant 0 : i32
    %c0_i32_0 = arith.constant 0 : i32
    %c0_i32_1 = arith.constant 0 : i32
    return %c0_i32, %c0_i32_0 : i32, i32
  }
  func.func @transform_6(%arg0: i32) -> (i32, i32) {
    %c0_i32 = arith.constant 0 : i32
    %c0_i32_0 = arith.constant 0 : i32
    %c0_i32_1 = arith.constant 0 : i32
    return %c0_i32, %c0_i32_0 : i32, i32
  }
  func.func @transform_7(%arg0: i32) -> (i32, i32) {
    %c0_i32 = arith.constant 0 : i32
    %c0_i32_0 = arith.constant 0 : i32
    return %arg0, %c0_i32 : i32, i32
  }
  func.func @transform_8(%arg0: i32) -> (i32, i32) {
    %c0_i32 = arith.constant 0 : i32
    %c0_i32_0 = arith.constant 0 : i32
    return %arg0, %c0_i32 : i32, i32
  }
  func.func @transform_9(%arg0: i32) -> (i32, i32) {
    %c0_i32 = arith.constant 0 : i32
    %c0_i32_0 = arith.constant 0 : i32
    return %arg0, %c0_i32 : i32, i32
  }
}

</mosaic_0001>

<sc_bundles>
// kernel: kernel.10.cloned.1.call-start
scs
__scs_entry_jumppad:
0x0: {  	(pc) =	sbr.rel $0x88, $3  }
0x1: {  	(tag) =	ssettag $0x0;
	lr =	simm.s32 $0x1  }
0x2: {  	[smem:$0x3F95] =	sst lr;
	_ =	strace $0xD0000000  }
0x3: {  	_ = 	snop  }
0x4: {  	_ = 	snop  }
0x5: {  	_ = 	snop  }
0x6: {  	_ = 	snop  }
0x7: {  	_ = 	snop  }
__scs_overlays_trampoline_lowered:
0x8: {  	[smem:$0x3FA4] =	sst s0  }
0x9: {  	[smem:$0x3FA5] =	sst s1  }
0xa: {  	[smem:$0x3FA6] =	sst s2  }
0xb: {  	[smem:$0x3FA7] =	sst s3  }
0xc: {  	[smem:$0x3FA8] =	sst s4  }
0xd: {  	[smem:$0x3FA9] =	sst s5  }
0xe: {  	[smem:$0x3FAA] =	sst s6  }
0xf: {  	[smem:$0x3FAB] =	sst s7  }
0x10: {  	[smem:$0x3FAC] =	sst s8  }
0x11: {  	[smem:$0x3FAD] =	sst s9;
	s0 =	simm.s32 @!p0 $0x0  }
0x12: {  	s1 =	sld [smem:$0x3F93];
	s0 =	simm.s32 @p0 $0x1  }
0x13: {  	[smem:$0x3FAE] =	sst s0;
	s0 =	simm.s32 @!p1 $0x0  }
0x14: {  	s2 =	sld [smem:$0x3F92];
	s0 =	simm.s32 @p1 $0x1  }
0x15: {  	[smem:$0x3FAF] =	sst s0;
	s0 =	simm.s32 @!p2 $0x0  }
0x16: {  	s3 =	sld [smem:$0x3FDB];
	s0 =	simm.s32 @p2 $0x1  }
0x17: {  	s4 =	simm.s32 $0x1BF5;
	[smem:$0x3FB1] =	sst s0  }
0x18: {  	s0 =	sld [smem:$0x3F94];
	_ =	swait.ge [sflag:s4], $0x0  }
0x19: {  	s7 =	sld [smem:$0x3F95]  }
0x1a: {  	s8 =	sadd.s32 $0xFFFFE003, lr  }
0x1b: {  	s9 =	sadd.s32 $0xFFFFFEF7, lr;
	s5 =	simm.s32 $0xFFFFFFFF;
	p2 =	slt.u32 s8, $0xFFFFF086  }
0x1c: {  	p1 =	slt.u32 s9, $0xF7A;
	s5 =	simm.s32 @!p2 $0x0  }
0x1d: {  	s5 =	simm.s32 @p1 $0x1;
	p0 =	seq.s32 s7, s2  }
0x1e: {  	s7 =	smul.u32 @!p0 $0xF7A, s2;
	p2 =	seq.s32 @!p0 s5, $0x0  }
0x1f: {  	s9 =	smul.u32 $0xF7A, s1;
	s8 =	simm.s32 @!p0 $0x1BF5;
	p2 =	por !p2, p0  }
0x20: {  	[sflag:s8] =	ssyncset.s32 @!p0 $0xFFFFF086;
	s6 =	sadd.s32 @!p0 s3, s7;
	s7 =	simm.s32 @!p0 $0x108  }
0x21: {  	s3 =	sadd.s32 s3, s9;
	s6 =	sadd.s32 @!p0 $0x88, s6;
	s7 =	simm.s32 @p2 $0x1082  }
0x22: {  	[simem:s7], [sflag:s8] =	dma.local @!p0 [hbm:s6], $0xF7A  }
0x23: {  	s9 =	sor.u32 $0xD0000000, s2;
	s6 =	simm.s32 $0x108;
	_ =	swait.ge @!p0 [sflag:s8], $0x0  }
0x24: {  	s3 =	sadd.s32 $0x88, s3;
	s6 =	simm.s32 @!p1 $0x1082;
	[sflag:s4] =	ssyncset.s32 $0xFFFFF086  }
0x25: {  	[simem:s6], [sflag:s4] =	dma.local [hbm:s3], $0xF7A  }
0x26: {  	[smem:$0x3F95] =	sst s1;
	(tag) =	ssettag s2;
	_ =	strace s9  }
0x27: {  	s1 =	sld [smem:$0x3FA5]  }
0x28: {  	s2 =	sld [smem:$0x3FA6]  }
0x29: {  	s4 =	sld [smem:$0x3FA8]  }
0x2a: {  	p0 =	seq.s32 s5, $0x0;
	s5 =	sld [smem:$0x3FA9]  }
0x2b: {  	s6 =	sld [smem:$0x3FAA]  }
0x2c: {  	s7 =	sld [smem:$0x3FAB]  }
0x2d: {  	s3 =	simm.s32 $0x108;
	s8 =	sld [smem:$0x3FAC]  }
0x2e: {  	s3 =	simm.s32 @!p0 $0x1082;
	s9 =	sld [smem:$0x3FAD]  }
0x2f: {  	lr =	sadd.s32 s0, s3;
	s0 =	sld [smem:$0x3FA4]  }
0x30: {  	s3 =	sld [smem:$0x3FA7]  }
0x31: {  	[smem:$0x3FB0] =	sst s10  }
0x32: {  	s10 =	sld [smem:$0x3FAE];
	_ =	sdelay $0x3  }
0x33: {  	p0 =	seq.s32 s10, $0x1;
	s10 =	sld [smem:$0x3FB0];
	_ =	sdelay $0x3  }
0x34: {  	[smem:$0x3FB0] =	sst s10  }
0x35: {  	s10 =	sld [smem:$0x3FAF];
	_ =	sdelay $0x3  }
0x36: {  	p1 =	seq.s32 s10, $0x1;
	s10 =	sld [smem:$0x3FB0];
	_ =	sdelay $0x3  }
0x37: {  	[smem:$0x3FB0] =	sst s10  }
0x38: {  	s10 =	sld [smem:$0x3FB1]  }
0x39: {  	_ = 	snop;
	(pc) =	sbr.ind lr, $3  }
0x3a: {  	_ = 	snop  }
0x3b: {  	_ = 	snop  }
0x3c: {  	p2 =	seq.s32 s10, $0x1;
	s10 =	sld [smem:$0x3FB0]  }
0x3d: {  	_ =	shalt  }
0x3e: {  	_ =	shalt  }
0x3f: {  	_ =	shalt  }
0x40: {  	_ =	shalt  }
0x41: {  	_ =	shalt  }
0x42: {  	_ =	shalt  }
0x43: {  	_ =	shalt  }
0x44: {  	_ =	shalt  }
0x45: {  	_ =	shalt  }
0x46: {  	_ =	shalt  }
0x47: {  	_ =	shalt  }
0x48: {  	_ =	shalt  }
0x49: {  	_ =	shalt  }
0x4a: {  	_ =	shalt  }
0x4b: {  	_ =	shalt  }
0x4c: {  	_ =	shalt  }
0x4d: {  	_ =	shalt  }
0x4e: {  	_ =	shalt  }
0x4f: {  	_ =	shalt  }
0x50: {  	_ =	shalt  }
0x51: {  	_ =	shalt  }
0x52: {  	_ =	shalt  }
0x53: {  	_ =	shalt  }
0x54: {  	_ =	shalt  }
0x55: {  	_ =	shalt  }
0x56: {  	_ =	shalt  }
0x57: {  	_ =	shalt  }
0x58: {  	_ =	shalt  }
0x59: {  	_ =	shalt  }
0x5a: {  	_ =	shalt  }
0x5b: {  	_ =	shalt  }
0x5c: {  	_ =	shalt  }
0x5d: {  	_ =	shalt  }
0x5e: {  	_ =	shalt  }
0x5f: {  	_ =	shalt  }
0x60: {  	_ =	shalt  }
0x61: {  	_ =	shalt  }
0x62: {  	_ =	shalt  }
0x63: {  	_ =	shalt  }
0x64: {  	_ =	shalt  }
0x65: {  	_ =	shalt  }
0x66: {  	_ =	shalt  }
0x67: {  	_ =	shalt  }
0x68: {  	_ =	shalt  }
0x69: {  	_ =	shalt  }
0x6a: {  	_ =	shalt  }
0x6b: {  	_ =	shalt  }
0x6c: {  	_ =	shalt  }
0x6d: {  	_ =	shalt  }
0x6e: {  	_ =	shalt  }
0x6f: {  	_ =	shalt  }
0x70: {  	_ =	shalt  }
0x71: {  	_ =	shalt  }
0x72: {  	_ =	shalt  }
0x73: {  	_ =	shalt  }
0x74: {  	_ =	shalt  }
0x75: {  	_ =	shalt  }
0x76: {  	_ =	shalt  }
0x77: {  	_ =	shalt  }
0x78: {  	_ =	shalt  }
0x79: {  	_ =	shalt  }
0x7a: {  	_ =	shalt  }
0x7b: {  	_ =	shalt  }
0x7c: {  	_ =	shalt  }
0x7d: {  	_ =	shalt  }
0x7e: {  	_ =	shalt  }
0x7f: {  	_ =	shalt  }
0x80: {  	_ =	shalt  }
0x81: {  	_ =	shalt  }
0x82: {  	_ =	shalt  }
0x83: {  	_ =	shalt  }
0x84: {  	_ =	shalt  }
0x85: {  	_ =	shalt  }
0x86: {  	_ =	shalt  }
0x87: {  	_ =	shalt  }
.Lfunc_end0:
.L_simem_size_0:
called_computation.1_lowered:
.L_overlay_start_0:
0x88: {  	s2 =	sld [smem:$0x3FD9]  }
0x89: {  	s3 =	sld [smem:$0x3FFE];
	_ =	sdelay $0x1  }
0x8a: {  	s1 =	srdreg.scid  }
0x8b: {  	s0 =	sand.u32 $0x1, s1  }
0x8c: {  	s17 =	sshll.u32 s0, $0xA;
	s2 =	sadd.s32 s3, s2  }
0x8d: {  	s2 =	sadd.s32 s2, s17  }
0x8e: {  	[smem:$0x3FBC] =	sst s2  }
0x8f: {  	_ = 	snop  }
0x90: {  	s2 =	sld [smem:$0x3FD0];
	(tm) =	ssettm $0x1  }
0x91: {  	s18 =	sld [smem:$0x3FFB];
	_ =	sdelay $0x3  }
0x92: {  	_ =	strace s18  }
0x93: {  	s3 =	sld [smem:$0x3FFC];
	_ =	sdelay $0x3  }
0x94: {  	_ =	strace s3  }
0x95: {  	s3 =	sld [smem:$0x3FFD];
	_ =	sdelay $0x3  }
0x96: {  	_ =	strace s3  }
0x97: {  	_ =	strace $0x8FFFFFFF  }
0x98: {  	s19 =	sld [smem:$0x3FDB];
	_ =	sdelay $0x1  }
0x99: {  	s4 =	simm.s32 $_scs_section_size  }
0x9a: {  	s5 =	simm.s32 $_size__tile_overlayer_lowered;
	s6 =	simm.s32 $_tile_overlayer_lowered  }
0x9b: {  	s22 =	simm.s32 $0x1BFF;
	s21 =	sshll.u32 s6, $0x1;
	s3 =	sadd.s32 s4, s19  }
0x9c: {  	s7 =	simm.s32 $0x0;
	s20 =	sshll.u32 s5, $0x1;
	s5 =	sadd.s32 s21, s3  }
0x9d: {  	[timem:s7], [sflag:s22] =	dma.local [hbm:s5], s20  }
0x9e: {  	_ =	swait.ge [sflag:s22], s20  }
0x9f: {  	s4 =	ssub.s32 $0x0, s20;
	[sflag:s22] =	ssyncset.done $0x0  }
0xa0: {  	[sflag:s22] =	ssyncadd.s32 s4;
	_ =	sdelay $0x1  }
0xa1: {  	s23 =	simm.s32 $0x1B8B  }
0xa2: {  	_ =	swait.ge [sflag:s23], $0x1  }
0xa3: {  	[sflag:s23] =	ssyncset.done $0x0  }
0xa4: {  	s25 =	simm.s32 $0x1B8E;
	s24 =	sld [smem:$0x3FFE];
	[sflag:s23] =	ssyncadd.s32 $0xFFFFFFFF  }
0xa5: {  	s26 =	simm.s32 $execute0_lowered;
	[smem:$0x3FD2] =	sst s25  }
0xa6: {  	s5 =	sshll.u32 s26, $0x1;
	_ =	strace $0x80000049;
	[dreg:$0x1] =	wrdreg $0xFFFFFFFF  }
0xa7: {  	s28 =	simm.s32 $_size_execute0_lowered;
	s3 =	sadd.s32 s3, s5;
	[dreg:$0x0] =	wrdreg $0x0  }
0xa8: {  	s5 =	sshll.u32 s28, $0x1;
	[dreg:$0x2] =	wrdreg s3  }
0xa9: {  	[dreg:$0x3] =	wrdreg s5  }
0xaa: {  	[dreg:$0x4] =	wrdreg $0xC0  }
0xab: {  	_ =	task [dreg:s7], $0x5FFFF  }
0xac: {  	[dreg:$0x1] =	wrdreg $0xFFFFFFFF  }
0xad: {  	[dreg:$0x0] =	wrdreg $0x60  }
0xae: {  	[dreg:$0x2] =	wrdreg s24  }
0xaf: {  	[dreg:$0x3] =	wrdreg s2  }
0xb0: {  	[dreg:$0x4] =	wrdreg $0x8F800  }
0xb1: {  	[dreg:$0x5] =	wrdreg $0x1CF800  }
0xb2: {  	[dreg:$0x6] =	wrdreg $0x9  }
0xb3: {  	_ =	task.clear_ibuf [dreg:s7], $0x7FFFF;
	_ =	strace $0x90000049  }
0xb4: {  	s29 =	simm.s32 $0x9;
	_ =	strace $0x8000004B  }
0xb5: {  	_ =	swait.ge [sflag:s29], $0x1  }
0xb6: {  	[sflag:s29] =	ssyncadd.s32 $0xFFFFFFFF  }
0xb7: {  	_ =	strace $0x9000004B  }
0xb8: {  	_ =	sfence  }
0xb9: {  	s30 =	sld [smem:$0x0];
	_ =	sdelay $0x2  }
0xba: {  	s31 =	sshll.u32 s1, $0xD;
	s1 =	sshrl.u32 s1, $0x2  }
0xbb: {  	s3 =	sand.u32 $0x4000, s31;
	s1 =	sadd.s32 s1, s30  }
0xbc: {  	s0 =	sor.u32 s3, s0;
	s1 =	sshll.u32 s1, $0x11  }
0xbd: {  	s0 =	sor.u32 s1, s0  }
0xbe: {  	s0 =	sadd.s32 $0x8F2B, s0  }
0xbf: {  	[sflag:s0] =	ssyncadd.remote.s32 $0x1  }
0xc0: {  	_ =	sfence.sel $0xFFFF  }
0xc1: {  	[dreg:$0x0] =	wrdreg $0xFFFFFFFF;
	(pc) =	sbr.abs _section_cstart, $3  }
0xc2: {  	[dreg:$0x1] =	wrdreg $0xFFFFFFFF  }
0xc3: {  	_ =	task.clear_ibuf [dreg:s7], $0x2FFFF;
	_ =	strace $0x9FFFFFFF  }
0xc4: {  	(tm) =	ssettm $0x7FFFFFFF  }
0xc5: {  	_ =	shalt  }
tec
execute0_lowered:
.L_overlay_start_1:
0x0: {  	(tag) =	ssettag $0x1  }
0x1: {  	s0 =	rddreg [dreg:$0x0]  }
0x2: {  	s1 =	rddreg [dreg:$0x1]  }
0x3: {  	s2 =	rddreg [dreg:$0x2];
	s13 =	stileid.u32  }
0x4: {  	s3 =	rddreg [dreg:$0x3];
	s10 =	smul.u32 $0x14000, s13  }
0x5: {  	s4 =	srdreg.scid;
	s11 =	smul.u32 $0x500, s13  }
0x6: {  	s5 =	simm.s32 $0x0;
	s4 =	sand.u32 $0x1, s4;
	s25 =	smul.u32 $0x50000, s13  }
0x7: {  	[smem:$0x7FF] =	sst s5;
	s6 =	sadd.s32 $0x1800, s0;
	s9 =	smul.u32 $0x140000, s4  }
0x8: {  	s7 =	sadd.s32 $0x29800, s0;
	s8 =	sadd.s32 $0x29E00, s0;
	s31 =	smul.u32 $0xA00, s13  }
0x9: {  	_ =	strace $0x8000004A;
	s12 =	sshll.u32 s4, $0x7;
	s9 =	sadd.s32 s10, s9  }
0xa: {  	s24 =	sor.u32 s12, s11;
	s11 =	sshrl.u32 s25, $0x2;
	s9 =	sshrl.u32 s9, $0x3  }
0xb: {  	s28 =	ssub.s32 $0x2, s4;
	s26 =	sadd.s32 s9, s0;
	s9 =	sadd.s32 s11, s2  }
0xc: {  	s4 =	sshll.u32 s4, $0x4;
	s29 =	sshrl.u32 s28, $0x1;
	s11 =	sadd.s32 $0x2000, s9  }
0xd: {  	s4 =	sor.u32 s13, s4;
	s30 =	sadd.s32 $0x4000, s9;
	[dreg:$0x5] =	wrdreg s11  }
0xe: {  	s20 =	sshrl.u32 s31, $0x2;
	s14 =	sadd.s32 $0x6000, s9;
	[dreg:$0x6] =	wrdreg s30  }
0xf: {  	s12 =	simm.s32 $0x40;
	s15 =	sadd.s32 $0x8000, s9;
	[dreg:$0x7] =	wrdreg s14  }
0x10: {  	s13 =	simm.s32 $0x400;
	s16 =	sadd.s32 $0xA000, s9;
	[dreg:$0x8] =	wrdreg s15  }
0x11: {  	s10 =	sshrl.u32 s24, $0x3;
	s17 =	sadd.s32 $0xC000, s9;
	[dreg:$0x9] =	wrdreg s16  }
0x12: {  	s20 =	sadd.s32 s20, s3;
	s18 =	sadd.s32 $0xE000, s9;
	[dreg:$0xa] =	wrdreg s17  }
0x13: {  	s0 =	sadd.s32 s10, s0;
	s19 =	sadd.s32 $0x10000, s9;
	[dreg:$0xb] =	wrdreg s18  }
0x14: {  	s22 =	sadd.s32 $0x12000, s9;
	s14 =	smul.u32 $0x5400, s4;
	[dreg:$0xc] =	wrdreg s19  }
0x15: {  	s10 =	ssub.s32 s28, s29;
	s24 =	sadd.s32 $0x2AE00, s26;
	[dreg:$0xd] =	wrdreg s22  }
0x16: {  	s0 =	sadd.s32 $0x2A400, s0;
	[dreg:$0xf] =	wrdreg s24;
	s21 =	sshrl.u32 s14, $0x3  }
0x17: {  	s25 =	smax.u32 s10, $0x1;
	[dreg:$0x10] =	wrdreg s0;
	s21 =	sadd.s32 s1, s21  }
0x18: {  	s10 =	simm.s32 $0x4;
	[dreg:$0x11] =	wrdreg s25;
	s23 =	sadd.s32 $0x10, s21  }
0x19: {  	s4 =	simm.s32 $0xD00;
	s26 =	sadd.s32 $0x20, s21;
	[dreg:$0xe] =	wrdreg s23  }
0x1a: {  	s11 =	simm.s32 $0x3;
	s28 =	sadd.s32 $0x30, s21;
	[dreg:$0x12] =	wrdreg s26  }
0x1b: {  	s15 =	simm.s32 $0x480;
	s29 =	sadd.s32 $0x40, s21;
	[dreg:$0x13] =	wrdreg s28  }
0x1c: {  	s16 =	simm.s32 $0x1;
	s30 =	sadd.s32 $0x50, s21;
	[dreg:$0x14] =	wrdreg s29  }
0x1d: {  	s17 =	simm.s32 $0xC00;
	s31 =	sadd.s32 $0x60, s21;
	[dreg:$0x15] =	wrdreg s30  }
0x1e: {  	v0 =	vimm.f32 $0.0e+00;
	s18 =	simm.s32 $0x2;
	s0 =	sadd.s32 $0x70, s21;
	[dreg:$0x16] =	wrdreg s31  }
.LBB2_1:
0x1f: {  	s19 =	simm.s32 $0x0;
	s22 =	simm.s32 $0x200  }
.LBB2_2:
0x20: {  	p0 =	sne.s32 s22, $0x7E00;
	[tilespmem:s19+$0xD70] =	vst v0  }
0x21: {  	[tilespmem:s19+$0xD00] =	vst v0  }
0x22: {  	[tilespmem:s19+$0xD10] =	vst v0  }
.Ltmp0:
0x23: {  	[tilespmem:s19+$0xD20] =	vst v0;
	(pc) =	sbr.rel @p0 .LBB2_2-.Ltmp0, $4  }
0x24: {  	[tilespmem:s19+$0xD30] =	vst v0  }
0x25: {  	[tilespmem:s19+$0xD40] =	vst v0  }
0x26: {  	[tilespmem:s19+$0xD50] =	vst v0  }
0x27: {  	[tilespmem:s19+$0xD60] =	vst v0;
	s19 =	sshra.s32 s22, $0x2;
	s22 =	sadd.s32 $0x200, s22  }
0x28: {  	[tilespmem:s19+$0xD70] =	vst v0  }
0x29: {  	[tilespmem:s19+$0xD00] =	vst v0  }
0x2a: {  	[tilespmem:s19+$0xD10] =	vst v0  }
0x2b: {  	[tilespmem:s19+$0xD20] =	vst v0  }
0x2c: {  	[tilespmem:s19+$0xD30] =	vst v0  }
0x2d: {  	[tilespmem:s19+$0xD40] =	vst v0  }
0x2e: {  	[tilespmem:s19+$0xD50] =	vst v0  }
0x2f: {  	[tilespmem:s19+$0xD60] =	vst v0  }
0x30: {  	[tilespmem:$0x8D00] =	vst v0  }
0x31: {  	[tilespmem:$0x8D10] =	vst v0  }
0x32: {  	[tilespmem:$0x8D20] =	vst v0  }
0x33: {  	[tilespmem:$0x8D30] =	vst v0  }
0x34: {  	[tilespmem:$0x8D40] =	vst v0  }
0x35: {  	[tilespmem:$0x8D50] =	vst v0  }
0x36: {  	[tilespmem:$0x8D60] =	vst v0  }
0x37: {  	[tilespmem:$0x8D70] =	vst v0  }
0x38: {  	[tilespmem:$0x8D80] =	vst v0  }
0x39: {  	[tilespmem:$0x8D90] =	vst v0  }
0x3a: {  	[tilespmem:$0x8DA0] =	vst v0  }
0x3b: {  	[tilespmem:$0x8DB0] =	vst v0  }
0x3c: {  	[tilespmem:$0x8DC0] =	vst v0  }
0x3d: {  	[tilespmem:$0x8DD0] =	vst v0  }
0x3e: {  	[tilespmem:$0x8DE0] =	vst v0  }
0x3f: {  	[tilespmem:$0x8DF0] =	vst v0  }
0x40: {  	[tilespmem:$0x8E00] =	vst v0  }
0x41: {  	[tilespmem:$0x8E10] =	vst v0  }
0x42: {  	[tilespmem:$0x8E20] =	vst v0  }
0x43: {  	[tilespmem:$0x8E30] =	vst v0  }
0x44: {  	[tilespmem:$0x8E40] =	vst v0  }
0x45: {  	[tilespmem:$0x8E50] =	vst v0  }
0x46: {  	[tilespmem:$0x8E60] =	vst v0  }
0x47: {  	[tilespmem:$0x8E70] =	vst v0  }
0x48: {  	[tilespmem:$0x8E80] =	vst v0  }
0x49: {  	[tilespmem:$0x8E90] =	vst v0  }
0x4a: {  	[tilespmem:$0x8EA0] =	vst v0  }
0x4b: {  	[tilespmem:$0x8EB0] =	vst v0  }
0x4c: {  	[tilespmem:$0x8EC0] =	vst v0  }
0x4d: {  	[tilespmem:$0x8ED0] =	vst v0  }
0x4e: {  	[tilespmem:$0x8EE0] =	vst v0  }
0x4f: {  	[tilespmem:$0x8EF0] =	vst v0  }
0x50: {  	[tilespmem:$0x8F00] =	vst v0  }
0x51: {  	[tilespmem:$0x8F10] =	vst v0  }
0x52: {  	[tilespmem:$0x8F20] =	vst v0  }
0x53: {  	[tilespmem:$0x8F30] =	vst v0  }
0x54: {  	[tilespmem:$0x8F40] =	vst v0  }
0x55: {  	[tilespmem:$0x8F50] =	vst v0  }
0x56: {  	[tilespmem:$0x8F60] =	vst v0  }
0x57: {  	[tilespmem:$0x8F70] =	vst v0  }
0x58: {  	[spmem:s9] =	stream.linear.scatter [tilespmem:s4], [sflag:$0x4], $0x2000, $0x38;
	[tilespmem:$0x1D200] =	vst v63  }
0x59: {  	_ =	swait.ge [sflag:s10], $0x2000  }
0x5a: {  	[sflag:s10] =	ssyncset.done $0x0  }
0x5b: {  	s29 =	rddreg [dreg:$0x5];
	[sflag:s10] =	ssyncadd.s32 $0xFFFFE000  }
0x5c: {  	[spmem:s29] =	stream.linear.scatter [tilespmem:s4], [sflag:$0x4], $0x2000, $0x38;
	[tilespmem:$0x1D200] =	vst v63  }
0x5d: {  	_ =	swait.ge [sflag:s10], $0x2000  }
0x5e: {  	[sflag:s10] =	ssyncset.done $0x0  }
0x5f: {  	s30 =	rddreg [dreg:$0x6];
	[sflag:s10] =	ssyncadd.s32 $0xFFFFE000  }
0x60: {  	[spmem:s30] =	stream.linear.scatter [tilespmem:s4], [sflag:$0x4], $0x2000, $0x38;
	[tilespmem:$0x1D200] =	vst v63  }
0x61: {  	_ =	swait.ge [sflag:s10], $0x2000  }
0x62: {  	[sflag:s10] =	ssyncset.done $0x0  }
0x63: {  	s31 =	rddreg [dreg:$0x7];
	[sflag:s10] =	ssyncadd.s32 $0xFFFFE000  }
0x64: {  	[spmem:s31] =	stream.linear.scatter [tilespmem:s4], [sflag:$0x4], $0x2000, $0x38;
	[tilespmem:$0x1D200] =	vst v63  }
0x65: {  	_ =	swait.ge [sflag:s10], $0x2000  }
0x66: {  	[sflag:s10] =	ssyncset.done $0x0  }
0x67: {  	s22 =	rddreg [dreg:$0x8];
	[sflag:s10] =	ssyncadd.s32 $0xFFFFE000  }
0x68: {  	[spmem:s22] =	stream.linear.scatter [tilespmem:s4], [sflag:$0x4], $0x2000, $0x38;
	[tilespmem:$0x1D200] =	vst v63  }
0x69: {  	_ =	swait.ge [sflag:s10], $0x2000  }
0x6a: {  	[sflag:s10] =	ssyncset.done $0x0  }
0x6b: {  	s23 =	rddreg [dreg:$0x9];
	[sflag:s10] =	ssyncadd.s32 $0xFFFFE000  }
0x6c: {  	[spmem:s23] =	stream.linear.scatter [tilespmem:s4], [sflag:$0x4], $0x2000, $0x38;
	[tilespmem:$0x1D200] =	vst v63  }
0x6d: {  	_ =	swait.ge [sflag:s10], $0x2000  }
0x6e: {  	[sflag:s10] =	ssyncset.done $0x0  }
0x6f: {  	s24 =	rddreg [dreg:$0xa];
	[sflag:s10] =	ssyncadd.s32 $0xFFFFE000  }
0x70: {  	[spmem:s24] =	stream.linear.scatter [tilespmem:s4], [sflag:$0x4], $0x2000, $0x38;
	[tilespmem:$0x1D200] =	vst v63  }
0x71: {  	_ =	swait.ge [sflag:s10], $0x2000  }
0x72: {  	[sflag:s10] =	ssyncset.done $0x0  }
0x73: {  	s25 =	rddreg [dreg:$0xb];
	[sflag:s10] =	ssyncadd.s32 $0xFFFFE000  }
0x74: {  	[spmem:s25] =	stream.linear.scatter [tilespmem:s4], [sflag:$0x4], $0x2000, $0x38;
	[tilespmem:$0x1D200] =	vst v63  }
0x75: {  	_ =	swait.ge [sflag:s10], $0x2000  }
0x76: {  	[sflag:s10] =	ssyncset.done $0x0  }
0x77: {  	s26 =	rddreg [dreg:$0xc];
	[sflag:s10] =	ssyncadd.s32 $0xFFFFE000  }
0x78: {  	[spmem:s26] =	stream.linear.scatter [tilespmem:s4], [sflag:$0x4], $0x2000, $0x38;
	[tilespmem:$0x1D200] =	vst v63  }
0x79: {  	_ =	swait.ge [sflag:s10], $0x2000  }
0x7a: {  	[sflag:s10] =	ssyncset.done $0x0  }
0x7b: {  	s28 =	rddreg [dreg:$0xd];
	[sflag:s10] =	ssyncadd.s32 $0xFFFFE000  }
0x7c: {  	[spmem:s28] =	stream.linear.scatter [tilespmem:s4], [sflag:$0x4], $0x2000, $0x38;
	[tilespmem:$0x1D200] =	vst v63  }
0x7d: {  	_ =	swait.ge [sflag:s10], $0x2000  }
0x7e: {  	[sflag:s10] =	ssyncset.done $0x0  }
0x7f: {  	s29 =	simm.s32 $0x8D00;
	[sflag:s10] =	ssyncadd.s32 $0xFFFFE000  }
0x80: {  	[spmem:s20] =	stream.linear.scatter [tilespmem:s29], [sflag:$0x4], $0x280, $0x38;
	[tilespmem:$0x1D200] =	vst v63  }
0x81: {  	_ =	swait.ge [sflag:s10], $0x280  }
0x82: {  	[sflag:s10] =	ssyncset.done $0x0  }
0x83: {  	[sflag:s10] =	ssyncadd.s32 $0xFFFFFD80  }
0x84: {  	s19 =	simm.s32 $0x0;
	[bflag:$0x0] =	sbarrier.arrive $0xFFFF  }
0x85: {  	[tilespmem:s19], [sflag:$0x3] =	stream.linear.gather [hbm4b:s21+s19], $0x80, $0x38;
	[tilespmem:$0x1D200] =	vst v63  }
0x86: {  	s23 =	simm.s32 $0x80;
	s22 =	rddreg [dreg:$0xe]  }
0x87: {  	[tilespmem:s23], [sflag:$0x3] =	stream.linear.gather [hbm4b:s22+s19], $0x80, $0x38;
	[tilespmem:$0x1D200] =	vst v63  }
0x88: {  	s31 =	simm.s32 $0x100;
	s30 =	rddreg [dreg:$0x12]  }
0x89: {  	[tilespmem:s31], [sflag:$0x3] =	stream.linear.gather [hbm4b:s30+s19], $0x80, $0x38;
	[tilespmem:$0x1D200] =	vst v63  }
0x8a: {  	s24 =	simm.s32 $0x180;
	s23 =	rddreg [dreg:$0x13]  }
0x8b: {  	[tilespmem:s24], [sflag:$0x3] =	stream.linear.gather [hbm4b:s23+s19], $0x80, $0x38;
	[tilespmem:$0x1D200] =	vst v63  }
0x8c: {  	s26 =	simm.s32 $0x200;
	s25 =	rddreg [dreg:$0x14]  }
0x8d: {  	[tilespmem:s26], [sflag:$0x3] =	stream.linear.gather [hbm4b:s25+s19], $0x80, $0x38;
	[tilespmem:$0x1D200] =	vst v63  }
0x8e: {  	s29 =	simm.s32 $0x280;
	s28 =	rddreg [dreg:$0x15]  }
0x8f: {  	[tilespmem:s29], [sflag:$0x3] =	stream.linear.gather [hbm4b:s28+s19], $0x80, $0x38;
	[tilespmem:$0x1D200] =	vst v63  }
0x90: {  	s30 =	rddreg [dreg:$0x16];
	s31 =	simm.s32 $0x300  }
0x91: {  	[tilespmem:s31], [sflag:$0x3] =	stream.linear.gather [hbm4b:s30+s19], $0x80, $0x38;
	[tilespmem:$0x1D200] =	vst v63  }
0x92: {  	s23 =	simm.s32 $0x380  }
0x93: {  	[tilespmem:s23], [sflag:$0x3] =	stream.linear.gather [hbm4b:s0+s19], $0x80, $0x38;
	[tilespmem:$0x1D200] =	vst v63  }
0x94: {  	_ =	swait.ge [sflag:s11], $0x80  }
0x95: {  	[sflag:s11] =	ssyncset.done $0x0  }
0x96: {  	[sflag:s11] =	ssyncadd.s32 $0xFFFFFF80  }
0x97: {  	v1 =	vld [tilespmem:$0x0];
	_ =	sdelay $0x1  }
0x98: {  	v2 =	vld [tilespmem:$0x10];
	_ =	sdelay $0x1  }
0x99: {  	v3 =	vld [tilespmem:$0x20]  }
0x9a: {  	v4 =	vand.u32 $0xFFFF, v1  }
0x9b: {  	v61 =	vld [tilespmem:$0x30];
	v1 =	vshrl.u32 v1, $0x10;
	[tilespmem:$0x400] =	vst v4  }
0x9c: {  	[tilespmem:$0x600] =	vst v1;
	v1 =	vand.u32 $0xFFFF, v2  }
0x9d: {  	[tilespmem:$0x410] =	vst v1;
	v1 =	vshrl.u32 v2, $0x10  }
0x9e: {  	[tilespmem:$0x610] =	vst v1;
	v1 =	vand.u32 $0xFFFF, v3  }
0x9f: {  	[tilespmem:$0x420] =	vst v1;
	v1 =	vshrl.u32 v3, $0x10  }
0xa0: {  	[tilespmem:$0x620] =	vst v1;
	v1 =	vand.u32 $0xFFFF, v61  }
0xa1: {  	[tilespmem:$0x430] =	vst v1;
	v1 =	vshrl.u32 v61, $0x10  }
0xa2: {  	[tilespmem:$0x630] =	vst v1  }
0xa3: {  	[tilespmem:s4], [sflag:$0x1] =	stream.indirect.gather [hbm4b:s6+s12], $0x80, s13, s12, $0xb8;
	[tilespmem:$0x1D200] =	vst v63  }
0xa4: {  	s24 =	simm.s32 $0x800  }
0xa5: {  	[tilespmem:s24], [sflag:$0x1] =	stream.indirect.gather [hbm4b:s7+s12], $0x1, s13, s12, $0xb8;
	[tilespmem:$0x1D200] =	vst v63  }
0xa6: {  	s25 =	simm.s32 $0x600;
	s26 =	simm.s32 $0xA00  }
0xa7: {  	[tilespmem:s26], [sflag:$0x1] =	stream.indirect.gather [hbm4b:s8+s12], $0x1, s25, s12, $0xb8;
	[tilespmem:$0x1D200] =	vst v63  }
0xa8: {  	_ =	swait.ge [sflag:s11], $0x80  }
0xa9: {  	[sflag:s11] =	ssyncset.done $0x0  }
0xaa: {  	[sflag:s11] =	ssyncadd.s32 $0xFFFFFF80  }
0xab: {  	v1 =	vld [tilespmem:$0x80];
	_ =	sdelay $0x1  }
0xac: {  	v2 =	vld [tilespmem:$0x90];
	_ =	sdelay $0x1  }
0xad: {  	v3 =	vld [tilespmem:$0xA0]  }
0xae: {  	v62 =	vand.u32 $0xFFFF, v1  }
0xaf: {  	v63 =	vld [tilespmem:$0xB0];
	v1 =	vshrl.u32 v1, $0x10;
	[tilespmem:$0x480] =	vst v62  }
0xb0: {  	[tilespmem:$0x680] =	vst v1;
	v1 =	vand.u32 $0xFFFF, v2  }
0xb1: {  	[tilespmem:$0x490] =	vst v1;
	v1 =	vshrl.u32 v2, $0x10  }
0xb2: {  	[tilespmem:$0x690] =	vst v1;
	v1 =	vand.u32 $0xFFFF, v3  }
0xb3: {  	[tilespmem:$0x4A0] =	vst v1;
	v1 =	vshrl.u32 v3, $0x10  }
0xb4: {  	[tilespmem:$0x6A0] =	vst v1;
	v1 =	vand.u32 $0xFFFF, v63  }
0xb5: {  	[tilespmem:$0x4B0] =	vst v1;
	v1 =	vshrl.u32 v63, $0x10  }
0xb6: {  	s28 =	simm.s32 $0x2D00;
	[tilespmem:$0x6B0] =	vst v1  }
0xb7: {  	[tilespmem:s28], [sflag:$0x1] =	stream.indirect.gather [hbm4b:s6+s12], $0x80, s15, s12, $0xb8;
	[tilespmem:$0x1D200] =	vst v63  }
0xb8: {  	s29 =	simm.s32 $0x880  }
0xb9: {  	[tilespmem:s29], [sflag:$0x1] =	stream.indirect.gather [hbm4b:s7+s12], $0x1, s15, s12, $0xb8;
	[tilespmem:$0x1D200] =	vst v63  }
0xba: {  	s22 =	simm.s32 $0x0;
	s30 =	simm.s32 $0x680;
	s31 =	simm.s32 $0xA80  }
0xbb: {  	[tilespmem:s31], [sflag:$0x1] =	stream.indirect.gather [hbm4b:s8+s12], $0x1, s30, s12, $0xb8;
	[tilespmem:$0x1D200] =	vst v63  }
.LBB2_4:
0xbc: {  	p0 =	slt.u32 s22, $0x2  }
0xbd: {  	s23 =	simm.s32 @!p0 $0x2;
	p1 =	sgt.u32 @!p0 s22, $0x9F  }
0xbe: {  	_ =	swait.ge @!p0 [sflag:s23], $0x2000;
	p1 =	por p0, !p1  }
.Ltmp1:
0xbf: {  	[sflag:s23] =	ssyncset.done @!p0 $0x0;
	(pc) =	sbr.rel @!p1 .LBB2_6-.Ltmp1, $4  }
0xc0: {  	[sflag:s23] =	ssyncadd.s32 @!p0 $0xFFFFE000  }
0xc1: {  	_ =	swait.ge @!p0 [sflag:s23], $0x40  }
0xc2: {  	[sflag:s23] =	ssyncset.done @!p0 $0x0  }
0xc3: {  	[sflag:s23] =	ssyncadd.s32 @!p0 $0xFFFFFFC0  }
0xc4: {  	s23 =	sadd.s32 $0x2, s22;
	_ =	swait.ge [sflag:s11], $0x80  }
0xc5: {  	[sflag:s11] =	ssyncset.done $0x0;
	s24 =	sshll.u32 s23, $0x7  }
0xc6: {  	[sflag:s11] =	ssyncadd.s32 $0xFFFFFF80;
	s24 =	sand.u32 $0x380, s24  }
0xc7: {  	v1 =	vld [tilespmem:s24+$0x0];
	_ =	sdelay $0x3  }
0xc8: {  	s23 =	sand.u32 $0x3, s23  }
0xc9: {  	s25 =	sshll.u32 s23, $0x7;
	v2 =	vand.u32 $0xFFFF, v1  }
0xca: {  	v1 =	vshrl.u32 v1, $0x10;
	[tilespmem:s25+$0x400] =	vst v2  }
0xcb: {  	[tilespmem:s25+$0x600] =	vst v1  }
0xcc: {  	v1 =	vld [tilespmem:s24+$0x10];
	_ =	sdelay $0x4  }
0xcd: {  	v2 =	vand.u32 $0xFFFF, v1  }
0xce: {  	v1 =	vshrl.u32 v1, $0x10;
	[tilespmem:s25+$0x410] =	vst v2  }
0xcf: {  	[tilespmem:s25+$0x610] =	vst v1  }
0xd0: {  	v1 =	vld [tilespmem:s24+$0x20];
	_ =	sdelay $0x4  }
0xd1: {  	v2 =	vand.u32 $0xFFFF, v1  }
0xd2: {  	v1 =	vshrl.u32 v1, $0x10;
	[tilespmem:s25+$0x420] =	vst v2  }
0xd3: {  	[tilespmem:s25+$0x620] =	vst v1  }
0xd4: {  	v1 =	vld [tilespmem:s24+$0x30];
	_ =	sdelay $0x4  }
0xd5: {  	v2 =	vand.u32 $0xFFFF, v1  }
0xd6: {  	s23 =	sshll.u32 s23, $0xD;
	v1 =	vshrl.u32 v1, $0x10;
	[tilespmem:s25+$0x430] =	vst v2  }
0xd7: {  	p0 =	sgt.u32 s22, $0x99;
	s28 =	sor.u32 $0x400, s25;
	s23 =	sor.u32 $0xD00, s23;
	[tilespmem:s25+$0x630] =	vst v1  }
0xd8: {  	[tilespmem:s23], [sflag:$0x1] =	stream.indirect.gather [hbm4b:s6+s12], $0x80, s28, s12, $0xb8;
	[tilespmem:$0x1D200] =	vst v63  }
0xd9: {  	s23 =	sshll.u32 @!p0 s22, $0x7  }
0xda: {  	s29 =	sor.u32 $0x800, s25;
	s24 =	sadd.s32 @!p0 $0x400, s23  }
0xdb: {  	[tilespmem:s29], [sflag:$0x1] =	stream.indirect.gather [hbm4b:s7+s12], $0x1, s28, s12, $0xb8;
	[tilespmem:$0x1D200] =	vst v63  }
0xdc: {  	s30 =	sor.u32 $0x600, s25;
	s24 =	sand.u32 @!p0 $0xFC00, s24  }
0xdd: {  	s31 =	sor.u32 $0xA00, s25;
	s23 =	sand.u32 @!p0 $0x380, s23;
	s24 =	sadd.s32 @!p0 s14, s24  }
0xde: {  	[tilespmem:s31], [sflag:$0x1] =	stream.indirect.gather [hbm4b:s8+s12], $0x1, s30, s12, $0xb8;
	[tilespmem:$0x1D200] =	vst v63  }
0xdf: {  	s24 =	sor.u32 @!p0 s23, s24  }
0xe0: {  	s24 =	sshrl.u32 @!p0 s24, $0x3  }
0xe1: {  	s25 =	simm.s32 @!p0 $0x0;
	s24 =	sadd.s32 @!p0 s1, s24  }
0xe2: {  	[tilespmem:s23], [sflag:$0x3] =	stream.linear.gather @!p0 [hbm4b:s24+s25], $0x80, $0x38;
	[tilespmem:$0x1D200] =	vst v63  }
.LBB2_6:
0xe3: {  	_ =	swait.ge [sflag:s16], $0x2000  }
0xe4: {  	[sflag:s16] =	ssyncset.done $0x0  }
0xe5: {  	[sflag:s16] =	ssyncadd.s32 $0xFFFFE000  }
0xe6: {  	_ =	swait.ge [sflag:s16], $0x40  }
0xe7: {  	[sflag:s16] =	ssyncset.done $0x0  }
0xe8: {  	[sflag:s16] =	ssyncadd.s32 $0xFFFFFFC0  }
0xe9: {  	_ =	swait.ge [sflag:s16], $0x40  }
0xea: {  	s24 =	sand.u32 $0x3, s22;
	[sflag:s16] =	ssyncset.done $0x0  }
0xeb: {  	s23 =	sshll.u32 s24, $0x7;
	[sflag:s16] =	ssyncadd.s32 $0xFFFFFFC0  }
0xec: {  	v1 =	vld [tilespmem:s23+$0x800]  }
0xed: {  	v2 =	vld [tilespmem:s23+$0xA00];
	_ =	sdelay $0x4  }
0xee: {  	v1 =	vadd.f32 v2, v1;
	_ =	sdelay $0x1  }
0xef: {  	v2 =	vmul.f32 $2.000000030e-01, v1;
	_ =	sdelay $0x1  }
0xf0: {  	v1 =	vmax.f32 v1, v2  }
0xf1: {  	v1 =	vmul.f32 $1.442695020e+00, v1;
	_ =	sdelay $0x1  }
0xf2: {  	(erf) = vpow2.f32 v1;
	_ =	sdelay $0x8  }
0xf3: {  	s26 =	sshll.u32 s24, $0x6;
	v1 =	vpop (erf)  }
0xf4: {  	[tilespmem:s26+$0xC00] =	vst v1  }
0xf5: {  	v1 =	vld [tilespmem:s23+$0x810]  }
0xf6: {  	v2 =	vld [tilespmem:s23+$0xA10];
	_ =	sdelay $0x4  }
0xf7: {  	v1 =	vadd.f32 v2, v1;
	_ =	sdelay $0x1  }
0xf8: {  	v2 =	vmul.f32 $2.000000030e-01, v1;
	_ =	sdelay $0x1  }
0xf9: {  	v1 =	vmax.f32 v1, v2  }
0xfa: {  	v1 =	vmul.f32 $1.442695020e+00, v1;
	_ =	sdelay $0x1  }
0xfb: {  	(erf) = vpow2.f32 v1;
	_ =	sdelay $0x8  }
0xfc: {  	v1 =	vpop (erf)  }
0xfd: {  	[tilespmem:s26+$0xC10] =	vst v1  }
0xfe: {  	v1 =	vld [tilespmem:s23+$0x820]  }
0xff: {  	v2 =	vld [tilespmem:s23+$0xA20];
	_ =	sdelay $0x4  }
0x100: {  	v1 =	vadd.f32 v2, v1;
	_ =	sdelay $0x1  }
0x101: {  	v2 =	vmul.f32 $2.000000030e-01, v1;
	_ =	sdelay $0x1  }
0x102: {  	v1 =	vmax.f32 v1, v2  }
0x103: {  	v1 =	vmul.f32 $1.442695020e+00, v1;
	_ =	sdelay $0x1  }
0x104: {  	(erf) = vpow2.f32 v1;
	_ =	sdelay $0x8  }
0x105: {  	v1 =	vpop (erf)  }
0x106: {  	[tilespmem:s26+$0xC20] =	vst v1  }
0x107: {  	v1 =	vld [tilespmem:s23+$0x830]  }
0x108: {  	v2 =	vld [tilespmem:s23+$0xA30];
	_ =	sdelay $0x4  }
0x109: {  	v1 =	vadd.f32 v2, v1;
	_ =	sdelay $0x1  }
0x10a: {  	v2 =	vmul.f32 $2.000000030e-01, v1;
	_ =	sdelay $0x1  }
0x10b: {  	v1 =	vmax.f32 v1, v2  }
0x10c: {  	v1 =	vmul.f32 $1.442695020e+00, v1;
	_ =	sdelay $0x1  }
0x10d: {  	(erf) = vpow2.f32 v1;
	_ =	sdelay $0x5  }
0x10e: {  	s28 =	sand.u32 $0x3, s19  }
0x10f: {  	s25 =	sshll.u32 s28, $0x6  }
0x110: {  	s29 =	sadd.s32 $0x0, s25  }
0x111: {  	s28 =	sshll.u32 s28, $0xD;
	v2 =	vmov s29;
	v1 =	vpop (erf)  }
0x112: {  	s30 =	sor.u32 $0xD40, s28;
	[tilespmem:s26+$0xC30] =	vst v1  }
0x113: {  	v5 =	vld [tilespmem:s30+$0x30]  }
0x114: {  	v8 =	vld [tilespmem:s30+$0x10]  }
0x115: {  	v6 =	vld [tilespmem:s30+$0xFFFFFFC0]  }
0x116: {  	v2 =	vld.idx.msk [tilespmem:v2+s17+$0x0], $0xffff  }
0x117: {  	v10 =	vld [tilespmem:s30+$0xFFFFFFE0]  }
0x118: {  	v1 =	vld [tilespmem:s30+$0xFFFFFFF0]  }
0x119: {  	v3 =	vld [tilespmem:s30+$0x20]  }
0x11a: {  	v4 =	vld [tilespmem:s30+$0xFFFFFFD0]  }
0x11b: {  	s24 =	sshll.u32 s24, $0xD;
	v9 =	vmul.f32 v5, v2;
	v5 =	vld [tilespmem:s30+$0x0]  }
0x11c: {  	s28 =	sor.u32 $0xD00, s24;
	v7 =	vmul.f32 v6, v2  }
0x11d: {  	s24 =	smov.u32 s30;
	s29 =	simm.s32 $0x1;
	s26 =	sor.u32 $0xC00, s26;
	v6 =	vmul.f32 v10, v2;
	v8 =	vmul.f32 v8, v2  }
.LBB2_7:
0x11e: {  	p0 =	sne.s32 s29, $0x3F  }
0x11f: {  	v4 =	vmul.f32 v4, v2;
	v3 =	vmul.f32 v3, v2;
	[tilespmem:s30+$0x30] =	vst v9;
	s24 =	sadd.s32 $0x80, s24;
	s31 =	smov.u32 s29;
	s29 =	sadd.s32 $0x1, s29  }
0x120: {  	[tilespmem:s30+$0xFFFFFFC0] =	vst v7;
	v7 =	vmul.f32 v1, v2;
	v2 =	vmul.f32 v5, v2  }
0x121: {  	s31 =	sadd.s32 s31, s25;
	[tilespmem:s30+$0x10] =	vst v8  }
0x122: {  	v5 =	vmov s31;
	[tilespmem:s30+$0xFFFFFFE0] =	vst v6  }
0x123: {  	v1 =	vld [tilespmem:s24+$0xFFFFFFF0];
	[tilespmem:s30+$0xFFFFFFF0] =	vst v7  }
0x124: {  	v6 =	vld [tilespmem:s24+$0x30];
	[tilespmem:s30+$0x0] =	vst v2  }
0x125: {  	v8 =	vld [tilespmem:s24+$0x10];
	[tilespmem:s30+$0x20] =	vst v3  }
0x126: {  	v7 =	vld [tilespmem:s24+$0xFFFFFFC0];
	[tilespmem:s30+$0xFFFFFFD0] =	vst v4;
	s30 =	smov.u32 s24  }
0x127: {  	v2 =	vld.idx.msk [tilespmem:v5+s17+$0x0], $0xffff  }
0x128: {  	v10 =	vld [tilespmem:s24+$0xFFFFFFE0]  }
0x129: {  	v3 =	vld [tilespmem:s24+$0x20]  }
.Ltmp2:
0x12a: {  	v4 =	vld [tilespmem:s24+$0xFFFFFFD0];
	(pc) =	sbr.rel @p0 .LBB2_7-.Ltmp2, $3  }
0x12b: {  	v5 =	vld [tilespmem:s24+$0x0];
	_ =	sdelay $0x1  }
0x12c: {  	v7 =	vmul.f32 v7, v2;
	v9 =	vmul.f32 v6, v2  }
0x12d: {  	v8 =	vmul.f32 v8, v2;
	v6 =	vmul.f32 v10, v2  }
0x12e: {  	[tilespmem:s30+$0x30] =	vst v9  }
0x12f: {  	[tilespmem:s30+$0xFFFFFFC0] =	vst v7  }
0x130: {  	v1 =	vmul.f32 v1, v2;
	[tilespmem:s30+$0x10] =	vst v8  }
0x131: {  	v3 =	vmul.f32 v3, v2;
	[tilespmem:s30+$0xFFFFFFE0] =	vst v6  }
0x132: {  	s22 =	sadd.s32 $0x1, s22;
	v5 =	vmul.f32 v5, v2;
	[tilespmem:s30+$0xFFFFFFF0] =	vst v1  }
0x133: {  	p0 =	sne.s32 s22, $0xA2;
	v1 =	vmul.f32 v4, v2;
	[tilespmem:s30+$0x20] =	vst v3  }
.Ltmp3:
0x134: {  	[tilespmem:s30+$0x0] =	vst v5;
	(pc) =	sbr.rel @p0 .LBB2_4-.Ltmp3, $4  }
0x135: {  	s23 =	sor.u32 $0x600, s23;
	[tilespmem:s30+$0xFFFFFFD0] =	vst v1  }
0x136: {  	[spmem:s2] =	stream.indirect.scatter.add.f32 [tilespmem:s28], [sflag:$0x2], $0x80, s23, s12, $0xb8;
	[tilespmem:$0x1D200] =	vst v63  }
0x137: {  	s19 =	sadd.s32 $0x1, s19  }
0x138: {  	[spmem:s3] =	stream.indirect.scatter.add.f32 [tilespmem:s26], [sflag:$0x2], $0x1, s23, s12, $0xb8;
	[tilespmem:$0x1D200] =	vst v63  }
0x139: {  	_ =	swait.ge [sflag:s18], $0x2000  }
0x13a: {  	[sflag:s18] =	ssyncset.done $0x0  }
0x13b: {  	[sflag:s18] =	ssyncadd.s32 $0xFFFFE000  }
0x13c: {  	_ =	swait.ge [sflag:s18], $0x40  }
0x13d: {  	[sflag:s18] =	ssyncset.done $0x0  }
0x13e: {  	[sflag:s18] =	ssyncadd.s32 $0xFFFFFFC0  }
0x13f: {  	_ =	swait.ge [sflag:s18], $0x2000  }
0x140: {  	[sflag:s18] =	ssyncset.done $0x0  }
0x141: {  	[sflag:s18] =	ssyncadd.s32 $0xFFFFE000  }
0x142: {  	_ =	swait.ge [sflag:s18], $0x40  }
0x143: {  	[sflag:s18] =	ssyncset.done $0x0  }
0x144: {  	s19 =	stileid.u32;
	[sflag:s18] =	ssyncadd.s32 $0xFFFFFFC0  }
0x145: {  	s19 =	sshll.u32 s19, $0x6;
	[bflag:$0x0] =	sbarrier.arrive $0xFFFF  }
0x146: {  	s22 =	sshrl.u32 s9, $0x3;
	s19 =	sor.u32 $0x1C04, s19;
	s23 =	rddreg [dreg:$0xf]  }
0x147: {  	[hbm:s23], [sflag:s19] =	dma.local [spmem:s22], $0x2800  }
0x148: {  	_ =	swait.ge [sflag:s10], $0x2800  }
0x149: {  	s29 =	sshrl.u32 s20, $0x3;
	s24 =	simm.s32 $0x20;
	[sflag:s10] =	ssyncset.done $0x0  }
0x14a: {  	s25 =	simm.s32 $0x10;
	s30 =	rddreg [dreg:$0x10];
	[sflag:s10] =	ssyncadd.s32 $0xFFFFD800  }
0x14b: {  	[hbm:s30@s24], [sflag:s19] =	dma.strided [spmem:s29@s25], $0x50, s16, $0x10   }
0x14c: {  	_ =	swait.ge [sflag:s10], $0x50  }
0x14d: {  	s5 =	sadd.s32 $0x1, s5;
	s31 =	rddreg [dreg:$0x11]  }
0x14e: {  	p0 =	sne.s32 s5, s31  }
.Ltmp4:
0x14f: {  	_ = 	snop;
	(pc) =	sbr.rel @p0 .LBB2_1-.Ltmp4, $3  }
0x150: {  	_ =	sdelay $0x1  }
0x151: {  	[sflag:s10] =	ssyncset.done $0x0  }
0x152: {  	[sflag:s10] =	ssyncadd.s32 $0xFFFFFFB0  }
0x153: {  	_ =	sfence.sel $0x180000  }
0x154: {  	[bflag:$0x0] =	sbarrier.arrive $0xFFFF  }
0x155: {  	_ =	strace $0x9000004A  }
0x156: {  	s0 =	stileid.u32;
	[bflag:$0x2] =	sbarrier.arrive $0xFFFF  }
0x157: {  	p0 =	sne.s32 s0, $0x0;
	s0 =	rddreg [dreg:$0x4]  }
0x158: {  	s0 =	sadd.s32 @!p0 $0x100000, s0  }
0x159: {  	[sflag:s0] =	ssyncadd.tile.s32 @!p0 $0x1;
	_ =	shalt  }
.Lfunc_end2:
_tile_overlayer_lowered:
.L_overlay_start_2:
0x15a: {  	(tag) =	ssettag $0x2  }
0x15b: {  	s0 =	rddreg [dreg:$0x0];
	s2 =	stileid.u32  }
0x15c: {  	s1 =	rddreg [dreg:$0x1];
	p0 =	sne.s32 s2, $0x0  }
0x15d: {  	s3 =	rddreg [dreg:$0x2];
	[bflag:$0x3] =	sbarrier.arrive $0xFFFF;
	s2 =	simm.s32 @!p0 $0x1C04  }
0x15e: {  	[timem:s3], [sflag:s2] =	dma.local @!p0 [hbm:s0], s1  }
0x15f: {  	s0 =	simm.s32 @!p0 $0x4  }
0x160: {  	_ =	swait.ge @!p0 [sflag:s0], s1  }
0x161: {  	s1 =	ssub.s32 @!p0 $0x0, s1;
	[sflag:s0] =	ssyncset.done @!p0 $0x0  }
0x162: {  	[sflag:s0] =	ssyncadd.s32 @!p0 s1  }
0x163: {  	[bflag:$0x3] =	sbarrier.arrive $0xFFFF  }
0x164: {  	_ =	shalt  }

// kernel: kernel.7.cloned.1.call-start
scs
__scs_entry_jumppad:
0x0: {  	(pc) =	sbr.rel $0x88, $3  }
0x1: {  	(tag) =	ssettag $0x0;
	lr =	simm.s32 $0x1  }
0x2: {  	[smem:$0x3F95] =	sst lr;
	_ =	strace $0xD0000000  }
0x3: {  	_ = 	snop  }
0x4: {  	_ = 	snop  }
0x5: {  	_ = 	snop  }
0x6: {  	_ = 	snop  }
0x7: {  	_ = 	snop  }
__scs_overlays_trampoline_lowered:
0x8: {  	[smem:$0x3FA4] =	sst s0  }
0x9: {  	[smem:$0x3FA5] =	sst s1  }
0xa: {  	[smem:$0x3FA6] =	sst s2  }
0xb: {  	[smem:$0x3FA7] =	sst s3  }
0xc: {  	[smem:$0x3FA8] =	sst s4  }
0xd: {  	[smem:$0x3FA9] =	sst s5  }
0xe: {  	[smem:$0x3FAA] =	sst s6  }
0xf: {  	[smem:$0x3FAB] =	sst s7  }
0x10: {  	[smem:$0x3FAC] =	sst s8  }
0x11: {  	[smem:$0x3FAD] =	sst s9;
	s0 =	simm.s32 @!p0 $0x0  }
0x12: {  	s1 =	sld [smem:$0x3F93];
	s0 =	simm.s32 @p0 $0x1  }
0x13: {  	[smem:$0x3FAE] =	sst s0;
	s0 =	simm.s32 @!p1 $0x0  }
0x14: {  	s2 =	sld [smem:$0x3F92];
	s0 =	simm.s32 @p1 $0x1  }
0x15: {  	[smem:$0x3FAF] =	sst s0;
	s0 =	simm.s32 @!p2 $0x0  }
0x16: {  	s3 =	sld [smem:$0x3FDB];
	s0 =	simm.s32 @p2 $0x1  }
0x17: {  	s4 =	simm.s32 $0x1BF5;
	[smem:$0x3FB1] =	sst s0  }
0x18: {  	s0 =	sld [smem:$0x3F94];
	_ =	swait.ge [sflag:s4], $0x0  }
0x19: {  	s7 =	sld [smem:$0x3F95]  }
0x1a: {  	s8 =	sadd.s32 $0xFFFFE003, lr  }
0x1b: {  	s9 =	sadd.s32 $0xFFFFFEF7, lr;
	s5 =	simm.s32 $0xFFFFFFFF;
	p2 =	slt.u32 s8, $0xFFFFF086  }
0x1c: {  	p1 =	slt.u32 s9, $0xF7A;
	s5 =	simm.s32 @!p2 $0x0  }
0x1d: {  	s5 =	simm.s32 @p1 $0x1;
	p0 =	seq.s32 s7, s2  }
0x1e: {  	s7 =	smul.u32 @!p0 $0xF7A, s2;
	p2 =	seq.s32 @!p0 s5, $0x0  }
0x1f: {  	s9 =	smul.u32 $0xF7A, s1;
	s8 =	simm.s32 @!p0 $0x1BF5;
	p2 =	por !p2, p0  }
0x20: {  	[sflag:s8] =	ssyncset.s32 @!p0 $0xFFFFF086;
	s6 =	sadd.s32 @!p0 s3, s7;
	s7 =	simm.s32 @!p0 $0x108  }
0x21: {  	s3 =	sadd.s32 s3, s9;
	s6 =	sadd.s32 @!p0 $0x88, s6;
	s7 =	simm.s32 @p2 $0x1082  }
0x22: {  	[simem:s7], [sflag:s8] =	dma.local @!p0 [hbm:s6], $0xF7A  }
0x23: {  	s9 =	sor.u32 $0xD0000000, s2;
	s6 =	simm.s32 $0x108;
	_ =	swait.ge @!p0 [sflag:s8], $0x0  }
0x24: {  	s3 =	sadd.s32 $0x88, s3;
	s6 =	simm.s32 @!p1 $0x1082;
	[sflag:s4] =	ssyncset.s32 $0xFFFFF086  }
0x25: {  	[simem:s6], [sflag:s4] =	dma.local [hbm:s3], $0xF7A  }
0x26: {  	[smem:$0x3F95] =	sst s1;
	(tag) =	ssettag s2;
	_ =	strace s9  }
0x27: {  	s1 =	sld [smem:$0x3FA5]  }
0x28: {  	s2 =	sld [smem:$0x3FA6]  }
0x29: {  	s4 =	sld [smem:$0x3FA8]  }
0x2a: {  	p0 =	seq.s32 s5, $0x0;
	s5 =	sld [smem:$0x3FA9]  }
0x2b: {  	s6 =	sld [smem:$0x3FAA]  }
0x2c: {  	s7 =	sld [smem:$0x3FAB]  }
0x2d: {  	s3 =	simm.s32 $0x108;
	s8 =	sld [smem:$0x3FAC]  }
0x2e: {  	s3 =	simm.s32 @!p0 $0x1082;
	s9 =	sld [smem:$0x3FAD]  }
0x2f: {  	lr =	sadd.s32 s0, s3;
	s0 =	sld [smem:$0x3FA4]  }
0x30: {  	s3 =	sld [smem:$0x3FA7]  }
0x31: {  	[smem:$0x3FB0] =	sst s10  }
0x32: {  	s10 =	sld [smem:$0x3FAE];
	_ =	sdelay $0x3  }
0x33: {  	p0 =	seq.s32 s10, $0x1;
	s10 =	sld [smem:$0x3FB0];
	_ =	sdelay $0x3  }
0x34: {  	[smem:$0x3FB0] =	sst s10  }
0x35: {  	s10 =	sld [smem:$0x3FAF];
	_ =	sdelay $0x3  }
0x36: {  	p1 =	seq.s32 s10, $0x1;
	s10 =	sld [smem:$0x3FB0];
	_ =	sdelay $0x3  }
0x37: {  	[smem:$0x3FB0] =	sst s10  }
0x38: {  	s10 =	sld [smem:$0x3FB1]  }
0x39: {  	_ = 	snop;
	(pc) =	sbr.ind lr, $3  }
0x3a: {  	_ = 	snop  }
0x3b: {  	_ = 	snop  }
0x3c: {  	p2 =	seq.s32 s10, $0x1;
	s10 =	sld [smem:$0x3FB0]  }
0x3d: {  	_ =	shalt  }
0x3e: {  	_ =	shalt  }
0x3f: {  	_ =	shalt  }
0x40: {  	_ =	shalt  }
0x41: {  	_ =	shalt  }
0x42: {  	_ =	shalt  }
0x43: {  	_ =	shalt  }
0x44: {  	_ =	shalt  }
0x45: {  	_ =	shalt  }
0x46: {  	_ =	shalt  }
0x47: {  	_ =	shalt  }
0x48: {  	_ =	shalt  }
0x49: {  	_ =	shalt  }
0x4a: {  	_ =	shalt  }
0x4b: {  	_ =	shalt  }
0x4c: {  	_ =	shalt  }
0x4d: {  	_ =	shalt  }
0x4e: {  	_ =	shalt  }
0x4f: {  	_ =	shalt  }
0x50: {  	_ =	shalt  }
0x51: {  	_ =	shalt  }
0x52: {  	_ =	shalt  }
0x53: {  	_ =	shalt  }
0x54: {  	_ =	shalt  }
0x55: {  	_ =	shalt  }
0x56: {  	_ =	shalt  }
0x57: {  	_ =	shalt  }
0x58: {  	_ =	shalt  }
0x59: {  	_ =	shalt  }
0x5a: {  	_ =	shalt  }
0x5b: {  	_ =	shalt  }
0x5c: {  	_ =	shalt  }
0x5d: {  	_ =	shalt  }
0x5e: {  	_ =	shalt  }
0x5f: {  	_ =	shalt  }
0x60: {  	_ =	shalt  }
0x61: {  	_ =	shalt  }
0x62: {  	_ =	shalt  }
0x63: {  	_ =	shalt  }
0x64: {  	_ =	shalt  }
0x65: {  	_ =	shalt  }
0x66: {  	_ =	shalt  }
0x67: {  	_ =	shalt  }
0x68: {  	_ =	shalt  }
0x69: {  	_ =	shalt  }
0x6a: {  	_ =	shalt  }
0x6b: {  	_ =	shalt  }
0x6c: {  	_ =	shalt  }
0x6d: {  	_ =	shalt  }
0x6e: {  	_ =	shalt  }
0x6f: {  	_ =	shalt  }
0x70: {  	_ =	shalt  }
0x71: {  	_ =	shalt  }
0x72: {  	_ =	shalt  }
0x73: {  	_ =	shalt  }
0x74: {  	_ =	shalt  }
0x75: {  	_ =	shalt  }
0x76: {  	_ =	shalt  }
0x77: {  	_ =	shalt  }
0x78: {  	_ =	shalt  }
0x79: {  	_ =	shalt  }
0x7a: {  	_ =	shalt  }
0x7b: {  	_ =	shalt  }
0x7c: {  	_ =	shalt  }
0x7d: {  	_ =	shalt  }
0x7e: {  	_ =	shalt  }
0x7f: {  	_ =	shalt  }
0x80: {  	_ =	shalt  }
0x81: {  	_ =	shalt  }
0x82: {  	_ =	shalt  }
0x83: {  	_ =	shalt  }
0x84: {  	_ =	shalt  }
0x85: {  	_ =	shalt  }
0x86: {  	_ =	shalt  }
0x87: {  	_ =	shalt  }
.Lfunc_end0:
.L_simem_size_0:
called_computation_lowered:
.L_overlay_start_0:
0x88: {  	s2 =	sld [smem:$0x3FD9]  }
0x89: {  	s3 =	sld [smem:$0x3FFE];
	_ =	sdelay $0x1  }
0x8a: {  	s1 =	srdreg.scid  }
0x8b: {  	s0 =	sand.u32 $0x1, s1  }
0x8c: {  	s17 =	sshll.u32 s0, $0xA;
	s2 =	sadd.s32 s3, s2  }
0x8d: {  	s2 =	sadd.s32 s2, s17  }
0x8e: {  	[smem:$0x3FBC] =	sst s2  }
0x8f: {  	_ = 	snop  }
0x90: {  	s2 =	sld [smem:$0x3FD0];
	(tm) =	ssettm $0x1  }
0x91: {  	s18 =	sld [smem:$0x3FFB];
	_ =	sdelay $0x3  }
0x92: {  	_ =	strace s18  }
0x93: {  	s3 =	sld [smem:$0x3FFC];
	_ =	sdelay $0x3  }
0x94: {  	_ =	strace s3  }
0x95: {  	s3 =	sld [smem:$0x3FFD];
	_ =	sdelay $0x3  }
0x96: {  	_ =	strace s3  }
0x97: {  	_ =	strace $0x8FFFFFFF  }
0x98: {  	s19 =	sld [smem:$0x3FDB];
	_ =	sdelay $0x1  }
0x99: {  	s4 =	simm.s32 $_scs_section_size  }
0x9a: {  	s5 =	simm.s32 $_size__tile_overlayer_lowered;
	s6 =	simm.s32 $_tile_overlayer_lowered  }
0x9b: {  	s22 =	simm.s32 $0x1BFF;
	s21 =	sshll.u32 s6, $0x1;
	s3 =	sadd.s32 s4, s19  }
0x9c: {  	s7 =	simm.s32 $0x0;
	s20 =	sshll.u32 s5, $0x1;
	s5 =	sadd.s32 s21, s3  }
0x9d: {  	[timem:s7], [sflag:s22] =	dma.local [hbm:s5], s20  }
0x9e: {  	_ =	swait.ge [sflag:s22], s20  }
0x9f: {  	s4 =	ssub.s32 $0x0, s20;
	[sflag:s22] =	ssyncset.done $0x0  }
0xa0: {  	[sflag:s22] =	ssyncadd.s32 s4;
	_ =	sdelay $0x1  }
0xa1: {  	s23 =	simm.s32 $0x1B8B  }
0xa2: {  	_ =	swait.ge [sflag:s23], $0x1  }
0xa3: {  	[sflag:s23] =	ssyncset.done $0x0  }
0xa4: {  	s25 =	simm.s32 $0x1B8E;
	s24 =	sld [smem:$0x3FFE];
	[sflag:s23] =	ssyncadd.s32 $0xFFFFFFFF  }
0xa5: {  	s26 =	simm.s32 $execute0_lowered;
	[smem:$0x3FD2] =	sst s25  }
0xa6: {  	s5 =	sshll.u32 s26, $0x1;
	_ =	strace $0x80000046;
	[dreg:$0x1] =	wrdreg $0xFFFFFFFF  }
0xa7: {  	s28 =	simm.s32 $_size_execute0_lowered;
	s3 =	sadd.s32 s3, s5;
	[dreg:$0x0] =	wrdreg $0x0  }
0xa8: {  	s5 =	sshll.u32 s28, $0x1;
	[dreg:$0x2] =	wrdreg s3  }
0xa9: {  	[dreg:$0x3] =	wrdreg s5  }
0xaa: {  	[dreg:$0x4] =	wrdreg $0xC0  }
0xab: {  	_ =	task [dreg:s7], $0x5FFFF  }
0xac: {  	[dreg:$0x1] =	wrdreg $0xFFFFFFFF  }
0xad: {  	[dreg:$0x0] =	wrdreg $0x60  }
0xae: {  	[dreg:$0x2] =	wrdreg s24  }
0xaf: {  	[dreg:$0x3] =	wrdreg s2  }
0xb0: {  	[dreg:$0x4] =	wrdreg $0x8F800  }
0xb1: {  	[dreg:$0x5] =	wrdreg $0x1CF800  }
0xb2: {  	[dreg:$0x6] =	wrdreg $0x9  }
0xb3: {  	_ =	task.clear_ibuf [dreg:s7], $0x7FFFF;
	_ =	strace $0x90000046  }
0xb4: {  	s29 =	simm.s32 $0x9;
	_ =	strace $0x80000048  }
0xb5: {  	_ =	swait.ge [sflag:s29], $0x1  }
0xb6: {  	[sflag:s29] =	ssyncadd.s32 $0xFFFFFFFF  }
0xb7: {  	_ =	strace $0x90000048  }
0xb8: {  	_ =	sfence  }
0xb9: {  	s30 =	sld [smem:$0x0];
	_ =	sdelay $0x2  }
0xba: {  	s31 =	sshll.u32 s1, $0xD;
	s1 =	sshrl.u32 s1, $0x2  }
0xbb: {  	s3 =	sand.u32 $0x4000, s31;
	s1 =	sadd.s32 s1, s30  }
0xbc: {  	s0 =	sor.u32 s3, s0;
	s1 =	sshll.u32 s1, $0x11  }
0xbd: {  	s0 =	sor.u32 s1, s0  }
0xbe: {  	s0 =	sadd.s32 $0x8F2B, s0  }
0xbf: {  	[sflag:s0] =	ssyncadd.remote.s32 $0x1  }
0xc0: {  	_ =	sfence.sel $0xFFFF  }
0xc1: {  	[dreg:$0x0] =	wrdreg $0xFFFFFFFF;
	(pc) =	sbr.abs _section_cstart, $3  }
0xc2: {  	[dreg:$0x1] =	wrdreg $0xFFFFFFFF  }
0xc3: {  	_ =	task.clear_ibuf [dreg:s7], $0x2FFFF;
	_ =	strace $0x9FFFFFFF  }
0xc4: {  	(tm) =	ssettm $0x7FFFFFFF  }
0xc5: {  	_ =	shalt  }
tec
execute0_lowered:
.L_overlay_start_1:
0x0: {  	(tag) =	ssettag $0x1  }
0x1: {  	s0 =	rddreg [dreg:$0x0]  }
0x2: {  	s1 =	rddreg [dreg:$0x1]  }
0x3: {  	s2 =	rddreg [dreg:$0x2];
	s13 =	stileid.u32  }
0x4: {  	s3 =	rddreg [dreg:$0x3];
	s10 =	smul.u32 $0x14000, s13  }
0x5: {  	s4 =	srdreg.scid;
	s11 =	smul.u32 $0x500, s13  }
0x6: {  	s5 =	simm.s32 $0x0;
	s4 =	sand.u32 $0x1, s4;
	s25 =	smul.u32 $0x50000, s13  }
0x7: {  	[smem:$0x7FF] =	sst s5;
	s6 =	sadd.s32 $0x1800, s0;
	s9 =	smul.u32 $0x140000, s4  }
0x8: {  	s7 =	sadd.s32 $0x29800, s0;
	s8 =	sadd.s32 $0x29E00, s0;
	s31 =	smul.u32 $0xA00, s13  }
0x9: {  	_ =	strace $0x80000047;
	s12 =	sshll.u32 s4, $0x7;
	s9 =	sadd.s32 s10, s9  }
0xa: {  	s24 =	sor.u32 s12, s11;
	s11 =	sshrl.u32 s25, $0x2;
	s9 =	sshrl.u32 s9, $0x3  }
0xb: {  	s28 =	ssub.s32 $0x2, s4;
	s26 =	sadd.s32 s9, s0;
	s9 =	sadd.s32 s11, s2  }
0xc: {  	s4 =	sshll.u32 s4, $0x4;
	s29 =	sshrl.u32 s28, $0x1;
	s11 =	sadd.s32 $0x2000, s9  }
0xd: {  	s4 =	sor.u32 s13, s4;
	s30 =	sadd.s32 $0x4000, s9;
	[dreg:$0x5] =	wrdreg s11  }
0xe: {  	s20 =	sshrl.u32 s31, $0x2;
	s14 =	sadd.s32 $0x6000, s9;
	[dreg:$0x6] =	wrdreg s30  }
0xf: {  	s12 =	simm.s32 $0x40;
	s15 =	sadd.s32 $0x8000, s9;
	[dreg:$0x7] =	wrdreg s14  }
0x10: {  	s13 =	simm.s32 $0x400;
	s16 =	sadd.s32 $0xA000, s9;
	[dreg:$0x8] =	wrdreg s15  }
0x11: {  	s10 =	sshrl.u32 s24, $0x3;
	s17 =	sadd.s32 $0xC000, s9;
	[dreg:$0x9] =	wrdreg s16  }
0x12: {  	s20 =	sadd.s32 s20, s3;
	s18 =	sadd.s32 $0xE000, s9;
	[dreg:$0xa] =	wrdreg s17  }
0x13: {  	s0 =	sadd.s32 s10, s0;
	s19 =	sadd.s32 $0x10000, s9;
	[dreg:$0xb] =	wrdreg s18  }
0x14: {  	s22 =	sadd.s32 $0x12000, s9;
	s14 =	smul.u32 $0x5400, s4;
	[dreg:$0xc] =	wrdreg s19  }
0x15: {  	s10 =	ssub.s32 s28, s29;
	s24 =	sadd.s32 $0x2AE00, s26;
	[dreg:$0xd] =	wrdreg s22  }
0x16: {  	s0 =	sadd.s32 $0x2A400, s0;
	[dreg:$0xf] =	wrdreg s24;
	s21 =	sshrl.u32 s14, $0x3  }
0x17: {  	s25 =	smax.u32 s10, $0x1;
	[dreg:$0x10] =	wrdreg s0;
	s21 =	sadd.s32 s1, s21  }
0x18: {  	s10 =	simm.s32 $0x4;
	[dreg:$0x11] =	wrdreg s25;
	s23 =	sadd.s32 $0x10, s21  }
0x19: {  	s4 =	simm.s32 $0xD00;
	s26 =	sadd.s32 $0x20, s21;
	[dreg:$0xe] =	wrdreg s23  }
0x1a: {  	s11 =	simm.s32 $0x3;
	s28 =	sadd.s32 $0x30, s21;
	[dreg:$0x12] =	wrdreg s26  }
0x1b: {  	s15 =	simm.s32 $0x480;
	s29 =	sadd.s32 $0x40, s21;
	[dreg:$0x13] =	wrdreg s28  }
0x1c: {  	s16 =	simm.s32 $0x1;
	s30 =	sadd.s32 $0x50, s21;
	[dreg:$0x14] =	wrdreg s29  }
0x1d: {  	s17 =	simm.s32 $0xC00;
	s31 =	sadd.s32 $0x60, s21;
	[dreg:$0x15] =	wrdreg s30  }
0x1e: {  	v0 =	vimm.f32 $0.0e+00;
	s18 =	simm.s32 $0x2;
	s0 =	sadd.s32 $0x70, s21;
	[dreg:$0x16] =	wrdreg s31  }
.LBB2_1:
0x1f: {  	s19 =	simm.s32 $0x0;
	s22 =	simm.s32 $0x200  }
.LBB2_2:
0x20: {  	p0 =	sne.s32 s22, $0x7E00;
	[tilespmem:s19+$0xD70] =	vst v0  }
0x21: {  	[tilespmem:s19+$0xD00] =	vst v0  }
0x22: {  	[tilespmem:s19+$0xD10] =	vst v0  }
.Ltmp0:
0x23: {  	[tilespmem:s19+$0xD20] =	vst v0;
	(pc) =	sbr.rel @p0 .LBB2_2-.Ltmp0, $4  }
0x24: {  	[tilespmem:s19+$0xD30] =	vst v0  }
0x25: {  	[tilespmem:s19+$0xD40] =	vst v0  }
0x26: {  	[tilespmem:s19+$0xD50] =	vst v0  }
0x27: {  	[tilespmem:s19+$0xD60] =	vst v0;
	s19 =	sshra.s32 s22, $0x2;
	s22 =	sadd.s32 $0x200, s22  }
0x28: {  	[tilespmem:s19+$0xD70] =	vst v0  }
0x29: {  	[tilespmem:s19+$0xD00] =	vst v0  }
0x2a: {  	[tilespmem:s19+$0xD10] =	vst v0  }
0x2b: {  	[tilespmem:s19+$0xD20] =	vst v0  }
0x2c: {  	[tilespmem:s19+$0xD30] =	vst v0  }
0x2d: {  	[tilespmem:s19+$0xD40] =	vst v0  }
0x2e: {  	[tilespmem:s19+$0xD50] =	vst v0  }
0x2f: {  	[tilespmem:s19+$0xD60] =	vst v0  }
0x30: {  	[tilespmem:$0x8D00] =	vst v0  }
0x31: {  	[tilespmem:$0x8D10] =	vst v0  }
0x32: {  	[tilespmem:$0x8D20] =	vst v0  }
0x33: {  	[tilespmem:$0x8D30] =	vst v0  }
0x34: {  	[tilespmem:$0x8D40] =	vst v0  }
0x35: {  	[tilespmem:$0x8D50] =	vst v0  }
0x36: {  	[tilespmem:$0x8D60] =	vst v0  }
0x37: {  	[tilespmem:$0x8D70] =	vst v0  }
0x38: {  	[tilespmem:$0x8D80] =	vst v0  }
0x39: {  	[tilespmem:$0x8D90] =	vst v0  }
0x3a: {  	[tilespmem:$0x8DA0] =	vst v0  }
0x3b: {  	[tilespmem:$0x8DB0] =	vst v0  }
0x3c: {  	[tilespmem:$0x8DC0] =	vst v0  }
0x3d: {  	[tilespmem:$0x8DD0] =	vst v0  }
0x3e: {  	[tilespmem:$0x8DE0] =	vst v0  }
0x3f: {  	[tilespmem:$0x8DF0] =	vst v0  }
0x40: {  	[tilespmem:$0x8E00] =	vst v0  }
0x41: {  	[tilespmem:$0x8E10] =	vst v0  }
0x42: {  	[tilespmem:$0x8E20] =	vst v0  }
0x43: {  	[tilespmem:$0x8E30] =	vst v0  }
0x44: {  	[tilespmem:$0x8E40] =	vst v0  }
0x45: {  	[tilespmem:$0x8E50] =	vst v0  }
0x46: {  	[tilespmem:$0x8E60] =	vst v0  }
0x47: {  	[tilespmem:$0x8E70] =	vst v0  }
0x48: {  	[tilespmem:$0x8E80] =	vst v0  }
0x49: {  	[tilespmem:$0x8E90] =	vst v0  }
0x4a: {  	[tilespmem:$0x8EA0] =	vst v0  }
0x4b: {  	[tilespmem:$0x8EB0] =	vst v0  }
0x4c: {  	[tilespmem:$0x8EC0] =	vst v0  }
0x4d: {  	[tilespmem:$0x8ED0] =	vst v0  }
0x4e: {  	[tilespmem:$0x8EE0] =	vst v0  }
0x4f: {  	[tilespmem:$0x8EF0] =	vst v0  }
0x50: {  	[tilespmem:$0x8F00] =	vst v0  }
0x51: {  	[tilespmem:$0x8F10] =	vst v0  }
0x52: {  	[tilespmem:$0x8F20] =	vst v0  }
0x53: {  	[tilespmem:$0x8F30] =	vst v0  }
0x54: {  	[tilespmem:$0x8F40] =	vst v0  }
0x55: {  	[tilespmem:$0x8F50] =	vst v0  }
0x56: {  	[tilespmem:$0x8F60] =	vst v0  }
0x57: {  	[tilespmem:$0x8F70] =	vst v0  }
0x58: {  	[spmem:s9] =	stream.linear.scatter [tilespmem:s4], [sflag:$0x4], $0x2000, $0x38;
	[tilespmem:$0x1D200] =	vst v63  }
0x59: {  	_ =	swait.ge [sflag:s10], $0x2000  }
0x5a: {  	[sflag:s10] =	ssyncset.done $0x0  }
0x5b: {  	s29 =	rddreg [dreg:$0x5];
	[sflag:s10] =	ssyncadd.s32 $0xFFFFE000  }
0x5c: {  	[spmem:s29] =	stream.linear.scatter [tilespmem:s4], [sflag:$0x4], $0x2000, $0x38;
	[tilespmem:$0x1D200] =	vst v63  }
0x5d: {  	_ =	swait.ge [sflag:s10], $0x2000  }
0x5e: {  	[sflag:s10] =	ssyncset.done $0x0  }
0x5f: {  	s30 =	rddreg [dreg:$0x6];
	[sflag:s10] =	ssyncadd.s32 $0xFFFFE000  }
0x60: {  	[spmem:s30] =	stream.linear.scatter [tilespmem:s4], [sflag:$0x4], $0x2000, $0x38;
	[tilespmem:$0x1D200] =	vst v63  }
0x61: {  	_ =	swait.ge [sflag:s10], $0x2000  }
0x62: {  	[sflag:s10] =	ssyncset.done $0x0  }
0x63: {  	s31 =	rddreg [dreg:$0x7];
	[sflag:s10] =	ssyncadd.s32 $0xFFFFE000  }
0x64: {  	[spmem:s31] =	stream.linear.scatter [tilespmem:s4], [sflag:$0x4], $0x2000, $0x38;
	[tilespmem:$0x1D200] =	vst v63  }
0x65: {  	_ =	swait.ge [sflag:s10], $0x2000  }
0x66: {  	[sflag:s10] =	ssyncset.done $0x0  }
0x67: {  	s22 =	rddreg [dreg:$0x8];
	[sflag:s10] =	ssyncadd.s32 $0xFFFFE000  }
0x68: {  	[spmem:s22] =	stream.linear.scatter [tilespmem:s4], [sflag:$0x4], $0x2000, $0x38;
	[tilespmem:$0x1D200] =	vst v63  }
0x69: {  	_ =	swait.ge [sflag:s10], $0x2000  }
0x6a: {  	[sflag:s10] =	ssyncset.done $0x0  }
0x6b: {  	s23 =	rddreg [dreg:$0x9];
	[sflag:s10] =	ssyncadd.s32 $0xFFFFE000  }
0x6c: {  	[spmem:s23] =	stream.linear.scatter [tilespmem:s4], [sflag:$0x4], $0x2000, $0x38;
	[tilespmem:$0x1D200] =	vst v63  }
0x6d: {  	_ =	swait.ge [sflag:s10], $0x2000  }
0x6e: {  	[sflag:s10] =	ssyncset.done $0x0  }
0x6f: {  	s24 =	rddreg [dreg:$0xa];
	[sflag:s10] =	ssyncadd.s32 $0xFFFFE000  }
0x70: {  	[spmem:s24] =	stream.linear.scatter [tilespmem:s4], [sflag:$0x4], $0x2000, $0x38;
	[tilespmem:$0x1D200] =	vst v63  }
0x71: {  	_ =	swait.ge [sflag:s10], $0x2000  }
0x72: {  	[sflag:s10] =	ssyncset.done $0x0  }
0x73: {  	s25 =	rddreg [dreg:$0xb];
	[sflag:s10] =	ssyncadd.s32 $0xFFFFE000  }
0x74: {  	[spmem:s25] =	stream.linear.scatter [tilespmem:s4], [sflag:$0x4], $0x2000, $0x38;
	[tilespmem:$0x1D200] =	vst v63  }
0x75: {  	_ =	swait.ge [sflag:s10], $0x2000  }
0x76: {  	[sflag:s10] =	ssyncset.done $0x0  }
0x77: {  	s26 =	rddreg [dreg:$0xc];
	[sflag:s10] =	ssyncadd.s32 $0xFFFFE000  }
0x78: {  	[spmem:s26] =	stream.linear.scatter [tilespmem:s4], [sflag:$0x4], $0x2000, $0x38;
	[tilespmem:$0x1D200] =	vst v63  }
0x79: {  	_ =	swait.ge [sflag:s10], $0x2000  }
0x7a: {  	[sflag:s10] =	ssyncset.done $0x0  }
0x7b: {  	s28 =	rddreg [dreg:$0xd];
	[sflag:s10] =	ssyncadd.s32 $0xFFFFE000  }
0x7c: {  	[spmem:s28] =	stream.linear.scatter [tilespmem:s4], [sflag:$0x4], $0x2000, $0x38;
	[tilespmem:$0x1D200] =	vst v63  }
0x7d: {  	_ =	swait.ge [sflag:s10], $0x2000  }
0x7e: {  	[sflag:s10] =	ssyncset.done $0x0  }
0x7f: {  	s29 =	simm.s32 $0x8D00;
	[sflag:s10] =	ssyncadd.s32 $0xFFFFE000  }
0x80: {  	[spmem:s20] =	stream.linear.scatter [tilespmem:s29], [sflag:$0x4], $0x280, $0x38;
	[tilespmem:$0x1D200] =	vst v63  }
0x81: {  	_ =	swait.ge [sflag:s10], $0x280  }
0x82: {  	[sflag:s10] =	ssyncset.done $0x0  }
0x83: {  	[sflag:s10] =	ssyncadd.s32 $0xFFFFFD80  }
0x84: {  	s19 =	simm.s32 $0x0;
	[bflag:$0x0] =	sbarrier.arrive $0xFFFF  }
0x85: {  	[tilespmem:s19], [sflag:$0x3] =	stream.linear.gather [hbm4b:s21+s19], $0x80, $0x38;
	[tilespmem:$0x1D200] =	vst v63  }
0x86: {  	s23 =	simm.s32 $0x80;
	s22 =	rddreg [dreg:$0xe]  }
0x87: {  	[tilespmem:s23], [sflag:$0x3] =	stream.linear.gather [hbm4b:s22+s19], $0x80, $0x38;
	[tilespmem:$0x1D200] =	vst v63  }
0x88: {  	s31 =	simm.s32 $0x100;
	s30 =	rddreg [dreg:$0x12]  }
0x89: {  	[tilespmem:s31], [sflag:$0x3] =	stream.linear.gather [hbm4b:s30+s19], $0x80, $0x38;
	[tilespmem:$0x1D200] =	vst v63  }
0x8a: {  	s24 =	simm.s32 $0x180;
	s23 =	rddreg [dreg:$0x13]  }
0x8b: {  	[tilespmem:s24], [sflag:$0x3] =	stream.linear.gather [hbm4b:s23+s19], $0x80, $0x38;
	[tilespmem:$0x1D200] =	vst v63  }
0x8c: {  	s26 =	simm.s32 $0x200;
	s25 =	rddreg [dreg:$0x14]  }
0x8d: {  	[tilespmem:s26], [sflag:$0x3] =	stream.linear.gather [hbm4b:s25+s19], $0x80, $0x38;
	[tilespmem:$0x1D200] =	vst v63  }
0x8e: {  	s29 =	simm.s32 $0x280;
	s28 =	rddreg [dreg:$0x15]  }
0x8f: {  	[tilespmem:s29], [sflag:$0x3] =	stream.linear.gather [hbm4b:s28+s19], $0x80, $0x38;
	[tilespmem:$0x1D200] =	vst v63  }
0x90: {  	s30 =	rddreg [dreg:$0x16];
	s31 =	simm.s32 $0x300  }
0x91: {  	[tilespmem:s31], [sflag:$0x3] =	stream.linear.gather [hbm4b:s30+s19], $0x80, $0x38;
	[tilespmem:$0x1D200] =	vst v63  }
0x92: {  	s23 =	simm.s32 $0x380  }
0x93: {  	[tilespmem:s23], [sflag:$0x3] =	stream.linear.gather [hbm4b:s0+s19], $0x80, $0x38;
	[tilespmem:$0x1D200] =	vst v63  }
0x94: {  	_ =	swait.ge [sflag:s11], $0x80  }
0x95: {  	[sflag:s11] =	ssyncset.done $0x0  }
0x96: {  	[sflag:s11] =	ssyncadd.s32 $0xFFFFFF80  }
0x97: {  	v1 =	vld [tilespmem:$0x0];
	_ =	sdelay $0x1  }
0x98: {  	v2 =	vld [tilespmem:$0x10];
	_ =	sdelay $0x1  }
0x99: {  	v3 =	vld [tilespmem:$0x20]  }
0x9a: {  	v4 =	vand.u32 $0xFFFF, v1  }
0x9b: {  	v61 =	vld [tilespmem:$0x30];
	v1 =	vshrl.u32 v1, $0x10;
	[tilespmem:$0x400] =	vst v4  }
0x9c: {  	[tilespmem:$0x600] =	vst v1;
	v1 =	vand.u32 $0xFFFF, v2  }
0x9d: {  	[tilespmem:$0x410] =	vst v1;
	v1 =	vshrl.u32 v2, $0x10  }
0x9e: {  	[tilespmem:$0x610] =	vst v1;
	v1 =	vand.u32 $0xFFFF, v3  }
0x9f: {  	[tilespmem:$0x420] =	vst v1;
	v1 =	vshrl.u32 v3, $0x10  }
0xa0: {  	[tilespmem:$0x620] =	vst v1;
	v1 =	vand.u32 $0xFFFF, v61  }
0xa1: {  	[tilespmem:$0x430] =	vst v1;
	v1 =	vshrl.u32 v61, $0x10  }
0xa2: {  	[tilespmem:$0x630] =	vst v1  }
0xa3: {  	[tilespmem:s4], [sflag:$0x1] =	stream.indirect.gather [hbm4b:s6+s12], $0x80, s13, s12, $0xb8;
	[tilespmem:$0x1D200] =	vst v63  }
0xa4: {  	s24 =	simm.s32 $0x800  }
0xa5: {  	[tilespmem:s24], [sflag:$0x1] =	stream.indirect.gather [hbm4b:s7+s12], $0x1, s13, s12, $0xb8;
	[tilespmem:$0x1D200] =	vst v63  }
0xa6: {  	s25 =	simm.s32 $0x600;
	s26 =	simm.s32 $0xA00  }
0xa7: {  	[tilespmem:s26], [sflag:$0x1] =	stream.indirect.gather [hbm4b:s8+s12], $0x1, s25, s12, $0xb8;
	[tilespmem:$0x1D200] =	vst v63  }
0xa8: {  	_ =	swait.ge [sflag:s11], $0x80  }
0xa9: {  	[sflag:s11] =	ssyncset.done $0x0  }
0xaa: {  	[sflag:s11] =	ssyncadd.s32 $0xFFFFFF80  }
0xab: {  	v1 =	vld [tilespmem:$0x80];
	_ =	sdelay $0x1  }
0xac: {  	v2 =	vld [tilespmem:$0x90];
	_ =	sdelay $0x1  }
0xad: {  	v3 =	vld [tilespmem:$0xA0]  }
0xae: {  	v62 =	vand.u32 $0xFFFF, v1  }
0xaf: {  	v63 =	vld [tilespmem:$0xB0];
	v1 =	vshrl.u32 v1, $0x10;
	[tilespmem:$0x480] =	vst v62  }
0xb0: {  	[tilespmem:$0x680] =	vst v1;
	v1 =	vand.u32 $0xFFFF, v2  }
0xb1: {  	[tilespmem:$0x490] =	vst v1;
	v1 =	vshrl.u32 v2, $0x10  }
0xb2: {  	[tilespmem:$0x690] =	vst v1;
	v1 =	vand.u32 $0xFFFF, v3  }
0xb3: {  	[tilespmem:$0x4A0] =	vst v1;
	v1 =	vshrl.u32 v3, $0x10  }
0xb4: {  	[tilespmem:$0x6A0] =	vst v1;
	v1 =	vand.u32 $0xFFFF, v63  }
0xb5: {  	[tilespmem:$0x4B0] =	vst v1;
	v1 =	vshrl.u32 v63, $0x10  }
0xb6: {  	s28 =	simm.s32 $0x2D00;
	[tilespmem:$0x6B0] =	vst v1  }
0xb7: {  	[tilespmem:s28], [sflag:$0x1] =	stream.indirect.gather [hbm4b:s6+s12], $0x80, s15, s12, $0xb8;
	[tilespmem:$0x1D200] =	vst v63  }
0xb8: {  	s29 =	simm.s32 $0x880  }
0xb9: {  	[tilespmem:s29], [sflag:$0x1] =	stream.indirect.gather [hbm4b:s7+s12], $0x1, s15, s12, $0xb8;
	[tilespmem:$0x1D200] =	vst v63  }
0xba: {  	s22 =	simm.s32 $0x0;
	s30 =	simm.s32 $0x680;
	s31 =	simm.s32 $0xA80  }
0xbb: {  	[tilespmem:s31], [sflag:$0x1] =	stream.indirect.gather [hbm4b:s8+s12], $0x1, s30, s12, $0xb8;
	[tilespmem:$0x1D200] =	vst v63  }
.LBB2_4:
0xbc: {  	p0 =	slt.u32 s22, $0x2  }
0xbd: {  	s23 =	simm.s32 @!p0 $0x2;
	p1 =	sgt.u32 @!p0 s22, $0x9F  }
0xbe: {  	_ =	swait.ge @!p0 [sflag:s23], $0x2000;
	p1 =	por p0, !p1  }
.Ltmp1:
0xbf: {  	[sflag:s23] =	ssyncset.done @!p0 $0x0;
	(pc) =	sbr.rel @!p1 .LBB2_6-.Ltmp1, $4  }
0xc0: {  	[sflag:s23] =	ssyncadd.s32 @!p0 $0xFFFFE000  }
0xc1: {  	_ =	swait.ge @!p0 [sflag:s23], $0x40  }
0xc2: {  	[sflag:s23] =	ssyncset.done @!p0 $0x0  }
0xc3: {  	[sflag:s23] =	ssyncadd.s32 @!p0 $0xFFFFFFC0  }
0xc4: {  	s23 =	sadd.s32 $0x2, s22;
	_ =	swait.ge [sflag:s11], $0x80  }
0xc5: {  	[sflag:s11] =	ssyncset.done $0x0;
	s24 =	sshll.u32 s23, $0x7  }
0xc6: {  	[sflag:s11] =	ssyncadd.s32 $0xFFFFFF80;
	s24 =	sand.u32 $0x380, s24  }
0xc7: {  	v1 =	vld [tilespmem:s24+$0x0];
	_ =	sdelay $0x3  }
0xc8: {  	s23 =	sand.u32 $0x3, s23  }
0xc9: {  	s25 =	sshll.u32 s23, $0x7;
	v2 =	vand.u32 $0xFFFF, v1  }
0xca: {  	v1 =	vshrl.u32 v1, $0x10;
	[tilespmem:s25+$0x400] =	vst v2  }
0xcb: {  	[tilespmem:s25+$0x600] =	vst v1  }
0xcc: {  	v1 =	vld [tilespmem:s24+$0x10];
	_ =	sdelay $0x4  }
0xcd: {  	v2 =	vand.u32 $0xFFFF, v1  }
0xce: {  	v1 =	vshrl.u32 v1, $0x10;
	[tilespmem:s25+$0x410] =	vst v2  }
0xcf: {  	[tilespmem:s25+$0x610] =	vst v1  }
0xd0: {  	v1 =	vld [tilespmem:s24+$0x20];
	_ =	sdelay $0x4  }
0xd1: {  	v2 =	vand.u32 $0xFFFF, v1  }
0xd2: {  	v1 =	vshrl.u32 v1, $0x10;
	[tilespmem:s25+$0x420] =	vst v2  }
0xd3: {  	[tilespmem:s25+$0x620] =	vst v1  }
0xd4: {  	v1 =	vld [tilespmem:s24+$0x30];
	_ =	sdelay $0x4  }
0xd5: {  	v2 =	vand.u32 $0xFFFF, v1  }
0xd6: {  	s23 =	sshll.u32 s23, $0xD;
	v1 =	vshrl.u32 v1, $0x10;
	[tilespmem:s25+$0x430] =	vst v2  }
0xd7: {  	p0 =	sgt.u32 s22, $0x99;
	s28 =	sor.u32 $0x400, s25;
	s23 =	sor.u32 $0xD00, s23;
	[tilespmem:s25+$0x630] =	vst v1  }
0xd8: {  	[tilespmem:s23], [sflag:$0x1] =	stream.indirect.gather [hbm4b:s6+s12], $0x80, s28, s12, $0xb8;
	[tilespmem:$0x1D200] =	vst v63  }
0xd9: {  	s23 =	sshll.u32 @!p0 s22, $0x7  }
0xda: {  	s29 =	sor.u32 $0x800, s25;
	s24 =	sadd.s32 @!p0 $0x400, s23  }
0xdb: {  	[tilespmem:s29], [sflag:$0x1] =	stream.indirect.gather [hbm4b:s7+s12], $0x1, s28, s12, $0xb8;
	[tilespmem:$0x1D200] =	vst v63  }
0xdc: {  	s30 =	sor.u32 $0x600, s25;
	s24 =	sand.u32 @!p0 $0xFC00, s24  }
0xdd: {  	s31 =	sor.u32 $0xA00, s25;
	s23 =	sand.u32 @!p0 $0x380, s23;
	s24 =	sadd.s32 @!p0 s14, s24  }
0xde: {  	[tilespmem:s31], [sflag:$0x1] =	stream.indirect.gather [hbm4b:s8+s12], $0x1, s30, s12, $0xb8;
	[tilespmem:$0x1D200] =	vst v63  }
0xdf: {  	s24 =	sor.u32 @!p0 s23, s24  }
0xe0: {  	s24 =	sshrl.u32 @!p0 s24, $0x3  }
0xe1: {  	s25 =	simm.s32 @!p0 $0x0;
	s24 =	sadd.s32 @!p0 s1, s24  }
0xe2: {  	[tilespmem:s23], [sflag:$0x3] =	stream.linear.gather @!p0 [hbm4b:s24+s25], $0x80, $0x38;
	[tilespmem:$0x1D200] =	vst v63  }
.LBB2_6:
0xe3: {  	_ =	swait.ge [sflag:s16], $0x2000  }
0xe4: {  	[sflag:s16] =	ssyncset.done $0x0  }
0xe5: {  	[sflag:s16] =	ssyncadd.s32 $0xFFFFE000  }
0xe6: {  	_ =	swait.ge [sflag:s16], $0x40  }
0xe7: {  	[sflag:s16] =	ssyncset.done $0x0  }
0xe8: {  	[sflag:s16] =	ssyncadd.s32 $0xFFFFFFC0  }
0xe9: {  	_ =	swait.ge [sflag:s16], $0x40  }
0xea: {  	s24 =	sand.u32 $0x3, s22;
	[sflag:s16] =	ssyncset.done $0x0  }
0xeb: {  	s23 =	sshll.u32 s24, $0x7;
	[sflag:s16] =	ssyncadd.s32 $0xFFFFFFC0  }
0xec: {  	v1 =	vld [tilespmem:s23+$0x800]  }
0xed: {  	v2 =	vld [tilespmem:s23+$0xA00];
	_ =	sdelay $0x4  }
0xee: {  	v1 =	vadd.f32 v2, v1;
	_ =	sdelay $0x1  }
0xef: {  	v2 =	vmul.f32 $2.000000030e-01, v1;
	_ =	sdelay $0x1  }
0xf0: {  	v1 =	vmax.f32 v1, v2  }
0xf1: {  	v1 =	vmul.f32 $1.442695020e+00, v1;
	_ =	sdelay $0x1  }
0xf2: {  	(erf) = vpow2.f32 v1;
	_ =	sdelay $0x8  }
0xf3: {  	s26 =	sshll.u32 s24, $0x6;
	v1 =	vpop (erf)  }
0xf4: {  	[tilespmem:s26+$0xC00] =	vst v1  }
0xf5: {  	v1 =	vld [tilespmem:s23+$0x810]  }
0xf6: {  	v2 =	vld [tilespmem:s23+$0xA10];
	_ =	sdelay $0x4  }
0xf7: {  	v1 =	vadd.f32 v2, v1;
	_ =	sdelay $0x1  }
0xf8: {  	v2 =	vmul.f32 $2.000000030e-01, v1;
	_ =	sdelay $0x1  }
0xf9: {  	v1 =	vmax.f32 v1, v2  }
0xfa: {  	v1 =	vmul.f32 $1.442695020e+00, v1;
	_ =	sdelay $0x1  }
0xfb: {  	(erf) = vpow2.f32 v1;
	_ =	sdelay $0x8  }
0xfc: {  	v1 =	vpop (erf)  }
0xfd: {  	[tilespmem:s26+$0xC10] =	vst v1  }
0xfe: {  	v1 =	vld [tilespmem:s23+$0x820]  }
0xff: {  	v2 =	vld [tilespmem:s23+$0xA20];
	_ =	sdelay $0x4  }
0x100: {  	v1 =	vadd.f32 v2, v1;
	_ =	sdelay $0x1  }
0x101: {  	v2 =	vmul.f32 $2.000000030e-01, v1;
	_ =	sdelay $0x1  }
0x102: {  	v1 =	vmax.f32 v1, v2  }
0x103: {  	v1 =	vmul.f32 $1.442695020e+00, v1;
	_ =	sdelay $0x1  }
0x104: {  	(erf) = vpow2.f32 v1;
	_ =	sdelay $0x8  }
0x105: {  	v1 =	vpop (erf)  }
0x106: {  	[tilespmem:s26+$0xC20] =	vst v1  }
0x107: {  	v1 =	vld [tilespmem:s23+$0x830]  }
0x108: {  	v2 =	vld [tilespmem:s23+$0xA30];
	_ =	sdelay $0x4  }
0x109: {  	v1 =	vadd.f32 v2, v1;
	_ =	sdelay $0x1  }
0x10a: {  	v2 =	vmul.f32 $2.000000030e-01, v1;
	_ =	sdelay $0x1  }
0x10b: {  	v1 =	vmax.f32 v1, v2  }
0x10c: {  	v1 =	vmul.f32 $1.442695020e+00, v1;
	_ =	sdelay $0x1  }
0x10d: {  	(erf) = vpow2.f32 v1;
	_ =	sdelay $0x5  }
0x10e: {  	s28 =	sand.u32 $0x3, s19  }
0x10f: {  	s25 =	sshll.u32 s28, $0x6  }
0x110: {  	s29 =	sadd.s32 $0x0, s25  }
0x111: {  	s28 =	sshll.u32 s28, $0xD;
	v2 =	vmov s29;
	v1 =	vpop (erf)  }
0x112: {  	s30 =	sor.u32 $0xD40, s28;
	[tilespmem:s26+$0xC30] =	vst v1  }
0x113: {  	v5 =	vld [tilespmem:s30+$0x30]  }
0x114: {  	v8 =	vld [tilespmem:s30+$0x10]  }
0x115: {  	v6 =	vld [tilespmem:s30+$0xFFFFFFC0]  }
0x116: {  	v2 =	vld.idx.msk [tilespmem:v2+s17+$0x0], $0xffff  }
0x117: {  	v10 =	vld [tilespmem:s30+$0xFFFFFFE0]  }
0x118: {  	v1 =	vld [tilespmem:s30+$0xFFFFFFF0]  }
0x119: {  	v3 =	vld [tilespmem:s30+$0x20]  }
0x11a: {  	v4 =	vld [tilespmem:s30+$0xFFFFFFD0]  }
0x11b: {  	s24 =	sshll.u32 s24, $0xD;
	v9 =	vmul.f32 v5, v2;
	v5 =	vld [tilespmem:s30+$0x0]  }
0x11c: {  	s28 =	sor.u32 $0xD00, s24;
	v7 =	vmul.f32 v6, v2  }
0x11d: {  	s24 =	smov.u32 s30;
	s29 =	simm.s32 $0x1;
	s26 =	sor.u32 $0xC00, s26;
	v6 =	vmul.f32 v10, v2;
	v8 =	vmul.f32 v8, v2  }
.LBB2_7:
0x11e: {  	p0 =	sne.s32 s29, $0x3F  }
0x11f: {  	v4 =	vmul.f32 v4, v2;
	v3 =	vmul.f32 v3, v2;
	[tilespmem:s30+$0x30] =	vst v9;
	s24 =	sadd.s32 $0x80, s24;
	s31 =	smov.u32 s29;
	s29 =	sadd.s32 $0x1, s29  }
0x120: {  	[tilespmem:s30+$0xFFFFFFC0] =	vst v7;
	v7 =	vmul.f32 v1, v2;
	v2 =	vmul.f32 v5, v2  }
0x121: {  	s31 =	sadd.s32 s31, s25;
	[tilespmem:s30+$0x10] =	vst v8  }
0x122: {  	v5 =	vmov s31;
	[tilespmem:s30+$0xFFFFFFE0] =	vst v6  }
0x123: {  	v1 =	vld [tilespmem:s24+$0xFFFFFFF0];
	[tilespmem:s30+$0xFFFFFFF0] =	vst v7  }
0x124: {  	v6 =	vld [tilespmem:s24+$0x30];
	[tilespmem:s30+$0x0] =	vst v2  }
0x125: {  	v8 =	vld [tilespmem:s24+$0x10];
	[tilespmem:s30+$0x20] =	vst v3  }
0x126: {  	v7 =	vld [tilespmem:s24+$0xFFFFFFC0];
	[tilespmem:s30+$0xFFFFFFD0] =	vst v4;
	s30 =	smov.u32 s24  }
0x127: {  	v2 =	vld.idx.msk [tilespmem:v5+s17+$0x0], $0xffff  }
0x128: {  	v10 =	vld [tilespmem:s24+$0xFFFFFFE0]  }
0x129: {  	v3 =	vld [tilespmem:s24+$0x20]  }
.Ltmp2:
0x12a: {  	v4 =	vld [tilespmem:s24+$0xFFFFFFD0];
	(pc) =	sbr.rel @p0 .LBB2_7-.Ltmp2, $3  }
0x12b: {  	v5 =	vld [tilespmem:s24+$0x0];
	_ =	sdelay $0x1  }
0x12c: {  	v7 =	vmul.f32 v7, v2;
	v9 =	vmul.f32 v6, v2  }
0x12d: {  	v8 =	vmul.f32 v8, v2;
	v6 =	vmul.f32 v10, v2  }
0x12e: {  	[tilespmem:s30+$0x30] =	vst v9  }
0x12f: {  	[tilespmem:s30+$0xFFFFFFC0] =	vst v7  }
0x130: {  	v1 =	vmul.f32 v1, v2;
	[tilespmem:s30+$0x10] =	vst v8  }
0x131: {  	v3 =	vmul.f32 v3, v2;
	[tilespmem:s30+$0xFFFFFFE0] =	vst v6  }
0x132: {  	s22 =	sadd.s32 $0x1, s22;
	v5 =	vmul.f32 v5, v2;
	[tilespmem:s30+$0xFFFFFFF0] =	vst v1  }
0x133: {  	p0 =	sne.s32 s22, $0xA2;
	v1 =	vmul.f32 v4, v2;
	[tilespmem:s30+$0x20] =	vst v3  }
.Ltmp3:
0x134: {  	[tilespmem:s30+$0x0] =	vst v5;
	(pc) =	sbr.rel @p0 .LBB2_4-.Ltmp3, $4  }
0x135: {  	s23 =	sor.u32 $0x600, s23;
	[tilespmem:s30+$0xFFFFFFD0] =	vst v1  }
0x136: {  	[spmem:s2] =	stream.indirect.scatter.add.f32 [tilespmem:s28], [sflag:$0x2], $0x80, s23, s12, $0xb8;
	[tilespmem:$0x1D200] =	vst v63  }
0x137: {  	s19 =	sadd.s32 $0x1, s19  }
0x138: {  	[spmem:s3] =	stream.indirect.scatter.add.f32 [tilespmem:s26], [sflag:$0x2], $0x1, s23, s12, $0xb8;
	[tilespmem:$0x1D200] =	vst v63  }
0x139: {  	_ =	swait.ge [sflag:s18], $0x2000  }
0x13a: {  	[sflag:s18] =	ssyncset.done $0x0  }
0x13b: {  	[sflag:s18] =	ssyncadd.s32 $0xFFFFE000  }
0x13c: {  	_ =	swait.ge [sflag:s18], $0x40  }
0x13d: {  	[sflag:s18] =	ssyncset.done $0x0  }
0x13e: {  	[sflag:s18] =	ssyncadd.s32 $0xFFFFFFC0  }
0x13f: {  	_ =	swait.ge [sflag:s18], $0x2000  }
0x140: {  	[sflag:s18] =	ssyncset.done $0x0  }
0x141: {  	[sflag:s18] =	ssyncadd.s32 $0xFFFFE000  }
0x142: {  	_ =	swait.ge [sflag:s18], $0x40  }
0x143: {  	[sflag:s18] =	ssyncset.done $0x0  }
0x144: {  	s19 =	stileid.u32;
	[sflag:s18] =	ssyncadd.s32 $0xFFFFFFC0  }
0x145: {  	s19 =	sshll.u32 s19, $0x6;
	[bflag:$0x0] =	sbarrier.arrive $0xFFFF  }
0x146: {  	s22 =	sshrl.u32 s9, $0x3;
	s19 =	sor.u32 $0x1C04, s19;
	s23 =	rddreg [dreg:$0xf]  }
0x147: {  	[hbm:s23], [sflag:s19] =	dma.local [spmem:s22], $0x2800  }
0x148: {  	_ =	swait.ge [sflag:s10], $0x2800  }
0x149: {  	s29 =	sshrl.u32 s20, $0x3;
	s24 =	simm.s32 $0x20;
	[sflag:s10] =	ssyncset.done $0x0  }
0x14a: {  	s25 =	simm.s32 $0x10;
	s30 =	rddreg [dreg:$0x10];
	[sflag:s10] =	ssyncadd.s32 $0xFFFFD800  }
0x14b: {  	[hbm:s30@s24], [sflag:s19] =	dma.strided [spmem:s29@s25], $0x50, s16, $0x10   }
0x14c: {  	_ =	swait.ge [sflag:s10], $0x50  }
0x14d: {  	s5 =	sadd.s32 $0x1, s5;
	s31 =	rddreg [dreg:$0x11]  }
0x14e: {  	p0 =	sne.s32 s5, s31  }
.Ltmp4:
0x14f: {  	_ = 	snop;
	(pc) =	sbr.rel @p0 .LBB2_1-.Ltmp4, $3  }
0x150: {  	_ =	sdelay $0x1  }
0x151: {  	[sflag:s10] =	ssyncset.done $0x0  }
0x152: {  	[sflag:s10] =	ssyncadd.s32 $0xFFFFFFB0  }
0x153: {  	_ =	sfence.sel $0x180000  }
0x154: {  	[bflag:$0x0] =	sbarrier.arrive $0xFFFF  }
0x155: {  	_ =	strace $0x90000047  }
0x156: {  	s0 =	stileid.u32;
	[bflag:$0x2] =	sbarrier.arrive $0xFFFF  }
0x157: {  	p0 =	sne.s32 s0, $0x0;
	s0 =	rddreg [dreg:$0x4]  }
0x158: {  	s0 =	sadd.s32 @!p0 $0x100000, s0  }
0x159: {  	[sflag:s0] =	ssyncadd.tile.s32 @!p0 $0x1;
	_ =	shalt  }
.Lfunc_end2:
_tile_overlayer_lowered:
.L_overlay_start_2:
0x15a: {  	(tag) =	ssettag $0x2  }
0x15b: {  	s0 =	rddreg [dreg:$0x0];
	s2 =	stileid.u32  }
0x15c: {  	s1 =	rddreg [dreg:$0x1];
	p0 =	sne.s32 s2, $0x0  }
0x15d: {  	s3 =	rddreg [dreg:$0x2];
	[bflag:$0x3] =	sbarrier.arrive $0xFFFF;
	s2 =	simm.s32 @!p0 $0x1C04  }
0x15e: {  	[timem:s3], [sflag:s2] =	dma.local @!p0 [hbm:s0], s1  }
0x15f: {  	s0 =	simm.s32 @!p0 $0x4  }
0x160: {  	_ =	swait.ge @!p0 [sflag:s0], s1  }
0x161: {  	s1 =	ssub.s32 @!p0 $0x0, s1;
	[sflag:s0] =	ssyncset.done @!p0 $0x0  }
0x162: {  	[sflag:s0] =	ssyncadd.s32 @!p0 s1  }
0x163: {  	[bflag:$0x3] =	sbarrier.arrive $0xFFFF  }
0x164: {  	_ =	shalt  }

</sc_bundles>
